<compile_context>
chip_gen: v7x
topology: tpu7x:2x2x1
jax: 0.10.2.dev20260603
libtpu: 0.0.44.dev20260713+nightly
codegen_flags: <defaults>
</compile_context>

<pallas_src>
import functools

import jax
import jax.numpy as jnp
from jax.experimental import pallas as pl
from jax.experimental.pallas import tpu as pltpu
from jax.experimental.pallas import tpu_sc as plsc

B = 1
S = 2048
D_MODEL = 1024
HIDDEN = 1024
OUT_DIM = 1024
NUM_EXPERTS = 8
TOP_K = 2

TILE = 256
NCHUNK = S // TILE
NT_ROUTED = (TOP_K * S + NUM_EXPERTS * (TILE - 1)) // TILE
CAP_R = NT_ROUTED * TILE

NPLANE = 4
PW = D_MODEL // NPLANE
SCW = 128
NW = S // SCW
SH_TILE = 256


@functools.cache
def _vector_mesh():
    return plsc.VectorSubcoreMesh(core_axis_name="c", subcore_axis_name="s")


def _router_kernel(x_ref, wr_ref, br_ref,
                   logits_ref, topk_ref, posb_ref, w_ref, te_ref):
    xt = x_ref[...]
    logits = jnp.dot(xt, wr_ref[...], preferred_element_type=jnp.float32)
    logits = logits + br_ref[...]
    logits_ref[...] = logits
    m = jnp.max(logits, axis=1, keepdims=True)
    e = jnp.exp(logits - m)
    gw = e / jnp.sum(e, axis=1, keepdims=True)
    lane = jax.lax.broadcasted_iota(jnp.int32, (S, NUM_EXPERTS), 1)
    i1 = jnp.min(jnp.where(logits == m, lane, NUM_EXPERTS), axis=1,
                 keepdims=True)
    masked = jnp.where(lane == i1, -jnp.inf, logits)
    m2 = jnp.max(masked, axis=1, keepdims=True)
    i2 = jnp.min(jnp.where(masked == m2, lane, NUM_EXPERTS), axis=1,
                 keepdims=True)
    w1 = jnp.sum(jnp.where(lane == i1, gw, 0.0), axis=1, keepdims=True)
    w2 = jnp.sum(jnp.where(lane == i2, gw, 0.0), axis=1, keepdims=True)
    s = w1 + w2
    topk_ref[...] = jnp.concatenate([i1, i2], axis=1)
    w_ref[...] = jnp.concatenate([w1 / s, w2 / s], axis=1)

    memb = (jnp.where(lane == i1, 1.0, 0.0) + jnp.where(lane == i2, 1.0, 0.0))
    r_iota = jax.lax.broadcasted_iota(jnp.int32, (TILE, TILE), 0)
    c_iota = jax.lax.broadcasted_iota(jnp.int32, (TILE, TILE), 1)
    tril = jnp.where(r_iota > c_iota, 1.0, 0.0)
    running = jnp.zeros((1, NUM_EXPERTS), jnp.float32)
    ranks = []
    for c in range(NCHUNK):
        mc = memb[c * TILE:(c + 1) * TILE, :]
        ranks.append(jnp.dot(tril, mc, preferred_element_type=jnp.float32)
                     + running)
        running = running + jnp.sum(mc, axis=0, keepdims=True)
    rank = jnp.concatenate(ranks, axis=0)

    counts = running
    ci = counts.astype(jnp.int32)
    padded = ((ci + (TILE - 1)) // TILE) * TILE
    padded_f = padded.astype(jnp.float32)
    r8 = jax.lax.broadcasted_iota(jnp.int32, (NUM_EXPERTS, NUM_EXPERTS), 0)
    c8 = jax.lax.broadcasted_iota(jnp.int32, (NUM_EXPERTS, NUM_EXPERTS), 1)
    supper = jnp.where(r8 < c8, 1.0, 0.0)
    offs = jnp.dot(padded_f, supper, preferred_element_type=jnp.float32)

    offs_b = jnp.broadcast_to(offs, (S, NUM_EXPERTS))
    dest = offs_b + rank
    p1 = jnp.sum(jnp.where(lane == i1, dest, 0.0), axis=1, keepdims=True)
    p2 = jnp.sum(jnp.where(lane == i2, dest, 0.0), axis=1, keepdims=True)
    p1r = jnp.transpose(p1).astype(jnp.int32)
    p2r = jnp.transpose(p2).astype(jnp.int32)
    posb_ref[...] = jnp.concatenate(
        [p1r + k * CAP_R for k in range(NPLANE)]
        + [p2r + k * CAP_R for k in range(NPLANE)], axis=0)

    tl = jax.lax.broadcasted_iota(jnp.int32, (1, NT_ROUTED), 1)
    ts = (tl * TILE).astype(jnp.float32)
    acc = jnp.zeros((1, NT_ROUTED), jnp.float32)
    lane8 = jax.lax.broadcasted_iota(jnp.int32, (1, NUM_EXPERTS), 1)
    for ee in range(NUM_EXPERTS):
        off_e = jnp.sum(jnp.where(lane8 == ee, offs, 0.0))
        pad_e = jnp.sum(jnp.where(lane8 == ee, padded_f, 0.0))
        acc = acc + ee * jnp.where((ts >= off_e) & (ts < off_e + pad_e),
                                   1.0, 0.0)
    te_ref[...] = acc.astype(jnp.int32)


def _router(x2, Wr, br):
    return pl.pallas_call(
        _router_kernel,
        out_shape=[
            jax.ShapeDtypeStruct((S, NUM_EXPERTS), jnp.float32),
            jax.ShapeDtypeStruct((S, TOP_K), jnp.int32),
            jax.ShapeDtypeStruct((TOP_K * NPLANE, S), jnp.int32),
            jax.ShapeDtypeStruct((S, TOP_K), jnp.float32),
            jax.ShapeDtypeStruct((1, NT_ROUTED), jnp.int32),
        ],
    )(x2, Wr, br.reshape(1, NUM_EXPERTS))


def _sc_dispatch(x2, posb):
    @functools.partial(pl.kernel,
                       out_type=jax.ShapeDtypeStruct((NPLANE * CAP_R, PW),
                                                     jnp.float32),
                       mesh=_vector_mesh())
    def k(x_hbm, p_hbm, o_hbm):
        def body(x_vmem, i_vmem):
            pltpu.sync_copy(x_vmem, o_hbm.at[i_vmem.at[0]])
        pltpu.emit_pipeline(
            body,
            grid=(TOP_K, NPLANE * NW),
            in_specs=[pl.BlockSpec((SCW, PW),
                                   lambda s, ki: (ki % NW, ki // NW)),
                      pl.BlockSpec((1, SCW),
                                   lambda s, ki: (s * NPLANE + ki // NW,
                                                  ki % NW))],
            out_specs=[],
            core_axis_name=("c", "s"),
            dimension_semantics=(pltpu.PARALLEL, pltpu.PARALLEL),
        )(x_hbm, p_hbm)
    return k(x2, posb)


def _sc_gather(y4, posd):
    @functools.partial(pl.kernel,
                       out_type=jax.ShapeDtypeStruct(
                           (NPLANE * TOP_K * S, PW), jnp.float32),
                       mesh=_vector_mesh())
    def k(y_hbm, p_hbm, o_hbm):
        def body(i_vmem, o_vmem):
            pltpu.sync_copy(y_hbm.at[i_vmem.at[0]], o_vmem)
        pltpu.emit_pipeline(
            body,
            grid=(TOP_K, NPLANE * NW),
            in_specs=[pl.BlockSpec((1, SCW),
                                   lambda s, ki: (s * NPLANE + ki // NW,
                                                  ki % NW))],
            out_specs=[pl.BlockSpec(
                (SCW, PW),
                lambda s, ki: ((ki // NW) * (TOP_K * NW) + s * NW + ki % NW,
                               0))],
            core_axis_name=("c", "s"),
            dimension_semantics=(pltpu.PARALLEL, pltpu.PARALLEL),
        )(p_hbm, o_hbm)
    return k(y4, posd)


def _swiglu(xin, gw, vw, ow, ob):
    g = jnp.dot(xin, gw, preferred_element_type=jnp.float32)
    v = jnp.dot(xin, vw, preferred_element_type=jnp.float32)
    h = (g * jax.lax.logistic(g)) * v
    return jnp.dot(h, ow, preferred_element_type=jnp.float32) + ob


def _shared_kernel(x_ref, gw_ref, vw_ref, ow_ref, ob_ref, y_ref):
    y_ref[...] = _swiglu(x_ref[...], gw_ref[...], vw_ref[...], ow_ref[...],
                         ob_ref[...])


def _shared(x2, sgW, svW, soW, sob):
    nb = S // SH_TILE
    return pl.pallas_call(
        _shared_kernel,
        grid=(nb,),
        in_specs=[
            pl.BlockSpec((SH_TILE, D_MODEL), lambda i: (i, 0)),
            pl.BlockSpec((D_MODEL, HIDDEN), lambda i: (0, 0)),
            pl.BlockSpec((D_MODEL, HIDDEN), lambda i: (0, 0)),
            pl.BlockSpec((HIDDEN, OUT_DIM), lambda i: (0, 0)),
            pl.BlockSpec((1, OUT_DIM), lambda i: (0, 0)),
        ],
        out_specs=pl.BlockSpec((SH_TILE, OUT_DIM), lambda i: (i, 0)),
        out_shape=jax.ShapeDtypeStruct((S, OUT_DIM), jnp.float32),
        compiler_params=pltpu.CompilerParams(
            dimension_semantics=("parallel",)),
    )(x2, sgW, svW, soW, sob.reshape(1, OUT_DIM))


def _gmm_kernel(te_ref, xd_ref, gw_ref, vw_ref, ow_ref, ob_ref, y_ref):
    xin = jnp.concatenate([xd_ref[k] for k in range(NPLANE)], axis=1)
    y = _swiglu(xin, gw_ref[0], vw_ref[0], ow_ref[0], ob_ref[0])
    for k in range(NPLANE):
        y_ref[k] = y[:, k * PW:(k + 1) * PW]


def _gmm(te, x_disp, egW, evW, eoW, eob):
    grid_spec = pltpu.PrefetchScalarGridSpec(
        num_scalar_prefetch=1,
        grid=(NT_ROUTED,),
        in_specs=[
            pl.BlockSpec((NPLANE, TILE, PW), lambda j, te: (0, j, 0)),
            pl.BlockSpec((1, D_MODEL, HIDDEN), lambda j, te: (te[j], 0, 0)),
            pl.BlockSpec((1, D_MODEL, HIDDEN), lambda j, te: (te[j], 0, 0)),
            pl.BlockSpec((1, HIDDEN, OUT_DIM), lambda j, te: (te[j], 0, 0)),
            pl.BlockSpec((1, 1, OUT_DIM), lambda j, te: (te[j], 0, 0)),
        ],
        out_specs=pl.BlockSpec((NPLANE, TILE, PW), lambda j, te: (0, j, 0)),
    )
    return pl.pallas_call(
        _gmm_kernel,
        grid_spec=grid_spec,
        out_shape=jax.ShapeDtypeStruct((NPLANE, CAP_R, PW), jnp.float32),
        compiler_params=pltpu.CompilerParams(
            dimension_semantics=("parallel",)),
    )(te, x_disp, egW, evW, eoW, eob)


def _combine_kernel(ysh_ref, y1_ref, y2_ref, w_ref, out_ref):
    w1 = w_ref[:, 0:1]
    w2 = w_ref[:, 1:2]
    y1 = jnp.concatenate([y1_ref[k] for k in range(NPLANE)], axis=1)
    y2 = jnp.concatenate([y2_ref[k] for k in range(NPLANE)], axis=1)
    out_ref[...] = ysh_ref[...] + w1 * y1 + w2 * y2


def _combine(ysh, y12, w):
    nb = S // TILE
    return pl.pallas_call(
        _combine_kernel,
        grid=(nb,),
        in_specs=[
            pl.BlockSpec((TILE, OUT_DIM), lambda i: (i, 0)),
            pl.BlockSpec((NPLANE, TILE, PW), lambda i: (0, i, 0)),
            pl.BlockSpec((NPLANE, TILE, PW), lambda i: (0, nb + i, 0)),
            pl.BlockSpec((TILE, TOP_K), lambda i: (i, 0)),
        ],
        out_specs=pl.BlockSpec((TILE, OUT_DIM), lambda i: (i, 0)),
        out_shape=jax.ShapeDtypeStruct((S, OUT_DIM), jnp.float32),
        compiler_params=pltpu.CompilerParams(
            dimension_semantics=("parallel",)),
    )(ysh, y12, y12, w)


@jax.jit
def kernel(x, Wr, br, sgW, svW, soW, sob, egW, evW, eoW, eob):
    x2 = x.reshape(S, D_MODEL)

    logits, topk, posb, w, te = _router(x2, Wr, br)
    x_disp = _sc_dispatch(x2, posb).reshape(NPLANE, CAP_R, PW)
    ysh = _shared(x2, sgW, svW, soW, sob)
    y4 = _gmm(te.reshape(NT_ROUTED), x_disp, egW, evW, eoW,
              eob.reshape(NUM_EXPERTS, 1, OUT_DIM))
    y12 = _sc_gather(y4.reshape(NPLANE * CAP_R, PW), posb).reshape(
        NPLANE, TOP_K * S, PW)
    out = _combine(ysh, y12, w)

    return (out.reshape(B, S, OUT_DIM),
            logits.reshape(B, S, NUM_EXPERTS),
            topk.reshape(B, S, TOP_K))

# --- scband reference (transcript-rebuilt; emitter-appended) ---
"""Pipeline reference for scband-mixture-of-experts-16466904613586 (READ-ONLY COPY).

The authoritative reference and input builder live on the scoring server;
editing this copy changes nothing except your own understanding.
"""

import jax, jax.numpy as jnp
import numpy as np

B = 1
S = 2048
D_MODEL = 1024
HIDDEN = 1024
OUT_DIM = 1024
NUM_EXPERTS = 8
TOP_K = 2


def setup_inputs(seed: int = 0) -> dict:
    key = jax.random.key(seed)
    ks = jax.random.split(key, 12)
    x = jax.random.normal(ks[0], (B, S, D_MODEL), dtype=jnp.float32)
    # linear router params (torch nn.Linear(input_dim, num_experts)); stored as [in, out]
    Wr = jax.random.normal(ks[1], (D_MODEL, NUM_EXPERTS), dtype=jnp.float32) * 0.02
    br = jnp.zeros((NUM_EXPERTS,), dtype=jnp.float32)
    # shared expert: SwiGLU(gate_proj, value_proj) + Linear(hidden, out)
    sgW = jax.random.normal(ks[2], (D_MODEL, HIDDEN), dtype=jnp.float32) * 0.02
    svW = jax.random.normal(ks[3], (D_MODEL, HIDDEN), dtype=jnp.float32) * 0.02
    soW = jax.random.normal(ks[4], (HIDDEN, OUT_DIM), dtype=jnp.float32) * 0.02
    sob = jnp.zeros((OUT_DIM,), dtype=jnp.float32)
    # routed experts, stacked over expert dim
    egW = jax.random.normal(ks[5], (NUM_EXPERTS, D_MODEL, HIDDEN), dtype=jnp.float32) * 0.02
    evW = jax.random.normal(ks[6], (NUM_EXPERTS, D_MODEL, HIDDEN), dtype=jnp.float32) * 0.02
    eoW = jax.random.normal(ks[7], (NUM_EXPERTS, HIDDEN, OUT_DIM), dtype=jnp.float32) * 0.02
    eob = jnp.zeros((NUM_EXPERTS, OUT_DIM), dtype=jnp.float32)
    return {"x": x, "Wr": Wr, "br": br, "sgW": sgW, "svW": svW, "soW": soW,
            "sob": sob, "egW": egW, "evW": evW, "eoW": eoW, "eob": eob}


def _swiglu_ffn(x, gW, vW, oW, ob):
    gate = jax.nn.silu(x @ gW)
    value = x @ vW
    return (gate * value) @ oW + ob


def reference(x, Wr, br, sgW, svW, soW, sob, egW, evW, eoW, eob):
    # router (linear)
    gate_logits = x @ Wr + br                              # [B, S, E]
    gate_weights = jax.nn.softmax(gate_logits, axis=-1)
    topk_weights, topk_indices = jax.lax.top_k(gate_weights, TOP_K)  # [B, S, k]
    # scatter topk weights back into a sparse [B, S, E] tensor (indices are unique)
    one_hot = jax.nn.one_hot(topk_indices, NUM_EXPERTS, dtype=gate_weights.dtype)  # [B,S,k,E]
    sparse_w = jnp.sum(one_hot * topk_weights[..., None], axis=-2)   # [B, S, E]
    sparse_w = sparse_w / jnp.sum(sparse_w, axis=-1, keepdims=True)
    # dense evaluation of all routed experts (faithful to torch impl)
    expert_outputs = jnp.stack(
        [_swiglu_ffn(x, egW[e], evW[e], eoW[e], eob[e]) for e in range(NUM_EXPERTS)],
        axis=2)                                            # [B, S, E, out]
    shared_out = _swiglu_ffn(x, sgW, svW, soW, sob)[:, :, None, :]   # [B, S, 1, out]
    all_out = jnp.concatenate([expert_outputs, shared_out], axis=2)  # [B, S, E+1, out]
    w = jnp.concatenate(
        [sparse_w, jnp.ones(sparse_w.shape[:-1] + (1,), dtype=sparse_w.dtype)],
        axis=-1)[..., None]                                # [B, S, E+1, 1]
    output = jnp.sum(w * all_out, axis=2)                  # [B, S, out]
    # dropout is identity in eval mode
    return (output, gate_logits, topk_indices)

if __name__ == "__main__":
    import jax
    _d = setup_inputs()
    print(jax.jit(kernel)(*tuple(_d.values())))

</pallas_src>

<mosaic_0001>
#map = affine_map<(d0, d1) -> (0, 0)>
module attributes {stable_mosaic.version = 14 : i64} {
  func.func @k(%arg0: i32, %arg1: i32, %arg2: memref<2048x1024xf32, #tpu.memory_space<hbm>>, %arg3: memref<8x2048xi32, #tpu.memory_space<hbm>>, %arg4: memref<23552x256xf32, #tpu.memory_space<hbm>>) attributes {dimension_semantics = [#tpu.dimension_semantics<core_parallel>, #tpu.dimension_semantics<subcore_parallel>], iteration_bounds = array<i64: 2, 16>, scalar_prefetch = 0 : i64, scratch_operands = 0 : i64, tpu.core_type = #tpu.core_type<sc_vector_subcore>, window_params = [{transform_indices = #map}, {transform_indices = #map}, {transform_indices = #map}]} {
    %mul3A = arith.constant 1 : i32
    %mul3A_0 = arith.muli %arg1, %mul3A : i32
    %add3A = arith.constant 0 : i32
    %add3A_1 = arith.addi %add3A, %mul3A_0 : i32
    %mul3A_2 = arith.constant 16 : i32
    %mul3A_3 = arith.muli %arg0, %mul3A_2 : i32
    %add3A_4 = arith.addi %add3A_1, %mul3A_3 : i32
    %mul3A_5 = arith.constant 2 : i32
    %mul3A_6 = arith.muli %add3A_4, %mul3A_5 : i32
    "tpu.region"() ({
      %run_scoped3A = memref.alloca() : memref<2x128x256xf32, #tpu.memory_space<vmem>>
      %run_scoped3A_7 = tpu.sem_alloc : memref<2x!tpu.dma_semaphore, #tpu.memory_space<semaphore_mem>>
      %run_scoped3A_8 = memref.alloca() : memref<2x1x128xi32, #tpu.memory_space<vmem>>
      %run_scoped3A_9 = tpu.sem_alloc : memref<2x!tpu.dma_semaphore, #tpu.memory_space<semaphore_mem>>
      %add3A_10 = arith.constant 0 : i32
      %add3A_11 = arith.addi %add3A_10, %mul3A_6 : i32
      %select_n3A = arith.constant true
      %select_n3A_12 = arith.constant 0 : i32
      %select_n3A_13 = arith.constant -1 : i32
      %select_n3A_14 = arith.select %select_n3A, %select_n3A_13, %select_n3A_12 : i32
      %eq3A = arith.constant -1 : i32
      %eq3A_15 = arith.cmpi eq, %select_n3A_14, %eq3A : i32
      %select_n3A_16 = arith.constant 1 : i32
      %select_n3A_17 = arith.select %eq3A_15, %select_n3A_16, %select_n3A_14 : i32
      %select_n3A_18 = arith.constant 0 : i32
      %select_n3A_19 = arith.constant -1 : i32
      %select_n3A_20 = arith.select %eq3A_15, %select_n3A_19, %select_n3A_18 : i32
      %eq3A_21 = arith.constant -1 : i32
      %eq3A_22 = arith.cmpi eq, %select_n3A_20, %eq3A_21 : i32
      %select_n3A_23 = arith.constant 1 : i32
      %select_n3A_24 = arith.select %eq3A_22, %select_n3A_23, %select_n3A_20 : i32
      %add3A_25 = arith.constant 0 : i32
      %add3A_26 = arith.addi %select_n3A_24, %add3A_25 : i32
      %add3A_27 = arith.addi %select_n3A_17, %mul3A_6 : i32
      %select_n3A_28 = arith.constant true
      %select_n3A_29 = arith.constant 0 : i32
      %select_n3A_30 = arith.constant 1 : i32
      %select_n3A_31 = arith.select %select_n3A_28, %select_n3A_30, %select_n3A_29 : i32
      %eq3A_32 = arith.constant 2 : i32
      %eq3A_33 = arith.cmpi eq, %select_n3A_31, %eq3A_32 : i32
      %select_n3A_34 = arith.constant 0 : i32
      %select_n3A_35 = arith.select %eq3A_33, %select_n3A_34, %select_n3A_31 : i32
      %select_n3A_36 = arith.constant 0 : i32
      %select_n3A_37 = arith.constant 1 : i32
      %select_n3A_38 = arith.select %eq3A_33, %select_n3A_37, %select_n3A_36 : i32
      %eq3A_39 = arith.constant 2 : i32
      %eq3A_40 = arith.cmpi eq, %select_n3A_38, %eq3A_39 : i32
      %select_n3A_41 = arith.constant 0 : i32
      %select_n3A_42 = arith.select %eq3A_40, %select_n3A_41, %select_n3A_38 : i32
      %add3A_43 = arith.constant 0 : i32
      %add3A_44 = arith.addi %select_n3A_42, %add3A_43 : i32
      %add3A_45 = arith.addi %select_n3A_35, %mul3A_6 : i32
      %add3A_46 = arith.constant 1 : i32
      %add3A_47 = arith.addi %select_n3A_35, %add3A_46 : i32
      %select_n3A_48 = arith.constant true
      %select_n3A_49 = arith.select %select_n3A_48, %add3A_47, %select_n3A_35 : i32
      %eq3A_50 = arith.constant 2 : i32
      %eq3A_51 = arith.cmpi eq, %select_n3A_49, %eq3A_50 : i32
      %select_n3A_52 = arith.constant 0 : i32
      %select_n3A_53 = arith.select %eq3A_51, %select_n3A_52, %select_n3A_49 : i32
      %add3A_54 = arith.constant 1 : i32
      %add3A_55 = arith.addi %select_n3A_42, %add3A_54 : i32
      %select_n3A_56 = arith.select %eq3A_51, %add3A_55, %select_n3A_42 : i32
      %eq3A_57 = arith.constant 2 : i32
      %eq3A_58 = arith.cmpi eq, %select_n3A_56, %eq3A_57 : i32
      %select_n3A_59 = arith.constant 0 : i32
      %select_n3A_60 = arith.select %eq3A_58, %select_n3A_59, %select_n3A_56 : i32
      %add3A_61 = arith.constant 0 : i32
      %add3A_62 = arith.addi %select_n3A_60, %add3A_61 : i32
      %add3A_63 = arith.addi %select_n3A_53, %mul3A_6 : i32
      "tpu.trace_start"() <{level = 10 : i32, message = "ep_initialize_0"}> : () -> ()
      %rem3A = arith.constant 0 : i32
      %rem3A_64 = arith.constant 2 : i32
      %rem3A_65 = arith.remui %rem3A, %rem3A_64 : i32
      %jit3A = arith.constant 16 : i32
      %eq3A_66 = arith.constant 0 : i32
      %eq3A_67 = arith.cmpi eq, %jit3A, %eq3A_66 : i32
      %jit3A_68 = arith.constant 1 : i32
      %select_n3A_69 = arith.select %eq3A_67, %jit3A_68, %jit3A : i32
      %rem3A_70 = arith.remsi %add3A_11, %select_n3A_69 : i32
      %ne3A = arith.constant 0 : i32
      %ne3A_71 = arith.cmpi ne, %rem3A_70, %ne3A : i32
      %lt3A = arith.constant 0 : i32
      %lt3A_72 = arith.cmpi slt, %rem3A_70, %lt3A : i32
      %lt3A_73 = arith.constant 0 : i32
      %lt3A_74 = arith.cmpi slt, %select_n3A_69, %lt3A_73 : i32
      %ne3A_75 = arith.xori %lt3A_72, %lt3A_74 : i1
      %and3A = arith.andi %ne3A_75, %ne3A_71 : i1
      %add3A_76 = arith.addi %rem3A_70, %select_n3A_69 : i32
      %select_n3A_77 = arith.select %and3A, %add3A_76, %rem3A_70 : i32
      %jit3A_78 = arith.constant 16 : i32
      %div3A = arith.divsi %add3A_11, %jit3A_78 : i32
      %sign3A = arith.constant 0 : i32
      %sign3A_79 = arith.cmpi sgt, %add3A_11, %sign3A : i32
      %sign3A_80 = arith.extui %sign3A_79 : i1 to i32
      %sign3A_81 = arith.constant 0 : i32
      %sign3A_82 = arith.cmpi slt, %add3A_11, %sign3A_81 : i32
      %sign3A_83 = arith.extui %sign3A_82 : i1 to i32
      %sign3A_84 = arith.subi %sign3A_80, %sign3A_83 : i32
      %sign3A_85 = arith.constant 0 : i32
      %sign3A_86 = arith.cmpi sgt, %jit3A_78, %sign3A_85 : i32
      %sign3A_87 = arith.extui %sign3A_86 : i1 to i32
      %sign3A_88 = arith.constant 0 : i32
      %sign3A_89 = arith.cmpi slt, %jit3A_78, %sign3A_88 : i32
      %sign3A_90 = arith.extui %sign3A_89 : i1 to i32
      %sign3A_91 = arith.subi %sign3A_87, %sign3A_90 : i32
      %ne3A_92 = arith.cmpi ne, %sign3A_84, %sign3A_91 : i32
      %rem3A_93 = arith.remsi %add3A_11, %jit3A_78 : i32
      %ne3A_94 = arith.constant 0 : i32
      %ne3A_95 = arith.cmpi ne, %rem3A_93, %ne3A_94 : i32
      %and3A_96 = arith.andi %ne3A_92, %ne3A_95 : i1
      %sub3A = arith.constant 1 : i32
      %sub3A_97 = arith.subi %div3A, %sub3A : i32
      %select_n3A_98 = arith.select %and3A_96, %sub3A_97, %div3A : i32
      %mul3A_99 = arith.constant 128 : i32
      %mul3A_100 = arith.muli %mul3A_99, %select_n3A_77 : i32
      %mul3A_101 = arith.constant 256 : i32
      %mul3A_102 = arith.muli %mul3A_101, %select_n3A_98 : i32
      %dma_start3A = arith.constant 0 : i32
      %dma_start3A_103 = arith.constant 0 : i32
      %dma_start3A_104 = tpu.memref_slice %run_scoped3A[%rem3A_65, %dma_start3A, %dma_start3A_103] : memref<2x128x256xf32, #tpu.memory_space<vmem>> -> memref<1x128x256xf32, #tpu.memory_space<vmem>>
      %dma_start3A_105 = tpu.memref_squeeze %dma_start3A_104 : memref<1x128x256xf32, #tpu.memory_space<vmem>> -> memref<128x256xf32, #tpu.memory_space<vmem>>
      %dma_start3A_106 = tpu.memref_slice %arg2[%mul3A_100, %mul3A_102] : memref<2048x1024xf32, #tpu.memory_space<hbm>> -> memref<128x256xf32, #tpu.memory_space<hbm>>
      %dma_start3A_107 = tpu.memref_slice %run_scoped3A_7[%rem3A_65] : memref<2x!tpu.dma_semaphore, #tpu.memory_space<semaphore_mem>> -> memref<1x!tpu.dma_semaphore, #tpu.memory_space<semaphore_mem>>
      %dma_start3A_108 = tpu.memref_squeeze %dma_start3A_107 : memref<1x!tpu.dma_semaphore, #tpu.memory_space<semaphore_mem>> -> memref<!tpu.dma_semaphore, #tpu.memory_space<semaphore_mem>>
      %dma_start3A_109 = arith.constant 0 : i32
      %dma_start3A_110 = arith.constant 0 : i32
      %dma_start3A_111 = tpu.memref_slice %run_scoped3A[%rem3A_65, %dma_start3A_109, %dma_start3A_110] : memref<2x128x256xf32, #tpu.memory_space<vmem>> -> memref<1x128x256xf32, #tpu.memory_space<vmem>>
      %dma_start3A_112 = tpu.memref_squeeze %dma_start3A_111 : memref<1x128x256xf32, #tpu.memory_space<vmem>> -> memref<128x256xf32, #tpu.memory_space<vmem>>
      %dma_start3A_113 = tpu.memref_slice %arg2[%mul3A_100, %mul3A_102] : memref<2048x1024xf32, #tpu.memory_space<hbm>> -> memref<128x256xf32, #tpu.memory_space<hbm>>
      tpu.enqueue_dma source(%dma_start3A_113 : memref<128x256xf32, #tpu.memory_space<hbm>>) target(%dma_start3A_112 : memref<128x256xf32, #tpu.memory_space<vmem>>) target_semaphore(%dma_start3A_108 : memref<!tpu.dma_semaphore, #tpu.memory_space<semaphore_mem>>)
      %add3A_114 = arith.constant 0 : i32
      %add3A_115 = arith.constant 1 : i32
      %add3A_116 = arith.addi %add3A_114, %add3A_115 : i32
      %select_n3A_117 = arith.constant true
      %select_n3A_118 = arith.constant 0 : i32
      %select_n3A_119 = arith.select %select_n3A_117, %add3A_116, %select_n3A_118 : i32
      %rem3A_120 = arith.constant 0 : i32
      %rem3A_121 = arith.constant 2 : i32
      %rem3A_122 = arith.remui %rem3A_120, %rem3A_121 : i32
      %jit3A_123 = arith.constant 16 : i32
      %div3A_124 = arith.divsi %add3A_11, %jit3A_123 : i32
      %sign3A_125 = arith.constant 0 : i32
      %sign3A_126 = arith.cmpi sgt, %add3A_11, %sign3A_125 : i32
      %sign3A_127 = arith.extui %sign3A_126 : i1 to i32
      %sign3A_128 = arith.constant 0 : i32
      %sign3A_129 = arith.cmpi slt, %add3A_11, %sign3A_128 : i32
      %sign3A_130 = arith.extui %sign3A_129 : i1 to i32
      %sign3A_131 = arith.subi %sign3A_127, %sign3A_130 : i32
      %sign3A_132 = arith.constant 0 : i32
      %sign3A_133 = arith.cmpi sgt, %jit3A_123, %sign3A_132 : i32
      %sign3A_134 = arith.extui %sign3A_133 : i1 to i32
      %sign3A_135 = arith.constant 0 : i32
      %sign3A_136 = arith.cmpi slt, %jit3A_123, %sign3A_135 : i32
      %sign3A_137 = arith.extui %sign3A_136 : i1 to i32
      %sign3A_138 = arith.subi %sign3A_134, %sign3A_137 : i32
      %ne3A_139 = arith.cmpi ne, %sign3A_131, %sign3A_138 : i32
      %rem3A_140 = arith.remsi %add3A_11, %jit3A_123 : i32
      %ne3A_141 = arith.constant 0 : i32
      %ne3A_142 = arith.cmpi ne, %rem3A_140, %ne3A_141 : i32
      %and3A_143 = arith.andi %ne3A_139, %ne3A_142 : i1
      %sub3A_144 = arith.constant 1 : i32
      %sub3A_145 = arith.subi %div3A_124, %sub3A_144 : i32
      %select_n3A_146 = arith.select %and3A_143, %sub3A_145, %div3A_124 : i32
      %add3A_147 = arith.constant 0 : i32
      %add3A_148 = arith.addi %add3A_147, %select_n3A_146 : i32
      %jit3A_149 = arith.constant 16 : i32
      %eq3A_150 = arith.constant 0 : i32
      %eq3A_151 = arith.cmpi eq, %jit3A_149, %eq3A_150 : i32
      %jit3A_152 = arith.constant 1 : i32
      %select_n3A_153 = arith.select %eq3A_151, %jit3A_152, %jit3A_149 : i32
      %rem3A_154 = arith.remsi %add3A_11, %select_n3A_153 : i32
      %ne3A_155 = arith.constant 0 : i32
      %ne3A_156 = arith.cmpi ne, %rem3A_154, %ne3A_155 : i32
      %lt3A_157 = arith.constant 0 : i32
      %lt3A_158 = arith.cmpi slt, %rem3A_154, %lt3A_157 : i32
      %lt3A_159 = arith.constant 0 : i32
      %lt3A_160 = arith.cmpi slt, %select_n3A_153, %lt3A_159 : i32
      %ne3A_161 = arith.xori %lt3A_158, %lt3A_160 : i1
      %and3A_162 = arith.andi %ne3A_161, %ne3A_156 : i1
      %add3A_163 = arith.addi %rem3A_154, %select_n3A_153 : i32
      %select_n3A_164 = arith.select %and3A_162, %add3A_163, %rem3A_154 : i32
      %mul3A_165 = arith.constant 1 : i32
      %mul3A_166 = arith.muli %mul3A_165, %add3A_148 : i32
      %mul3A_167 = arith.constant 128 : i32
      %mul3A_168 = arith.muli %mul3A_167, %select_n3A_164 : i32
      %dma_start3A_169 = arith.constant 0 : i32
      %dma_start3A_170 = arith.constant 0 : i32
      %dma_start3A_171 = tpu.memref_slice %run_scoped3A_8[%rem3A_122, %dma_start3A_169, %dma_start3A_170] : memref<2x1x128xi32, #tpu.memory_space<vmem>> -> memref<1x1x128xi32, #tpu.memory_space<vmem>>
      %dma_start3A_172 = tpu.memref_squeeze %dma_start3A_171 : memref<1x1x128xi32, #tpu.memory_space<vmem>> -> memref<1x128xi32, #tpu.memory_space<vmem>>
      %dma_start3A_173 = tpu.memref_slice %arg3[%mul3A_166, %mul3A_168] : memref<8x2048xi32, #tpu.memory_space<hbm>> -> memref<1x128xi32, #tpu.memory_space<hbm>>
      %dma_start3A_174 = tpu.memref_slice %run_scoped3A_9[%rem3A_122] : memref<2x!tpu.dma_semaphore, #tpu.memory_space<semaphore_mem>> -> memref<1x!tpu.dma_semaphore, #tpu.memory_space<semaphore_mem>>
      %dma_start3A_175 = tpu.memref_squeeze %dma_start3A_174 : memref<1x!tpu.dma_semaphore, #tpu.memory_space<semaphore_mem>> -> memref<!tpu.dma_semaphore, #tpu.memory_space<semaphore_mem>>
      %dma_start3A_176 = arith.constant 0 : i32
      %dma_start3A_177 = arith.constant 0 : i32
      %dma_start3A_178 = tpu.memref_slice %run_scoped3A_8[%rem3A_122, %dma_start3A_176, %dma_start3A_177] : memref<2x1x128xi32, #tpu.memory_space<vmem>> -> memref<1x1x128xi32, #tpu.memory_space<vmem>>
      %dma_start3A_179 = tpu.memref_squeeze %dma_start3A_178 : memref<1x1x128xi32, #tpu.memory_space<vmem>> -> memref<1x128xi32, #tpu.memory_space<vmem>>
      %dma_start3A_180 = tpu.memref_slice %arg3[%mul3A_166, %mul3A_168] : memref<8x2048xi32, #tpu.memory_space<hbm>> -> memref<1x128xi32, #tpu.memory_space<hbm>>
      tpu.enqueue_dma source(%dma_start3A_180 : memref<1x128xi32, #tpu.memory_space<hbm>>) target(%dma_start3A_179 : memref<1x128xi32, #tpu.memory_space<vmem>>) target_semaphore(%dma_start3A_175 : memref<!tpu.dma_semaphore, #tpu.memory_space<semaphore_mem>>)
      %add3A_181 = arith.constant 0 : i32
      %add3A_182 = arith.constant 1 : i32
      %add3A_183 = arith.addi %add3A_181, %add3A_182 : i32
      %select_n3A_184 = arith.constant true
      %select_n3A_185 = arith.constant 0 : i32
      %select_n3A_186 = arith.select %select_n3A_184, %add3A_183, %select_n3A_185 : i32
      "tpu.trace_stop"() : () -> ()
      %scan3A = arith.constant 0 : i32
      %scan3A_187 = arith.constant 0 : i32
      %scan3A_188 = arith.constant 0 : i32
      %scan3A_189 = arith.constant 0 : i32
      %scan3A_190 = arith.constant 0 : i32
      %scan3A_191 = arith.constant 4 : i32
      %scan3A_192 = arith.addi %scan3A_190, %scan3A_191 : i32
      %scan3A_193 = arith.constant 1 : i32
      %scan3A_194:6 = scf.for %scan3A_268 = %scan3A_190 to %scan3A_192 step %scan3A_193 iter_args(%scan3A_269 = %select_n3A_119, %scan3A_270 = %scan3A, %scan3A_271 = %select_n3A_186, %scan3A_272 = %scan3A_187, %scan3A_273 = %scan3A_188, %scan3A_274 = %scan3A_189) -> (i32, i32, i32, i32, i32, i32)  : i32 {
        %eq3A_275 = arith.constant 0 : i32
        %eq3A_276 = arith.cmpi eq, %scan3A_268, %eq3A_275 : i32
        %eq3A_277 = arith.constant 3 : i32
        %eq3A_278 = arith.cmpi eq, %scan3A_268, %eq3A_277 : i32
        %add3A_279 = arith.constant 0 : i32
        %add3A_280 = arith.addi %scan3A_273, %add3A_279 : i32
        %add3A_281 = arith.addi %scan3A_274, %mul3A_6 : i32
        %sub3A_282 = arith.constant 1 : i32
        %sub3A_283 = arith.subi %scan3A_274, %sub3A_282 : i32
        %select_n3A_284 = arith.constant true
        %select_n3A_285 = arith.select %select_n3A_284, %sub3A_283, %scan3A_274 : i32
        %eq3A_286 = arith.constant -1 : i32
        %eq3A_287 = arith.cmpi eq, %select_n3A_285, %eq3A_286 : i32
        %select_n3A_288 = arith.constant 1 : i32
        %select_n3A_289 = arith.select %eq3A_287, %select_n3A_288, %select_n3A_285 : i32
        %sub3A_290 = arith.constant 1 : i32
        %sub3A_291 = arith.subi %scan3A_273, %sub3A_290 : i32
        %select_n3A_292 = arith.select %eq3A_287, %sub3A_291, %scan3A_273 : i32
        %eq3A_293 = arith.constant -1 : i32
        %eq3A_294 = arith.cmpi eq, %select_n3A_292, %eq3A_293 : i32
        %select_n3A_295 = arith.constant 1 : i32
        %select_n3A_296 = arith.select %eq3A_294, %select_n3A_295, %select_n3A_292 : i32
        %add3A_297 = arith.constant 0 : i32
        %add3A_298 = arith.addi %select_n3A_296, %add3A_297 : i32
        %add3A_299 = arith.addi %select_n3A_289, %mul3A_6 : i32
        %add3A_300 = arith.constant 1 : i32
        %add3A_301 = arith.addi %scan3A_274, %add3A_300 : i32
        %select_n3A_302 = arith.constant true
        %select_n3A_303 = arith.select %select_n3A_302, %add3A_301, %scan3A_274 : i32
        %eq3A_304 = arith.constant 2 : i32
        %eq3A_305 = arith.cmpi eq, %select_n3A_303, %eq3A_304 : i32
        %select_n3A_306 = arith.constant 0 : i32
        %select_n3A_307 = arith.select %eq3A_305, %select_n3A_306, %select_n3A_303 : i32
        %add3A_308 = arith.constant 1 : i32
        %add3A_309 = arith.addi %scan3A_273, %add3A_308 : i32
        %select_n3A_310 = arith.select %eq3A_305, %add3A_309, %scan3A_273 : i32
        %eq3A_311 = arith.constant 2 : i32
        %eq3A_312 = arith.cmpi eq, %select_n3A_310, %eq3A_311 : i32
        %select_n3A_313 = arith.constant 0 : i32
        %select_n3A_314 = arith.select %eq3A_312, %select_n3A_313, %select_n3A_310 : i32
        %add3A_315 = arith.constant 0 : i32
        %add3A_316 = arith.addi %select_n3A_314, %add3A_315 : i32
        %add3A_317 = arith.addi %select_n3A_307, %mul3A_6 : i32
        %add3A_318 = arith.constant 1 : i32
        %add3A_319 = arith.addi %select_n3A_307, %add3A_318 : i32
        %select_n3A_320 = arith.constant true
        %select_n3A_321 = arith.select %select_n3A_320, %add3A_319, %select_n3A_307 : i32
        %eq3A_322 = arith.constant 2 : i32
        %eq3A_323 = arith.cmpi eq, %select_n3A_321, %eq3A_322 : i32
        %select_n3A_324 = arith.constant 0 : i32
        %select_n3A_325 = arith.select %eq3A_323, %select_n3A_324, %select_n3A_321 : i32
        %add3A_326 = arith.constant 1 : i32
        %add3A_327 = arith.addi %select_n3A_314, %add3A_326 : i32
        %select_n3A_328 = arith.select %eq3A_323, %add3A_327, %select_n3A_314 : i32
        %eq3A_329 = arith.constant 2 : i32
        %eq3A_330 = arith.cmpi eq, %select_n3A_328, %eq3A_329 : i32
        %select_n3A_331 = arith.constant 0 : i32
        %select_n3A_332 = arith.select %eq3A_330, %select_n3A_331, %select_n3A_328 : i32
        %add3A_333 = arith.constant 0 : i32
        %add3A_334 = arith.addi %select_n3A_332, %add3A_333 : i32
        %add3A_335 = arith.addi %select_n3A_325, %mul3A_6 : i32
        %jit3A_336 = arith.constant 16 : i32
        %eq3A_337 = arith.constant 0 : i32
        %eq3A_338 = arith.cmpi eq, %jit3A_336, %eq3A_337 : i32
        %jit3A_339 = arith.constant 1 : i32
        %select_n3A_340 = arith.select %eq3A_338, %jit3A_339, %jit3A_336 : i32
        %rem3A_341 = arith.remsi %add3A_281, %select_n3A_340 : i32
        %ne3A_342 = arith.constant 0 : i32
        %ne3A_343 = arith.cmpi ne, %rem3A_341, %ne3A_342 : i32
        %lt3A_344 = arith.constant 0 : i32
        %lt3A_345 = arith.cmpi slt, %rem3A_341, %lt3A_344 : i32
        %lt3A_346 = arith.constant 0 : i32
        %lt3A_347 = arith.cmpi slt, %select_n3A_340, %lt3A_346 : i32
        %ne3A_348 = arith.xori %lt3A_345, %lt3A_347 : i1
        %and3A_349 = arith.andi %ne3A_348, %ne3A_343 : i1
        %add3A_350 = arith.addi %rem3A_341, %select_n3A_340 : i32
        %select_n3A_351 = arith.select %and3A_349, %add3A_350, %rem3A_341 : i32
        %jit3A_352 = arith.constant 16 : i32
        %div3A_353 = arith.divsi %add3A_281, %jit3A_352 : i32
        %sign3A_354 = arith.constant 0 : i32
        %sign3A_355 = arith.cmpi sgt, %add3A_281, %sign3A_354 : i32
        %sign3A_356 = arith.extui %sign3A_355 : i1 to i32
        %sign3A_357 = arith.constant 0 : i32
        %sign3A_358 = arith.cmpi slt, %add3A_281, %sign3A_357 : i32
        %sign3A_359 = arith.extui %sign3A_358 : i1 to i32
        %sign3A_360 = arith.subi %sign3A_356, %sign3A_359 : i32
        %sign3A_361 = arith.constant 0 : i32
        %sign3A_362 = arith.cmpi sgt, %jit3A_352, %sign3A_361 : i32
        %sign3A_363 = arith.extui %sign3A_362 : i1 to i32
        %sign3A_364 = arith.constant 0 : i32
        %sign3A_365 = arith.cmpi slt, %jit3A_352, %sign3A_364 : i32
        %sign3A_366 = arith.extui %sign3A_365 : i1 to i32
        %sign3A_367 = arith.subi %sign3A_363, %sign3A_366 : i32
        %ne3A_368 = arith.cmpi ne, %sign3A_360, %sign3A_367 : i32
        %rem3A_369 = arith.remsi %add3A_281, %jit3A_352 : i32
        %ne3A_370 = arith.constant 0 : i32
        %ne3A_371 = arith.cmpi ne, %rem3A_369, %ne3A_370 : i32
        %and3A_372 = arith.andi %ne3A_368, %ne3A_371 : i1
        %sub3A_373 = arith.constant 1 : i32
        %sub3A_374 = arith.subi %div3A_353, %sub3A_373 : i32
        %select_n3A_375 = arith.select %and3A_372, %sub3A_374, %div3A_353 : i32
        %jit3A_376 = arith.constant 16 : i32
        %eq3A_377 = arith.constant 0 : i32
        %eq3A_378 = arith.cmpi eq, %jit3A_376, %eq3A_377 : i32
        %jit3A_379 = arith.constant 1 : i32
        %select_n3A_380 = arith.select %eq3A_378, %jit3A_379, %jit3A_376 : i32
        %rem3A_381 = arith.remsi %add3A_317, %select_n3A_380 : i32
        %ne3A_382 = arith.constant 0 : i32
        %ne3A_383 = arith.cmpi ne, %rem3A_381, %ne3A_382 : i32
        %lt3A_384 = arith.constant 0 : i32
        %lt3A_385 = arith.cmpi slt, %rem3A_381, %lt3A_384 : i32
        %lt3A_386 = arith.constant 0 : i32
        %lt3A_387 = arith.cmpi slt, %select_n3A_380, %lt3A_386 : i32
        %ne3A_388 = arith.xori %lt3A_385, %lt3A_387 : i1
        %and3A_389 = arith.andi %ne3A_388, %ne3A_383 : i1
        %add3A_390 = arith.addi %rem3A_381, %select_n3A_380 : i32
        %select_n3A_391 = arith.select %and3A_389, %add3A_390, %rem3A_381 : i32
        %jit3A_392 = arith.constant 16 : i32
        %div3A_393 = arith.divsi %add3A_317, %jit3A_392 : i32
        %sign3A_394 = arith.constant 0 : i32
        %sign3A_395 = arith.cmpi sgt, %add3A_317, %sign3A_394 : i32
        %sign3A_396 = arith.extui %sign3A_395 : i1 to i32
        %sign3A_397 = arith.constant 0 : i32
        %sign3A_398 = arith.cmpi slt, %add3A_317, %sign3A_397 : i32
        %sign3A_399 = arith.extui %sign3A_398 : i1 to i32
        %sign3A_400 = arith.subi %sign3A_396, %sign3A_399 : i32
        %sign3A_401 = arith.constant 0 : i32
        %sign3A_402 = arith.cmpi sgt, %jit3A_392, %sign3A_401 : i32
        %sign3A_403 = arith.extui %sign3A_402 : i1 to i32
        %sign3A_404 = arith.constant 0 : i32
        %sign3A_405 = arith.cmpi slt, %jit3A_392, %sign3A_404 : i32
        %sign3A_406 = arith.extui %sign3A_405 : i1 to i32
        %sign3A_407 = arith.subi %sign3A_403, %sign3A_406 : i32
        %ne3A_408 = arith.cmpi ne, %sign3A_400, %sign3A_407 : i32
        %rem3A_409 = arith.remsi %add3A_317, %jit3A_392 : i32
        %ne3A_410 = arith.constant 0 : i32
        %ne3A_411 = arith.cmpi ne, %rem3A_409, %ne3A_410 : i32
        %and3A_412 = arith.andi %ne3A_408, %ne3A_411 : i1
        %sub3A_413 = arith.constant 1 : i32
        %sub3A_414 = arith.subi %div3A_393, %sub3A_413 : i32
        %select_n3A_415 = arith.select %and3A_412, %sub3A_414, %div3A_393 : i32
        %ne3A_416 = arith.cmpi ne, %select_n3A_351, %select_n3A_391 : i32
        %ne3A_417 = arith.cmpi ne, %select_n3A_375, %select_n3A_415 : i32
        %or3A = arith.constant false
        %or3A_418 = arith.ori %or3A, %ne3A_416 : i1
        %or3A_419 = arith.ori %or3A_418, %ne3A_417 : i1
        %ge3A = arith.constant 3 : i32
        %ge3A_420 = arith.cmpi sge, %scan3A_268, %ge3A : i32
        %not3A = arith.constant true
        %not3A_421 = arith.xori %ge3A_420, %not3A : i1
        %and3A_422 = arith.andi %or3A_419, %not3A_421 : i1
        %convert_element_type3A = arith.extui %and3A_422 : i1 to i32
        %cond3A = arith.constant 0 : i32
        %cond3A_423 = arith.cmpi ne, %convert_element_type3A, %cond3A : i32
        scf.if %cond3A_423 {
          "tpu.trace_start"() <{level = 10 : i32, message = "ep_copy_in"}> : () -> ()
          %rem3A_1301 = arith.constant 2 : i32
          %rem3A_1302 = arith.remui %scan3A_269, %rem3A_1301 : i32
          %jit3A_1303 = arith.constant 16 : i32
          %eq3A_1304 = arith.constant 0 : i32
          %eq3A_1305 = arith.cmpi eq, %jit3A_1303, %eq3A_1304 : i32
          %jit3A_1306 = arith.constant 1 : i32
          %select_n3A_1307 = arith.select %eq3A_1305, %jit3A_1306, %jit3A_1303 : i32
          %rem3A_1308 = arith.remsi %add3A_317, %select_n3A_1307 : i32
          %ne3A_1309 = arith.constant 0 : i32
          %ne3A_1310 = arith.cmpi ne, %rem3A_1308, %ne3A_1309 : i32
          %lt3A_1311 = arith.constant 0 : i32
          %lt3A_1312 = arith.cmpi slt, %rem3A_1308, %lt3A_1311 : i32
          %lt3A_1313 = arith.constant 0 : i32
          %lt3A_1314 = arith.cmpi slt, %select_n3A_1307, %lt3A_1313 : i32
          %ne3A_1315 = arith.xori %lt3A_1312, %lt3A_1314 : i1
          %and3A_1316 = arith.andi %ne3A_1315, %ne3A_1310 : i1
          %add3A_1317 = arith.addi %rem3A_1308, %select_n3A_1307 : i32
          %select_n3A_1318 = arith.select %and3A_1316, %add3A_1317, %rem3A_1308 : i32
          %jit3A_1319 = arith.constant 16 : i32
          %div3A_1320 = arith.divsi %add3A_317, %jit3A_1319 : i32
          %sign3A_1321 = arith.constant 0 : i32
          %sign3A_1322 = arith.cmpi sgt, %add3A_317, %sign3A_1321 : i32
          %sign3A_1323 = arith.extui %sign3A_1322 : i1 to i32
          %sign3A_1324 = arith.constant 0 : i32
          %sign3A_1325 = arith.cmpi slt, %add3A_317, %sign3A_1324 : i32
          %sign3A_1326 = arith.extui %sign3A_1325 : i1 to i32
          %sign3A_1327 = arith.subi %sign3A_1323, %sign3A_1326 : i32
          %sign3A_1328 = arith.constant 0 : i32
          %sign3A_1329 = arith.cmpi sgt, %jit3A_1319, %sign3A_1328 : i32
          %sign3A_1330 = arith.extui %sign3A_1329 : i1 to i32
          %sign3A_1331 = arith.constant 0 : i32
          %sign3A_1332 = arith.cmpi slt, %jit3A_1319, %sign3A_1331 : i32
          %sign3A_1333 = arith.extui %sign3A_1332 : i1 to i32
          %sign3A_1334 = arith.subi %sign3A_1330, %sign3A_1333 : i32
          %ne3A_1335 = arith.cmpi ne, %sign3A_1327, %sign3A_1334 : i32
          %rem3A_1336 = arith.remsi %add3A_317, %jit3A_1319 : i32
          %ne3A_1337 = arith.constant 0 : i32
          %ne3A_1338 = arith.cmpi ne, %rem3A_1336, %ne3A_1337 : i32
          %and3A_1339 = arith.andi %ne3A_1335, %ne3A_1338 : i1
          %sub3A_1340 = arith.constant 1 : i32
          %sub3A_1341 = arith.subi %div3A_1320, %sub3A_1340 : i32
          %select_n3A_1342 = arith.select %and3A_1339, %sub3A_1341, %div3A_1320 : i32
          %mul3A_1343 = arith.constant 128 : i32
          %mul3A_1344 = arith.muli %mul3A_1343, %select_n3A_1318 : i32
          %mul3A_1345 = arith.constant 256 : i32
          %mul3A_1346 = arith.muli %mul3A_1345, %select_n3A_1342 : i32
          %dma_start3A_1347 = arith.constant 0 : i32
          %dma_start3A_1348 = arith.constant 0 : i32
          %dma_start3A_1349 = tpu.memref_slice %run_scoped3A[%rem3A_1302, %dma_start3A_1347, %dma_start3A_1348] : memref<2x128x256xf32, #tpu.memory_space<vmem>> -> memref<1x128x256xf32, #tpu.memory_space<vmem>>
          %dma_start3A_1350 = tpu.memref_squeeze %dma_start3A_1349 : memref<1x128x256xf32, #tpu.memory_space<vmem>> -> memref<128x256xf32, #tpu.memory_space<vmem>>
          %dma_start3A_1351 = tpu.memref_slice %arg2[%mul3A_1344, %mul3A_1346] : memref<2048x1024xf32, #tpu.memory_space<hbm>> -> memref<128x256xf32, #tpu.memory_space<hbm>>
          %dma_start3A_1352 = tpu.memref_slice %run_scoped3A_7[%rem3A_1302] : memref<2x!tpu.dma_semaphore, #tpu.memory_space<semaphore_mem>> -> memref<1x!tpu.dma_semaphore, #tpu.memory_space<semaphore_mem>>
          %dma_start3A_1353 = tpu.memref_squeeze %dma_start3A_1352 : memref<1x!tpu.dma_semaphore, #tpu.memory_space<semaphore_mem>> -> memref<!tpu.dma_semaphore, #tpu.memory_space<semaphore_mem>>
          %dma_start3A_1354 = arith.constant 0 : i32
          %dma_start3A_1355 = arith.constant 0 : i32
          %dma_start3A_1356 = tpu.memref_slice %run_scoped3A[%rem3A_1302, %dma_start3A_1354, %dma_start3A_1355] : memref<2x128x256xf32, #tpu.memory_space<vmem>> -> memref<1x128x256xf32, #tpu.memory_space<vmem>>
          %dma_start3A_1357 = tpu.memref_squeeze %dma_start3A_1356 : memref<1x128x256xf32, #tpu.memory_space<vmem>> -> memref<128x256xf32, #tpu.memory_space<vmem>>
          %dma_start3A_1358 = tpu.memref_slice %arg2[%mul3A_1344, %mul3A_1346] : memref<2048x1024xf32, #tpu.memory_space<hbm>> -> memref<128x256xf32, #tpu.memory_space<hbm>>
          tpu.enqueue_dma source(%dma_start3A_1358 : memref<128x256xf32, #tpu.memory_space<hbm>>) target(%dma_start3A_1357 : memref<128x256xf32, #tpu.memory_space<vmem>>) target_semaphore(%dma_start3A_1353 : memref<!tpu.dma_semaphore, #tpu.memory_space<semaphore_mem>>)
          "tpu.trace_stop"() : () -> ()
        } else {
        }
        %and3A_424 = arith.constant true
        %and3A_425 = arith.andi %and3A_422, %and3A_424 : i1
        %add3A_426 = arith.constant 1 : i32
        %add3A_427 = arith.addi %scan3A_269, %add3A_426 : i32
        %select_n3A_428 = arith.select %and3A_425, %add3A_427, %scan3A_269 : i32
        %mul3A_429 = arith.constant 4 : i32
        %mul3A_430 = arith.muli %add3A_280, %mul3A_429 : i32
        %jit3A_431 = arith.constant 16 : i32
        %div3A_432 = arith.divsi %add3A_281, %jit3A_431 : i32
        %sign3A_433 = arith.constant 0 : i32
        %sign3A_434 = arith.cmpi sgt, %add3A_281, %sign3A_433 : i32
        %sign3A_435 = arith.extui %sign3A_434 : i1 to i32
        %sign3A_436 = arith.constant 0 : i32
        %sign3A_437 = arith.cmpi slt, %add3A_281, %sign3A_436 : i32
        %sign3A_438 = arith.extui %sign3A_437 : i1 to i32
        %sign3A_439 = arith.subi %sign3A_435, %sign3A_438 : i32
        %sign3A_440 = arith.constant 0 : i32
        %sign3A_441 = arith.cmpi sgt, %jit3A_431, %sign3A_440 : i32
        %sign3A_442 = arith.extui %sign3A_441 : i1 to i32
        %sign3A_443 = arith.constant 0 : i32
        %sign3A_444 = arith.cmpi slt, %jit3A_431, %sign3A_443 : i32
        %sign3A_445 = arith.extui %sign3A_444 : i1 to i32
        %sign3A_446 = arith.subi %sign3A_442, %sign3A_445 : i32
        %ne3A_447 = arith.cmpi ne, %sign3A_439, %sign3A_446 : i32
        %rem3A_448 = arith.remsi %add3A_281, %jit3A_431 : i32
        %ne3A_449 = arith.constant 0 : i32
        %ne3A_450 = arith.cmpi ne, %rem3A_448, %ne3A_449 : i32
        %and3A_451 = arith.andi %ne3A_447, %ne3A_450 : i1
        %sub3A_452 = arith.constant 1 : i32
        %sub3A_453 = arith.subi %div3A_432, %sub3A_452 : i32
        %select_n3A_454 = arith.select %and3A_451, %sub3A_453, %div3A_432 : i32
        %add3A_455 = arith.addi %mul3A_430, %select_n3A_454 : i32
        %jit3A_456 = arith.constant 16 : i32
        %eq3A_457 = arith.constant 0 : i32
        %eq3A_458 = arith.cmpi eq, %jit3A_456, %eq3A_457 : i32
        %jit3A_459 = arith.constant 1 : i32
        %select_n3A_460 = arith.select %eq3A_458, %jit3A_459, %jit3A_456 : i32
        %rem3A_461 = arith.remsi %add3A_281, %select_n3A_460 : i32
        %ne3A_462 = arith.constant 0 : i32
        %ne3A_463 = arith.cmpi ne, %rem3A_461, %ne3A_462 : i32
        %lt3A_464 = arith.constant 0 : i32
        %lt3A_465 = arith.cmpi slt, %rem3A_461, %lt3A_464 : i32
        %lt3A_466 = arith.constant 0 : i32
        %lt3A_467 = arith.cmpi slt, %select_n3A_460, %lt3A_466 : i32
        %ne3A_468 = arith.xori %lt3A_465, %lt3A_467 : i1
        %and3A_469 = arith.andi %ne3A_468, %ne3A_463 : i1
        %add3A_470 = arith.addi %rem3A_461, %select_n3A_460 : i32
        %select_n3A_471 = arith.select %and3A_469, %add3A_470, %rem3A_461 : i32
        %mul3A_472 = arith.constant 4 : i32
        %mul3A_473 = arith.muli %add3A_316, %mul3A_472 : i32
        %jit3A_474 = arith.constant 16 : i32
        %div3A_475 = arith.divsi %add3A_317, %jit3A_474 : i32
        %sign3A_476 = arith.constant 0 : i32
        %sign3A_477 = arith.cmpi sgt, %add3A_317, %sign3A_476 : i32
        %sign3A_478 = arith.extui %sign3A_477 : i1 to i32
        %sign3A_479 = arith.constant 0 : i32
        %sign3A_480 = arith.cmpi slt, %add3A_317, %sign3A_479 : i32
        %sign3A_481 = arith.extui %sign3A_480 : i1 to i32
        %sign3A_482 = arith.subi %sign3A_478, %sign3A_481 : i32
        %sign3A_483 = arith.constant 0 : i32
        %sign3A_484 = arith.cmpi sgt, %jit3A_474, %sign3A_483 : i32
        %sign3A_485 = arith.extui %sign3A_484 : i1 to i32
        %sign3A_486 = arith.constant 0 : i32
        %sign3A_487 = arith.cmpi slt, %jit3A_474, %sign3A_486 : i32
        %sign3A_488 = arith.extui %sign3A_487 : i1 to i32
        %sign3A_489 = arith.subi %sign3A_485, %sign3A_488 : i32
        %ne3A_490 = arith.cmpi ne, %sign3A_482, %sign3A_489 : i32
        %rem3A_491 = arith.remsi %add3A_317, %jit3A_474 : i32
        %ne3A_492 = arith.constant 0 : i32
        %ne3A_493 = arith.cmpi ne, %rem3A_491, %ne3A_492 : i32
        %and3A_494 = arith.andi %ne3A_490, %ne3A_493 : i1
        %sub3A_495 = arith.constant 1 : i32
        %sub3A_496 = arith.subi %div3A_475, %sub3A_495 : i32
        %select_n3A_497 = arith.select %and3A_494, %sub3A_496, %div3A_475 : i32
        %add3A_498 = arith.addi %mul3A_473, %select_n3A_497 : i32
        %jit3A_499 = arith.constant 16 : i32
        %eq3A_500 = arith.constant 0 : i32
        %eq3A_501 = arith.cmpi eq, %jit3A_499, %eq3A_500 : i32
        %jit3A_502 = arith.constant 1 : i32
        %select_n3A_503 = arith.select %eq3A_501, %jit3A_502, %jit3A_499 : i32
        %rem3A_504 = arith.remsi %add3A_317, %select_n3A_503 : i32
        %ne3A_505 = arith.constant 0 : i32
        %ne3A_506 = arith.cmpi ne, %rem3A_504, %ne3A_505 : i32
        %lt3A_507 = arith.constant 0 : i32
        %lt3A_508 = arith.cmpi slt, %rem3A_504, %lt3A_507 : i32
        %lt3A_509 = arith.constant 0 : i32
        %lt3A_510 = arith.cmpi slt, %select_n3A_503, %lt3A_509 : i32
        %ne3A_511 = arith.xori %lt3A_508, %lt3A_510 : i1
        %and3A_512 = arith.andi %ne3A_511, %ne3A_506 : i1
        %add3A_513 = arith.addi %rem3A_504, %select_n3A_503 : i32
        %select_n3A_514 = arith.select %and3A_512, %add3A_513, %rem3A_504 : i32
        %ne3A_515 = arith.cmpi ne, %add3A_455, %add3A_498 : i32
        %ne3A_516 = arith.cmpi ne, %select_n3A_471, %select_n3A_514 : i32
        %or3A_517 = arith.constant false
        %or3A_518 = arith.ori %or3A_517, %ne3A_515 : i1
        %or3A_519 = arith.ori %or3A_518, %ne3A_516 : i1
        %ge3A_520 = arith.constant 3 : i32
        %ge3A_521 = arith.cmpi sge, %scan3A_268, %ge3A_520 : i32
        %not3A_522 = arith.constant true
        %not3A_523 = arith.xori %ge3A_521, %not3A_522 : i1
        %and3A_524 = arith.andi %or3A_519, %not3A_523 : i1
        %convert_element_type3A_525 = arith.extui %and3A_524 : i1 to i32
        %cond3A_526 = arith.constant 0 : i32
        %cond3A_527 = arith.cmpi ne, %convert_element_type3A_525, %cond3A_526 : i32
        scf.if %cond3A_527 {
          "tpu.trace_start"() <{level = 10 : i32, message = "ep_copy_in"}> : () -> ()
          %rem3A_1301 = arith.constant 2 : i32
          %rem3A_1302 = arith.remui %scan3A_271, %rem3A_1301 : i32
          %mul3A_1303 = arith.constant 4 : i32
          %mul3A_1304 = arith.muli %add3A_316, %mul3A_1303 : i32
          %jit3A_1305 = arith.constant 16 : i32
          %div3A_1306 = arith.divsi %add3A_317, %jit3A_1305 : i32
          %sign3A_1307 = arith.constant 0 : i32
          %sign3A_1308 = arith.cmpi sgt, %add3A_317, %sign3A_1307 : i32
          %sign3A_1309 = arith.extui %sign3A_1308 : i1 to i32
          %sign3A_1310 = arith.constant 0 : i32
          %sign3A_1311 = arith.cmpi slt, %add3A_317, %sign3A_1310 : i32
          %sign3A_1312 = arith.extui %sign3A_1311 : i1 to i32
          %sign3A_1313 = arith.subi %sign3A_1309, %sign3A_1312 : i32
          %sign3A_1314 = arith.constant 0 : i32
          %sign3A_1315 = arith.cmpi sgt, %jit3A_1305, %sign3A_1314 : i32
          %sign3A_1316 = arith.extui %sign3A_1315 : i1 to i32
          %sign3A_1317 = arith.constant 0 : i32
          %sign3A_1318 = arith.cmpi slt, %jit3A_1305, %sign3A_1317 : i32
          %sign3A_1319 = arith.extui %sign3A_1318 : i1 to i32
          %sign3A_1320 = arith.subi %sign3A_1316, %sign3A_1319 : i32
          %ne3A_1321 = arith.cmpi ne, %sign3A_1313, %sign3A_1320 : i32
          %rem3A_1322 = arith.remsi %add3A_317, %jit3A_1305 : i32
          %ne3A_1323 = arith.constant 0 : i32
          %ne3A_1324 = arith.cmpi ne, %rem3A_1322, %ne3A_1323 : i32
          %and3A_1325 = arith.andi %ne3A_1321, %ne3A_1324 : i1
          %sub3A_1326 = arith.constant 1 : i32
          %sub3A_1327 = arith.subi %div3A_1306, %sub3A_1326 : i32
          %select_n3A_1328 = arith.select %and3A_1325, %sub3A_1327, %div3A_1306 : i32
          %add3A_1329 = arith.addi %mul3A_1304, %select_n3A_1328 : i32
          %jit3A_1330 = arith.constant 16 : i32
          %eq3A_1331 = arith.constant 0 : i32
          %eq3A_1332 = arith.cmpi eq, %jit3A_1330, %eq3A_1331 : i32
          %jit3A_1333 = arith.constant 1 : i32
          %select_n3A_1334 = arith.select %eq3A_1332, %jit3A_1333, %jit3A_1330 : i32
          %rem3A_1335 = arith.remsi %add3A_317, %select_n3A_1334 : i32
          %ne3A_1336 = arith.constant 0 : i32
          %ne3A_1337 = arith.cmpi ne, %rem3A_1335, %ne3A_1336 : i32
          %lt3A_1338 = arith.constant 0 : i32
          %lt3A_1339 = arith.cmpi slt, %rem3A_1335, %lt3A_1338 : i32
          %lt3A_1340 = arith.constant 0 : i32
          %lt3A_1341 = arith.cmpi slt, %select_n3A_1334, %lt3A_1340 : i32
          %ne3A_1342 = arith.xori %lt3A_1339, %lt3A_1341 : i1
          %and3A_1343 = arith.andi %ne3A_1342, %ne3A_1337 : i1
          %add3A_1344 = arith.addi %rem3A_1335, %select_n3A_1334 : i32
          %select_n3A_1345 = arith.select %and3A_1343, %add3A_1344, %rem3A_1335 : i32
          %mul3A_1346 = arith.constant 1 : i32
          %mul3A_1347 = arith.muli %mul3A_1346, %add3A_1329 : i32
          %mul3A_1348 = arith.constant 128 : i32
          %mul3A_1349 = arith.muli %mul3A_1348, %select_n3A_1345 : i32
          %dma_start3A_1350 = arith.constant 0 : i32
          %dma_start3A_1351 = arith.constant 0 : i32
          %dma_start3A_1352 = tpu.memref_slice %run_scoped3A_8[%rem3A_1302, %dma_start3A_1350, %dma_start3A_1351] : memref<2x1x128xi32, #tpu.memory_space<vmem>> -> memref<1x1x128xi32, #tpu.memory_space<vmem>>
          %dma_start3A_1353 = tpu.memref_squeeze %dma_start3A_1352 : memref<1x1x128xi32, #tpu.memory_space<vmem>> -> memref<1x128xi32, #tpu.memory_space<vmem>>
          %dma_start3A_1354 = tpu.memref_slice %arg3[%mul3A_1347, %mul3A_1349] : memref<8x2048xi32, #tpu.memory_space<hbm>> -> memref<1x128xi32, #tpu.memory_space<hbm>>
          %dma_start3A_1355 = tpu.memref_slice %run_scoped3A_9[%rem3A_1302] : memref<2x!tpu.dma_semaphore, #tpu.memory_space<semaphore_mem>> -> memref<1x!tpu.dma_semaphore, #tpu.memory_space<semaphore_mem>>
          %dma_start3A_1356 = tpu.memref_squeeze %dma_start3A_1355 : memref<1x!tpu.dma_semaphore, #tpu.memory_space<semaphore_mem>> -> memref<!tpu.dma_semaphore, #tpu.memory_space<semaphore_mem>>
          %dma_start3A_1357 = arith.constant 0 : i32
          %dma_start3A_1358 = arith.constant 0 : i32
          %dma_start3A_1359 = tpu.memref_slice %run_scoped3A_8[%rem3A_1302, %dma_start3A_1357, %dma_start3A_1358] : memref<2x1x128xi32, #tpu.memory_space<vmem>> -> memref<1x1x128xi32, #tpu.memory_space<vmem>>
          %dma_start3A_1360 = tpu.memref_squeeze %dma_start3A_1359 : memref<1x1x128xi32, #tpu.memory_space<vmem>> -> memref<1x128xi32, #tpu.memory_space<vmem>>
          %dma_start3A_1361 = tpu.memref_slice %arg3[%mul3A_1347, %mul3A_1349] : memref<8x2048xi32, #tpu.memory_space<hbm>> -> memref<1x128xi32, #tpu.memory_space<hbm>>
          tpu.enqueue_dma source(%dma_start3A_1361 : memref<1x128xi32, #tpu.memory_space<hbm>>) target(%dma_start3A_1360 : memref<1x128xi32, #tpu.memory_space<vmem>>) target_semaphore(%dma_start3A_1356 : memref<!tpu.dma_semaphore, #tpu.memory_space<semaphore_mem>>)
          "tpu.trace_stop"() : () -> ()
        } else {
        }
        %and3A_528 = arith.constant true
        %and3A_529 = arith.andi %and3A_524, %and3A_528 : i1
        %add3A_530 = arith.constant 1 : i32
        %add3A_531 = arith.addi %scan3A_271, %add3A_530 : i32
        %select_n3A_532 = arith.select %and3A_529, %add3A_531, %scan3A_271 : i32
        %jit3A_533 = arith.constant 16 : i32
        %eq3A_534 = arith.constant 0 : i32
        %eq3A_535 = arith.cmpi eq, %jit3A_533, %eq3A_534 : i32
        %jit3A_536 = arith.constant 1 : i32
        %select_n3A_537 = arith.select %eq3A_535, %jit3A_536, %jit3A_533 : i32
        %rem3A_538 = arith.remsi %add3A_281, %select_n3A_537 : i32
        %ne3A_539 = arith.constant 0 : i32
        %ne3A_540 = arith.cmpi ne, %rem3A_538, %ne3A_539 : i32
        %lt3A_541 = arith.constant 0 : i32
        %lt3A_542 = arith.cmpi slt, %rem3A_538, %lt3A_541 : i32
        %lt3A_543 = arith.constant 0 : i32
        %lt3A_544 = arith.cmpi slt, %select_n3A_537, %lt3A_543 : i32
        %ne3A_545 = arith.xori %lt3A_542, %lt3A_544 : i1
        %and3A_546 = arith.andi %ne3A_545, %ne3A_540 : i1
        %add3A_547 = arith.addi %rem3A_538, %select_n3A_537 : i32
        %select_n3A_548 = arith.select %and3A_546, %add3A_547, %rem3A_538 : i32
        %jit3A_549 = arith.constant 16 : i32
        %div3A_550 = arith.divsi %add3A_281, %jit3A_549 : i32
        %sign3A_551 = arith.constant 0 : i32
        %sign3A_552 = arith.cmpi sgt, %add3A_281, %sign3A_551 : i32
        %sign3A_553 = arith.extui %sign3A_552 : i1 to i32
        %sign3A_554 = arith.constant 0 : i32
        %sign3A_555 = arith.cmpi slt, %add3A_281, %sign3A_554 : i32
        %sign3A_556 = arith.extui %sign3A_555 : i1 to i32
        %sign3A_557 = arith.subi %sign3A_553, %sign3A_556 : i32
        %sign3A_558 = arith.constant 0 : i32
        %sign3A_559 = arith.cmpi sgt, %jit3A_549, %sign3A_558 : i32
        %sign3A_560 = arith.extui %sign3A_559 : i1 to i32
        %sign3A_561 = arith.constant 0 : i32
        %sign3A_562 = arith.cmpi slt, %jit3A_549, %sign3A_561 : i32
        %sign3A_563 = arith.extui %sign3A_562 : i1 to i32
        %sign3A_564 = arith.subi %sign3A_560, %sign3A_563 : i32
        %ne3A_565 = arith.cmpi ne, %sign3A_557, %sign3A_564 : i32
        %rem3A_566 = arith.remsi %add3A_281, %jit3A_549 : i32
        %ne3A_567 = arith.constant 0 : i32
        %ne3A_568 = arith.cmpi ne, %rem3A_566, %ne3A_567 : i32
        %and3A_569 = arith.andi %ne3A_565, %ne3A_568 : i1
        %sub3A_570 = arith.constant 1 : i32
        %sub3A_571 = arith.subi %div3A_550, %sub3A_570 : i32
        %select_n3A_572 = arith.select %and3A_569, %sub3A_571, %div3A_550 : i32
        %jit3A_573 = arith.constant 16 : i32
        %eq3A_574 = arith.constant 0 : i32
        %eq3A_575 = arith.cmpi eq, %jit3A_573, %eq3A_574 : i32
        %jit3A_576 = arith.constant 1 : i32
        %select_n3A_577 = arith.select %eq3A_575, %jit3A_576, %jit3A_573 : i32
        %rem3A_578 = arith.remsi %add3A_299, %select_n3A_577 : i32
        %ne3A_579 = arith.constant 0 : i32
        %ne3A_580 = arith.cmpi ne, %rem3A_578, %ne3A_579 : i32
        %lt3A_581 = arith.constant 0 : i32
        %lt3A_582 = arith.cmpi slt, %rem3A_578, %lt3A_581 : i32
        %lt3A_583 = arith.constant 0 : i32
        %lt3A_584 = arith.cmpi slt, %select_n3A_577, %lt3A_583 : i32
        %ne3A_585 = arith.xori %lt3A_582, %lt3A_584 : i1
        %and3A_586 = arith.andi %ne3A_585, %ne3A_580 : i1
        %add3A_587 = arith.addi %rem3A_578, %select_n3A_577 : i32
        %select_n3A_588 = arith.select %and3A_586, %add3A_587, %rem3A_578 : i32
        %jit3A_589 = arith.constant 16 : i32
        %div3A_590 = arith.divsi %add3A_299, %jit3A_589 : i32
        %sign3A_591 = arith.constant 0 : i32
        %sign3A_592 = arith.cmpi sgt, %add3A_299, %sign3A_591 : i32
        %sign3A_593 = arith.extui %sign3A_592 : i1 to i32
        %sign3A_594 = arith.constant 0 : i32
        %sign3A_595 = arith.cmpi slt, %add3A_299, %sign3A_594 : i32
        %sign3A_596 = arith.extui %sign3A_595 : i1 to i32
        %sign3A_597 = arith.subi %sign3A_593, %sign3A_596 : i32
        %sign3A_598 = arith.constant 0 : i32
        %sign3A_599 = arith.cmpi sgt, %jit3A_589, %sign3A_598 : i32
        %sign3A_600 = arith.extui %sign3A_599 : i1 to i32
        %sign3A_601 = arith.constant 0 : i32
        %sign3A_602 = arith.cmpi slt, %jit3A_589, %sign3A_601 : i32
        %sign3A_603 = arith.extui %sign3A_602 : i1 to i32
        %sign3A_604 = arith.subi %sign3A_600, %sign3A_603 : i32
        %ne3A_605 = arith.cmpi ne, %sign3A_597, %sign3A_604 : i32
        %rem3A_606 = arith.remsi %add3A_299, %jit3A_589 : i32
        %ne3A_607 = arith.constant 0 : i32
        %ne3A_608 = arith.cmpi ne, %rem3A_606, %ne3A_607 : i32
        %and3A_609 = arith.andi %ne3A_605, %ne3A_608 : i1
        %sub3A_610 = arith.constant 1 : i32
        %sub3A_611 = arith.subi %div3A_590, %sub3A_610 : i32
        %select_n3A_612 = arith.select %and3A_609, %sub3A_611, %div3A_590 : i32
        %ne3A_613 = arith.cmpi ne, %select_n3A_548, %select_n3A_588 : i32
        %ne3A_614 = arith.cmpi ne, %select_n3A_572, %select_n3A_612 : i32
        %or3A_615 = arith.constant false
        %or3A_616 = arith.ori %or3A_615, %ne3A_613 : i1
        %or3A_617 = arith.ori %or3A_616, %ne3A_614 : i1
        %or3A_618 = arith.ori %or3A_617, %eq3A_276 : i1
        %convert_element_type3A_619 = arith.extui %or3A_618 : i1 to i32
        %cond3A_620 = arith.constant 0 : i32
        %cond3A_621 = arith.cmpi ne, %convert_element_type3A_619, %cond3A_620 : i32
        scf.if %cond3A_621 {
          %jit3A_1301 = arith.constant 16 : i32
          "tpu.trace_start"() <{level = 10 : i32, message = "ep_wait_in"}> : () -> ()
          %eq3A_1302 = arith.constant 0 : i32
          %eq3A_1303 = arith.cmpi eq, %jit3A_1301, %eq3A_1302 : i32
          %jit3A_1304 = arith.constant 1 : i32
          %select_n3A_1305 = arith.select %eq3A_1303, %jit3A_1304, %jit3A_1301 : i32
          %rem3A_1306 = arith.remsi %add3A_281, %select_n3A_1305 : i32
          %ne3A_1307 = arith.constant 0 : i32
          %ne3A_1308 = arith.cmpi ne, %rem3A_1306, %ne3A_1307 : i32
          %lt3A_1309 = arith.constant 0 : i32
          %lt3A_1310 = arith.cmpi slt, %rem3A_1306, %lt3A_1309 : i32
          %lt3A_1311 = arith.constant 0 : i32
          %lt3A_1312 = arith.cmpi slt, %select_n3A_1305, %lt3A_1311 : i32
          %ne3A_1313 = arith.xori %lt3A_1310, %lt3A_1312 : i1
          %and3A_1314 = arith.andi %ne3A_1313, %ne3A_1308 : i1
          %add3A_1315 = arith.addi %rem3A_1306, %select_n3A_1305 : i32
          %select_n3A_1316 = arith.select %and3A_1314, %add3A_1315, %rem3A_1306 : i32
          %jit3A_1317 = arith.constant 16 : i32
          %div3A_1318 = arith.divsi %add3A_281, %jit3A_1317 : i32
          %sign3A_1319 = arith.constant 0 : i32
          %sign3A_1320 = arith.cmpi sgt, %add3A_281, %sign3A_1319 : i32
          %sign3A_1321 = arith.extui %sign3A_1320 : i1 to i32
          %sign3A_1322 = arith.constant 0 : i32
          %sign3A_1323 = arith.cmpi slt, %add3A_281, %sign3A_1322 : i32
          %sign3A_1324 = arith.extui %sign3A_1323 : i1 to i32
          %sign3A_1325 = arith.subi %sign3A_1321, %sign3A_1324 : i32
          %sign3A_1326 = arith.constant 0 : i32
          %sign3A_1327 = arith.cmpi sgt, %jit3A_1317, %sign3A_1326 : i32
          %sign3A_1328 = arith.extui %sign3A_1327 : i1 to i32
          %sign3A_1329 = arith.constant 0 : i32
          %sign3A_1330 = arith.cmpi slt, %jit3A_1317, %sign3A_1329 : i32
          %sign3A_1331 = arith.extui %sign3A_1330 : i1 to i32
          %sign3A_1332 = arith.subi %sign3A_1328, %sign3A_1331 : i32
          %ne3A_1333 = arith.cmpi ne, %sign3A_1325, %sign3A_1332 : i32
          %rem3A_1334 = arith.remsi %add3A_281, %jit3A_1317 : i32
          %ne3A_1335 = arith.constant 0 : i32
          %ne3A_1336 = arith.cmpi ne, %rem3A_1334, %ne3A_1335 : i32
          %and3A_1337 = arith.andi %ne3A_1333, %ne3A_1336 : i1
          %sub3A_1338 = arith.constant 1 : i32
          %sub3A_1339 = arith.subi %div3A_1318, %sub3A_1338 : i32
          %select_n3A_1340 = arith.select %and3A_1337, %sub3A_1339, %div3A_1318 : i32
          %mul3A_1341 = arith.constant 128 : i32
          %mul3A_1342 = arith.muli %mul3A_1341, %select_n3A_1316 : i32
          %mul3A_1343 = arith.constant 256 : i32
          %mul3A_1344 = arith.muli %mul3A_1343, %select_n3A_1340 : i32
          %rem3A_1345 = arith.constant 2 : i32
          %rem3A_1346 = arith.remui %scan3A_270, %rem3A_1345 : i32
          %dma_wait3A = arith.constant 0 : i32
          %dma_wait3A_1347 = arith.constant 0 : i32
          %dma_wait3A_1348 = tpu.memref_slice %run_scoped3A[%rem3A_1346, %dma_wait3A, %dma_wait3A_1347] : memref<2x128x256xf32, #tpu.memory_space<vmem>> -> memref<1x128x256xf32, #tpu.memory_space<vmem>>
          %dma_wait3A_1349 = tpu.memref_squeeze %dma_wait3A_1348 : memref<1x128x256xf32, #tpu.memory_space<vmem>> -> memref<128x256xf32, #tpu.memory_space<vmem>>
          %dma_wait3A_1350 = tpu.memref_slice %arg2[%mul3A_1342, %mul3A_1344] : memref<2048x1024xf32, #tpu.memory_space<hbm>> -> memref<128x256xf32, #tpu.memory_space<hbm>>
          %dma_wait3A_1351 = tpu.memref_slice %run_scoped3A_7[%rem3A_1346] : memref<2x!tpu.dma_semaphore, #tpu.memory_space<semaphore_mem>> -> memref<1x!tpu.dma_semaphore, #tpu.memory_space<semaphore_mem>>
          %dma_wait3A_1352 = tpu.memref_squeeze %dma_wait3A_1351 : memref<1x!tpu.dma_semaphore, #tpu.memory_space<semaphore_mem>> -> memref<!tpu.dma_semaphore, #tpu.memory_space<semaphore_mem>>
          %dma_wait3A_1353 = arith.constant 0 : i32
          %dma_wait3A_1354 = arith.constant 0 : i32
          %dma_wait3A_1355 = tpu.memref_slice %run_scoped3A[%rem3A_1346, %dma_wait3A_1353, %dma_wait3A_1354] : memref<2x128x256xf32, #tpu.memory_space<vmem>> -> memref<1x128x256xf32, #tpu.memory_space<vmem>>
          %dma_wait3A_1356 = tpu.memref_squeeze %dma_wait3A_1355 : memref<1x128x256xf32, #tpu.memory_space<vmem>> -> memref<128x256xf32, #tpu.memory_space<vmem>>
          %dma_wait3A_1357 = tpu.memref_slice %arg2[%mul3A_1342, %mul3A_1344] : memref<2048x1024xf32, #tpu.memory_space<hbm>> -> memref<128x256xf32, #tpu.memory_space<hbm>>
          tpu.wait_dma2 semaphore(%dma_wait3A_1352 : memref<!tpu.dma_semaphore, #tpu.memory_space<semaphore_mem>>) src(%dma_wait3A_1357 : memref<128x256xf32, #tpu.memory_space<hbm>>) dst(%dma_wait3A_1356 : memref<128x256xf32, #tpu.memory_space<vmem>>)
          "tpu.trace_stop"() : () -> ()
        } else {
        }
        %mul3A_622 = arith.constant 4 : i32
        %mul3A_623 = arith.muli %add3A_280, %mul3A_622 : i32
        %jit3A_624 = arith.constant 16 : i32
        %div3A_625 = arith.divsi %add3A_281, %jit3A_624 : i32
        %sign3A_626 = arith.constant 0 : i32
        %sign3A_627 = arith.cmpi sgt, %add3A_281, %sign3A_626 : i32
        %sign3A_628 = arith.extui %sign3A_627 : i1 to i32
        %sign3A_629 = arith.constant 0 : i32
        %sign3A_630 = arith.cmpi slt, %add3A_281, %sign3A_629 : i32
        %sign3A_631 = arith.extui %sign3A_630 : i1 to i32
        %sign3A_632 = arith.subi %sign3A_628, %sign3A_631 : i32
        %sign3A_633 = arith.constant 0 : i32
        %sign3A_634 = arith.cmpi sgt, %jit3A_624, %sign3A_633 : i32
        %sign3A_635 = arith.extui %sign3A_634 : i1 to i32
        %sign3A_636 = arith.constant 0 : i32
        %sign3A_637 = arith.cmpi slt, %jit3A_624, %sign3A_636 : i32
        %sign3A_638 = arith.extui %sign3A_637 : i1 to i32
        %sign3A_639 = arith.subi %sign3A_635, %sign3A_638 : i32
        %ne3A_640 = arith.cmpi ne, %sign3A_632, %sign3A_639 : i32
        %rem3A_641 = arith.remsi %add3A_281, %jit3A_624 : i32
        %ne3A_642 = arith.constant 0 : i32
        %ne3A_643 = arith.cmpi ne, %rem3A_641, %ne3A_642 : i32
        %and3A_644 = arith.andi %ne3A_640, %ne3A_643 : i1
        %sub3A_645 = arith.constant 1 : i32
        %sub3A_646 = arith.subi %div3A_625, %sub3A_645 : i32
        %select_n3A_647 = arith.select %and3A_644, %sub3A_646, %div3A_625 : i32
        %add3A_648 = arith.addi %mul3A_623, %select_n3A_647 : i32
        %jit3A_649 = arith.constant 16 : i32
        %eq3A_650 = arith.constant 0 : i32
        %eq3A_651 = arith.cmpi eq, %jit3A_649, %eq3A_650 : i32
        %jit3A_652 = arith.constant 1 : i32
        %select_n3A_653 = arith.select %eq3A_651, %jit3A_652, %jit3A_649 : i32
        %rem3A_654 = arith.remsi %add3A_281, %select_n3A_653 : i32
        %ne3A_655 = arith.constant 0 : i32
        %ne3A_656 = arith.cmpi ne, %rem3A_654, %ne3A_655 : i32
        %lt3A_657 = arith.constant 0 : i32
        %lt3A_658 = arith.cmpi slt, %rem3A_654, %lt3A_657 : i32
        %lt3A_659 = arith.constant 0 : i32
        %lt3A_660 = arith.cmpi slt, %select_n3A_653, %lt3A_659 : i32
        %ne3A_661 = arith.xori %lt3A_658, %lt3A_660 : i1
        %and3A_662 = arith.andi %ne3A_661, %ne3A_656 : i1
        %add3A_663 = arith.addi %rem3A_654, %select_n3A_653 : i32
        %select_n3A_664 = arith.select %and3A_662, %add3A_663, %rem3A_654 : i32
        %mul3A_665 = arith.constant 4 : i32
        %mul3A_666 = arith.muli %add3A_298, %mul3A_665 : i32
        %jit3A_667 = arith.constant 16 : i32
        %div3A_668 = arith.divsi %add3A_299, %jit3A_667 : i32
        %sign3A_669 = arith.constant 0 : i32
        %sign3A_670 = arith.cmpi sgt, %add3A_299, %sign3A_669 : i32
        %sign3A_671 = arith.extui %sign3A_670 : i1 to i32
        %sign3A_672 = arith.constant 0 : i32
        %sign3A_673 = arith.cmpi slt, %add3A_299, %sign3A_672 : i32
        %sign3A_674 = arith.extui %sign3A_673 : i1 to i32
        %sign3A_675 = arith.subi %sign3A_671, %sign3A_674 : i32
        %sign3A_676 = arith.constant 0 : i32
        %sign3A_677 = arith.cmpi sgt, %jit3A_667, %sign3A_676 : i32
        %sign3A_678 = arith.extui %sign3A_677 : i1 to i32
        %sign3A_679 = arith.constant 0 : i32
        %sign3A_680 = arith.cmpi slt, %jit3A_667, %sign3A_679 : i32
        %sign3A_681 = arith.extui %sign3A_680 : i1 to i32
        %sign3A_682 = arith.subi %sign3A_678, %sign3A_681 : i32
        %ne3A_683 = arith.cmpi ne, %sign3A_675, %sign3A_682 : i32
        %rem3A_684 = arith.remsi %add3A_299, %jit3A_667 : i32
        %ne3A_685 = arith.constant 0 : i32
        %ne3A_686 = arith.cmpi ne, %rem3A_684, %ne3A_685 : i32
        %and3A_687 = arith.andi %ne3A_683, %ne3A_686 : i1
        %sub3A_688 = arith.constant 1 : i32
        %sub3A_689 = arith.subi %div3A_668, %sub3A_688 : i32
        %select_n3A_690 = arith.select %and3A_687, %sub3A_689, %div3A_668 : i32
        %add3A_691 = arith.addi %mul3A_666, %select_n3A_690 : i32
        %jit3A_692 = arith.constant 16 : i32
        %eq3A_693 = arith.constant 0 : i32
        %eq3A_694 = arith.cmpi eq, %jit3A_692, %eq3A_693 : i32
        %jit3A_695 = arith.constant 1 : i32
        %select_n3A_696 = arith.select %eq3A_694, %jit3A_695, %jit3A_692 : i32
        %rem3A_697 = arith.remsi %add3A_299, %select_n3A_696 : i32
        %ne3A_698 = arith.constant 0 : i32
        %ne3A_699 = arith.cmpi ne, %rem3A_697, %ne3A_698 : i32
        %lt3A_700 = arith.constant 0 : i32
        %lt3A_701 = arith.cmpi slt, %rem3A_697, %lt3A_700 : i32
        %lt3A_702 = arith.constant 0 : i32
        %lt3A_703 = arith.cmpi slt, %select_n3A_696, %lt3A_702 : i32
        %ne3A_704 = arith.xori %lt3A_701, %lt3A_703 : i1
        %and3A_705 = arith.andi %ne3A_704, %ne3A_699 : i1
        %add3A_706 = arith.addi %rem3A_697, %select_n3A_696 : i32
        %select_n3A_707 = arith.select %and3A_705, %add3A_706, %rem3A_697 : i32
        %ne3A_708 = arith.cmpi ne, %add3A_648, %add3A_691 : i32
        %ne3A_709 = arith.cmpi ne, %select_n3A_664, %select_n3A_707 : i32
        %or3A_710 = arith.constant false
        %or3A_711 = arith.ori %or3A_710, %ne3A_708 : i1
        %or3A_712 = arith.ori %or3A_711, %ne3A_709 : i1
        %or3A_713 = arith.ori %or3A_712, %eq3A_276 : i1
        %convert_element_type3A_714 = arith.extui %or3A_713 : i1 to i32
        %cond3A_715 = arith.constant 0 : i32
        %cond3A_716 = arith.cmpi ne, %convert_element_type3A_714, %cond3A_715 : i32
        scf.if %cond3A_716 {
          "tpu.trace_start"() <{level = 10 : i32, message = "ep_wait_in"}> : () -> ()
          %mul3A_1301 = arith.constant 4 : i32
          %mul3A_1302 = arith.muli %add3A_280, %mul3A_1301 : i32
          %jit3A_1303 = arith.constant 16 : i32
          %div3A_1304 = arith.divsi %add3A_281, %jit3A_1303 : i32
          %sign3A_1305 = arith.constant 0 : i32
          %sign3A_1306 = arith.cmpi sgt, %add3A_281, %sign3A_1305 : i32
          %sign3A_1307 = arith.extui %sign3A_1306 : i1 to i32
          %sign3A_1308 = arith.constant 0 : i32
          %sign3A_1309 = arith.cmpi slt, %add3A_281, %sign3A_1308 : i32
          %sign3A_1310 = arith.extui %sign3A_1309 : i1 to i32
          %sign3A_1311 = arith.subi %sign3A_1307, %sign3A_1310 : i32
          %sign3A_1312 = arith.constant 0 : i32
          %sign3A_1313 = arith.cmpi sgt, %jit3A_1303, %sign3A_1312 : i32
          %sign3A_1314 = arith.extui %sign3A_1313 : i1 to i32
          %sign3A_1315 = arith.constant 0 : i32
          %sign3A_1316 = arith.cmpi slt, %jit3A_1303, %sign3A_1315 : i32
          %sign3A_1317 = arith.extui %sign3A_1316 : i1 to i32
          %sign3A_1318 = arith.subi %sign3A_1314, %sign3A_1317 : i32
          %ne3A_1319 = arith.cmpi ne, %sign3A_1311, %sign3A_1318 : i32
          %rem3A_1320 = arith.remsi %add3A_281, %jit3A_1303 : i32
          %ne3A_1321 = arith.constant 0 : i32
          %ne3A_1322 = arith.cmpi ne, %rem3A_1320, %ne3A_1321 : i32
          %and3A_1323 = arith.andi %ne3A_1319, %ne3A_1322 : i1
          %sub3A_1324 = arith.constant 1 : i32
          %sub3A_1325 = arith.subi %div3A_1304, %sub3A_1324 : i32
          %select_n3A_1326 = arith.select %and3A_1323, %sub3A_1325, %div3A_1304 : i32
          %add3A_1327 = arith.addi %mul3A_1302, %select_n3A_1326 : i32
          %jit3A_1328 = arith.constant 16 : i32
          %eq3A_1329 = arith.constant 0 : i32
          %eq3A_1330 = arith.cmpi eq, %jit3A_1328, %eq3A_1329 : i32
          %jit3A_1331 = arith.constant 1 : i32
          %select_n3A_1332 = arith.select %eq3A_1330, %jit3A_1331, %jit3A_1328 : i32
          %rem3A_1333 = arith.remsi %add3A_281, %select_n3A_1332 : i32
          %ne3A_1334 = arith.constant 0 : i32
          %ne3A_1335 = arith.cmpi ne, %rem3A_1333, %ne3A_1334 : i32
          %lt3A_1336 = arith.constant 0 : i32
          %lt3A_1337 = arith.cmpi slt, %rem3A_1333, %lt3A_1336 : i32
          %lt3A_1338 = arith.constant 0 : i32
          %lt3A_1339 = arith.cmpi slt, %select_n3A_1332, %lt3A_1338 : i32
          %ne3A_1340 = arith.xori %lt3A_1337, %lt3A_1339 : i1
          %and3A_1341 = arith.andi %ne3A_1340, %ne3A_1335 : i1
          %add3A_1342 = arith.addi %rem3A_1333, %select_n3A_1332 : i32
          %select_n3A_1343 = arith.select %and3A_1341, %add3A_1342, %rem3A_1333 : i32
          %mul3A_1344 = arith.constant 1 : i32
          %mul3A_1345 = arith.muli %mul3A_1344, %add3A_1327 : i32
          %mul3A_1346 = arith.constant 128 : i32
          %mul3A_1347 = arith.muli %mul3A_1346, %select_n3A_1343 : i32
          %rem3A_1348 = arith.constant 2 : i32
          %rem3A_1349 = arith.remui %scan3A_272, %rem3A_1348 : i32
          %dma_wait3A = arith.constant 0 : i32
          %dma_wait3A_1350 = arith.constant 0 : i32
          %dma_wait3A_1351 = tpu.memref_slice %run_scoped3A_8[%rem3A_1349, %dma_wait3A, %dma_wait3A_1350] : memref<2x1x128xi32, #tpu.memory_space<vmem>> -> memref<1x1x128xi32, #tpu.memory_space<vmem>>
          %dma_wait3A_1352 = tpu.memref_squeeze %dma_wait3A_1351 : memref<1x1x128xi32, #tpu.memory_space<vmem>> -> memref<1x128xi32, #tpu.memory_space<vmem>>
          %dma_wait3A_1353 = tpu.memref_slice %arg3[%mul3A_1345, %mul3A_1347] : memref<8x2048xi32, #tpu.memory_space<hbm>> -> memref<1x128xi32, #tpu.memory_space<hbm>>
          %dma_wait3A_1354 = tpu.memref_slice %run_scoped3A_9[%rem3A_1349] : memref<2x!tpu.dma_semaphore, #tpu.memory_space<semaphore_mem>> -> memref<1x!tpu.dma_semaphore, #tpu.memory_space<semaphore_mem>>
          %dma_wait3A_1355 = tpu.memref_squeeze %dma_wait3A_1354 : memref<1x!tpu.dma_semaphore, #tpu.memory_space<semaphore_mem>> -> memref<!tpu.dma_semaphore, #tpu.memory_space<semaphore_mem>>
          %dma_wait3A_1356 = arith.constant 0 : i32
          %dma_wait3A_1357 = arith.constant 0 : i32
          %dma_wait3A_1358 = tpu.memref_slice %run_scoped3A_8[%rem3A_1349, %dma_wait3A_1356, %dma_wait3A_1357] : memref<2x1x128xi32, #tpu.memory_space<vmem>> -> memref<1x1x128xi32, #tpu.memory_space<vmem>>
          %dma_wait3A_1359 = tpu.memref_squeeze %dma_wait3A_1358 : memref<1x1x128xi32, #tpu.memory_space<vmem>> -> memref<1x128xi32, #tpu.memory_space<vmem>>
          %dma_wait3A_1360 = tpu.memref_slice %arg3[%mul3A_1345, %mul3A_1347] : memref<8x2048xi32, #tpu.memory_space<hbm>> -> memref<1x128xi32, #tpu.memory_space<hbm>>
          tpu.wait_dma2 semaphore(%dma_wait3A_1355 : memref<!tpu.dma_semaphore, #tpu.memory_space<semaphore_mem>>) src(%dma_wait3A_1360 : memref<1x128xi32, #tpu.memory_space<hbm>>) dst(%dma_wait3A_1359 : memref<1x128xi32, #tpu.memory_space<vmem>>)
          "tpu.trace_stop"() : () -> ()
        } else {
        }
        %rem3A_717 = arith.constant 2 : i32
        %rem3A_718 = arith.remui %scan3A_270, %rem3A_717 : i32
        %rem3A_719 = arith.constant 2 : i32
        %rem3A_720 = arith.remui %scan3A_272, %rem3A_719 : i32
        %run_scoped3A_721 = arith.constant 0 : i32
        "tpu.trace_start"() <{level = 10 : i32, message = "ep_run_kernel"}> : () -> ()
        "tpu.region"() ({
          %run_scoped3A_1301 = tpu.sem_alloc : memref<!tpu.dma_semaphore, #tpu.memory_space<semaphore_mem>>
          %dma_start3A_1302 = arith.constant 0 : i32
          %dma_start3A_1303 = arith.constant 0 : i32
          %dma_start3A_1304 = tpu.memref_slice %run_scoped3A[%rem3A_718, %dma_start3A_1302, %dma_start3A_1303] : memref<2x128x256xf32, #tpu.memory_space<vmem>> -> memref<1x128x256xf32, #tpu.memory_space<vmem>>
          %dma_start3A_1305 = tpu.memref_squeeze %dma_start3A_1304 : memref<1x128x256xf32, #tpu.memory_space<vmem>> -> memref<128x256xf32, #tpu.memory_space<vmem>>
          %dma_start3A_1306 = arith.constant 0 : i32
          %dma_start3A_1307 = arith.constant 0 : i32
          %dma_start3A_1308 = tpu.memref_slice %run_scoped3A_8[%rem3A_720, %dma_start3A_1306, %dma_start3A_1307] : memref<2x1x128xi32, #tpu.memory_space<vmem>> -> memref<1x1x128xi32, #tpu.memory_space<vmem>>
          %dma_start3A_1309 = tpu.memref_squeeze %dma_start3A_1308 : memref<1x1x128xi32, #tpu.memory_space<vmem>> -> memref<1x128xi32, #tpu.memory_space<vmem>>
          %dma_start3A_1310 = arith.constant 0 : i32
          %dma_start3A_1311 = tpu.memref_slice %dma_start3A_1309[%run_scoped3A_721, %dma_start3A_1310] : memref<1x128xi32, #tpu.memory_space<vmem>> -> memref<1x128xi32, #tpu.memory_space<vmem>>
          %dma_start3A_1312 = tpu.memref_squeeze %dma_start3A_1311 : memref<1x128xi32, #tpu.memory_space<vmem>> -> memref<128xi32, #tpu.memory_space<vmem>>
          %dma_start3A_1313 = arith.constant 0 : i32
          %dma_start3A_1314 = arith.constant 0 : i32
          %dma_start3A_1315 = tpu.memref_slice %arg4[%dma_start3A_1313, %dma_start3A_1314] : memref<23552x256xf32, #tpu.memory_space<hbm>> -> memref<23552x256xf32, #tpu.memory_space<hbm>>
          tpu.enqueue_indirect_dma source(%dma_start3A_1305 : memref<128x256xf32, #tpu.memory_space<vmem>>) target(%dma_start3A_1315 : memref<23552x256xf32, #tpu.memory_space<hbm>>) offsets(%dma_start3A_1312 : memref<128xi32, #tpu.memory_space<vmem>>) semaphore(%run_scoped3A_1301 : memref<!tpu.dma_semaphore, #tpu.memory_space<semaphore_mem>>)
          %dma_wait3A = arith.constant 0 : i32
          %dma_wait3A_1316 = arith.constant 0 : i32
          %dma_wait3A_1317 = tpu.memref_slice %run_scoped3A[%rem3A_718, %dma_wait3A, %dma_wait3A_1316] : memref<2x128x256xf32, #tpu.memory_space<vmem>> -> memref<1x128x256xf32, #tpu.memory_space<vmem>>
          %dma_wait3A_1318 = tpu.memref_squeeze %dma_wait3A_1317 : memref<1x128x256xf32, #tpu.memory_space<vmem>> -> memref<128x256xf32, #tpu.memory_space<vmem>>
          %dma_wait3A_1319 = arith.constant 0 : i32
          %dma_wait3A_1320 = arith.constant 0 : i32
          %dma_wait3A_1321 = tpu.memref_slice %run_scoped3A_8[%rem3A_720, %dma_wait3A_1319, %dma_wait3A_1320] : memref<2x1x128xi32, #tpu.memory_space<vmem>> -> memref<1x1x128xi32, #tpu.memory_space<vmem>>
          %dma_wait3A_1322 = tpu.memref_squeeze %dma_wait3A_1321 : memref<1x1x128xi32, #tpu.memory_space<vmem>> -> memref<1x128xi32, #tpu.memory_space<vmem>>
          %dma_wait3A_1323 = arith.constant 0 : i32
          %dma_wait3A_1324 = tpu.memref_slice %dma_wait3A_1322[%run_scoped3A_721, %dma_wait3A_1323] : memref<1x128xi32, #tpu.memory_space<vmem>> -> memref<1x128xi32, #tpu.memory_space<vmem>>
          %dma_wait3A_1325 = tpu.memref_squeeze %dma_wait3A_1324 : memref<1x128xi32, #tpu.memory_space<vmem>> -> memref<128xi32, #tpu.memory_space<vmem>>
          %dma_wait3A_1326 = arith.constant 0 : i32
          %dma_wait3A_1327 = arith.constant 0 : i32
          %dma_wait3A_1328 = tpu.memref_slice %arg4[%dma_wait3A_1326, %dma_wait3A_1327] : memref<23552x256xf32, #tpu.memory_space<hbm>> -> memref<23552x256xf32, #tpu.memory_space<hbm>>
          tpu.wait_indirect_dma semaphore(%run_scoped3A_1301 : memref<!tpu.dma_semaphore, #tpu.memory_space<semaphore_mem>>) src(%dma_wait3A_1318 : memref<128x256xf32, #tpu.memory_space<vmem>>) dst(%dma_wait3A_1328 : memref<23552x256xf32, #tpu.memory_space<hbm>>)
          tpu.yield
        }) : () -> ()
        %jit3A_722 = arith.constant 16 : i32
        "tpu.trace_stop"() : () -> ()
        %eq3A_723 = arith.constant 0 : i32
        %eq3A_724 = arith.cmpi eq, %jit3A_722, %eq3A_723 : i32
        %jit3A_725 = arith.constant 1 : i32
        %select_n3A_726 = arith.select %eq3A_724, %jit3A_725, %jit3A_722 : i32
        %rem3A_727 = arith.remsi %add3A_281, %select_n3A_726 : i32
        %ne3A_728 = arith.constant 0 : i32
        %ne3A_729 = arith.cmpi ne, %rem3A_727, %ne3A_728 : i32
        %lt3A_730 = arith.constant 0 : i32
        %lt3A_731 = arith.cmpi slt, %rem3A_727, %lt3A_730 : i32
        %lt3A_732 = arith.constant 0 : i32
        %lt3A_733 = arith.cmpi slt, %select_n3A_726, %lt3A_732 : i32
        %ne3A_734 = arith.xori %lt3A_731, %lt3A_733 : i1
        %and3A_735 = arith.andi %ne3A_734, %ne3A_729 : i1
        %add3A_736 = arith.addi %rem3A_727, %select_n3A_726 : i32
        %select_n3A_737 = arith.select %and3A_735, %add3A_736, %rem3A_727 : i32
        %jit3A_738 = arith.constant 16 : i32
        %div3A_739 = arith.divsi %add3A_281, %jit3A_738 : i32
        %sign3A_740 = arith.constant 0 : i32
        %sign3A_741 = arith.cmpi sgt, %add3A_281, %sign3A_740 : i32
        %sign3A_742 = arith.extui %sign3A_741 : i1 to i32
        %sign3A_743 = arith.constant 0 : i32
        %sign3A_744 = arith.cmpi slt, %add3A_281, %sign3A_743 : i32
        %sign3A_745 = arith.extui %sign3A_744 : i1 to i32
        %sign3A_746 = arith.subi %sign3A_742, %sign3A_745 : i32
        %sign3A_747 = arith.constant 0 : i32
        %sign3A_748 = arith.cmpi sgt, %jit3A_738, %sign3A_747 : i32
        %sign3A_749 = arith.extui %sign3A_748 : i1 to i32
        %sign3A_750 = arith.constant 0 : i32
        %sign3A_751 = arith.cmpi slt, %jit3A_738, %sign3A_750 : i32
        %sign3A_752 = arith.extui %sign3A_751 : i1 to i32
        %sign3A_753 = arith.subi %sign3A_749, %sign3A_752 : i32
        %ne3A_754 = arith.cmpi ne, %sign3A_746, %sign3A_753 : i32
        %rem3A_755 = arith.remsi %add3A_281, %jit3A_738 : i32
        %ne3A_756 = arith.constant 0 : i32
        %ne3A_757 = arith.cmpi ne, %rem3A_755, %ne3A_756 : i32
        %and3A_758 = arith.andi %ne3A_754, %ne3A_757 : i1
        %sub3A_759 = arith.constant 1 : i32
        %sub3A_760 = arith.subi %div3A_739, %sub3A_759 : i32
        %select_n3A_761 = arith.select %and3A_758, %sub3A_760, %div3A_739 : i32
        %jit3A_762 = arith.constant 16 : i32
        %eq3A_763 = arith.constant 0 : i32
        %eq3A_764 = arith.cmpi eq, %jit3A_762, %eq3A_763 : i32
        %jit3A_765 = arith.constant 1 : i32
        %select_n3A_766 = arith.select %eq3A_764, %jit3A_765, %jit3A_762 : i32
        %rem3A_767 = arith.remsi %add3A_317, %select_n3A_766 : i32
        %ne3A_768 = arith.constant 0 : i32
        %ne3A_769 = arith.cmpi ne, %rem3A_767, %ne3A_768 : i32
        %lt3A_770 = arith.constant 0 : i32
        %lt3A_771 = arith.cmpi slt, %rem3A_767, %lt3A_770 : i32
        %lt3A_772 = arith.constant 0 : i32
        %lt3A_773 = arith.cmpi slt, %select_n3A_766, %lt3A_772 : i32
        %ne3A_774 = arith.xori %lt3A_771, %lt3A_773 : i1
        %and3A_775 = arith.andi %ne3A_774, %ne3A_769 : i1
        %add3A_776 = arith.addi %rem3A_767, %select_n3A_766 : i32
        %select_n3A_777 = arith.select %and3A_775, %add3A_776, %rem3A_767 : i32
        %jit3A_778 = arith.constant 16 : i32
        %div3A_779 = arith.divsi %add3A_317, %jit3A_778 : i32
        %sign3A_780 = arith.constant 0 : i32
        %sign3A_781 = arith.cmpi sgt, %add3A_317, %sign3A_780 : i32
        %sign3A_782 = arith.extui %sign3A_781 : i1 to i32
        %sign3A_783 = arith.constant 0 : i32
        %sign3A_784 = arith.cmpi slt, %add3A_317, %sign3A_783 : i32
        %sign3A_785 = arith.extui %sign3A_784 : i1 to i32
        %sign3A_786 = arith.subi %sign3A_782, %sign3A_785 : i32
        %sign3A_787 = arith.constant 0 : i32
        %sign3A_788 = arith.cmpi sgt, %jit3A_778, %sign3A_787 : i32
        %sign3A_789 = arith.extui %sign3A_788 : i1 to i32
        %sign3A_790 = arith.constant 0 : i32
        %sign3A_791 = arith.cmpi slt, %jit3A_778, %sign3A_790 : i32
        %sign3A_792 = arith.extui %sign3A_791 : i1 to i32
        %sign3A_793 = arith.subi %sign3A_789, %sign3A_792 : i32
        %ne3A_794 = arith.cmpi ne, %sign3A_786, %sign3A_793 : i32
        %rem3A_795 = arith.remsi %add3A_317, %jit3A_778 : i32
        %ne3A_796 = arith.constant 0 : i32
        %ne3A_797 = arith.cmpi ne, %rem3A_795, %ne3A_796 : i32
        %and3A_798 = arith.andi %ne3A_794, %ne3A_797 : i1
        %sub3A_799 = arith.constant 1 : i32
        %sub3A_800 = arith.subi %div3A_779, %sub3A_799 : i32
        %select_n3A_801 = arith.select %and3A_798, %sub3A_800, %div3A_779 : i32
        %ne3A_802 = arith.cmpi ne, %select_n3A_737, %select_n3A_777 : i32
        %ne3A_803 = arith.cmpi ne, %select_n3A_761, %select_n3A_801 : i32
        %or3A_804 = arith.constant false
        %or3A_805 = arith.ori %or3A_804, %ne3A_802 : i1
        %or3A_806 = arith.ori %or3A_805, %ne3A_803 : i1
        %or3A_807 = arith.ori %or3A_806, %eq3A_278 : i1
        %convert_element_type3A_808 = arith.extui %or3A_807 : i1 to i32
        %cond3A_809 = arith.constant 0 : i32
        %cond3A_810 = arith.cmpi ne, %convert_element_type3A_808, %cond3A_809 : i32
        scf.if %cond3A_810 {
        } else {
        }
        %and3A_811 = arith.constant false
        %and3A_812 = arith.andi %or3A_807, %and3A_811 : i1
        %mul3A_813 = arith.constant 4 : i32
        %mul3A_814 = arith.muli %add3A_280, %mul3A_813 : i32
        %jit3A_815 = arith.constant 16 : i32
        %div3A_816 = arith.divsi %add3A_281, %jit3A_815 : i32
        %sign3A_817 = arith.constant 0 : i32
        %sign3A_818 = arith.cmpi sgt, %add3A_281, %sign3A_817 : i32
        %sign3A_819 = arith.extui %sign3A_818 : i1 to i32
        %sign3A_820 = arith.constant 0 : i32
        %sign3A_821 = arith.cmpi slt, %add3A_281, %sign3A_820 : i32
        %sign3A_822 = arith.extui %sign3A_821 : i1 to i32
        %sign3A_823 = arith.subi %sign3A_819, %sign3A_822 : i32
        %sign3A_824 = arith.constant 0 : i32
        %sign3A_825 = arith.cmpi sgt, %jit3A_815, %sign3A_824 : i32
        %sign3A_826 = arith.extui %sign3A_825 : i1 to i32
        %sign3A_827 = arith.constant 0 : i32
        %sign3A_828 = arith.cmpi slt, %jit3A_815, %sign3A_827 : i32
        %sign3A_829 = arith.extui %sign3A_828 : i1 to i32
        %sign3A_830 = arith.subi %sign3A_826, %sign3A_829 : i32
        %ne3A_831 = arith.cmpi ne, %sign3A_823, %sign3A_830 : i32
        %rem3A_832 = arith.remsi %add3A_281, %jit3A_815 : i32
        %ne3A_833 = arith.constant 0 : i32
        %ne3A_834 = arith.cmpi ne, %rem3A_832, %ne3A_833 : i32
        %and3A_835 = arith.andi %ne3A_831, %ne3A_834 : i1
        %sub3A_836 = arith.constant 1 : i32
        %sub3A_837 = arith.subi %div3A_816, %sub3A_836 : i32
        %select_n3A_838 = arith.select %and3A_835, %sub3A_837, %div3A_816 : i32
        %add3A_839 = arith.addi %mul3A_814, %select_n3A_838 : i32
        %jit3A_840 = arith.constant 16 : i32
        %eq3A_841 = arith.constant 0 : i32
        %eq3A_842 = arith.cmpi eq, %jit3A_840, %eq3A_841 : i32
        %jit3A_843 = arith.constant 1 : i32
        %select_n3A_844 = arith.select %eq3A_842, %jit3A_843, %jit3A_840 : i32
        %rem3A_845 = arith.remsi %add3A_281, %select_n3A_844 : i32
        %ne3A_846 = arith.constant 0 : i32
        %ne3A_847 = arith.cmpi ne, %rem3A_845, %ne3A_846 : i32
        %lt3A_848 = arith.constant 0 : i32
        %lt3A_849 = arith.cmpi slt, %rem3A_845, %lt3A_848 : i32
        %lt3A_850 = arith.constant 0 : i32
        %lt3A_851 = arith.cmpi slt, %select_n3A_844, %lt3A_850 : i32
        %ne3A_852 = arith.xori %lt3A_849, %lt3A_851 : i1
        %and3A_853 = arith.andi %ne3A_852, %ne3A_847 : i1
        %add3A_854 = arith.addi %rem3A_845, %select_n3A_844 : i32
        %select_n3A_855 = arith.select %and3A_853, %add3A_854, %rem3A_845 : i32
        %mul3A_856 = arith.constant 4 : i32
        %mul3A_857 = arith.muli %add3A_316, %mul3A_856 : i32
        %jit3A_858 = arith.constant 16 : i32
        %div3A_859 = arith.divsi %add3A_317, %jit3A_858 : i32
        %sign3A_860 = arith.constant 0 : i32
        %sign3A_861 = arith.cmpi sgt, %add3A_317, %sign3A_860 : i32
        %sign3A_862 = arith.extui %sign3A_861 : i1 to i32
        %sign3A_863 = arith.constant 0 : i32
        %sign3A_864 = arith.cmpi slt, %add3A_317, %sign3A_863 : i32
        %sign3A_865 = arith.extui %sign3A_864 : i1 to i32
        %sign3A_866 = arith.subi %sign3A_862, %sign3A_865 : i32
        %sign3A_867 = arith.constant 0 : i32
        %sign3A_868 = arith.cmpi sgt, %jit3A_858, %sign3A_867 : i32
        %sign3A_869 = arith.extui %sign3A_868 : i1 to i32
        %sign3A_870 = arith.constant 0 : i32
        %sign3A_871 = arith.cmpi slt, %jit3A_858, %sign3A_870 : i32
        %sign3A_872 = arith.extui %sign3A_871 : i1 to i32
        %sign3A_873 = arith.subi %sign3A_869, %sign3A_872 : i32
        %ne3A_874 = arith.cmpi ne, %sign3A_866, %sign3A_873 : i32
        %rem3A_875 = arith.remsi %add3A_317, %jit3A_858 : i32
        %ne3A_876 = arith.constant 0 : i32
        %ne3A_877 = arith.cmpi ne, %rem3A_875, %ne3A_876 : i32
        %and3A_878 = arith.andi %ne3A_874, %ne3A_877 : i1
        %sub3A_879 = arith.constant 1 : i32
        %sub3A_880 = arith.subi %div3A_859, %sub3A_879 : i32
        %select_n3A_881 = arith.select %and3A_878, %sub3A_880, %div3A_859 : i32
        %add3A_882 = arith.addi %mul3A_857, %select_n3A_881 : i32
        %jit3A_883 = arith.constant 16 : i32
        %eq3A_884 = arith.constant 0 : i32
        %eq3A_885 = arith.cmpi eq, %jit3A_883, %eq3A_884 : i32
        %jit3A_886 = arith.constant 1 : i32
        %select_n3A_887 = arith.select %eq3A_885, %jit3A_886, %jit3A_883 : i32
        %rem3A_888 = arith.remsi %add3A_317, %select_n3A_887 : i32
        %ne3A_889 = arith.constant 0 : i32
        %ne3A_890 = arith.cmpi ne, %rem3A_888, %ne3A_889 : i32
        %lt3A_891 = arith.constant 0 : i32
        %lt3A_892 = arith.cmpi slt, %rem3A_888, %lt3A_891 : i32
        %lt3A_893 = arith.constant 0 : i32
        %lt3A_894 = arith.cmpi slt, %select_n3A_887, %lt3A_893 : i32
        %ne3A_895 = arith.xori %lt3A_892, %lt3A_894 : i1
        %and3A_896 = arith.andi %ne3A_895, %ne3A_890 : i1
        %add3A_897 = arith.addi %rem3A_888, %select_n3A_887 : i32
        %select_n3A_898 = arith.select %and3A_896, %add3A_897, %rem3A_888 : i32
        %ne3A_899 = arith.cmpi ne, %add3A_839, %add3A_882 : i32
        %ne3A_900 = arith.cmpi ne, %select_n3A_855, %select_n3A_898 : i32
        %or3A_901 = arith.constant false
        %or3A_902 = arith.ori %or3A_901, %ne3A_899 : i1
        %or3A_903 = arith.ori %or3A_902, %ne3A_900 : i1
        %or3A_904 = arith.ori %or3A_903, %eq3A_278 : i1
        %convert_element_type3A_905 = arith.extui %or3A_904 : i1 to i32
        %cond3A_906 = arith.constant 0 : i32
        %cond3A_907 = arith.cmpi ne, %convert_element_type3A_905, %cond3A_906 : i32
        scf.if %cond3A_907 {
        } else {
        }
        %and3A_908 = arith.constant false
        %and3A_909 = arith.andi %or3A_904, %and3A_908 : i1
        %jit3A_910 = arith.constant 16 : i32
        %eq3A_911 = arith.constant 0 : i32
        %eq3A_912 = arith.cmpi eq, %jit3A_910, %eq3A_911 : i32
        %jit3A_913 = arith.constant 1 : i32
        %select_n3A_914 = arith.select %eq3A_912, %jit3A_913, %jit3A_910 : i32
        %rem3A_915 = arith.remsi %add3A_281, %select_n3A_914 : i32
        %ne3A_916 = arith.constant 0 : i32
        %ne3A_917 = arith.cmpi ne, %rem3A_915, %ne3A_916 : i32
        %lt3A_918 = arith.constant 0 : i32
        %lt3A_919 = arith.cmpi slt, %rem3A_915, %lt3A_918 : i32
        %lt3A_920 = arith.constant 0 : i32
        %lt3A_921 = arith.cmpi slt, %select_n3A_914, %lt3A_920 : i32
        %ne3A_922 = arith.xori %lt3A_919, %lt3A_921 : i1
        %and3A_923 = arith.andi %ne3A_922, %ne3A_917 : i1
        %add3A_924 = arith.addi %rem3A_915, %select_n3A_914 : i32
        %select_n3A_925 = arith.select %and3A_923, %add3A_924, %rem3A_915 : i32
        %jit3A_926 = arith.constant 16 : i32
        %div3A_927 = arith.divsi %add3A_281, %jit3A_926 : i32
        %sign3A_928 = arith.constant 0 : i32
        %sign3A_929 = arith.cmpi sgt, %add3A_281, %sign3A_928 : i32
        %sign3A_930 = arith.extui %sign3A_929 : i1 to i32
        %sign3A_931 = arith.constant 0 : i32
        %sign3A_932 = arith.cmpi slt, %add3A_281, %sign3A_931 : i32
        %sign3A_933 = arith.extui %sign3A_932 : i1 to i32
        %sign3A_934 = arith.subi %sign3A_930, %sign3A_933 : i32
        %sign3A_935 = arith.constant 0 : i32
        %sign3A_936 = arith.cmpi sgt, %jit3A_926, %sign3A_935 : i32
        %sign3A_937 = arith.extui %sign3A_936 : i1 to i32
        %sign3A_938 = arith.constant 0 : i32
        %sign3A_939 = arith.cmpi slt, %jit3A_926, %sign3A_938 : i32
        %sign3A_940 = arith.extui %sign3A_939 : i1 to i32
        %sign3A_941 = arith.subi %sign3A_937, %sign3A_940 : i32
        %ne3A_942 = arith.cmpi ne, %sign3A_934, %sign3A_941 : i32
        %rem3A_943 = arith.remsi %add3A_281, %jit3A_926 : i32
        %ne3A_944 = arith.constant 0 : i32
        %ne3A_945 = arith.cmpi ne, %rem3A_943, %ne3A_944 : i32
        %and3A_946 = arith.andi %ne3A_942, %ne3A_945 : i1
        %sub3A_947 = arith.constant 1 : i32
        %sub3A_948 = arith.subi %div3A_927, %sub3A_947 : i32
        %select_n3A_949 = arith.select %and3A_946, %sub3A_948, %div3A_927 : i32
        %jit3A_950 = arith.constant 16 : i32
        %eq3A_951 = arith.constant 0 : i32
        %eq3A_952 = arith.cmpi eq, %jit3A_950, %eq3A_951 : i32
        %jit3A_953 = arith.constant 1 : i32
        %select_n3A_954 = arith.select %eq3A_952, %jit3A_953, %jit3A_950 : i32
        %rem3A_955 = arith.remsi %add3A_299, %select_n3A_954 : i32
        %ne3A_956 = arith.constant 0 : i32
        %ne3A_957 = arith.cmpi ne, %rem3A_955, %ne3A_956 : i32
        %lt3A_958 = arith.constant 0 : i32
        %lt3A_959 = arith.cmpi slt, %rem3A_955, %lt3A_958 : i32
        %lt3A_960 = arith.constant 0 : i32
        %lt3A_961 = arith.cmpi slt, %select_n3A_954, %lt3A_960 : i32
        %ne3A_962 = arith.xori %lt3A_959, %lt3A_961 : i1
        %and3A_963 = arith.andi %ne3A_962, %ne3A_957 : i1
        %add3A_964 = arith.addi %rem3A_955, %select_n3A_954 : i32
        %select_n3A_965 = arith.select %and3A_963, %add3A_964, %rem3A_955 : i32
        %jit3A_966 = arith.constant 16 : i32
        %div3A_967 = arith.divsi %add3A_299, %jit3A_966 : i32
        %sign3A_968 = arith.constant 0 : i32
        %sign3A_969 = arith.cmpi sgt, %add3A_299, %sign3A_968 : i32
        %sign3A_970 = arith.extui %sign3A_969 : i1 to i32
        %sign3A_971 = arith.constant 0 : i32
        %sign3A_972 = arith.cmpi slt, %add3A_299, %sign3A_971 : i32
        %sign3A_973 = arith.extui %sign3A_972 : i1 to i32
        %sign3A_974 = arith.subi %sign3A_970, %sign3A_973 : i32
        %sign3A_975 = arith.constant 0 : i32
        %sign3A_976 = arith.cmpi sgt, %jit3A_966, %sign3A_975 : i32
        %sign3A_977 = arith.extui %sign3A_976 : i1 to i32
        %sign3A_978 = arith.constant 0 : i32
        %sign3A_979 = arith.cmpi slt, %jit3A_966, %sign3A_978 : i32
        %sign3A_980 = arith.extui %sign3A_979 : i1 to i32
        %sign3A_981 = arith.subi %sign3A_977, %sign3A_980 : i32
        %ne3A_982 = arith.cmpi ne, %sign3A_974, %sign3A_981 : i32
        %rem3A_983 = arith.remsi %add3A_299, %jit3A_966 : i32
        %ne3A_984 = arith.constant 0 : i32
        %ne3A_985 = arith.cmpi ne, %rem3A_983, %ne3A_984 : i32
        %and3A_986 = arith.andi %ne3A_982, %ne3A_985 : i1
        %sub3A_987 = arith.constant 1 : i32
        %sub3A_988 = arith.subi %div3A_967, %sub3A_987 : i32
        %select_n3A_989 = arith.select %and3A_986, %sub3A_988, %div3A_967 : i32
        %ne3A_990 = arith.cmpi ne, %select_n3A_925, %select_n3A_965 : i32
        %ne3A_991 = arith.cmpi ne, %select_n3A_949, %select_n3A_989 : i32
        %or3A_992 = arith.constant false
        %or3A_993 = arith.ori %or3A_992, %ne3A_990 : i1
        %or3A_994 = arith.ori %or3A_993, %ne3A_991 : i1
        %not3A_995 = arith.constant true
        %not3A_996 = arith.xori %eq3A_276, %not3A_995 : i1
        %and3A_997 = arith.andi %or3A_994, %not3A_996 : i1
        %convert_element_type3A_998 = arith.extui %and3A_997 : i1 to i32
        %cond3A_999 = arith.constant 0 : i32
        %cond3A_1000 = arith.cmpi ne, %convert_element_type3A_998, %cond3A_999 : i32
        scf.if %cond3A_1000 {
        } else {
        }
        %and3A_1001 = arith.constant false
        %and3A_1002 = arith.andi %and3A_997, %and3A_1001 : i1
        %mul3A_1003 = arith.constant 4 : i32
        %mul3A_1004 = arith.muli %add3A_280, %mul3A_1003 : i32
        %jit3A_1005 = arith.constant 16 : i32
        %div3A_1006 = arith.divsi %add3A_281, %jit3A_1005 : i32
        %sign3A_1007 = arith.constant 0 : i32
        %sign3A_1008 = arith.cmpi sgt, %add3A_281, %sign3A_1007 : i32
        %sign3A_1009 = arith.extui %sign3A_1008 : i1 to i32
        %sign3A_1010 = arith.constant 0 : i32
        %sign3A_1011 = arith.cmpi slt, %add3A_281, %sign3A_1010 : i32
        %sign3A_1012 = arith.extui %sign3A_1011 : i1 to i32
        %sign3A_1013 = arith.subi %sign3A_1009, %sign3A_1012 : i32
        %sign3A_1014 = arith.constant 0 : i32
        %sign3A_1015 = arith.cmpi sgt, %jit3A_1005, %sign3A_1014 : i32
        %sign3A_1016 = arith.extui %sign3A_1015 : i1 to i32
        %sign3A_1017 = arith.constant 0 : i32
        %sign3A_1018 = arith.cmpi slt, %jit3A_1005, %sign3A_1017 : i32
        %sign3A_1019 = arith.extui %sign3A_1018 : i1 to i32
        %sign3A_1020 = arith.subi %sign3A_1016, %sign3A_1019 : i32
        %ne3A_1021 = arith.cmpi ne, %sign3A_1013, %sign3A_1020 : i32
        %rem3A_1022 = arith.remsi %add3A_281, %jit3A_1005 : i32
        %ne3A_1023 = arith.constant 0 : i32
        %ne3A_1024 = arith.cmpi ne, %rem3A_1022, %ne3A_1023 : i32
        %and3A_1025 = arith.andi %ne3A_1021, %ne3A_1024 : i1
        %sub3A_1026 = arith.constant 1 : i32
        %sub3A_1027 = arith.subi %div3A_1006, %sub3A_1026 : i32
        %select_n3A_1028 = arith.select %and3A_1025, %sub3A_1027, %div3A_1006 : i32
        %add3A_1029 = arith.addi %mul3A_1004, %select_n3A_1028 : i32
        %jit3A_1030 = arith.constant 16 : i32
        %eq3A_1031 = arith.constant 0 : i32
        %eq3A_1032 = arith.cmpi eq, %jit3A_1030, %eq3A_1031 : i32
        %jit3A_1033 = arith.constant 1 : i32
        %select_n3A_1034 = arith.select %eq3A_1032, %jit3A_1033, %jit3A_1030 : i32
        %rem3A_1035 = arith.remsi %add3A_281, %select_n3A_1034 : i32
        %ne3A_1036 = arith.constant 0 : i32
        %ne3A_1037 = arith.cmpi ne, %rem3A_1035, %ne3A_1036 : i32
        %lt3A_1038 = arith.constant 0 : i32
        %lt3A_1039 = arith.cmpi slt, %rem3A_1035, %lt3A_1038 : i32
        %lt3A_1040 = arith.constant 0 : i32
        %lt3A_1041 = arith.cmpi slt, %select_n3A_1034, %lt3A_1040 : i32
        %ne3A_1042 = arith.xori %lt3A_1039, %lt3A_1041 : i1
        %and3A_1043 = arith.andi %ne3A_1042, %ne3A_1037 : i1
        %add3A_1044 = arith.addi %rem3A_1035, %select_n3A_1034 : i32
        %select_n3A_1045 = arith.select %and3A_1043, %add3A_1044, %rem3A_1035 : i32
        %mul3A_1046 = arith.constant 4 : i32
        %mul3A_1047 = arith.muli %add3A_298, %mul3A_1046 : i32
        %jit3A_1048 = arith.constant 16 : i32
        %div3A_1049 = arith.divsi %add3A_299, %jit3A_1048 : i32
        %sign3A_1050 = arith.constant 0 : i32
        %sign3A_1051 = arith.cmpi sgt, %add3A_299, %sign3A_1050 : i32
        %sign3A_1052 = arith.extui %sign3A_1051 : i1 to i32
        %sign3A_1053 = arith.constant 0 : i32
        %sign3A_1054 = arith.cmpi slt, %add3A_299, %sign3A_1053 : i32
        %sign3A_1055 = arith.extui %sign3A_1054 : i1 to i32
        %sign3A_1056 = arith.subi %sign3A_1052, %sign3A_1055 : i32
        %sign3A_1057 = arith.constant 0 : i32
        %sign3A_1058 = arith.cmpi sgt, %jit3A_1048, %sign3A_1057 : i32
        %sign3A_1059 = arith.extui %sign3A_1058 : i1 to i32
        %sign3A_1060 = arith.constant 0 : i32
        %sign3A_1061 = arith.cmpi slt, %jit3A_1048, %sign3A_1060 : i32
        %sign3A_1062 = arith.extui %sign3A_1061 : i1 to i32
        %sign3A_1063 = arith.subi %sign3A_1059, %sign3A_1062 : i32
        %ne3A_1064 = arith.cmpi ne, %sign3A_1056, %sign3A_1063 : i32
        %rem3A_1065 = arith.remsi %add3A_299, %jit3A_1048 : i32
        %ne3A_1066 = arith.constant 0 : i32
        %ne3A_1067 = arith.cmpi ne, %rem3A_1065, %ne3A_1066 : i32
        %and3A_1068 = arith.andi %ne3A_1064, %ne3A_1067 : i1
        %sub3A_1069 = arith.constant 1 : i32
        %sub3A_1070 = arith.subi %div3A_1049, %sub3A_1069 : i32
        %select_n3A_1071 = arith.select %and3A_1068, %sub3A_1070, %div3A_1049 : i32
        %add3A_1072 = arith.addi %mul3A_1047, %select_n3A_1071 : i32
        %jit3A_1073 = arith.constant 16 : i32
        %eq3A_1074 = arith.constant 0 : i32
        %eq3A_1075 = arith.cmpi eq, %jit3A_1073, %eq3A_1074 : i32
        %jit3A_1076 = arith.constant 1 : i32
        %select_n3A_1077 = arith.select %eq3A_1075, %jit3A_1076, %jit3A_1073 : i32
        %rem3A_1078 = arith.remsi %add3A_299, %select_n3A_1077 : i32
        %ne3A_1079 = arith.constant 0 : i32
        %ne3A_1080 = arith.cmpi ne, %rem3A_1078, %ne3A_1079 : i32
        %lt3A_1081 = arith.constant 0 : i32
        %lt3A_1082 = arith.cmpi slt, %rem3A_1078, %lt3A_1081 : i32
        %lt3A_1083 = arith.constant 0 : i32
        %lt3A_1084 = arith.cmpi slt, %select_n3A_1077, %lt3A_1083 : i32
        %ne3A_1085 = arith.xori %lt3A_1082, %lt3A_1084 : i1
        %and3A_1086 = arith.andi %ne3A_1085, %ne3A_1080 : i1
        %add3A_1087 = arith.addi %rem3A_1078, %select_n3A_1077 : i32
        %select_n3A_1088 = arith.select %and3A_1086, %add3A_1087, %rem3A_1078 : i32
        %ne3A_1089 = arith.cmpi ne, %add3A_1029, %add3A_1072 : i32
        %ne3A_1090 = arith.cmpi ne, %select_n3A_1045, %select_n3A_1088 : i32
        %or3A_1091 = arith.constant false
        %or3A_1092 = arith.ori %or3A_1091, %ne3A_1089 : i1
        %or3A_1093 = arith.ori %or3A_1092, %ne3A_1090 : i1
        %not3A_1094 = arith.constant true
        %not3A_1095 = arith.xori %eq3A_276, %not3A_1094 : i1
        %and3A_1096 = arith.andi %or3A_1093, %not3A_1095 : i1
        %convert_element_type3A_1097 = arith.extui %and3A_1096 : i1 to i32
        %cond3A_1098 = arith.constant 0 : i32
        %cond3A_1099 = arith.cmpi ne, %convert_element_type3A_1097, %cond3A_1098 : i32
        scf.if %cond3A_1099 {
        } else {
        }
        %and3A_1100 = arith.constant false
        %and3A_1101 = arith.andi %and3A_1096, %and3A_1100 : i1
        %jit3A_1102 = arith.constant 16 : i32
        %eq3A_1103 = arith.constant 0 : i32
        %eq3A_1104 = arith.cmpi eq, %jit3A_1102, %eq3A_1103 : i32
        %jit3A_1105 = arith.constant 1 : i32
        %select_n3A_1106 = arith.select %eq3A_1104, %jit3A_1105, %jit3A_1102 : i32
        %rem3A_1107 = arith.remsi %add3A_281, %select_n3A_1106 : i32
        %ne3A_1108 = arith.constant 0 : i32
        %ne3A_1109 = arith.cmpi ne, %rem3A_1107, %ne3A_1108 : i32
        %lt3A_1110 = arith.constant 0 : i32
        %lt3A_1111 = arith.cmpi slt, %rem3A_1107, %lt3A_1110 : i32
        %lt3A_1112 = arith.constant 0 : i32
        %lt3A_1113 = arith.cmpi slt, %select_n3A_1106, %lt3A_1112 : i32
        %ne3A_1114 = arith.xori %lt3A_1111, %lt3A_1113 : i1
        %and3A_1115 = arith.andi %ne3A_1114, %ne3A_1109 : i1
        %add3A_1116 = arith.addi %rem3A_1107, %select_n3A_1106 : i32
        %select_n3A_1117 = arith.select %and3A_1115, %add3A_1116, %rem3A_1107 : i32
        %jit3A_1118 = arith.constant 16 : i32
        %div3A_1119 = arith.divsi %add3A_281, %jit3A_1118 : i32
        %sign3A_1120 = arith.constant 0 : i32
        %sign3A_1121 = arith.cmpi sgt, %add3A_281, %sign3A_1120 : i32
        %sign3A_1122 = arith.extui %sign3A_1121 : i1 to i32
        %sign3A_1123 = arith.constant 0 : i32
        %sign3A_1124 = arith.cmpi slt, %add3A_281, %sign3A_1123 : i32
        %sign3A_1125 = arith.extui %sign3A_1124 : i1 to i32
        %sign3A_1126 = arith.subi %sign3A_1122, %sign3A_1125 : i32
        %sign3A_1127 = arith.constant 0 : i32
        %sign3A_1128 = arith.cmpi sgt, %jit3A_1118, %sign3A_1127 : i32
        %sign3A_1129 = arith.extui %sign3A_1128 : i1 to i32
        %sign3A_1130 = arith.constant 0 : i32
        %sign3A_1131 = arith.cmpi slt, %jit3A_1118, %sign3A_1130 : i32
        %sign3A_1132 = arith.extui %sign3A_1131 : i1 to i32
        %sign3A_1133 = arith.subi %sign3A_1129, %sign3A_1132 : i32
        %ne3A_1134 = arith.cmpi ne, %sign3A_1126, %sign3A_1133 : i32
        %rem3A_1135 = arith.remsi %add3A_281, %jit3A_1118 : i32
        %ne3A_1136 = arith.constant 0 : i32
        %ne3A_1137 = arith.cmpi ne, %rem3A_1135, %ne3A_1136 : i32
        %and3A_1138 = arith.andi %ne3A_1134, %ne3A_1137 : i1
        %sub3A_1139 = arith.constant 1 : i32
        %sub3A_1140 = arith.subi %div3A_1119, %sub3A_1139 : i32
        %select_n3A_1141 = arith.select %and3A_1138, %sub3A_1140, %div3A_1119 : i32
        %jit3A_1142 = arith.constant 16 : i32
        %eq3A_1143 = arith.constant 0 : i32
        %eq3A_1144 = arith.cmpi eq, %jit3A_1142, %eq3A_1143 : i32
        %jit3A_1145 = arith.constant 1 : i32
        %select_n3A_1146 = arith.select %eq3A_1144, %jit3A_1145, %jit3A_1142 : i32
        %rem3A_1147 = arith.remsi %add3A_317, %select_n3A_1146 : i32
        %ne3A_1148 = arith.constant 0 : i32
        %ne3A_1149 = arith.cmpi ne, %rem3A_1147, %ne3A_1148 : i32
        %lt3A_1150 = arith.constant 0 : i32
        %lt3A_1151 = arith.cmpi slt, %rem3A_1147, %lt3A_1150 : i32
        %lt3A_1152 = arith.constant 0 : i32
        %lt3A_1153 = arith.cmpi slt, %select_n3A_1146, %lt3A_1152 : i32
        %ne3A_1154 = arith.xori %lt3A_1151, %lt3A_1153 : i1
        %and3A_1155 = arith.andi %ne3A_1154, %ne3A_1149 : i1
        %add3A_1156 = arith.addi %rem3A_1147, %select_n3A_1146 : i32
        %select_n3A_1157 = arith.select %and3A_1155, %add3A_1156, %rem3A_1147 : i32
        %jit3A_1158 = arith.constant 16 : i32
        %div3A_1159 = arith.divsi %add3A_317, %jit3A_1158 : i32
        %sign3A_1160 = arith.constant 0 : i32
        %sign3A_1161 = arith.cmpi sgt, %add3A_317, %sign3A_1160 : i32
        %sign3A_1162 = arith.extui %sign3A_1161 : i1 to i32
        %sign3A_1163 = arith.constant 0 : i32
        %sign3A_1164 = arith.cmpi slt, %add3A_317, %sign3A_1163 : i32
        %sign3A_1165 = arith.extui %sign3A_1164 : i1 to i32
        %sign3A_1166 = arith.subi %sign3A_1162, %sign3A_1165 : i32
        %sign3A_1167 = arith.constant 0 : i32
        %sign3A_1168 = arith.cmpi sgt, %jit3A_1158, %sign3A_1167 : i32
        %sign3A_1169 = arith.extui %sign3A_1168 : i1 to i32
        %sign3A_1170 = arith.constant 0 : i32
        %sign3A_1171 = arith.cmpi slt, %jit3A_1158, %sign3A_1170 : i32
        %sign3A_1172 = arith.extui %sign3A_1171 : i1 to i32
        %sign3A_1173 = arith.subi %sign3A_1169, %sign3A_1172 : i32
        %ne3A_1174 = arith.cmpi ne, %sign3A_1166, %sign3A_1173 : i32
        %rem3A_1175 = arith.remsi %add3A_317, %jit3A_1158 : i32
        %ne3A_1176 = arith.constant 0 : i32
        %ne3A_1177 = arith.cmpi ne, %rem3A_1175, %ne3A_1176 : i32
        %and3A_1178 = arith.andi %ne3A_1174, %ne3A_1177 : i1
        %sub3A_1179 = arith.constant 1 : i32
        %sub3A_1180 = arith.subi %div3A_1159, %sub3A_1179 : i32
        %select_n3A_1181 = arith.select %and3A_1178, %sub3A_1180, %div3A_1159 : i32
        %ne3A_1182 = arith.cmpi ne, %select_n3A_1117, %select_n3A_1157 : i32
        %ne3A_1183 = arith.cmpi ne, %select_n3A_1141, %select_n3A_1181 : i32
        %or3A_1184 = arith.constant false
        %or3A_1185 = arith.ori %or3A_1184, %ne3A_1182 : i1
        %or3A_1186 = arith.ori %or3A_1185, %ne3A_1183 : i1
        %or3A_1187 = arith.ori %or3A_1186, %eq3A_278 : i1
        %add3A_1188 = arith.constant 1 : i32
        %add3A_1189 = arith.addi %scan3A_270, %add3A_1188 : i32
        %select_n3A_1190 = arith.select %or3A_1187, %add3A_1189, %scan3A_270 : i32
        %mul3A_1191 = arith.constant 4 : i32
        %mul3A_1192 = arith.muli %add3A_280, %mul3A_1191 : i32
        %jit3A_1193 = arith.constant 16 : i32
        %div3A_1194 = arith.divsi %add3A_281, %jit3A_1193 : i32
        %sign3A_1195 = arith.constant 0 : i32
        %sign3A_1196 = arith.cmpi sgt, %add3A_281, %sign3A_1195 : i32
        %sign3A_1197 = arith.extui %sign3A_1196 : i1 to i32
        %sign3A_1198 = arith.constant 0 : i32
        %sign3A_1199 = arith.cmpi slt, %add3A_281, %sign3A_1198 : i32
        %sign3A_1200 = arith.extui %sign3A_1199 : i1 to i32
        %sign3A_1201 = arith.subi %sign3A_1197, %sign3A_1200 : i32
        %sign3A_1202 = arith.constant 0 : i32
        %sign3A_1203 = arith.cmpi sgt, %jit3A_1193, %sign3A_1202 : i32
        %sign3A_1204 = arith.extui %sign3A_1203 : i1 to i32
        %sign3A_1205 = arith.constant 0 : i32
        %sign3A_1206 = arith.cmpi slt, %jit3A_1193, %sign3A_1205 : i32
        %sign3A_1207 = arith.extui %sign3A_1206 : i1 to i32
        %sign3A_1208 = arith.subi %sign3A_1204, %sign3A_1207 : i32
        %ne3A_1209 = arith.cmpi ne, %sign3A_1201, %sign3A_1208 : i32
        %rem3A_1210 = arith.remsi %add3A_281, %jit3A_1193 : i32
        %ne3A_1211 = arith.constant 0 : i32
        %ne3A_1212 = arith.cmpi ne, %rem3A_1210, %ne3A_1211 : i32
        %and3A_1213 = arith.andi %ne3A_1209, %ne3A_1212 : i1
        %sub3A_1214 = arith.constant 1 : i32
        %sub3A_1215 = arith.subi %div3A_1194, %sub3A_1214 : i32
        %select_n3A_1216 = arith.select %and3A_1213, %sub3A_1215, %div3A_1194 : i32
        %add3A_1217 = arith.addi %mul3A_1192, %select_n3A_1216 : i32
        %jit3A_1218 = arith.constant 16 : i32
        %eq3A_1219 = arith.constant 0 : i32
        %eq3A_1220 = arith.cmpi eq, %jit3A_1218, %eq3A_1219 : i32
        %jit3A_1221 = arith.constant 1 : i32
        %select_n3A_1222 = arith.select %eq3A_1220, %jit3A_1221, %jit3A_1218 : i32
        %rem3A_1223 = arith.remsi %add3A_281, %select_n3A_1222 : i32
        %ne3A_1224 = arith.constant 0 : i32
        %ne3A_1225 = arith.cmpi ne, %rem3A_1223, %ne3A_1224 : i32
        %lt3A_1226 = arith.constant 0 : i32
        %lt3A_1227 = arith.cmpi slt, %rem3A_1223, %lt3A_1226 : i32
        %lt3A_1228 = arith.constant 0 : i32
        %lt3A_1229 = arith.cmpi slt, %select_n3A_1222, %lt3A_1228 : i32
        %ne3A_1230 = arith.xori %lt3A_1227, %lt3A_1229 : i1
        %and3A_1231 = arith.andi %ne3A_1230, %ne3A_1225 : i1
        %add3A_1232 = arith.addi %rem3A_1223, %select_n3A_1222 : i32
        %select_n3A_1233 = arith.select %and3A_1231, %add3A_1232, %rem3A_1223 : i32
        %mul3A_1234 = arith.constant 4 : i32
        %mul3A_1235 = arith.muli %add3A_316, %mul3A_1234 : i32
        %jit3A_1236 = arith.constant 16 : i32
        %div3A_1237 = arith.divsi %add3A_317, %jit3A_1236 : i32
        %sign3A_1238 = arith.constant 0 : i32
        %sign3A_1239 = arith.cmpi sgt, %add3A_317, %sign3A_1238 : i32
        %sign3A_1240 = arith.extui %sign3A_1239 : i1 to i32
        %sign3A_1241 = arith.constant 0 : i32
        %sign3A_1242 = arith.cmpi slt, %add3A_317, %sign3A_1241 : i32
        %sign3A_1243 = arith.extui %sign3A_1242 : i1 to i32
        %sign3A_1244 = arith.subi %sign3A_1240, %sign3A_1243 : i32
        %sign3A_1245 = arith.constant 0 : i32
        %sign3A_1246 = arith.cmpi sgt, %jit3A_1236, %sign3A_1245 : i32
        %sign3A_1247 = arith.extui %sign3A_1246 : i1 to i32
        %sign3A_1248 = arith.constant 0 : i32
        %sign3A_1249 = arith.cmpi slt, %jit3A_1236, %sign3A_1248 : i32
        %sign3A_1250 = arith.extui %sign3A_1249 : i1 to i32
        %sign3A_1251 = arith.subi %sign3A_1247, %sign3A_1250 : i32
        %ne3A_1252 = arith.cmpi ne, %sign3A_1244, %sign3A_1251 : i32
        %rem3A_1253 = arith.remsi %add3A_317, %jit3A_1236 : i32
        %ne3A_1254 = arith.constant 0 : i32
        %ne3A_1255 = arith.cmpi ne, %rem3A_1253, %ne3A_1254 : i32
        %and3A_1256 = arith.andi %ne3A_1252, %ne3A_1255 : i1
        %sub3A_1257 = arith.constant 1 : i32
        %sub3A_1258 = arith.subi %div3A_1237, %sub3A_1257 : i32
        %select_n3A_1259 = arith.select %and3A_1256, %sub3A_1258, %div3A_1237 : i32
        %add3A_1260 = arith.addi %mul3A_1235, %select_n3A_1259 : i32
        %jit3A_1261 = arith.constant 16 : i32
        %eq3A_1262 = arith.constant 0 : i32
        %eq3A_1263 = arith.cmpi eq, %jit3A_1261, %eq3A_1262 : i32
        %jit3A_1264 = arith.constant 1 : i32
        %select_n3A_1265 = arith.select %eq3A_1263, %jit3A_1264, %jit3A_1261 : i32
        %rem3A_1266 = arith.remsi %add3A_317, %select_n3A_1265 : i32
        %ne3A_1267 = arith.constant 0 : i32
        %ne3A_1268 = arith.cmpi ne, %rem3A_1266, %ne3A_1267 : i32
        %lt3A_1269 = arith.constant 0 : i32
        %lt3A_1270 = arith.cmpi slt, %rem3A_1266, %lt3A_1269 : i32
        %lt3A_1271 = arith.constant 0 : i32
        %lt3A_1272 = arith.cmpi slt, %select_n3A_1265, %lt3A_1271 : i32
        %ne3A_1273 = arith.xori %lt3A_1270, %lt3A_1272 : i1
        %and3A_1274 = arith.andi %ne3A_1273, %ne3A_1268 : i1
        %add3A_1275 = arith.addi %rem3A_1266, %select_n3A_1265 : i32
        %select_n3A_1276 = arith.select %and3A_1274, %add3A_1275, %rem3A_1266 : i32
        %ne3A_1277 = arith.cmpi ne, %add3A_1217, %add3A_1260 : i32
        %ne3A_1278 = arith.cmpi ne, %select_n3A_1233, %select_n3A_1276 : i32
        %or3A_1279 = arith.constant false
        %or3A_1280 = arith.ori %or3A_1279, %ne3A_1277 : i1
        %or3A_1281 = arith.ori %or3A_1280, %ne3A_1278 : i1
        %or3A_1282 = arith.ori %or3A_1281, %eq3A_278 : i1
        %add3A_1283 = arith.constant 1 : i32
        %add3A_1284 = arith.addi %scan3A_272, %add3A_1283 : i32
        %select_n3A_1285 = arith.select %or3A_1282, %add3A_1284, %scan3A_272 : i32
        %add3A_1286 = arith.constant 1 : i32
        %add3A_1287 = arith.addi %scan3A_274, %add3A_1286 : i32
        %select_n3A_1288 = arith.constant true
        %select_n3A_1289 = arith.select %select_n3A_1288, %add3A_1287, %scan3A_274 : i32
        %eq3A_1290 = arith.constant 2 : i32
        %eq3A_1291 = arith.cmpi eq, %select_n3A_1289, %eq3A_1290 : i32
        %select_n3A_1292 = arith.constant 0 : i32
        %select_n3A_1293 = arith.select %eq3A_1291, %select_n3A_1292, %select_n3A_1289 : i32
        %add3A_1294 = arith.constant 1 : i32
        %add3A_1295 = arith.addi %scan3A_273, %add3A_1294 : i32
        %select_n3A_1296 = arith.select %eq3A_1291, %add3A_1295, %scan3A_273 : i32
        %eq3A_1297 = arith.constant 2 : i32
        %eq3A_1298 = arith.cmpi eq, %select_n3A_1296, %eq3A_1297 : i32
        %select_n3A_1299 = arith.constant 0 : i32
        %select_n3A_1300 = arith.select %eq3A_1298, %select_n3A_1299, %select_n3A_1296 : i32
        scf.yield %select_n3A_428, %select_n3A_1190, %select_n3A_532, %select_n3A_1285, %select_n3A_1300, %select_n3A_1293 : i32, i32, i32, i32, i32, i32
      }
      %scan3A_195 = arith.constant 4 : i32
      %sub3A_196 = arith.constant 1 : i32
      %sub3A_197 = arith.subi %scan3A_194#5, %sub3A_196 : i32
      %select_n3A_198 = arith.constant true
      %select_n3A_199 = arith.select %select_n3A_198, %sub3A_197, %scan3A_194#5 : i32
      %eq3A_200 = arith.constant -1 : i32
      %eq3A_201 = arith.cmpi eq, %select_n3A_199, %eq3A_200 : i32
      %select_n3A_202 = arith.constant 1 : i32
      %select_n3A_203 = arith.select %eq3A_201, %select_n3A_202, %select_n3A_199 : i32
      %sub3A_204 = arith.constant 1 : i32
      %sub3A_205 = arith.subi %scan3A_194#4, %sub3A_204 : i32
      %select_n3A_206 = arith.select %eq3A_201, %sub3A_205, %scan3A_194#4 : i32
      %eq3A_207 = arith.constant -1 : i32
      %eq3A_208 = arith.cmpi eq, %select_n3A_206, %eq3A_207 : i32
      %select_n3A_209 = arith.constant 1 : i32
      %select_n3A_210 = arith.select %eq3A_208, %select_n3A_209, %select_n3A_206 : i32
      %add3A_211 = arith.constant 0 : i32
      %add3A_212 = arith.addi %select_n3A_210, %add3A_211 : i32
      %add3A_213 = arith.addi %select_n3A_203, %mul3A_6 : i32
      %sub3A_214 = arith.constant 1 : i32
      %sub3A_215 = arith.subi %select_n3A_203, %sub3A_214 : i32
      %select_n3A_216 = arith.constant true
      %select_n3A_217 = arith.select %select_n3A_216, %sub3A_215, %select_n3A_203 : i32
      %eq3A_218 = arith.constant -1 : i32
      %eq3A_219 = arith.cmpi eq, %select_n3A_217, %eq3A_218 : i32
      %select_n3A_220 = arith.constant 1 : i32
      %select_n3A_221 = arith.select %eq3A_219, %select_n3A_220, %select_n3A_217 : i32
      %sub3A_222 = arith.constant 1 : i32
      %sub3A_223 = arith.subi %select_n3A_210, %sub3A_222 : i32
      %select_n3A_224 = arith.select %eq3A_219, %sub3A_223, %select_n3A_210 : i32
      %eq3A_225 = arith.constant -1 : i32
      %eq3A_226 = arith.cmpi eq, %select_n3A_224, %eq3A_225 : i32
      %select_n3A_227 = arith.constant 1 : i32
      %select_n3A_228 = arith.select %eq3A_226, %select_n3A_227, %select_n3A_224 : i32
      %add3A_229 = arith.constant 0 : i32
      %add3A_230 = arith.addi %select_n3A_228, %add3A_229 : i32
      %add3A_231 = arith.addi %select_n3A_221, %mul3A_6 : i32
      %add3A_232 = arith.constant 1 : i32
      %add3A_233 = arith.addi %select_n3A_203, %add3A_232 : i32
      %select_n3A_234 = arith.constant true
      %select_n3A_235 = arith.select %select_n3A_234, %add3A_233, %select_n3A_203 : i32
      %eq3A_236 = arith.constant 2 : i32
      %eq3A_237 = arith.cmpi eq, %select_n3A_235, %eq3A_236 : i32
      %select_n3A_238 = arith.constant 0 : i32
      %select_n3A_239 = arith.select %eq3A_237, %select_n3A_238, %select_n3A_235 : i32
      %add3A_240 = arith.constant 1 : i32
      %add3A_241 = arith.addi %select_n3A_210, %add3A_240 : i32
      %select_n3A_242 = arith.select %eq3A_237, %add3A_241, %select_n3A_210 : i32
      %eq3A_243 = arith.constant 2 : i32
      %eq3A_244 = arith.cmpi eq, %select_n3A_242, %eq3A_243 : i32
      %select_n3A_245 = arith.constant 0 : i32
      %select_n3A_246 = arith.select %eq3A_244, %select_n3A_245, %select_n3A_242 : i32
      %add3A_247 = arith.constant 0 : i32
      %add3A_248 = arith.addi %select_n3A_246, %add3A_247 : i32
      %add3A_249 = arith.addi %select_n3A_239, %mul3A_6 : i32
      %add3A_250 = arith.constant 1 : i32
      %add3A_251 = arith.addi %select_n3A_239, %add3A_250 : i32
      %select_n3A_252 = arith.constant true
      %select_n3A_253 = arith.select %select_n3A_252, %add3A_251, %select_n3A_239 : i32
      %eq3A_254 = arith.constant 2 : i32
      %eq3A_255 = arith.cmpi eq, %select_n3A_253, %eq3A_254 : i32
      %select_n3A_256 = arith.constant 0 : i32
      %select_n3A_257 = arith.select %eq3A_255, %select_n3A_256, %select_n3A_253 : i32
      %add3A_258 = arith.constant 1 : i32
      %add3A_259 = arith.addi %select_n3A_246, %add3A_258 : i32
      %select_n3A_260 = arith.select %eq3A_255, %add3A_259, %select_n3A_246 : i32
      %eq3A_261 = arith.constant 2 : i32
      %eq3A_262 = arith.cmpi eq, %select_n3A_260, %eq3A_261 : i32
      %select_n3A_263 = arith.constant 0 : i32
      %select_n3A_264 = arith.select %eq3A_262, %select_n3A_263, %select_n3A_260 : i32
      %add3A_265 = arith.constant 0 : i32
      %add3A_266 = arith.addi %select_n3A_264, %add3A_265 : i32
      %add3A_267 = arith.addi %select_n3A_257, %mul3A_6 : i32
      tpu.yield
    }) : () -> ()
    return
  }
}

#map = affine_map<(d0, d1) -> (0, 0)>
module attributes {stable_mosaic.version = 14 : i64} {
  func.func @k(%arg0: i32, %arg1: i32, %arg2: memref<23552x256xf32, #tpu.memory_space<hbm>>, %arg3: memref<8x2048xi32, #tpu.memory_space<hbm>>, %arg4: memref<16384x256xf32, #tpu.memory_space<hbm>>) attributes {dimension_semantics = [#tpu.dimension_semantics<core_parallel>, #tpu.dimension_semantics<subcore_parallel>], iteration_bounds = array<i64: 2, 16>, scalar_prefetch = 0 : i64, scratch_operands = 0 : i64, tpu.core_type = #tpu.core_type<sc_vector_subcore>, window_params = [{transform_indices = #map}, {transform_indices = #map}, {transform_indices = #map}]} {
    %mul3A = arith.constant 1 : i32
    %mul3A_0 = arith.muli %arg1, %mul3A : i32
    %add3A = arith.constant 0 : i32
    %add3A_1 = arith.addi %add3A, %mul3A_0 : i32
    %mul3A_2 = arith.constant 16 : i32
    %mul3A_3 = arith.muli %arg0, %mul3A_2 : i32
    %add3A_4 = arith.addi %add3A_1, %mul3A_3 : i32
    %mul3A_5 = arith.constant 2 : i32
    %mul3A_6 = arith.muli %add3A_4, %mul3A_5 : i32
    "tpu.region"() ({
      %run_scoped3A = memref.alloca() : memref<2x1x128xi32, #tpu.memory_space<vmem>>
      %run_scoped3A_7 = tpu.sem_alloc : memref<2x!tpu.dma_semaphore, #tpu.memory_space<semaphore_mem>>
      %run_scoped3A_8 = memref.alloca() : memref<2x128x256xf32, #tpu.memory_space<vmem>>
      %run_scoped3A_9 = tpu.sem_alloc : memref<2x!tpu.dma_semaphore, #tpu.memory_space<semaphore_mem>>
      %add3A_10 = arith.constant 0 : i32
      %add3A_11 = arith.addi %add3A_10, %mul3A_6 : i32
      %select_n3A = arith.constant true
      %select_n3A_12 = arith.constant 0 : i32
      %select_n3A_13 = arith.constant -1 : i32
      %select_n3A_14 = arith.select %select_n3A, %select_n3A_13, %select_n3A_12 : i32
      %eq3A = arith.constant -1 : i32
      %eq3A_15 = arith.cmpi eq, %select_n3A_14, %eq3A : i32
      %select_n3A_16 = arith.constant 1 : i32
      %select_n3A_17 = arith.select %eq3A_15, %select_n3A_16, %select_n3A_14 : i32
      %select_n3A_18 = arith.constant 0 : i32
      %select_n3A_19 = arith.constant -1 : i32
      %select_n3A_20 = arith.select %eq3A_15, %select_n3A_19, %select_n3A_18 : i32
      %eq3A_21 = arith.constant -1 : i32
      %eq3A_22 = arith.cmpi eq, %select_n3A_20, %eq3A_21 : i32
      %select_n3A_23 = arith.constant 1 : i32
      %select_n3A_24 = arith.select %eq3A_22, %select_n3A_23, %select_n3A_20 : i32
      %add3A_25 = arith.constant 0 : i32
      %add3A_26 = arith.addi %select_n3A_24, %add3A_25 : i32
      %add3A_27 = arith.addi %select_n3A_17, %mul3A_6 : i32
      %select_n3A_28 = arith.constant true
      %select_n3A_29 = arith.constant 0 : i32
      %select_n3A_30 = arith.constant 1 : i32
      %select_n3A_31 = arith.select %select_n3A_28, %select_n3A_30, %select_n3A_29 : i32
      %eq3A_32 = arith.constant 2 : i32
      %eq3A_33 = arith.cmpi eq, %select_n3A_31, %eq3A_32 : i32
      %select_n3A_34 = arith.constant 0 : i32
      %select_n3A_35 = arith.select %eq3A_33, %select_n3A_34, %select_n3A_31 : i32
      %select_n3A_36 = arith.constant 0 : i32
      %select_n3A_37 = arith.constant 1 : i32
      %select_n3A_38 = arith.select %eq3A_33, %select_n3A_37, %select_n3A_36 : i32
      %eq3A_39 = arith.constant 2 : i32
      %eq3A_40 = arith.cmpi eq, %select_n3A_38, %eq3A_39 : i32
      %select_n3A_41 = arith.constant 0 : i32
      %select_n3A_42 = arith.select %eq3A_40, %select_n3A_41, %select_n3A_38 : i32
      %add3A_43 = arith.constant 0 : i32
      %add3A_44 = arith.addi %select_n3A_42, %add3A_43 : i32
      %add3A_45 = arith.addi %select_n3A_35, %mul3A_6 : i32
      %add3A_46 = arith.constant 1 : i32
      %add3A_47 = arith.addi %select_n3A_35, %add3A_46 : i32
      %select_n3A_48 = arith.constant true
      %select_n3A_49 = arith.select %select_n3A_48, %add3A_47, %select_n3A_35 : i32
      %eq3A_50 = arith.constant 2 : i32
      %eq3A_51 = arith.cmpi eq, %select_n3A_49, %eq3A_50 : i32
      %select_n3A_52 = arith.constant 0 : i32
      %select_n3A_53 = arith.select %eq3A_51, %select_n3A_52, %select_n3A_49 : i32
      %add3A_54 = arith.constant 1 : i32
      %add3A_55 = arith.addi %select_n3A_42, %add3A_54 : i32
      %select_n3A_56 = arith.select %eq3A_51, %add3A_55, %select_n3A_42 : i32
      %eq3A_57 = arith.constant 2 : i32
      %eq3A_58 = arith.cmpi eq, %select_n3A_56, %eq3A_57 : i32
      %select_n3A_59 = arith.constant 0 : i32
      %select_n3A_60 = arith.select %eq3A_58, %select_n3A_59, %select_n3A_56 : i32
      %add3A_61 = arith.constant 0 : i32
      %add3A_62 = arith.addi %select_n3A_60, %add3A_61 : i32
      %add3A_63 = arith.addi %select_n3A_53, %mul3A_6 : i32
      "tpu.trace_start"() <{level = 10 : i32, message = "ep_initialize_0"}> : () -> ()
      %rem3A = arith.constant 0 : i32
      %rem3A_64 = arith.constant 2 : i32
      %rem3A_65 = arith.remui %rem3A, %rem3A_64 : i32
      %jit3A = arith.constant 16 : i32
      %div3A = arith.divsi %add3A_11, %jit3A : i32
      %sign3A = arith.constant 0 : i32
      %sign3A_66 = arith.cmpi sgt, %add3A_11, %sign3A : i32
      %sign3A_67 = arith.extui %sign3A_66 : i1 to i32
      %sign3A_68 = arith.constant 0 : i32
      %sign3A_69 = arith.cmpi slt, %add3A_11, %sign3A_68 : i32
      %sign3A_70 = arith.extui %sign3A_69 : i1 to i32
      %sign3A_71 = arith.subi %sign3A_67, %sign3A_70 : i32
      %sign3A_72 = arith.constant 0 : i32
      %sign3A_73 = arith.cmpi sgt, %jit3A, %sign3A_72 : i32
      %sign3A_74 = arith.extui %sign3A_73 : i1 to i32
      %sign3A_75 = arith.constant 0 : i32
      %sign3A_76 = arith.cmpi slt, %jit3A, %sign3A_75 : i32
      %sign3A_77 = arith.extui %sign3A_76 : i1 to i32
      %sign3A_78 = arith.subi %sign3A_74, %sign3A_77 : i32
      %ne3A = arith.cmpi ne, %sign3A_71, %sign3A_78 : i32
      %rem3A_79 = arith.remsi %add3A_11, %jit3A : i32
      %ne3A_80 = arith.constant 0 : i32
      %ne3A_81 = arith.cmpi ne, %rem3A_79, %ne3A_80 : i32
      %and3A = arith.andi %ne3A, %ne3A_81 : i1
      %sub3A = arith.constant 1 : i32
      %sub3A_82 = arith.subi %div3A, %sub3A : i32
      %select_n3A_83 = arith.select %and3A, %sub3A_82, %div3A : i32
      %add3A_84 = arith.constant 0 : i32
      %add3A_85 = arith.addi %add3A_84, %select_n3A_83 : i32
      %jit3A_86 = arith.constant 16 : i32
      %eq3A_87 = arith.constant 0 : i32
      %eq3A_88 = arith.cmpi eq, %jit3A_86, %eq3A_87 : i32
      %jit3A_89 = arith.constant 1 : i32
      %select_n3A_90 = arith.select %eq3A_88, %jit3A_89, %jit3A_86 : i32
      %rem3A_91 = arith.remsi %add3A_11, %select_n3A_90 : i32
      %ne3A_92 = arith.constant 0 : i32
      %ne3A_93 = arith.cmpi ne, %rem3A_91, %ne3A_92 : i32
      %lt3A = arith.constant 0 : i32
      %lt3A_94 = arith.cmpi slt, %rem3A_91, %lt3A : i32
      %lt3A_95 = arith.constant 0 : i32
      %lt3A_96 = arith.cmpi slt, %select_n3A_90, %lt3A_95 : i32
      %ne3A_97 = arith.xori %lt3A_94, %lt3A_96 : i1
      %and3A_98 = arith.andi %ne3A_97, %ne3A_93 : i1
      %add3A_99 = arith.addi %rem3A_91, %select_n3A_90 : i32
      %select_n3A_100 = arith.select %and3A_98, %add3A_99, %rem3A_91 : i32
      %mul3A_101 = arith.constant 1 : i32
      %mul3A_102 = arith.muli %mul3A_101, %add3A_85 : i32
      %mul3A_103 = arith.constant 128 : i32
      %mul3A_104 = arith.muli %mul3A_103, %select_n3A_100 : i32
      %dma_start3A = arith.constant 0 : i32
      %dma_start3A_105 = arith.constant 0 : i32
      %dma_start3A_106 = tpu.memref_slice %run_scoped3A[%rem3A_65, %dma_start3A, %dma_start3A_105] : memref<2x1x128xi32, #tpu.memory_space<vmem>> -> memref<1x1x128xi32, #tpu.memory_space<vmem>>
      %dma_start3A_107 = tpu.memref_squeeze %dma_start3A_106 : memref<1x1x128xi32, #tpu.memory_space<vmem>> -> memref<1x128xi32, #tpu.memory_space<vmem>>
      %dma_start3A_108 = tpu.memref_slice %arg3[%mul3A_102, %mul3A_104] : memref<8x2048xi32, #tpu.memory_space<hbm>> -> memref<1x128xi32, #tpu.memory_space<hbm>>
      %dma_start3A_109 = tpu.memref_slice %run_scoped3A_7[%rem3A_65] : memref<2x!tpu.dma_semaphore, #tpu.memory_space<semaphore_mem>> -> memref<1x!tpu.dma_semaphore, #tpu.memory_space<semaphore_mem>>
      %dma_start3A_110 = tpu.memref_squeeze %dma_start3A_109 : memref<1x!tpu.dma_semaphore, #tpu.memory_space<semaphore_mem>> -> memref<!tpu.dma_semaphore, #tpu.memory_space<semaphore_mem>>
      %dma_start3A_111 = arith.constant 0 : i32
      %dma_start3A_112 = arith.constant 0 : i32
      %dma_start3A_113 = tpu.memref_slice %run_scoped3A[%rem3A_65, %dma_start3A_111, %dma_start3A_112] : memref<2x1x128xi32, #tpu.memory_space<vmem>> -> memref<1x1x128xi32, #tpu.memory_space<vmem>>
      %dma_start3A_114 = tpu.memref_squeeze %dma_start3A_113 : memref<1x1x128xi32, #tpu.memory_space<vmem>> -> memref<1x128xi32, #tpu.memory_space<vmem>>
      %dma_start3A_115 = tpu.memref_slice %arg3[%mul3A_102, %mul3A_104] : memref<8x2048xi32, #tpu.memory_space<hbm>> -> memref<1x128xi32, #tpu.memory_space<hbm>>
      tpu.enqueue_dma source(%dma_start3A_115 : memref<1x128xi32, #tpu.memory_space<hbm>>) target(%dma_start3A_114 : memref<1x128xi32, #tpu.memory_space<vmem>>) target_semaphore(%dma_start3A_110 : memref<!tpu.dma_semaphore, #tpu.memory_space<semaphore_mem>>)
      %add3A_116 = arith.constant 0 : i32
      %add3A_117 = arith.constant 1 : i32
      %add3A_118 = arith.addi %add3A_116, %add3A_117 : i32
      %select_n3A_119 = arith.constant true
      %select_n3A_120 = arith.constant 0 : i32
      %select_n3A_121 = arith.select %select_n3A_119, %add3A_118, %select_n3A_120 : i32
      "tpu.trace_stop"() : () -> ()
      %scan3A = arith.constant 0 : i32
      %scan3A_122 = arith.constant 0 : i32
      %scan3A_123 = arith.constant 0 : i32
      %scan3A_124 = arith.constant 0 : i32
      %scan3A_125 = arith.constant 0 : i32
      %scan3A_126 = arith.constant 0 : i32
      %scan3A_127 = arith.constant 4 : i32
      %scan3A_128 = arith.addi %scan3A_126, %scan3A_127 : i32
      %scan3A_129 = arith.constant 1 : i32
      %scan3A_130:6 = scf.for %scan3A_267 = %scan3A_126 to %scan3A_128 step %scan3A_129 iter_args(%scan3A_268 = %select_n3A_121, %scan3A_269 = %scan3A, %scan3A_270 = %scan3A_122, %scan3A_271 = %scan3A_123, %scan3A_272 = %scan3A_124, %scan3A_273 = %scan3A_125) -> (i32, i32, i32, i32, i32, i32)  : i32 {
        %eq3A_274 = arith.constant 0 : i32
        %eq3A_275 = arith.cmpi eq, %scan3A_267, %eq3A_274 : i32
        %eq3A_276 = arith.constant 3 : i32
        %eq3A_277 = arith.cmpi eq, %scan3A_267, %eq3A_276 : i32
        %add3A_278 = arith.constant 0 : i32
        %add3A_279 = arith.addi %scan3A_272, %add3A_278 : i32
        %add3A_280 = arith.addi %scan3A_273, %mul3A_6 : i32
        %sub3A_281 = arith.constant 1 : i32
        %sub3A_282 = arith.subi %scan3A_273, %sub3A_281 : i32
        %select_n3A_283 = arith.constant true
        %select_n3A_284 = arith.select %select_n3A_283, %sub3A_282, %scan3A_273 : i32
        %eq3A_285 = arith.constant -1 : i32
        %eq3A_286 = arith.cmpi eq, %select_n3A_284, %eq3A_285 : i32
        %select_n3A_287 = arith.constant 1 : i32
        %select_n3A_288 = arith.select %eq3A_286, %select_n3A_287, %select_n3A_284 : i32
        %sub3A_289 = arith.constant 1 : i32
        %sub3A_290 = arith.subi %scan3A_272, %sub3A_289 : i32
        %select_n3A_291 = arith.select %eq3A_286, %sub3A_290, %scan3A_272 : i32
        %eq3A_292 = arith.constant -1 : i32
        %eq3A_293 = arith.cmpi eq, %select_n3A_291, %eq3A_292 : i32
        %select_n3A_294 = arith.constant 1 : i32
        %select_n3A_295 = arith.select %eq3A_293, %select_n3A_294, %select_n3A_291 : i32
        %add3A_296 = arith.constant 0 : i32
        %add3A_297 = arith.addi %select_n3A_295, %add3A_296 : i32
        %add3A_298 = arith.addi %select_n3A_288, %mul3A_6 : i32
        %add3A_299 = arith.constant 1 : i32
        %add3A_300 = arith.addi %scan3A_273, %add3A_299 : i32
        %select_n3A_301 = arith.constant true
        %select_n3A_302 = arith.select %select_n3A_301, %add3A_300, %scan3A_273 : i32
        %eq3A_303 = arith.constant 2 : i32
        %eq3A_304 = arith.cmpi eq, %select_n3A_302, %eq3A_303 : i32
        %select_n3A_305 = arith.constant 0 : i32
        %select_n3A_306 = arith.select %eq3A_304, %select_n3A_305, %select_n3A_302 : i32
        %add3A_307 = arith.constant 1 : i32
        %add3A_308 = arith.addi %scan3A_272, %add3A_307 : i32
        %select_n3A_309 = arith.select %eq3A_304, %add3A_308, %scan3A_272 : i32
        %eq3A_310 = arith.constant 2 : i32
        %eq3A_311 = arith.cmpi eq, %select_n3A_309, %eq3A_310 : i32
        %select_n3A_312 = arith.constant 0 : i32
        %select_n3A_313 = arith.select %eq3A_311, %select_n3A_312, %select_n3A_309 : i32
        %add3A_314 = arith.constant 0 : i32
        %add3A_315 = arith.addi %select_n3A_313, %add3A_314 : i32
        %add3A_316 = arith.addi %select_n3A_306, %mul3A_6 : i32
        %add3A_317 = arith.constant 1 : i32
        %add3A_318 = arith.addi %select_n3A_306, %add3A_317 : i32
        %select_n3A_319 = arith.constant true
        %select_n3A_320 = arith.select %select_n3A_319, %add3A_318, %select_n3A_306 : i32
        %eq3A_321 = arith.constant 2 : i32
        %eq3A_322 = arith.cmpi eq, %select_n3A_320, %eq3A_321 : i32
        %select_n3A_323 = arith.constant 0 : i32
        %select_n3A_324 = arith.select %eq3A_322, %select_n3A_323, %select_n3A_320 : i32
        %add3A_325 = arith.constant 1 : i32
        %add3A_326 = arith.addi %select_n3A_313, %add3A_325 : i32
        %select_n3A_327 = arith.select %eq3A_322, %add3A_326, %select_n3A_313 : i32
        %eq3A_328 = arith.constant 2 : i32
        %eq3A_329 = arith.cmpi eq, %select_n3A_327, %eq3A_328 : i32
        %select_n3A_330 = arith.constant 0 : i32
        %select_n3A_331 = arith.select %eq3A_329, %select_n3A_330, %select_n3A_327 : i32
        %add3A_332 = arith.constant 0 : i32
        %add3A_333 = arith.addi %select_n3A_331, %add3A_332 : i32
        %add3A_334 = arith.addi %select_n3A_324, %mul3A_6 : i32
        %mul3A_335 = arith.constant 4 : i32
        %mul3A_336 = arith.muli %add3A_279, %mul3A_335 : i32
        %jit3A_337 = arith.constant 16 : i32
        %div3A_338 = arith.divsi %add3A_280, %jit3A_337 : i32
        %sign3A_339 = arith.constant 0 : i32
        %sign3A_340 = arith.cmpi sgt, %add3A_280, %sign3A_339 : i32
        %sign3A_341 = arith.extui %sign3A_340 : i1 to i32
        %sign3A_342 = arith.constant 0 : i32
        %sign3A_343 = arith.cmpi slt, %add3A_280, %sign3A_342 : i32
        %sign3A_344 = arith.extui %sign3A_343 : i1 to i32
        %sign3A_345 = arith.subi %sign3A_341, %sign3A_344 : i32
        %sign3A_346 = arith.constant 0 : i32
        %sign3A_347 = arith.cmpi sgt, %jit3A_337, %sign3A_346 : i32
        %sign3A_348 = arith.extui %sign3A_347 : i1 to i32
        %sign3A_349 = arith.constant 0 : i32
        %sign3A_350 = arith.cmpi slt, %jit3A_337, %sign3A_349 : i32
        %sign3A_351 = arith.extui %sign3A_350 : i1 to i32
        %sign3A_352 = arith.subi %sign3A_348, %sign3A_351 : i32
        %ne3A_353 = arith.cmpi ne, %sign3A_345, %sign3A_352 : i32
        %rem3A_354 = arith.remsi %add3A_280, %jit3A_337 : i32
        %ne3A_355 = arith.constant 0 : i32
        %ne3A_356 = arith.cmpi ne, %rem3A_354, %ne3A_355 : i32
        %and3A_357 = arith.andi %ne3A_353, %ne3A_356 : i1
        %sub3A_358 = arith.constant 1 : i32
        %sub3A_359 = arith.subi %div3A_338, %sub3A_358 : i32
        %select_n3A_360 = arith.select %and3A_357, %sub3A_359, %div3A_338 : i32
        %add3A_361 = arith.addi %mul3A_336, %select_n3A_360 : i32
        %jit3A_362 = arith.constant 16 : i32
        %eq3A_363 = arith.constant 0 : i32
        %eq3A_364 = arith.cmpi eq, %jit3A_362, %eq3A_363 : i32
        %jit3A_365 = arith.constant 1 : i32
        %select_n3A_366 = arith.select %eq3A_364, %jit3A_365, %jit3A_362 : i32
        %rem3A_367 = arith.remsi %add3A_280, %select_n3A_366 : i32
        %ne3A_368 = arith.constant 0 : i32
        %ne3A_369 = arith.cmpi ne, %rem3A_367, %ne3A_368 : i32
        %lt3A_370 = arith.constant 0 : i32
        %lt3A_371 = arith.cmpi slt, %rem3A_367, %lt3A_370 : i32
        %lt3A_372 = arith.constant 0 : i32
        %lt3A_373 = arith.cmpi slt, %select_n3A_366, %lt3A_372 : i32
        %ne3A_374 = arith.xori %lt3A_371, %lt3A_373 : i1
        %and3A_375 = arith.andi %ne3A_374, %ne3A_369 : i1
        %add3A_376 = arith.addi %rem3A_367, %select_n3A_366 : i32
        %select_n3A_377 = arith.select %and3A_375, %add3A_376, %rem3A_367 : i32
        %mul3A_378 = arith.constant 4 : i32
        %mul3A_379 = arith.muli %add3A_315, %mul3A_378 : i32
        %jit3A_380 = arith.constant 16 : i32
        %div3A_381 = arith.divsi %add3A_316, %jit3A_380 : i32
        %sign3A_382 = arith.constant 0 : i32
        %sign3A_383 = arith.cmpi sgt, %add3A_316, %sign3A_382 : i32
        %sign3A_384 = arith.extui %sign3A_383 : i1 to i32
        %sign3A_385 = arith.constant 0 : i32
        %sign3A_386 = arith.cmpi slt, %add3A_316, %sign3A_385 : i32
        %sign3A_387 = arith.extui %sign3A_386 : i1 to i32
        %sign3A_388 = arith.subi %sign3A_384, %sign3A_387 : i32
        %sign3A_389 = arith.constant 0 : i32
        %sign3A_390 = arith.cmpi sgt, %jit3A_380, %sign3A_389 : i32
        %sign3A_391 = arith.extui %sign3A_390 : i1 to i32
        %sign3A_392 = arith.constant 0 : i32
        %sign3A_393 = arith.cmpi slt, %jit3A_380, %sign3A_392 : i32
        %sign3A_394 = arith.extui %sign3A_393 : i1 to i32
        %sign3A_395 = arith.subi %sign3A_391, %sign3A_394 : i32
        %ne3A_396 = arith.cmpi ne, %sign3A_388, %sign3A_395 : i32
        %rem3A_397 = arith.remsi %add3A_316, %jit3A_380 : i32
        %ne3A_398 = arith.constant 0 : i32
        %ne3A_399 = arith.cmpi ne, %rem3A_397, %ne3A_398 : i32
        %and3A_400 = arith.andi %ne3A_396, %ne3A_399 : i1
        %sub3A_401 = arith.constant 1 : i32
        %sub3A_402 = arith.subi %div3A_381, %sub3A_401 : i32
        %select_n3A_403 = arith.select %and3A_400, %sub3A_402, %div3A_381 : i32
        %add3A_404 = arith.addi %mul3A_379, %select_n3A_403 : i32
        %jit3A_405 = arith.constant 16 : i32
        %eq3A_406 = arith.constant 0 : i32
        %eq3A_407 = arith.cmpi eq, %jit3A_405, %eq3A_406 : i32
        %jit3A_408 = arith.constant 1 : i32
        %select_n3A_409 = arith.select %eq3A_407, %jit3A_408, %jit3A_405 : i32
        %rem3A_410 = arith.remsi %add3A_316, %select_n3A_409 : i32
        %ne3A_411 = arith.constant 0 : i32
        %ne3A_412 = arith.cmpi ne, %rem3A_410, %ne3A_411 : i32
        %lt3A_413 = arith.constant 0 : i32
        %lt3A_414 = arith.cmpi slt, %rem3A_410, %lt3A_413 : i32
        %lt3A_415 = arith.constant 0 : i32
        %lt3A_416 = arith.cmpi slt, %select_n3A_409, %lt3A_415 : i32
        %ne3A_417 = arith.xori %lt3A_414, %lt3A_416 : i1
        %and3A_418 = arith.andi %ne3A_417, %ne3A_412 : i1
        %add3A_419 = arith.addi %rem3A_410, %select_n3A_409 : i32
        %select_n3A_420 = arith.select %and3A_418, %add3A_419, %rem3A_410 : i32
        %ne3A_421 = arith.cmpi ne, %add3A_361, %add3A_404 : i32
        %ne3A_422 = arith.cmpi ne, %select_n3A_377, %select_n3A_420 : i32
        %or3A = arith.constant false
        %or3A_423 = arith.ori %or3A, %ne3A_421 : i1
        %or3A_424 = arith.ori %or3A_423, %ne3A_422 : i1
        %ge3A = arith.constant 3 : i32
        %ge3A_425 = arith.cmpi sge, %scan3A_267, %ge3A : i32
        %not3A = arith.constant true
        %not3A_426 = arith.xori %ge3A_425, %not3A : i1
        %and3A_427 = arith.andi %or3A_424, %not3A_426 : i1
        %convert_element_type3A = arith.extui %and3A_427 : i1 to i32
        %cond3A = arith.constant 0 : i32
        %cond3A_428 = arith.cmpi ne, %convert_element_type3A, %cond3A : i32
        scf.if %cond3A_428 {
          "tpu.trace_start"() <{level = 10 : i32, message = "ep_copy_in"}> : () -> ()
          %rem3A_1257 = arith.constant 2 : i32
          %rem3A_1258 = arith.remui %scan3A_268, %rem3A_1257 : i32
          %mul3A_1259 = arith.constant 4 : i32
          %mul3A_1260 = arith.muli %add3A_315, %mul3A_1259 : i32
          %jit3A_1261 = arith.constant 16 : i32
          %div3A_1262 = arith.divsi %add3A_316, %jit3A_1261 : i32
          %sign3A_1263 = arith.constant 0 : i32
          %sign3A_1264 = arith.cmpi sgt, %add3A_316, %sign3A_1263 : i32
          %sign3A_1265 = arith.extui %sign3A_1264 : i1 to i32
          %sign3A_1266 = arith.constant 0 : i32
          %sign3A_1267 = arith.cmpi slt, %add3A_316, %sign3A_1266 : i32
          %sign3A_1268 = arith.extui %sign3A_1267 : i1 to i32
          %sign3A_1269 = arith.subi %sign3A_1265, %sign3A_1268 : i32
          %sign3A_1270 = arith.constant 0 : i32
          %sign3A_1271 = arith.cmpi sgt, %jit3A_1261, %sign3A_1270 : i32
          %sign3A_1272 = arith.extui %sign3A_1271 : i1 to i32
          %sign3A_1273 = arith.constant 0 : i32
          %sign3A_1274 = arith.cmpi slt, %jit3A_1261, %sign3A_1273 : i32
          %sign3A_1275 = arith.extui %sign3A_1274 : i1 to i32
          %sign3A_1276 = arith.subi %sign3A_1272, %sign3A_1275 : i32
          %ne3A_1277 = arith.cmpi ne, %sign3A_1269, %sign3A_1276 : i32
          %rem3A_1278 = arith.remsi %add3A_316, %jit3A_1261 : i32
          %ne3A_1279 = arith.constant 0 : i32
          %ne3A_1280 = arith.cmpi ne, %rem3A_1278, %ne3A_1279 : i32
          %and3A_1281 = arith.andi %ne3A_1277, %ne3A_1280 : i1
          %sub3A_1282 = arith.constant 1 : i32
          %sub3A_1283 = arith.subi %div3A_1262, %sub3A_1282 : i32
          %select_n3A_1284 = arith.select %and3A_1281, %sub3A_1283, %div3A_1262 : i32
          %add3A_1285 = arith.addi %mul3A_1260, %select_n3A_1284 : i32
          %jit3A_1286 = arith.constant 16 : i32
          %eq3A_1287 = arith.constant 0 : i32
          %eq3A_1288 = arith.cmpi eq, %jit3A_1286, %eq3A_1287 : i32
          %jit3A_1289 = arith.constant 1 : i32
          %select_n3A_1290 = arith.select %eq3A_1288, %jit3A_1289, %jit3A_1286 : i32
          %rem3A_1291 = arith.remsi %add3A_316, %select_n3A_1290 : i32
          %ne3A_1292 = arith.constant 0 : i32
          %ne3A_1293 = arith.cmpi ne, %rem3A_1291, %ne3A_1292 : i32
          %lt3A_1294 = arith.constant 0 : i32
          %lt3A_1295 = arith.cmpi slt, %rem3A_1291, %lt3A_1294 : i32
          %lt3A_1296 = arith.constant 0 : i32
          %lt3A_1297 = arith.cmpi slt, %select_n3A_1290, %lt3A_1296 : i32
          %ne3A_1298 = arith.xori %lt3A_1295, %lt3A_1297 : i1
          %and3A_1299 = arith.andi %ne3A_1298, %ne3A_1293 : i1
          %add3A_1300 = arith.addi %rem3A_1291, %select_n3A_1290 : i32
          %select_n3A_1301 = arith.select %and3A_1299, %add3A_1300, %rem3A_1291 : i32
          %mul3A_1302 = arith.constant 1 : i32
          %mul3A_1303 = arith.muli %mul3A_1302, %add3A_1285 : i32
          %mul3A_1304 = arith.constant 128 : i32
          %mul3A_1305 = arith.muli %mul3A_1304, %select_n3A_1301 : i32
          %dma_start3A_1306 = arith.constant 0 : i32
          %dma_start3A_1307 = arith.constant 0 : i32
          %dma_start3A_1308 = tpu.memref_slice %run_scoped3A[%rem3A_1258, %dma_start3A_1306, %dma_start3A_1307] : memref<2x1x128xi32, #tpu.memory_space<vmem>> -> memref<1x1x128xi32, #tpu.memory_space<vmem>>
          %dma_start3A_1309 = tpu.memref_squeeze %dma_start3A_1308 : memref<1x1x128xi32, #tpu.memory_space<vmem>> -> memref<1x128xi32, #tpu.memory_space<vmem>>
          %dma_start3A_1310 = tpu.memref_slice %arg3[%mul3A_1303, %mul3A_1305] : memref<8x2048xi32, #tpu.memory_space<hbm>> -> memref<1x128xi32, #tpu.memory_space<hbm>>
          %dma_start3A_1311 = tpu.memref_slice %run_scoped3A_7[%rem3A_1258] : memref<2x!tpu.dma_semaphore, #tpu.memory_space<semaphore_mem>> -> memref<1x!tpu.dma_semaphore, #tpu.memory_space<semaphore_mem>>
          %dma_start3A_1312 = tpu.memref_squeeze %dma_start3A_1311 : memref<1x!tpu.dma_semaphore, #tpu.memory_space<semaphore_mem>> -> memref<!tpu.dma_semaphore, #tpu.memory_space<semaphore_mem>>
          %dma_start3A_1313 = arith.constant 0 : i32
          %dma_start3A_1314 = arith.constant 0 : i32
          %dma_start3A_1315 = tpu.memref_slice %run_scoped3A[%rem3A_1258, %dma_start3A_1313, %dma_start3A_1314] : memref<2x1x128xi32, #tpu.memory_space<vmem>> -> memref<1x1x128xi32, #tpu.memory_space<vmem>>
          %dma_start3A_1316 = tpu.memref_squeeze %dma_start3A_1315 : memref<1x1x128xi32, #tpu.memory_space<vmem>> -> memref<1x128xi32, #tpu.memory_space<vmem>>
          %dma_start3A_1317 = tpu.memref_slice %arg3[%mul3A_1303, %mul3A_1305] : memref<8x2048xi32, #tpu.memory_space<hbm>> -> memref<1x128xi32, #tpu.memory_space<hbm>>
          tpu.enqueue_dma source(%dma_start3A_1317 : memref<1x128xi32, #tpu.memory_space<hbm>>) target(%dma_start3A_1316 : memref<1x128xi32, #tpu.memory_space<vmem>>) target_semaphore(%dma_start3A_1312 : memref<!tpu.dma_semaphore, #tpu.memory_space<semaphore_mem>>)
          "tpu.trace_stop"() : () -> ()
        } else {
        }
        %and3A_429 = arith.constant true
        %and3A_430 = arith.andi %and3A_427, %and3A_429 : i1
        %add3A_431 = arith.constant 1 : i32
        %add3A_432 = arith.addi %scan3A_268, %add3A_431 : i32
        %select_n3A_433 = arith.select %and3A_430, %add3A_432, %scan3A_268 : i32
        %jit3A_434 = arith.constant 16 : i32
        %div3A_435 = arith.divsi %add3A_280, %jit3A_434 : i32
        %sign3A_436 = arith.constant 0 : i32
        %sign3A_437 = arith.cmpi sgt, %add3A_280, %sign3A_436 : i32
        %sign3A_438 = arith.extui %sign3A_437 : i1 to i32
        %sign3A_439 = arith.constant 0 : i32
        %sign3A_440 = arith.cmpi slt, %add3A_280, %sign3A_439 : i32
        %sign3A_441 = arith.extui %sign3A_440 : i1 to i32
        %sign3A_442 = arith.subi %sign3A_438, %sign3A_441 : i32
        %sign3A_443 = arith.constant 0 : i32
        %sign3A_444 = arith.cmpi sgt, %jit3A_434, %sign3A_443 : i32
        %sign3A_445 = arith.extui %sign3A_444 : i1 to i32
        %sign3A_446 = arith.constant 0 : i32
        %sign3A_447 = arith.cmpi slt, %jit3A_434, %sign3A_446 : i32
        %sign3A_448 = arith.extui %sign3A_447 : i1 to i32
        %sign3A_449 = arith.subi %sign3A_445, %sign3A_448 : i32
        %ne3A_450 = arith.cmpi ne, %sign3A_442, %sign3A_449 : i32
        %rem3A_451 = arith.remsi %add3A_280, %jit3A_434 : i32
        %ne3A_452 = arith.constant 0 : i32
        %ne3A_453 = arith.cmpi ne, %rem3A_451, %ne3A_452 : i32
        %and3A_454 = arith.andi %ne3A_450, %ne3A_453 : i1
        %sub3A_455 = arith.constant 1 : i32
        %sub3A_456 = arith.subi %div3A_435, %sub3A_455 : i32
        %select_n3A_457 = arith.select %and3A_454, %sub3A_456, %div3A_435 : i32
        %mul3A_458 = arith.constant 32 : i32
        %mul3A_459 = arith.muli %select_n3A_457, %mul3A_458 : i32
        %mul3A_460 = arith.constant 16 : i32
        %mul3A_461 = arith.muli %add3A_279, %mul3A_460 : i32
        %add3A_462 = arith.addi %mul3A_459, %mul3A_461 : i32
        %jit3A_463 = arith.constant 16 : i32
        %eq3A_464 = arith.constant 0 : i32
        %eq3A_465 = arith.cmpi eq, %jit3A_463, %eq3A_464 : i32
        %jit3A_466 = arith.constant 1 : i32
        %select_n3A_467 = arith.select %eq3A_465, %jit3A_466, %jit3A_463 : i32
        %rem3A_468 = arith.remsi %add3A_280, %select_n3A_467 : i32
        %ne3A_469 = arith.constant 0 : i32
        %ne3A_470 = arith.cmpi ne, %rem3A_468, %ne3A_469 : i32
        %lt3A_471 = arith.constant 0 : i32
        %lt3A_472 = arith.cmpi slt, %rem3A_468, %lt3A_471 : i32
        %lt3A_473 = arith.constant 0 : i32
        %lt3A_474 = arith.cmpi slt, %select_n3A_467, %lt3A_473 : i32
        %ne3A_475 = arith.xori %lt3A_472, %lt3A_474 : i1
        %and3A_476 = arith.andi %ne3A_475, %ne3A_470 : i1
        %add3A_477 = arith.addi %rem3A_468, %select_n3A_467 : i32
        %select_n3A_478 = arith.select %and3A_476, %add3A_477, %rem3A_468 : i32
        %add3A_479 = arith.addi %add3A_462, %select_n3A_478 : i32
        %jit3A_480 = arith.constant 16 : i32
        %div3A_481 = arith.divsi %add3A_316, %jit3A_480 : i32
        %sign3A_482 = arith.constant 0 : i32
        %sign3A_483 = arith.cmpi sgt, %add3A_316, %sign3A_482 : i32
        %sign3A_484 = arith.extui %sign3A_483 : i1 to i32
        %sign3A_485 = arith.constant 0 : i32
        %sign3A_486 = arith.cmpi slt, %add3A_316, %sign3A_485 : i32
        %sign3A_487 = arith.extui %sign3A_486 : i1 to i32
        %sign3A_488 = arith.subi %sign3A_484, %sign3A_487 : i32
        %sign3A_489 = arith.constant 0 : i32
        %sign3A_490 = arith.cmpi sgt, %jit3A_480, %sign3A_489 : i32
        %sign3A_491 = arith.extui %sign3A_490 : i1 to i32
        %sign3A_492 = arith.constant 0 : i32
        %sign3A_493 = arith.cmpi slt, %jit3A_480, %sign3A_492 : i32
        %sign3A_494 = arith.extui %sign3A_493 : i1 to i32
        %sign3A_495 = arith.subi %sign3A_491, %sign3A_494 : i32
        %ne3A_496 = arith.cmpi ne, %sign3A_488, %sign3A_495 : i32
        %rem3A_497 = arith.remsi %add3A_316, %jit3A_480 : i32
        %ne3A_498 = arith.constant 0 : i32
        %ne3A_499 = arith.cmpi ne, %rem3A_497, %ne3A_498 : i32
        %and3A_500 = arith.andi %ne3A_496, %ne3A_499 : i1
        %sub3A_501 = arith.constant 1 : i32
        %sub3A_502 = arith.subi %div3A_481, %sub3A_501 : i32
        %select_n3A_503 = arith.select %and3A_500, %sub3A_502, %div3A_481 : i32
        %mul3A_504 = arith.constant 32 : i32
        %mul3A_505 = arith.muli %select_n3A_503, %mul3A_504 : i32
        %mul3A_506 = arith.constant 16 : i32
        %mul3A_507 = arith.muli %add3A_315, %mul3A_506 : i32
        %add3A_508 = arith.addi %mul3A_505, %mul3A_507 : i32
        %jit3A_509 = arith.constant 16 : i32
        %eq3A_510 = arith.constant 0 : i32
        %eq3A_511 = arith.cmpi eq, %jit3A_509, %eq3A_510 : i32
        %jit3A_512 = arith.constant 1 : i32
        %select_n3A_513 = arith.select %eq3A_511, %jit3A_512, %jit3A_509 : i32
        %rem3A_514 = arith.remsi %add3A_316, %select_n3A_513 : i32
        %ne3A_515 = arith.constant 0 : i32
        %ne3A_516 = arith.cmpi ne, %rem3A_514, %ne3A_515 : i32
        %lt3A_517 = arith.constant 0 : i32
        %lt3A_518 = arith.cmpi slt, %rem3A_514, %lt3A_517 : i32
        %lt3A_519 = arith.constant 0 : i32
        %lt3A_520 = arith.cmpi slt, %select_n3A_513, %lt3A_519 : i32
        %ne3A_521 = arith.xori %lt3A_518, %lt3A_520 : i1
        %and3A_522 = arith.andi %ne3A_521, %ne3A_516 : i1
        %add3A_523 = arith.addi %rem3A_514, %select_n3A_513 : i32
        %select_n3A_524 = arith.select %and3A_522, %add3A_523, %rem3A_514 : i32
        %add3A_525 = arith.addi %add3A_508, %select_n3A_524 : i32
        %ne3A_526 = arith.cmpi ne, %add3A_479, %add3A_525 : i32
        %or3A_527 = arith.constant false
        %or3A_528 = arith.ori %or3A_527, %ne3A_526 : i1
        %or3A_529 = arith.constant false
        %or3A_530 = arith.ori %or3A_528, %or3A_529 : i1
        %ge3A_531 = arith.constant 3 : i32
        %ge3A_532 = arith.cmpi sge, %scan3A_267, %ge3A_531 : i32
        %not3A_533 = arith.constant true
        %not3A_534 = arith.xori %ge3A_532, %not3A_533 : i1
        %and3A_535 = arith.andi %or3A_530, %not3A_534 : i1
        %mul3A_536 = arith.constant 4 : i32
        %mul3A_537 = arith.muli %add3A_279, %mul3A_536 : i32
        %jit3A_538 = arith.constant 16 : i32
        %div3A_539 = arith.divsi %add3A_280, %jit3A_538 : i32
        %sign3A_540 = arith.constant 0 : i32
        %sign3A_541 = arith.cmpi sgt, %add3A_280, %sign3A_540 : i32
        %sign3A_542 = arith.extui %sign3A_541 : i1 to i32
        %sign3A_543 = arith.constant 0 : i32
        %sign3A_544 = arith.cmpi slt, %add3A_280, %sign3A_543 : i32
        %sign3A_545 = arith.extui %sign3A_544 : i1 to i32
        %sign3A_546 = arith.subi %sign3A_542, %sign3A_545 : i32
        %sign3A_547 = arith.constant 0 : i32
        %sign3A_548 = arith.cmpi sgt, %jit3A_538, %sign3A_547 : i32
        %sign3A_549 = arith.extui %sign3A_548 : i1 to i32
        %sign3A_550 = arith.constant 0 : i32
        %sign3A_551 = arith.cmpi slt, %jit3A_538, %sign3A_550 : i32
        %sign3A_552 = arith.extui %sign3A_551 : i1 to i32
        %sign3A_553 = arith.subi %sign3A_549, %sign3A_552 : i32
        %ne3A_554 = arith.cmpi ne, %sign3A_546, %sign3A_553 : i32
        %rem3A_555 = arith.remsi %add3A_280, %jit3A_538 : i32
        %ne3A_556 = arith.constant 0 : i32
        %ne3A_557 = arith.cmpi ne, %rem3A_555, %ne3A_556 : i32
        %and3A_558 = arith.andi %ne3A_554, %ne3A_557 : i1
        %sub3A_559 = arith.constant 1 : i32
        %sub3A_560 = arith.subi %div3A_539, %sub3A_559 : i32
        %select_n3A_561 = arith.select %and3A_558, %sub3A_560, %div3A_539 : i32
        %add3A_562 = arith.addi %mul3A_537, %select_n3A_561 : i32
        %jit3A_563 = arith.constant 16 : i32
        %eq3A_564 = arith.constant 0 : i32
        %eq3A_565 = arith.cmpi eq, %jit3A_563, %eq3A_564 : i32
        %jit3A_566 = arith.constant 1 : i32
        %select_n3A_567 = arith.select %eq3A_565, %jit3A_566, %jit3A_563 : i32
        %rem3A_568 = arith.remsi %add3A_280, %select_n3A_567 : i32
        %ne3A_569 = arith.constant 0 : i32
        %ne3A_570 = arith.cmpi ne, %rem3A_568, %ne3A_569 : i32
        %lt3A_571 = arith.constant 0 : i32
        %lt3A_572 = arith.cmpi slt, %rem3A_568, %lt3A_571 : i32
        %lt3A_573 = arith.constant 0 : i32
        %lt3A_574 = arith.cmpi slt, %select_n3A_567, %lt3A_573 : i32
        %ne3A_575 = arith.xori %lt3A_572, %lt3A_574 : i1
        %and3A_576 = arith.andi %ne3A_575, %ne3A_570 : i1
        %add3A_577 = arith.addi %rem3A_568, %select_n3A_567 : i32
        %select_n3A_578 = arith.select %and3A_576, %add3A_577, %rem3A_568 : i32
        %mul3A_579 = arith.constant 4 : i32
        %mul3A_580 = arith.muli %add3A_297, %mul3A_579 : i32
        %jit3A_581 = arith.constant 16 : i32
        %div3A_582 = arith.divsi %add3A_298, %jit3A_581 : i32
        %sign3A_583 = arith.constant 0 : i32
        %sign3A_584 = arith.cmpi sgt, %add3A_298, %sign3A_583 : i32
        %sign3A_585 = arith.extui %sign3A_584 : i1 to i32
        %sign3A_586 = arith.constant 0 : i32
        %sign3A_587 = arith.cmpi slt, %add3A_298, %sign3A_586 : i32
        %sign3A_588 = arith.extui %sign3A_587 : i1 to i32
        %sign3A_589 = arith.subi %sign3A_585, %sign3A_588 : i32
        %sign3A_590 = arith.constant 0 : i32
        %sign3A_591 = arith.cmpi sgt, %jit3A_581, %sign3A_590 : i32
        %sign3A_592 = arith.extui %sign3A_591 : i1 to i32
        %sign3A_593 = arith.constant 0 : i32
        %sign3A_594 = arith.cmpi slt, %jit3A_581, %sign3A_593 : i32
        %sign3A_595 = arith.extui %sign3A_594 : i1 to i32
        %sign3A_596 = arith.subi %sign3A_592, %sign3A_595 : i32
        %ne3A_597 = arith.cmpi ne, %sign3A_589, %sign3A_596 : i32
        %rem3A_598 = arith.remsi %add3A_298, %jit3A_581 : i32
        %ne3A_599 = arith.constant 0 : i32
        %ne3A_600 = arith.cmpi ne, %rem3A_598, %ne3A_599 : i32
        %and3A_601 = arith.andi %ne3A_597, %ne3A_600 : i1
        %sub3A_602 = arith.constant 1 : i32
        %sub3A_603 = arith.subi %div3A_582, %sub3A_602 : i32
        %select_n3A_604 = arith.select %and3A_601, %sub3A_603, %div3A_582 : i32
        %add3A_605 = arith.addi %mul3A_580, %select_n3A_604 : i32
        %jit3A_606 = arith.constant 16 : i32
        %eq3A_607 = arith.constant 0 : i32
        %eq3A_608 = arith.cmpi eq, %jit3A_606, %eq3A_607 : i32
        %jit3A_609 = arith.constant 1 : i32
        %select_n3A_610 = arith.select %eq3A_608, %jit3A_609, %jit3A_606 : i32
        %rem3A_611 = arith.remsi %add3A_298, %select_n3A_610 : i32
        %ne3A_612 = arith.constant 0 : i32
        %ne3A_613 = arith.cmpi ne, %rem3A_611, %ne3A_612 : i32
        %lt3A_614 = arith.constant 0 : i32
        %lt3A_615 = arith.cmpi slt, %rem3A_611, %lt3A_614 : i32
        %lt3A_616 = arith.constant 0 : i32
        %lt3A_617 = arith.cmpi slt, %select_n3A_610, %lt3A_616 : i32
        %ne3A_618 = arith.xori %lt3A_615, %lt3A_617 : i1
        %and3A_619 = arith.andi %ne3A_618, %ne3A_613 : i1
        %add3A_620 = arith.addi %rem3A_611, %select_n3A_610 : i32
        %select_n3A_621 = arith.select %and3A_619, %add3A_620, %rem3A_611 : i32
        %ne3A_622 = arith.cmpi ne, %add3A_562, %add3A_605 : i32
        %ne3A_623 = arith.cmpi ne, %select_n3A_578, %select_n3A_621 : i32
        %or3A_624 = arith.constant false
        %or3A_625 = arith.ori %or3A_624, %ne3A_622 : i1
        %or3A_626 = arith.ori %or3A_625, %ne3A_623 : i1
        %or3A_627 = arith.ori %or3A_626, %eq3A_275 : i1
        %convert_element_type3A_628 = arith.extui %or3A_627 : i1 to i32
        %cond3A_629 = arith.constant 0 : i32
        %cond3A_630 = arith.cmpi ne, %convert_element_type3A_628, %cond3A_629 : i32
        scf.if %cond3A_630 {
          "tpu.trace_start"() <{level = 10 : i32, message = "ep_wait_in"}> : () -> ()
          %mul3A_1257 = arith.constant 4 : i32
          %mul3A_1258 = arith.muli %add3A_279, %mul3A_1257 : i32
          %jit3A_1259 = arith.constant 16 : i32
          %div3A_1260 = arith.divsi %add3A_280, %jit3A_1259 : i32
          %sign3A_1261 = arith.constant 0 : i32
          %sign3A_1262 = arith.cmpi sgt, %add3A_280, %sign3A_1261 : i32
          %sign3A_1263 = arith.extui %sign3A_1262 : i1 to i32
          %sign3A_1264 = arith.constant 0 : i32
          %sign3A_1265 = arith.cmpi slt, %add3A_280, %sign3A_1264 : i32
          %sign3A_1266 = arith.extui %sign3A_1265 : i1 to i32
          %sign3A_1267 = arith.subi %sign3A_1263, %sign3A_1266 : i32
          %sign3A_1268 = arith.constant 0 : i32
          %sign3A_1269 = arith.cmpi sgt, %jit3A_1259, %sign3A_1268 : i32
          %sign3A_1270 = arith.extui %sign3A_1269 : i1 to i32
          %sign3A_1271 = arith.constant 0 : i32
          %sign3A_1272 = arith.cmpi slt, %jit3A_1259, %sign3A_1271 : i32
          %sign3A_1273 = arith.extui %sign3A_1272 : i1 to i32
          %sign3A_1274 = arith.subi %sign3A_1270, %sign3A_1273 : i32
          %ne3A_1275 = arith.cmpi ne, %sign3A_1267, %sign3A_1274 : i32
          %rem3A_1276 = arith.remsi %add3A_280, %jit3A_1259 : i32
          %ne3A_1277 = arith.constant 0 : i32
          %ne3A_1278 = arith.cmpi ne, %rem3A_1276, %ne3A_1277 : i32
          %and3A_1279 = arith.andi %ne3A_1275, %ne3A_1278 : i1
          %sub3A_1280 = arith.constant 1 : i32
          %sub3A_1281 = arith.subi %div3A_1260, %sub3A_1280 : i32
          %select_n3A_1282 = arith.select %and3A_1279, %sub3A_1281, %div3A_1260 : i32
          %add3A_1283 = arith.addi %mul3A_1258, %select_n3A_1282 : i32
          %jit3A_1284 = arith.constant 16 : i32
          %eq3A_1285 = arith.constant 0 : i32
          %eq3A_1286 = arith.cmpi eq, %jit3A_1284, %eq3A_1285 : i32
          %jit3A_1287 = arith.constant 1 : i32
          %select_n3A_1288 = arith.select %eq3A_1286, %jit3A_1287, %jit3A_1284 : i32
          %rem3A_1289 = arith.remsi %add3A_280, %select_n3A_1288 : i32
          %ne3A_1290 = arith.constant 0 : i32
          %ne3A_1291 = arith.cmpi ne, %rem3A_1289, %ne3A_1290 : i32
          %lt3A_1292 = arith.constant 0 : i32
          %lt3A_1293 = arith.cmpi slt, %rem3A_1289, %lt3A_1292 : i32
          %lt3A_1294 = arith.constant 0 : i32
          %lt3A_1295 = arith.cmpi slt, %select_n3A_1288, %lt3A_1294 : i32
          %ne3A_1296 = arith.xori %lt3A_1293, %lt3A_1295 : i1
          %and3A_1297 = arith.andi %ne3A_1296, %ne3A_1291 : i1
          %add3A_1298 = arith.addi %rem3A_1289, %select_n3A_1288 : i32
          %select_n3A_1299 = arith.select %and3A_1297, %add3A_1298, %rem3A_1289 : i32
          %mul3A_1300 = arith.constant 1 : i32
          %mul3A_1301 = arith.muli %mul3A_1300, %add3A_1283 : i32
          %mul3A_1302 = arith.constant 128 : i32
          %mul3A_1303 = arith.muli %mul3A_1302, %select_n3A_1299 : i32
          %rem3A_1304 = arith.constant 2 : i32
          %rem3A_1305 = arith.remui %scan3A_269, %rem3A_1304 : i32
          %dma_wait3A_1306 = arith.constant 0 : i32
          %dma_wait3A_1307 = arith.constant 0 : i32
          %dma_wait3A_1308 = tpu.memref_slice %run_scoped3A[%rem3A_1305, %dma_wait3A_1306, %dma_wait3A_1307] : memref<2x1x128xi32, #tpu.memory_space<vmem>> -> memref<1x1x128xi32, #tpu.memory_space<vmem>>
          %dma_wait3A_1309 = tpu.memref_squeeze %dma_wait3A_1308 : memref<1x1x128xi32, #tpu.memory_space<vmem>> -> memref<1x128xi32, #tpu.memory_space<vmem>>
          %dma_wait3A_1310 = tpu.memref_slice %arg3[%mul3A_1301, %mul3A_1303] : memref<8x2048xi32, #tpu.memory_space<hbm>> -> memref<1x128xi32, #tpu.memory_space<hbm>>
          %dma_wait3A_1311 = tpu.memref_slice %run_scoped3A_7[%rem3A_1305] : memref<2x!tpu.dma_semaphore, #tpu.memory_space<semaphore_mem>> -> memref<1x!tpu.dma_semaphore, #tpu.memory_space<semaphore_mem>>
          %dma_wait3A_1312 = tpu.memref_squeeze %dma_wait3A_1311 : memref<1x!tpu.dma_semaphore, #tpu.memory_space<semaphore_mem>> -> memref<!tpu.dma_semaphore, #tpu.memory_space<semaphore_mem>>
          %dma_wait3A_1313 = arith.constant 0 : i32
          %dma_wait3A_1314 = arith.constant 0 : i32
          %dma_wait3A_1315 = tpu.memref_slice %run_scoped3A[%rem3A_1305, %dma_wait3A_1313, %dma_wait3A_1314] : memref<2x1x128xi32, #tpu.memory_space<vmem>> -> memref<1x1x128xi32, #tpu.memory_space<vmem>>
          %dma_wait3A_1316 = tpu.memref_squeeze %dma_wait3A_1315 : memref<1x1x128xi32, #tpu.memory_space<vmem>> -> memref<1x128xi32, #tpu.memory_space<vmem>>
          %dma_wait3A_1317 = tpu.memref_slice %arg3[%mul3A_1301, %mul3A_1303] : memref<8x2048xi32, #tpu.memory_space<hbm>> -> memref<1x128xi32, #tpu.memory_space<hbm>>
          tpu.wait_dma2 semaphore(%dma_wait3A_1312 : memref<!tpu.dma_semaphore, #tpu.memory_space<semaphore_mem>>) src(%dma_wait3A_1317 : memref<1x128xi32, #tpu.memory_space<hbm>>) dst(%dma_wait3A_1316 : memref<1x128xi32, #tpu.memory_space<vmem>>)
          "tpu.trace_stop"() : () -> ()
        } else {
        }
        %jit3A_631 = arith.constant 16 : i32
        %div3A_632 = arith.divsi %add3A_280, %jit3A_631 : i32
        %sign3A_633 = arith.constant 0 : i32
        %sign3A_634 = arith.cmpi sgt, %add3A_280, %sign3A_633 : i32
        %sign3A_635 = arith.extui %sign3A_634 : i1 to i32
        %sign3A_636 = arith.constant 0 : i32
        %sign3A_637 = arith.cmpi slt, %add3A_280, %sign3A_636 : i32
        %sign3A_638 = arith.extui %sign3A_637 : i1 to i32
        %sign3A_639 = arith.subi %sign3A_635, %sign3A_638 : i32
        %sign3A_640 = arith.constant 0 : i32
        %sign3A_641 = arith.cmpi sgt, %jit3A_631, %sign3A_640 : i32
        %sign3A_642 = arith.extui %sign3A_641 : i1 to i32
        %sign3A_643 = arith.constant 0 : i32
        %sign3A_644 = arith.cmpi slt, %jit3A_631, %sign3A_643 : i32
        %sign3A_645 = arith.extui %sign3A_644 : i1 to i32
        %sign3A_646 = arith.subi %sign3A_642, %sign3A_645 : i32
        %ne3A_647 = arith.cmpi ne, %sign3A_639, %sign3A_646 : i32
        %rem3A_648 = arith.remsi %add3A_280, %jit3A_631 : i32
        %ne3A_649 = arith.constant 0 : i32
        %ne3A_650 = arith.cmpi ne, %rem3A_648, %ne3A_649 : i32
        %and3A_651 = arith.andi %ne3A_647, %ne3A_650 : i1
        %sub3A_652 = arith.constant 1 : i32
        %sub3A_653 = arith.subi %div3A_632, %sub3A_652 : i32
        %select_n3A_654 = arith.select %and3A_651, %sub3A_653, %div3A_632 : i32
        %mul3A_655 = arith.constant 32 : i32
        %mul3A_656 = arith.muli %select_n3A_654, %mul3A_655 : i32
        %mul3A_657 = arith.constant 16 : i32
        %mul3A_658 = arith.muli %add3A_279, %mul3A_657 : i32
        %add3A_659 = arith.addi %mul3A_656, %mul3A_658 : i32
        %jit3A_660 = arith.constant 16 : i32
        %eq3A_661 = arith.constant 0 : i32
        %eq3A_662 = arith.cmpi eq, %jit3A_660, %eq3A_661 : i32
        %jit3A_663 = arith.constant 1 : i32
        %select_n3A_664 = arith.select %eq3A_662, %jit3A_663, %jit3A_660 : i32
        %rem3A_665 = arith.remsi %add3A_280, %select_n3A_664 : i32
        %ne3A_666 = arith.constant 0 : i32
        %ne3A_667 = arith.cmpi ne, %rem3A_665, %ne3A_666 : i32
        %lt3A_668 = arith.constant 0 : i32
        %lt3A_669 = arith.cmpi slt, %rem3A_665, %lt3A_668 : i32
        %lt3A_670 = arith.constant 0 : i32
        %lt3A_671 = arith.cmpi slt, %select_n3A_664, %lt3A_670 : i32
        %ne3A_672 = arith.xori %lt3A_669, %lt3A_671 : i1
        %and3A_673 = arith.andi %ne3A_672, %ne3A_667 : i1
        %add3A_674 = arith.addi %rem3A_665, %select_n3A_664 : i32
        %select_n3A_675 = arith.select %and3A_673, %add3A_674, %rem3A_665 : i32
        %add3A_676 = arith.addi %add3A_659, %select_n3A_675 : i32
        %jit3A_677 = arith.constant 16 : i32
        %div3A_678 = arith.divsi %add3A_298, %jit3A_677 : i32
        %sign3A_679 = arith.constant 0 : i32
        %sign3A_680 = arith.cmpi sgt, %add3A_298, %sign3A_679 : i32
        %sign3A_681 = arith.extui %sign3A_680 : i1 to i32
        %sign3A_682 = arith.constant 0 : i32
        %sign3A_683 = arith.cmpi slt, %add3A_298, %sign3A_682 : i32
        %sign3A_684 = arith.extui %sign3A_683 : i1 to i32
        %sign3A_685 = arith.subi %sign3A_681, %sign3A_684 : i32
        %sign3A_686 = arith.constant 0 : i32
        %sign3A_687 = arith.cmpi sgt, %jit3A_677, %sign3A_686 : i32
        %sign3A_688 = arith.extui %sign3A_687 : i1 to i32
        %sign3A_689 = arith.constant 0 : i32
        %sign3A_690 = arith.cmpi slt, %jit3A_677, %sign3A_689 : i32
        %sign3A_691 = arith.extui %sign3A_690 : i1 to i32
        %sign3A_692 = arith.subi %sign3A_688, %sign3A_691 : i32
        %ne3A_693 = arith.cmpi ne, %sign3A_685, %sign3A_692 : i32
        %rem3A_694 = arith.remsi %add3A_298, %jit3A_677 : i32
        %ne3A_695 = arith.constant 0 : i32
        %ne3A_696 = arith.cmpi ne, %rem3A_694, %ne3A_695 : i32
        %and3A_697 = arith.andi %ne3A_693, %ne3A_696 : i1
        %sub3A_698 = arith.constant 1 : i32
        %sub3A_699 = arith.subi %div3A_678, %sub3A_698 : i32
        %select_n3A_700 = arith.select %and3A_697, %sub3A_699, %div3A_678 : i32
        %mul3A_701 = arith.constant 32 : i32
        %mul3A_702 = arith.muli %select_n3A_700, %mul3A_701 : i32
        %mul3A_703 = arith.constant 16 : i32
        %mul3A_704 = arith.muli %add3A_297, %mul3A_703 : i32
        %add3A_705 = arith.addi %mul3A_702, %mul3A_704 : i32
        %jit3A_706 = arith.constant 16 : i32
        %eq3A_707 = arith.constant 0 : i32
        %eq3A_708 = arith.cmpi eq, %jit3A_706, %eq3A_707 : i32
        %jit3A_709 = arith.constant 1 : i32
        %select_n3A_710 = arith.select %eq3A_708, %jit3A_709, %jit3A_706 : i32
        %rem3A_711 = arith.remsi %add3A_298, %select_n3A_710 : i32
        %ne3A_712 = arith.constant 0 : i32
        %ne3A_713 = arith.cmpi ne, %rem3A_711, %ne3A_712 : i32
        %lt3A_714 = arith.constant 0 : i32
        %lt3A_715 = arith.cmpi slt, %rem3A_711, %lt3A_714 : i32
        %lt3A_716 = arith.constant 0 : i32
        %lt3A_717 = arith.cmpi slt, %select_n3A_710, %lt3A_716 : i32
        %ne3A_718 = arith.xori %lt3A_715, %lt3A_717 : i1
        %and3A_719 = arith.andi %ne3A_718, %ne3A_713 : i1
        %add3A_720 = arith.addi %rem3A_711, %select_n3A_710 : i32
        %select_n3A_721 = arith.select %and3A_719, %add3A_720, %rem3A_711 : i32
        %add3A_722 = arith.addi %add3A_705, %select_n3A_721 : i32
        %ne3A_723 = arith.cmpi ne, %add3A_676, %add3A_722 : i32
        %or3A_724 = arith.constant false
        %or3A_725 = arith.ori %or3A_724, %ne3A_723 : i1
        %or3A_726 = arith.constant false
        %or3A_727 = arith.ori %or3A_725, %or3A_726 : i1
        %or3A_728 = arith.ori %or3A_727, %eq3A_275 : i1
        %convert_element_type3A_729 = arith.extui %or3A_728 : i1 to i32
        %cond3A_730 = arith.constant 0 : i32
        %cond3A_731 = arith.cmpi ne, %convert_element_type3A_729, %cond3A_730 : i32
        scf.if %cond3A_731 {
        } else {
        }
        %rem3A_732 = arith.constant 2 : i32
        %rem3A_733 = arith.remui %scan3A_269, %rem3A_732 : i32
        %rem3A_734 = arith.constant 2 : i32
        %rem3A_735 = arith.remui %scan3A_270, %rem3A_734 : i32
        %run_scoped3A_736 = arith.constant 0 : i32
        "tpu.trace_start"() <{level = 10 : i32, message = "ep_run_kernel"}> : () -> ()
        "tpu.region"() ({
          %run_scoped3A_1257 = tpu.sem_alloc : memref<!tpu.dma_semaphore, #tpu.memory_space<semaphore_mem>>
          %dma_start3A_1258 = arith.constant 0 : i32
          %dma_start3A_1259 = arith.constant 0 : i32
          %dma_start3A_1260 = tpu.memref_slice %run_scoped3A_8[%rem3A_735, %dma_start3A_1258, %dma_start3A_1259] : memref<2x128x256xf32, #tpu.memory_space<vmem>> -> memref<1x128x256xf32, #tpu.memory_space<vmem>>
          %dma_start3A_1261 = tpu.memref_squeeze %dma_start3A_1260 : memref<1x128x256xf32, #tpu.memory_space<vmem>> -> memref<128x256xf32, #tpu.memory_space<vmem>>
          %dma_start3A_1262 = arith.constant 0 : i32
          %dma_start3A_1263 = arith.constant 0 : i32
          %dma_start3A_1264 = tpu.memref_slice %run_scoped3A[%rem3A_733, %dma_start3A_1262, %dma_start3A_1263] : memref<2x1x128xi32, #tpu.memory_space<vmem>> -> memref<1x1x128xi32, #tpu.memory_space<vmem>>
          %dma_start3A_1265 = tpu.memref_squeeze %dma_start3A_1264 : memref<1x1x128xi32, #tpu.memory_space<vmem>> -> memref<1x128xi32, #tpu.memory_space<vmem>>
          %dma_start3A_1266 = arith.constant 0 : i32
          %dma_start3A_1267 = tpu.memref_slice %dma_start3A_1265[%run_scoped3A_736, %dma_start3A_1266] : memref<1x128xi32, #tpu.memory_space<vmem>> -> memref<1x128xi32, #tpu.memory_space<vmem>>
          %dma_start3A_1268 = tpu.memref_squeeze %dma_start3A_1267 : memref<1x128xi32, #tpu.memory_space<vmem>> -> memref<128xi32, #tpu.memory_space<vmem>>
          %dma_start3A_1269 = arith.constant 0 : i32
          %dma_start3A_1270 = arith.constant 0 : i32
          %dma_start3A_1271 = tpu.memref_slice %arg2[%dma_start3A_1269, %dma_start3A_1270] : memref<23552x256xf32, #tpu.memory_space<hbm>> -> memref<23552x256xf32, #tpu.memory_space<hbm>>
          tpu.enqueue_indirect_dma source(%dma_start3A_1271 : memref<23552x256xf32, #tpu.memory_space<hbm>>) target(%dma_start3A_1261 : memref<128x256xf32, #tpu.memory_space<vmem>>) offsets(%dma_start3A_1268 : memref<128xi32, #tpu.memory_space<vmem>>) semaphore(%run_scoped3A_1257 : memref<!tpu.dma_semaphore, #tpu.memory_space<semaphore_mem>>)
          %dma_wait3A_1272 = arith.constant 0 : i32
          %dma_wait3A_1273 = arith.constant 0 : i32
          %dma_wait3A_1274 = tpu.memref_slice %run_scoped3A_8[%rem3A_735, %dma_wait3A_1272, %dma_wait3A_1273] : memref<2x128x256xf32, #tpu.memory_space<vmem>> -> memref<1x128x256xf32, #tpu.memory_space<vmem>>
          %dma_wait3A_1275 = tpu.memref_squeeze %dma_wait3A_1274 : memref<1x128x256xf32, #tpu.memory_space<vmem>> -> memref<128x256xf32, #tpu.memory_space<vmem>>
          %dma_wait3A_1276 = arith.constant 0 : i32
          %dma_wait3A_1277 = arith.constant 0 : i32
          %dma_wait3A_1278 = tpu.memref_slice %run_scoped3A[%rem3A_733, %dma_wait3A_1276, %dma_wait3A_1277] : memref<2x1x128xi32, #tpu.memory_space<vmem>> -> memref<1x1x128xi32, #tpu.memory_space<vmem>>
          %dma_wait3A_1279 = tpu.memref_squeeze %dma_wait3A_1278 : memref<1x1x128xi32, #tpu.memory_space<vmem>> -> memref<1x128xi32, #tpu.memory_space<vmem>>
          %dma_wait3A_1280 = arith.constant 0 : i32
          %dma_wait3A_1281 = tpu.memref_slice %dma_wait3A_1279[%run_scoped3A_736, %dma_wait3A_1280] : memref<1x128xi32, #tpu.memory_space<vmem>> -> memref<1x128xi32, #tpu.memory_space<vmem>>
          %dma_wait3A_1282 = tpu.memref_squeeze %dma_wait3A_1281 : memref<1x128xi32, #tpu.memory_space<vmem>> -> memref<128xi32, #tpu.memory_space<vmem>>
          %dma_wait3A_1283 = arith.constant 0 : i32
          %dma_wait3A_1284 = arith.constant 0 : i32
          %dma_wait3A_1285 = tpu.memref_slice %arg2[%dma_wait3A_1283, %dma_wait3A_1284] : memref<23552x256xf32, #tpu.memory_space<hbm>> -> memref<23552x256xf32, #tpu.memory_space<hbm>>
          tpu.wait_indirect_dma semaphore(%run_scoped3A_1257 : memref<!tpu.dma_semaphore, #tpu.memory_space<semaphore_mem>>) src(%dma_wait3A_1285 : memref<23552x256xf32, #tpu.memory_space<hbm>>) dst(%dma_wait3A_1275 : memref<128x256xf32, #tpu.memory_space<vmem>>)
          tpu.yield
        }) : () -> ()
        "tpu.trace_stop"() : () -> ()
        %mul3A_737 = arith.constant 4 : i32
        %mul3A_738 = arith.muli %add3A_279, %mul3A_737 : i32
        %jit3A_739 = arith.constant 16 : i32
        %div3A_740 = arith.divsi %add3A_280, %jit3A_739 : i32
        %sign3A_741 = arith.constant 0 : i32
        %sign3A_742 = arith.cmpi sgt, %add3A_280, %sign3A_741 : i32
        %sign3A_743 = arith.extui %sign3A_742 : i1 to i32
        %sign3A_744 = arith.constant 0 : i32
        %sign3A_745 = arith.cmpi slt, %add3A_280, %sign3A_744 : i32
        %sign3A_746 = arith.extui %sign3A_745 : i1 to i32
        %sign3A_747 = arith.subi %sign3A_743, %sign3A_746 : i32
        %sign3A_748 = arith.constant 0 : i32
        %sign3A_749 = arith.cmpi sgt, %jit3A_739, %sign3A_748 : i32
        %sign3A_750 = arith.extui %sign3A_749 : i1 to i32
        %sign3A_751 = arith.constant 0 : i32
        %sign3A_752 = arith.cmpi slt, %jit3A_739, %sign3A_751 : i32
        %sign3A_753 = arith.extui %sign3A_752 : i1 to i32
        %sign3A_754 = arith.subi %sign3A_750, %sign3A_753 : i32
        %ne3A_755 = arith.cmpi ne, %sign3A_747, %sign3A_754 : i32
        %rem3A_756 = arith.remsi %add3A_280, %jit3A_739 : i32
        %ne3A_757 = arith.constant 0 : i32
        %ne3A_758 = arith.cmpi ne, %rem3A_756, %ne3A_757 : i32
        %and3A_759 = arith.andi %ne3A_755, %ne3A_758 : i1
        %sub3A_760 = arith.constant 1 : i32
        %sub3A_761 = arith.subi %div3A_740, %sub3A_760 : i32
        %select_n3A_762 = arith.select %and3A_759, %sub3A_761, %div3A_740 : i32
        %add3A_763 = arith.addi %mul3A_738, %select_n3A_762 : i32
        %jit3A_764 = arith.constant 16 : i32
        %eq3A_765 = arith.constant 0 : i32
        %eq3A_766 = arith.cmpi eq, %jit3A_764, %eq3A_765 : i32
        %jit3A_767 = arith.constant 1 : i32
        %select_n3A_768 = arith.select %eq3A_766, %jit3A_767, %jit3A_764 : i32
        %rem3A_769 = arith.remsi %add3A_280, %select_n3A_768 : i32
        %ne3A_770 = arith.constant 0 : i32
        %ne3A_771 = arith.cmpi ne, %rem3A_769, %ne3A_770 : i32
        %lt3A_772 = arith.constant 0 : i32
        %lt3A_773 = arith.cmpi slt, %rem3A_769, %lt3A_772 : i32
        %lt3A_774 = arith.constant 0 : i32
        %lt3A_775 = arith.cmpi slt, %select_n3A_768, %lt3A_774 : i32
        %ne3A_776 = arith.xori %lt3A_773, %lt3A_775 : i1
        %and3A_777 = arith.andi %ne3A_776, %ne3A_771 : i1
        %add3A_778 = arith.addi %rem3A_769, %select_n3A_768 : i32
        %select_n3A_779 = arith.select %and3A_777, %add3A_778, %rem3A_769 : i32
        %mul3A_780 = arith.constant 4 : i32
        %mul3A_781 = arith.muli %add3A_315, %mul3A_780 : i32
        %jit3A_782 = arith.constant 16 : i32
        %div3A_783 = arith.divsi %add3A_316, %jit3A_782 : i32
        %sign3A_784 = arith.constant 0 : i32
        %sign3A_785 = arith.cmpi sgt, %add3A_316, %sign3A_784 : i32
        %sign3A_786 = arith.extui %sign3A_785 : i1 to i32
        %sign3A_787 = arith.constant 0 : i32
        %sign3A_788 = arith.cmpi slt, %add3A_316, %sign3A_787 : i32
        %sign3A_789 = arith.extui %sign3A_788 : i1 to i32
        %sign3A_790 = arith.subi %sign3A_786, %sign3A_789 : i32
        %sign3A_791 = arith.constant 0 : i32
        %sign3A_792 = arith.cmpi sgt, %jit3A_782, %sign3A_791 : i32
        %sign3A_793 = arith.extui %sign3A_792 : i1 to i32
        %sign3A_794 = arith.constant 0 : i32
        %sign3A_795 = arith.cmpi slt, %jit3A_782, %sign3A_794 : i32
        %sign3A_796 = arith.extui %sign3A_795 : i1 to i32
        %sign3A_797 = arith.subi %sign3A_793, %sign3A_796 : i32
        %ne3A_798 = arith.cmpi ne, %sign3A_790, %sign3A_797 : i32
        %rem3A_799 = arith.remsi %add3A_316, %jit3A_782 : i32
        %ne3A_800 = arith.constant 0 : i32
        %ne3A_801 = arith.cmpi ne, %rem3A_799, %ne3A_800 : i32
        %and3A_802 = arith.andi %ne3A_798, %ne3A_801 : i1
        %sub3A_803 = arith.constant 1 : i32
        %sub3A_804 = arith.subi %div3A_783, %sub3A_803 : i32
        %select_n3A_805 = arith.select %and3A_802, %sub3A_804, %div3A_783 : i32
        %add3A_806 = arith.addi %mul3A_781, %select_n3A_805 : i32
        %jit3A_807 = arith.constant 16 : i32
        %eq3A_808 = arith.constant 0 : i32
        %eq3A_809 = arith.cmpi eq, %jit3A_807, %eq3A_808 : i32
        %jit3A_810 = arith.constant 1 : i32
        %select_n3A_811 = arith.select %eq3A_809, %jit3A_810, %jit3A_807 : i32
        %rem3A_812 = arith.remsi %add3A_316, %select_n3A_811 : i32
        %ne3A_813 = arith.constant 0 : i32
        %ne3A_814 = arith.cmpi ne, %rem3A_812, %ne3A_813 : i32
        %lt3A_815 = arith.constant 0 : i32
        %lt3A_816 = arith.cmpi slt, %rem3A_812, %lt3A_815 : i32
        %lt3A_817 = arith.constant 0 : i32
        %lt3A_818 = arith.cmpi slt, %select_n3A_811, %lt3A_817 : i32
        %ne3A_819 = arith.xori %lt3A_816, %lt3A_818 : i1
        %and3A_820 = arith.andi %ne3A_819, %ne3A_814 : i1
        %add3A_821 = arith.addi %rem3A_812, %select_n3A_811 : i32
        %select_n3A_822 = arith.select %and3A_820, %add3A_821, %rem3A_812 : i32
        %ne3A_823 = arith.cmpi ne, %add3A_763, %add3A_806 : i32
        %ne3A_824 = arith.cmpi ne, %select_n3A_779, %select_n3A_822 : i32
        %or3A_825 = arith.constant false
        %or3A_826 = arith.ori %or3A_825, %ne3A_823 : i1
        %or3A_827 = arith.ori %or3A_826, %ne3A_824 : i1
        %or3A_828 = arith.ori %or3A_827, %eq3A_277 : i1
        %convert_element_type3A_829 = arith.extui %or3A_828 : i1 to i32
        %cond3A_830 = arith.constant 0 : i32
        %cond3A_831 = arith.cmpi ne, %convert_element_type3A_829, %cond3A_830 : i32
        scf.if %cond3A_831 {
        } else {
        }
        %and3A_832 = arith.constant false
        %and3A_833 = arith.andi %or3A_828, %and3A_832 : i1
        %jit3A_834 = arith.constant 16 : i32
        %div3A_835 = arith.divsi %add3A_280, %jit3A_834 : i32
        %sign3A_836 = arith.constant 0 : i32
        %sign3A_837 = arith.cmpi sgt, %add3A_280, %sign3A_836 : i32
        %sign3A_838 = arith.extui %sign3A_837 : i1 to i32
        %sign3A_839 = arith.constant 0 : i32
        %sign3A_840 = arith.cmpi slt, %add3A_280, %sign3A_839 : i32
        %sign3A_841 = arith.extui %sign3A_840 : i1 to i32
        %sign3A_842 = arith.subi %sign3A_838, %sign3A_841 : i32
        %sign3A_843 = arith.constant 0 : i32
        %sign3A_844 = arith.cmpi sgt, %jit3A_834, %sign3A_843 : i32
        %sign3A_845 = arith.extui %sign3A_844 : i1 to i32
        %sign3A_846 = arith.constant 0 : i32
        %sign3A_847 = arith.cmpi slt, %jit3A_834, %sign3A_846 : i32
        %sign3A_848 = arith.extui %sign3A_847 : i1 to i32
        %sign3A_849 = arith.subi %sign3A_845, %sign3A_848 : i32
        %ne3A_850 = arith.cmpi ne, %sign3A_842, %sign3A_849 : i32
        %rem3A_851 = arith.remsi %add3A_280, %jit3A_834 : i32
        %ne3A_852 = arith.constant 0 : i32
        %ne3A_853 = arith.cmpi ne, %rem3A_851, %ne3A_852 : i32
        %and3A_854 = arith.andi %ne3A_850, %ne3A_853 : i1
        %sub3A_855 = arith.constant 1 : i32
        %sub3A_856 = arith.subi %div3A_835, %sub3A_855 : i32
        %select_n3A_857 = arith.select %and3A_854, %sub3A_856, %div3A_835 : i32
        %mul3A_858 = arith.constant 32 : i32
        %mul3A_859 = arith.muli %select_n3A_857, %mul3A_858 : i32
        %mul3A_860 = arith.constant 16 : i32
        %mul3A_861 = arith.muli %add3A_279, %mul3A_860 : i32
        %add3A_862 = arith.addi %mul3A_859, %mul3A_861 : i32
        %jit3A_863 = arith.constant 16 : i32
        %eq3A_864 = arith.constant 0 : i32
        %eq3A_865 = arith.cmpi eq, %jit3A_863, %eq3A_864 : i32
        %jit3A_866 = arith.constant 1 : i32
        %select_n3A_867 = arith.select %eq3A_865, %jit3A_866, %jit3A_863 : i32
        %rem3A_868 = arith.remsi %add3A_280, %select_n3A_867 : i32
        %ne3A_869 = arith.constant 0 : i32
        %ne3A_870 = arith.cmpi ne, %rem3A_868, %ne3A_869 : i32
        %lt3A_871 = arith.constant 0 : i32
        %lt3A_872 = arith.cmpi slt, %rem3A_868, %lt3A_871 : i32
        %lt3A_873 = arith.constant 0 : i32
        %lt3A_874 = arith.cmpi slt, %select_n3A_867, %lt3A_873 : i32
        %ne3A_875 = arith.xori %lt3A_872, %lt3A_874 : i1
        %and3A_876 = arith.andi %ne3A_875, %ne3A_870 : i1
        %add3A_877 = arith.addi %rem3A_868, %select_n3A_867 : i32
        %select_n3A_878 = arith.select %and3A_876, %add3A_877, %rem3A_868 : i32
        %add3A_879 = arith.addi %add3A_862, %select_n3A_878 : i32
        %jit3A_880 = arith.constant 16 : i32
        %div3A_881 = arith.divsi %add3A_316, %jit3A_880 : i32
        %sign3A_882 = arith.constant 0 : i32
        %sign3A_883 = arith.cmpi sgt, %add3A_316, %sign3A_882 : i32
        %sign3A_884 = arith.extui %sign3A_883 : i1 to i32
        %sign3A_885 = arith.constant 0 : i32
        %sign3A_886 = arith.cmpi slt, %add3A_316, %sign3A_885 : i32
        %sign3A_887 = arith.extui %sign3A_886 : i1 to i32
        %sign3A_888 = arith.subi %sign3A_884, %sign3A_887 : i32
        %sign3A_889 = arith.constant 0 : i32
        %sign3A_890 = arith.cmpi sgt, %jit3A_880, %sign3A_889 : i32
        %sign3A_891 = arith.extui %sign3A_890 : i1 to i32
        %sign3A_892 = arith.constant 0 : i32
        %sign3A_893 = arith.cmpi slt, %jit3A_880, %sign3A_892 : i32
        %sign3A_894 = arith.extui %sign3A_893 : i1 to i32
        %sign3A_895 = arith.subi %sign3A_891, %sign3A_894 : i32
        %ne3A_896 = arith.cmpi ne, %sign3A_888, %sign3A_895 : i32
        %rem3A_897 = arith.remsi %add3A_316, %jit3A_880 : i32
        %ne3A_898 = arith.constant 0 : i32
        %ne3A_899 = arith.cmpi ne, %rem3A_897, %ne3A_898 : i32
        %and3A_900 = arith.andi %ne3A_896, %ne3A_899 : i1
        %sub3A_901 = arith.constant 1 : i32
        %sub3A_902 = arith.subi %div3A_881, %sub3A_901 : i32
        %select_n3A_903 = arith.select %and3A_900, %sub3A_902, %div3A_881 : i32
        %mul3A_904 = arith.constant 32 : i32
        %mul3A_905 = arith.muli %select_n3A_903, %mul3A_904 : i32
        %mul3A_906 = arith.constant 16 : i32
        %mul3A_907 = arith.muli %add3A_315, %mul3A_906 : i32
        %add3A_908 = arith.addi %mul3A_905, %mul3A_907 : i32
        %jit3A_909 = arith.constant 16 : i32
        %eq3A_910 = arith.constant 0 : i32
        %eq3A_911 = arith.cmpi eq, %jit3A_909, %eq3A_910 : i32
        %jit3A_912 = arith.constant 1 : i32
        %select_n3A_913 = arith.select %eq3A_911, %jit3A_912, %jit3A_909 : i32
        %rem3A_914 = arith.remsi %add3A_316, %select_n3A_913 : i32
        %ne3A_915 = arith.constant 0 : i32
        %ne3A_916 = arith.cmpi ne, %rem3A_914, %ne3A_915 : i32
        %lt3A_917 = arith.constant 0 : i32
        %lt3A_918 = arith.cmpi slt, %rem3A_914, %lt3A_917 : i32
        %lt3A_919 = arith.constant 0 : i32
        %lt3A_920 = arith.cmpi slt, %select_n3A_913, %lt3A_919 : i32
        %ne3A_921 = arith.xori %lt3A_918, %lt3A_920 : i1
        %and3A_922 = arith.andi %ne3A_921, %ne3A_916 : i1
        %add3A_923 = arith.addi %rem3A_914, %select_n3A_913 : i32
        %select_n3A_924 = arith.select %and3A_922, %add3A_923, %rem3A_914 : i32
        %add3A_925 = arith.addi %add3A_908, %select_n3A_924 : i32
        %ne3A_926 = arith.cmpi ne, %add3A_879, %add3A_925 : i32
        %or3A_927 = arith.constant false
        %or3A_928 = arith.ori %or3A_927, %ne3A_926 : i1
        %or3A_929 = arith.constant false
        %or3A_930 = arith.ori %or3A_928, %or3A_929 : i1
        %or3A_931 = arith.ori %or3A_930, %eq3A_277 : i1
        %convert_element_type3A_932 = arith.extui %or3A_931 : i1 to i32
        %cond3A_933 = arith.constant 0 : i32
        %cond3A_934 = arith.cmpi ne, %convert_element_type3A_932, %cond3A_933 : i32
        scf.if %cond3A_934 {
          "tpu.trace_start"() <{level = 10 : i32, message = "ep_copy_out"}> : () -> ()
          %rem3A_1257 = arith.constant 2 : i32
          %rem3A_1258 = arith.remui %scan3A_270, %rem3A_1257 : i32
          %jit3A_1259 = arith.constant 16 : i32
          %div3A_1260 = arith.divsi %add3A_280, %jit3A_1259 : i32
          %sign3A_1261 = arith.constant 0 : i32
          %sign3A_1262 = arith.cmpi sgt, %add3A_280, %sign3A_1261 : i32
          %sign3A_1263 = arith.extui %sign3A_1262 : i1 to i32
          %sign3A_1264 = arith.constant 0 : i32
          %sign3A_1265 = arith.cmpi slt, %add3A_280, %sign3A_1264 : i32
          %sign3A_1266 = arith.extui %sign3A_1265 : i1 to i32
          %sign3A_1267 = arith.subi %sign3A_1263, %sign3A_1266 : i32
          %sign3A_1268 = arith.constant 0 : i32
          %sign3A_1269 = arith.cmpi sgt, %jit3A_1259, %sign3A_1268 : i32
          %sign3A_1270 = arith.extui %sign3A_1269 : i1 to i32
          %sign3A_1271 = arith.constant 0 : i32
          %sign3A_1272 = arith.cmpi slt, %jit3A_1259, %sign3A_1271 : i32
          %sign3A_1273 = arith.extui %sign3A_1272 : i1 to i32
          %sign3A_1274 = arith.subi %sign3A_1270, %sign3A_1273 : i32
          %ne3A_1275 = arith.cmpi ne, %sign3A_1267, %sign3A_1274 : i32
          %rem3A_1276 = arith.remsi %add3A_280, %jit3A_1259 : i32
          %ne3A_1277 = arith.constant 0 : i32
          %ne3A_1278 = arith.cmpi ne, %rem3A_1276, %ne3A_1277 : i32
          %and3A_1279 = arith.andi %ne3A_1275, %ne3A_1278 : i1
          %sub3A_1280 = arith.constant 1 : i32
          %sub3A_1281 = arith.subi %div3A_1260, %sub3A_1280 : i32
          %select_n3A_1282 = arith.select %and3A_1279, %sub3A_1281, %div3A_1260 : i32
          %mul3A_1283 = arith.constant 32 : i32
          %mul3A_1284 = arith.muli %select_n3A_1282, %mul3A_1283 : i32
          %mul3A_1285 = arith.constant 16 : i32
          %mul3A_1286 = arith.muli %add3A_279, %mul3A_1285 : i32
          %add3A_1287 = arith.addi %mul3A_1284, %mul3A_1286 : i32
          %jit3A_1288 = arith.constant 16 : i32
          %eq3A_1289 = arith.constant 0 : i32
          %eq3A_1290 = arith.cmpi eq, %jit3A_1288, %eq3A_1289 : i32
          %jit3A_1291 = arith.constant 1 : i32
          %select_n3A_1292 = arith.select %eq3A_1290, %jit3A_1291, %jit3A_1288 : i32
          %rem3A_1293 = arith.remsi %add3A_280, %select_n3A_1292 : i32
          %ne3A_1294 = arith.constant 0 : i32
          %ne3A_1295 = arith.cmpi ne, %rem3A_1293, %ne3A_1294 : i32
          %lt3A_1296 = arith.constant 0 : i32
          %lt3A_1297 = arith.cmpi slt, %rem3A_1293, %lt3A_1296 : i32
          %lt3A_1298 = arith.constant 0 : i32
          %lt3A_1299 = arith.cmpi slt, %select_n3A_1292, %lt3A_1298 : i32
          %ne3A_1300 = arith.xori %lt3A_1297, %lt3A_1299 : i1
          %and3A_1301 = arith.andi %ne3A_1300, %ne3A_1295 : i1
          %add3A_1302 = arith.addi %rem3A_1293, %select_n3A_1292 : i32
          %select_n3A_1303 = arith.select %and3A_1301, %add3A_1302, %rem3A_1293 : i32
          %add3A_1304 = arith.addi %add3A_1287, %select_n3A_1303 : i32
          %mul3A_1305 = arith.constant 128 : i32
          %mul3A_1306 = arith.muli %mul3A_1305, %add3A_1304 : i32
          %dma_start3A_1307 = arith.constant 0 : i32
          %dma_start3A_1308 = arith.constant 0 : i32
          %dma_start3A_1309 = tpu.memref_slice %run_scoped3A_8[%rem3A_1258, %dma_start3A_1307, %dma_start3A_1308] : memref<2x128x256xf32, #tpu.memory_space<vmem>> -> memref<1x128x256xf32, #tpu.memory_space<vmem>>
          %dma_start3A_1310 = tpu.memref_squeeze %dma_start3A_1309 : memref<1x128x256xf32, #tpu.memory_space<vmem>> -> memref<128x256xf32, #tpu.memory_space<vmem>>
          %dma_start3A_1311 = arith.constant 0 : i32
          %dma_start3A_1312 = tpu.memref_slice %arg4[%mul3A_1306, %dma_start3A_1311] : memref<16384x256xf32, #tpu.memory_space<hbm>> -> memref<128x256xf32, #tpu.memory_space<hbm>>
          %dma_start3A_1313 = tpu.memref_slice %run_scoped3A_9[%rem3A_1258] : memref<2x!tpu.dma_semaphore, #tpu.memory_space<semaphore_mem>> -> memref<1x!tpu.dma_semaphore, #tpu.memory_space<semaphore_mem>>
          %dma_start3A_1314 = tpu.memref_squeeze %dma_start3A_1313 : memref<1x!tpu.dma_semaphore, #tpu.memory_space<semaphore_mem>> -> memref<!tpu.dma_semaphore, #tpu.memory_space<semaphore_mem>>
          %dma_start3A_1315 = arith.constant 0 : i32
          %dma_start3A_1316 = tpu.memref_slice %arg4[%mul3A_1306, %dma_start3A_1315] : memref<16384x256xf32, #tpu.memory_space<hbm>> -> memref<128x256xf32, #tpu.memory_space<hbm>>
          %dma_start3A_1317 = arith.constant 0 : i32
          %dma_start3A_1318 = arith.constant 0 : i32
          %dma_start3A_1319 = tpu.memref_slice %run_scoped3A_8[%rem3A_1258, %dma_start3A_1317, %dma_start3A_1318] : memref<2x128x256xf32, #tpu.memory_space<vmem>> -> memref<1x128x256xf32, #tpu.memory_space<vmem>>
          %dma_start3A_1320 = tpu.memref_squeeze %dma_start3A_1319 : memref<1x128x256xf32, #tpu.memory_space<vmem>> -> memref<128x256xf32, #tpu.memory_space<vmem>>
          tpu.enqueue_dma source(%dma_start3A_1320 : memref<128x256xf32, #tpu.memory_space<vmem>>) target(%dma_start3A_1316 : memref<128x256xf32, #tpu.memory_space<hbm>>) target_semaphore(%dma_start3A_1314 : memref<!tpu.dma_semaphore, #tpu.memory_space<semaphore_mem>>)
          "tpu.trace_stop"() : () -> ()
        } else {
        }
        %and3A_935 = arith.constant true
        %and3A_936 = arith.andi %or3A_931, %and3A_935 : i1
        %add3A_937 = arith.constant 1 : i32
        %add3A_938 = arith.addi %scan3A_270, %add3A_937 : i32
        %select_n3A_939 = arith.select %and3A_936, %add3A_938, %scan3A_270 : i32
        %mul3A_940 = arith.constant 4 : i32
        %mul3A_941 = arith.muli %add3A_279, %mul3A_940 : i32
        %jit3A_942 = arith.constant 16 : i32
        %div3A_943 = arith.divsi %add3A_280, %jit3A_942 : i32
        %sign3A_944 = arith.constant 0 : i32
        %sign3A_945 = arith.cmpi sgt, %add3A_280, %sign3A_944 : i32
        %sign3A_946 = arith.extui %sign3A_945 : i1 to i32
        %sign3A_947 = arith.constant 0 : i32
        %sign3A_948 = arith.cmpi slt, %add3A_280, %sign3A_947 : i32
        %sign3A_949 = arith.extui %sign3A_948 : i1 to i32
        %sign3A_950 = arith.subi %sign3A_946, %sign3A_949 : i32
        %sign3A_951 = arith.constant 0 : i32
        %sign3A_952 = arith.cmpi sgt, %jit3A_942, %sign3A_951 : i32
        %sign3A_953 = arith.extui %sign3A_952 : i1 to i32
        %sign3A_954 = arith.constant 0 : i32
        %sign3A_955 = arith.cmpi slt, %jit3A_942, %sign3A_954 : i32
        %sign3A_956 = arith.extui %sign3A_955 : i1 to i32
        %sign3A_957 = arith.subi %sign3A_953, %sign3A_956 : i32
        %ne3A_958 = arith.cmpi ne, %sign3A_950, %sign3A_957 : i32
        %rem3A_959 = arith.remsi %add3A_280, %jit3A_942 : i32
        %ne3A_960 = arith.constant 0 : i32
        %ne3A_961 = arith.cmpi ne, %rem3A_959, %ne3A_960 : i32
        %and3A_962 = arith.andi %ne3A_958, %ne3A_961 : i1
        %sub3A_963 = arith.constant 1 : i32
        %sub3A_964 = arith.subi %div3A_943, %sub3A_963 : i32
        %select_n3A_965 = arith.select %and3A_962, %sub3A_964, %div3A_943 : i32
        %add3A_966 = arith.addi %mul3A_941, %select_n3A_965 : i32
        %jit3A_967 = arith.constant 16 : i32
        %eq3A_968 = arith.constant 0 : i32
        %eq3A_969 = arith.cmpi eq, %jit3A_967, %eq3A_968 : i32
        %jit3A_970 = arith.constant 1 : i32
        %select_n3A_971 = arith.select %eq3A_969, %jit3A_970, %jit3A_967 : i32
        %rem3A_972 = arith.remsi %add3A_280, %select_n3A_971 : i32
        %ne3A_973 = arith.constant 0 : i32
        %ne3A_974 = arith.cmpi ne, %rem3A_972, %ne3A_973 : i32
        %lt3A_975 = arith.constant 0 : i32
        %lt3A_976 = arith.cmpi slt, %rem3A_972, %lt3A_975 : i32
        %lt3A_977 = arith.constant 0 : i32
        %lt3A_978 = arith.cmpi slt, %select_n3A_971, %lt3A_977 : i32
        %ne3A_979 = arith.xori %lt3A_976, %lt3A_978 : i1
        %and3A_980 = arith.andi %ne3A_979, %ne3A_974 : i1
        %add3A_981 = arith.addi %rem3A_972, %select_n3A_971 : i32
        %select_n3A_982 = arith.select %and3A_980, %add3A_981, %rem3A_972 : i32
        %mul3A_983 = arith.constant 4 : i32
        %mul3A_984 = arith.muli %add3A_297, %mul3A_983 : i32
        %jit3A_985 = arith.constant 16 : i32
        %div3A_986 = arith.divsi %add3A_298, %jit3A_985 : i32
        %sign3A_987 = arith.constant 0 : i32
        %sign3A_988 = arith.cmpi sgt, %add3A_298, %sign3A_987 : i32
        %sign3A_989 = arith.extui %sign3A_988 : i1 to i32
        %sign3A_990 = arith.constant 0 : i32
        %sign3A_991 = arith.cmpi slt, %add3A_298, %sign3A_990 : i32
        %sign3A_992 = arith.extui %sign3A_991 : i1 to i32
        %sign3A_993 = arith.subi %sign3A_989, %sign3A_992 : i32
        %sign3A_994 = arith.constant 0 : i32
        %sign3A_995 = arith.cmpi sgt, %jit3A_985, %sign3A_994 : i32
        %sign3A_996 = arith.extui %sign3A_995 : i1 to i32
        %sign3A_997 = arith.constant 0 : i32
        %sign3A_998 = arith.cmpi slt, %jit3A_985, %sign3A_997 : i32
        %sign3A_999 = arith.extui %sign3A_998 : i1 to i32
        %sign3A_1000 = arith.subi %sign3A_996, %sign3A_999 : i32
        %ne3A_1001 = arith.cmpi ne, %sign3A_993, %sign3A_1000 : i32
        %rem3A_1002 = arith.remsi %add3A_298, %jit3A_985 : i32
        %ne3A_1003 = arith.constant 0 : i32
        %ne3A_1004 = arith.cmpi ne, %rem3A_1002, %ne3A_1003 : i32
        %and3A_1005 = arith.andi %ne3A_1001, %ne3A_1004 : i1
        %sub3A_1006 = arith.constant 1 : i32
        %sub3A_1007 = arith.subi %div3A_986, %sub3A_1006 : i32
        %select_n3A_1008 = arith.select %and3A_1005, %sub3A_1007, %div3A_986 : i32
        %add3A_1009 = arith.addi %mul3A_984, %select_n3A_1008 : i32
        %jit3A_1010 = arith.constant 16 : i32
        %eq3A_1011 = arith.constant 0 : i32
        %eq3A_1012 = arith.cmpi eq, %jit3A_1010, %eq3A_1011 : i32
        %jit3A_1013 = arith.constant 1 : i32
        %select_n3A_1014 = arith.select %eq3A_1012, %jit3A_1013, %jit3A_1010 : i32
        %rem3A_1015 = arith.remsi %add3A_298, %select_n3A_1014 : i32
        %ne3A_1016 = arith.constant 0 : i32
        %ne3A_1017 = arith.cmpi ne, %rem3A_1015, %ne3A_1016 : i32
        %lt3A_1018 = arith.constant 0 : i32
        %lt3A_1019 = arith.cmpi slt, %rem3A_1015, %lt3A_1018 : i32
        %lt3A_1020 = arith.constant 0 : i32
        %lt3A_1021 = arith.cmpi slt, %select_n3A_1014, %lt3A_1020 : i32
        %ne3A_1022 = arith.xori %lt3A_1019, %lt3A_1021 : i1
        %and3A_1023 = arith.andi %ne3A_1022, %ne3A_1017 : i1
        %add3A_1024 = arith.addi %rem3A_1015, %select_n3A_1014 : i32
        %select_n3A_1025 = arith.select %and3A_1023, %add3A_1024, %rem3A_1015 : i32
        %ne3A_1026 = arith.cmpi ne, %add3A_966, %add3A_1009 : i32
        %ne3A_1027 = arith.cmpi ne, %select_n3A_982, %select_n3A_1025 : i32
        %or3A_1028 = arith.constant false
        %or3A_1029 = arith.ori %or3A_1028, %ne3A_1026 : i1
        %or3A_1030 = arith.ori %or3A_1029, %ne3A_1027 : i1
        %not3A_1031 = arith.constant true
        %not3A_1032 = arith.xori %eq3A_275, %not3A_1031 : i1
        %and3A_1033 = arith.andi %or3A_1030, %not3A_1032 : i1
        %convert_element_type3A_1034 = arith.extui %and3A_1033 : i1 to i32
        %cond3A_1035 = arith.constant 0 : i32
        %cond3A_1036 = arith.cmpi ne, %convert_element_type3A_1034, %cond3A_1035 : i32
        scf.if %cond3A_1036 {
        } else {
        }
        %and3A_1037 = arith.constant false
        %and3A_1038 = arith.andi %and3A_1033, %and3A_1037 : i1
        %jit3A_1039 = arith.constant 16 : i32
        %div3A_1040 = arith.divsi %add3A_280, %jit3A_1039 : i32
        %sign3A_1041 = arith.constant 0 : i32
        %sign3A_1042 = arith.cmpi sgt, %add3A_280, %sign3A_1041 : i32
        %sign3A_1043 = arith.extui %sign3A_1042 : i1 to i32
        %sign3A_1044 = arith.constant 0 : i32
        %sign3A_1045 = arith.cmpi slt, %add3A_280, %sign3A_1044 : i32
        %sign3A_1046 = arith.extui %sign3A_1045 : i1 to i32
        %sign3A_1047 = arith.subi %sign3A_1043, %sign3A_1046 : i32
        %sign3A_1048 = arith.constant 0 : i32
        %sign3A_1049 = arith.cmpi sgt, %jit3A_1039, %sign3A_1048 : i32
        %sign3A_1050 = arith.extui %sign3A_1049 : i1 to i32
        %sign3A_1051 = arith.constant 0 : i32
        %sign3A_1052 = arith.cmpi slt, %jit3A_1039, %sign3A_1051 : i32
        %sign3A_1053 = arith.extui %sign3A_1052 : i1 to i32
        %sign3A_1054 = arith.subi %sign3A_1050, %sign3A_1053 : i32
        %ne3A_1055 = arith.cmpi ne, %sign3A_1047, %sign3A_1054 : i32
        %rem3A_1056 = arith.remsi %add3A_280, %jit3A_1039 : i32
        %ne3A_1057 = arith.constant 0 : i32
        %ne3A_1058 = arith.cmpi ne, %rem3A_1056, %ne3A_1057 : i32
        %and3A_1059 = arith.andi %ne3A_1055, %ne3A_1058 : i1
        %sub3A_1060 = arith.constant 1 : i32
        %sub3A_1061 = arith.subi %div3A_1040, %sub3A_1060 : i32
        %select_n3A_1062 = arith.select %and3A_1059, %sub3A_1061, %div3A_1040 : i32
        %mul3A_1063 = arith.constant 32 : i32
        %mul3A_1064 = arith.muli %select_n3A_1062, %mul3A_1063 : i32
        %mul3A_1065 = arith.constant 16 : i32
        %mul3A_1066 = arith.muli %add3A_279, %mul3A_1065 : i32
        %add3A_1067 = arith.addi %mul3A_1064, %mul3A_1066 : i32
        %jit3A_1068 = arith.constant 16 : i32
        %eq3A_1069 = arith.constant 0 : i32
        %eq3A_1070 = arith.cmpi eq, %jit3A_1068, %eq3A_1069 : i32
        %jit3A_1071 = arith.constant 1 : i32
        %select_n3A_1072 = arith.select %eq3A_1070, %jit3A_1071, %jit3A_1068 : i32
        %rem3A_1073 = arith.remsi %add3A_280, %select_n3A_1072 : i32
        %ne3A_1074 = arith.constant 0 : i32
        %ne3A_1075 = arith.cmpi ne, %rem3A_1073, %ne3A_1074 : i32
        %lt3A_1076 = arith.constant 0 : i32
        %lt3A_1077 = arith.cmpi slt, %rem3A_1073, %lt3A_1076 : i32
        %lt3A_1078 = arith.constant 0 : i32
        %lt3A_1079 = arith.cmpi slt, %select_n3A_1072, %lt3A_1078 : i32
        %ne3A_1080 = arith.xori %lt3A_1077, %lt3A_1079 : i1
        %and3A_1081 = arith.andi %ne3A_1080, %ne3A_1075 : i1
        %add3A_1082 = arith.addi %rem3A_1073, %select_n3A_1072 : i32
        %select_n3A_1083 = arith.select %and3A_1081, %add3A_1082, %rem3A_1073 : i32
        %add3A_1084 = arith.addi %add3A_1067, %select_n3A_1083 : i32
        %jit3A_1085 = arith.constant 16 : i32
        %div3A_1086 = arith.divsi %add3A_298, %jit3A_1085 : i32
        %sign3A_1087 = arith.constant 0 : i32
        %sign3A_1088 = arith.cmpi sgt, %add3A_298, %sign3A_1087 : i32
        %sign3A_1089 = arith.extui %sign3A_1088 : i1 to i32
        %sign3A_1090 = arith.constant 0 : i32
        %sign3A_1091 = arith.cmpi slt, %add3A_298, %sign3A_1090 : i32
        %sign3A_1092 = arith.extui %sign3A_1091 : i1 to i32
        %sign3A_1093 = arith.subi %sign3A_1089, %sign3A_1092 : i32
        %sign3A_1094 = arith.constant 0 : i32
        %sign3A_1095 = arith.cmpi sgt, %jit3A_1085, %sign3A_1094 : i32
        %sign3A_1096 = arith.extui %sign3A_1095 : i1 to i32
        %sign3A_1097 = arith.constant 0 : i32
        %sign3A_1098 = arith.cmpi slt, %jit3A_1085, %sign3A_1097 : i32
        %sign3A_1099 = arith.extui %sign3A_1098 : i1 to i32
        %sign3A_1100 = arith.subi %sign3A_1096, %sign3A_1099 : i32
        %ne3A_1101 = arith.cmpi ne, %sign3A_1093, %sign3A_1100 : i32
        %rem3A_1102 = arith.remsi %add3A_298, %jit3A_1085 : i32
        %ne3A_1103 = arith.constant 0 : i32
        %ne3A_1104 = arith.cmpi ne, %rem3A_1102, %ne3A_1103 : i32
        %and3A_1105 = arith.andi %ne3A_1101, %ne3A_1104 : i1
        %sub3A_1106 = arith.constant 1 : i32
        %sub3A_1107 = arith.subi %div3A_1086, %sub3A_1106 : i32
        %select_n3A_1108 = arith.select %and3A_1105, %sub3A_1107, %div3A_1086 : i32
        %mul3A_1109 = arith.constant 32 : i32
        %mul3A_1110 = arith.muli %select_n3A_1108, %mul3A_1109 : i32
        %mul3A_1111 = arith.constant 16 : i32
        %mul3A_1112 = arith.muli %add3A_297, %mul3A_1111 : i32
        %add3A_1113 = arith.addi %mul3A_1110, %mul3A_1112 : i32
        %jit3A_1114 = arith.constant 16 : i32
        %eq3A_1115 = arith.constant 0 : i32
        %eq3A_1116 = arith.cmpi eq, %jit3A_1114, %eq3A_1115 : i32
        %jit3A_1117 = arith.constant 1 : i32
        %select_n3A_1118 = arith.select %eq3A_1116, %jit3A_1117, %jit3A_1114 : i32
        %rem3A_1119 = arith.remsi %add3A_298, %select_n3A_1118 : i32
        %ne3A_1120 = arith.constant 0 : i32
        %ne3A_1121 = arith.cmpi ne, %rem3A_1119, %ne3A_1120 : i32
        %lt3A_1122 = arith.constant 0 : i32
        %lt3A_1123 = arith.cmpi slt, %rem3A_1119, %lt3A_1122 : i32
        %lt3A_1124 = arith.constant 0 : i32
        %lt3A_1125 = arith.cmpi slt, %select_n3A_1118, %lt3A_1124 : i32
        %ne3A_1126 = arith.xori %lt3A_1123, %lt3A_1125 : i1
        %and3A_1127 = arith.andi %ne3A_1126, %ne3A_1121 : i1
        %add3A_1128 = arith.addi %rem3A_1119, %select_n3A_1118 : i32
        %select_n3A_1129 = arith.select %and3A_1127, %add3A_1128, %rem3A_1119 : i32
        %add3A_1130 = arith.addi %add3A_1113, %select_n3A_1129 : i32
        %ne3A_1131 = arith.cmpi ne, %add3A_1084, %add3A_1130 : i32
        %or3A_1132 = arith.constant false
        %or3A_1133 = arith.ori %or3A_1132, %ne3A_1131 : i1
        %or3A_1134 = arith.constant false
        %or3A_1135 = arith.ori %or3A_1133, %or3A_1134 : i1
        %not3A_1136 = arith.constant true
        %not3A_1137 = arith.xori %eq3A_275, %not3A_1136 : i1
        %and3A_1138 = arith.andi %or3A_1135, %not3A_1137 : i1
        %convert_element_type3A_1139 = arith.extui %and3A_1138 : i1 to i32
        %cond3A_1140 = arith.constant 0 : i32
        %cond3A_1141 = arith.cmpi ne, %convert_element_type3A_1139, %cond3A_1140 : i32
        scf.if %cond3A_1141 {
          "tpu.trace_start"() <{level = 10 : i32, message = "ep_wait_out"}> : () -> ()
          %rem3A_1257 = arith.constant 2 : i32
          %rem3A_1258 = arith.remui %scan3A_271, %rem3A_1257 : i32
          %jit3A_1259 = arith.constant 16 : i32
          %div3A_1260 = arith.divsi %add3A_298, %jit3A_1259 : i32
          %sign3A_1261 = arith.constant 0 : i32
          %sign3A_1262 = arith.cmpi sgt, %add3A_298, %sign3A_1261 : i32
          %sign3A_1263 = arith.extui %sign3A_1262 : i1 to i32
          %sign3A_1264 = arith.constant 0 : i32
          %sign3A_1265 = arith.cmpi slt, %add3A_298, %sign3A_1264 : i32
          %sign3A_1266 = arith.extui %sign3A_1265 : i1 to i32
          %sign3A_1267 = arith.subi %sign3A_1263, %sign3A_1266 : i32
          %sign3A_1268 = arith.constant 0 : i32
          %sign3A_1269 = arith.cmpi sgt, %jit3A_1259, %sign3A_1268 : i32
          %sign3A_1270 = arith.extui %sign3A_1269 : i1 to i32
          %sign3A_1271 = arith.constant 0 : i32
          %sign3A_1272 = arith.cmpi slt, %jit3A_1259, %sign3A_1271 : i32
          %sign3A_1273 = arith.extui %sign3A_1272 : i1 to i32
          %sign3A_1274 = arith.subi %sign3A_1270, %sign3A_1273 : i32
          %ne3A_1275 = arith.cmpi ne, %sign3A_1267, %sign3A_1274 : i32
          %rem3A_1276 = arith.remsi %add3A_298, %jit3A_1259 : i32
          %ne3A_1277 = arith.constant 0 : i32
          %ne3A_1278 = arith.cmpi ne, %rem3A_1276, %ne3A_1277 : i32
          %and3A_1279 = arith.andi %ne3A_1275, %ne3A_1278 : i1
          %sub3A_1280 = arith.constant 1 : i32
          %sub3A_1281 = arith.subi %div3A_1260, %sub3A_1280 : i32
          %select_n3A_1282 = arith.select %and3A_1279, %sub3A_1281, %div3A_1260 : i32
          %mul3A_1283 = arith.constant 32 : i32
          %mul3A_1284 = arith.muli %select_n3A_1282, %mul3A_1283 : i32
          %mul3A_1285 = arith.constant 16 : i32
          %mul3A_1286 = arith.muli %add3A_297, %mul3A_1285 : i32
          %add3A_1287 = arith.addi %mul3A_1284, %mul3A_1286 : i32
          %jit3A_1288 = arith.constant 16 : i32
          %eq3A_1289 = arith.constant 0 : i32
          %eq3A_1290 = arith.cmpi eq, %jit3A_1288, %eq3A_1289 : i32
          %jit3A_1291 = arith.constant 1 : i32
          %select_n3A_1292 = arith.select %eq3A_1290, %jit3A_1291, %jit3A_1288 : i32
          %rem3A_1293 = arith.remsi %add3A_298, %select_n3A_1292 : i32
          %ne3A_1294 = arith.constant 0 : i32
          %ne3A_1295 = arith.cmpi ne, %rem3A_1293, %ne3A_1294 : i32
          %lt3A_1296 = arith.constant 0 : i32
          %lt3A_1297 = arith.cmpi slt, %rem3A_1293, %lt3A_1296 : i32
          %lt3A_1298 = arith.constant 0 : i32
          %lt3A_1299 = arith.cmpi slt, %select_n3A_1292, %lt3A_1298 : i32
          %ne3A_1300 = arith.xori %lt3A_1297, %lt3A_1299 : i1
          %and3A_1301 = arith.andi %ne3A_1300, %ne3A_1295 : i1
          %add3A_1302 = arith.addi %rem3A_1293, %select_n3A_1292 : i32
          %select_n3A_1303 = arith.select %and3A_1301, %add3A_1302, %rem3A_1293 : i32
          %add3A_1304 = arith.addi %add3A_1287, %select_n3A_1303 : i32
          %mul3A_1305 = arith.constant 128 : i32
          %mul3A_1306 = arith.muli %mul3A_1305, %add3A_1304 : i32
          %dma_wait3A_1307 = arith.constant 0 : i32
          %dma_wait3A_1308 = arith.constant 0 : i32
          %dma_wait3A_1309 = tpu.memref_slice %run_scoped3A_8[%rem3A_1258, %dma_wait3A_1307, %dma_wait3A_1308] : memref<2x128x256xf32, #tpu.memory_space<vmem>> -> memref<1x128x256xf32, #tpu.memory_space<vmem>>
          %dma_wait3A_1310 = tpu.memref_squeeze %dma_wait3A_1309 : memref<1x128x256xf32, #tpu.memory_space<vmem>> -> memref<128x256xf32, #tpu.memory_space<vmem>>
          %dma_wait3A_1311 = arith.constant 0 : i32
          %dma_wait3A_1312 = tpu.memref_slice %arg4[%mul3A_1306, %dma_wait3A_1311] : memref<16384x256xf32, #tpu.memory_space<hbm>> -> memref<128x256xf32, #tpu.memory_space<hbm>>
          %dma_wait3A_1313 = tpu.memref_slice %run_scoped3A_9[%rem3A_1258] : memref<2x!tpu.dma_semaphore, #tpu.memory_space<semaphore_mem>> -> memref<1x!tpu.dma_semaphore, #tpu.memory_space<semaphore_mem>>
          %dma_wait3A_1314 = tpu.memref_squeeze %dma_wait3A_1313 : memref<1x!tpu.dma_semaphore, #tpu.memory_space<semaphore_mem>> -> memref<!tpu.dma_semaphore, #tpu.memory_space<semaphore_mem>>
          %dma_wait3A_1315 = arith.constant 0 : i32
          %dma_wait3A_1316 = tpu.memref_slice %arg4[%mul3A_1306, %dma_wait3A_1315] : memref<16384x256xf32, #tpu.memory_space<hbm>> -> memref<128x256xf32, #tpu.memory_space<hbm>>
          %dma_wait3A_1317 = arith.constant 0 : i32
          %dma_wait3A_1318 = arith.constant 0 : i32
          %dma_wait3A_1319 = tpu.memref_slice %run_scoped3A_8[%rem3A_1258, %dma_wait3A_1317, %dma_wait3A_1318] : memref<2x128x256xf32, #tpu.memory_space<vmem>> -> memref<1x128x256xf32, #tpu.memory_space<vmem>>
          %dma_wait3A_1320 = tpu.memref_squeeze %dma_wait3A_1319 : memref<1x128x256xf32, #tpu.memory_space<vmem>> -> memref<128x256xf32, #tpu.memory_space<vmem>>
          tpu.wait_dma2 semaphore(%dma_wait3A_1314 : memref<!tpu.dma_semaphore, #tpu.memory_space<semaphore_mem>>) src(%dma_wait3A_1320 : memref<128x256xf32, #tpu.memory_space<vmem>>) dst(%dma_wait3A_1316 : memref<128x256xf32, #tpu.memory_space<hbm>>)
          "tpu.trace_stop"() : () -> ()
        } else {
        }
        %and3A_1142 = arith.constant true
        %and3A_1143 = arith.andi %and3A_1138, %and3A_1142 : i1
        %add3A_1144 = arith.constant 1 : i32
        %add3A_1145 = arith.addi %scan3A_271, %add3A_1144 : i32
        %select_n3A_1146 = arith.select %and3A_1143, %add3A_1145, %scan3A_271 : i32
        %mul3A_1147 = arith.constant 4 : i32
        %mul3A_1148 = arith.muli %add3A_279, %mul3A_1147 : i32
        %jit3A_1149 = arith.constant 16 : i32
        %div3A_1150 = arith.divsi %add3A_280, %jit3A_1149 : i32
        %sign3A_1151 = arith.constant 0 : i32
        %sign3A_1152 = arith.cmpi sgt, %add3A_280, %sign3A_1151 : i32
        %sign3A_1153 = arith.extui %sign3A_1152 : i1 to i32
        %sign3A_1154 = arith.constant 0 : i32
        %sign3A_1155 = arith.cmpi slt, %add3A_280, %sign3A_1154 : i32
        %sign3A_1156 = arith.extui %sign3A_1155 : i1 to i32
        %sign3A_1157 = arith.subi %sign3A_1153, %sign3A_1156 : i32
        %sign3A_1158 = arith.constant 0 : i32
        %sign3A_1159 = arith.cmpi sgt, %jit3A_1149, %sign3A_1158 : i32
        %sign3A_1160 = arith.extui %sign3A_1159 : i1 to i32
        %sign3A_1161 = arith.constant 0 : i32
        %sign3A_1162 = arith.cmpi slt, %jit3A_1149, %sign3A_1161 : i32
        %sign3A_1163 = arith.extui %sign3A_1162 : i1 to i32
        %sign3A_1164 = arith.subi %sign3A_1160, %sign3A_1163 : i32
        %ne3A_1165 = arith.cmpi ne, %sign3A_1157, %sign3A_1164 : i32
        %rem3A_1166 = arith.remsi %add3A_280, %jit3A_1149 : i32
        %ne3A_1167 = arith.constant 0 : i32
        %ne3A_1168 = arith.cmpi ne, %rem3A_1166, %ne3A_1167 : i32
        %and3A_1169 = arith.andi %ne3A_1165, %ne3A_1168 : i1
        %sub3A_1170 = arith.constant 1 : i32
        %sub3A_1171 = arith.subi %div3A_1150, %sub3A_1170 : i32
        %select_n3A_1172 = arith.select %and3A_1169, %sub3A_1171, %div3A_1150 : i32
        %add3A_1173 = arith.addi %mul3A_1148, %select_n3A_1172 : i32
        %jit3A_1174 = arith.constant 16 : i32
        %eq3A_1175 = arith.constant 0 : i32
        %eq3A_1176 = arith.cmpi eq, %jit3A_1174, %eq3A_1175 : i32
        %jit3A_1177 = arith.constant 1 : i32
        %select_n3A_1178 = arith.select %eq3A_1176, %jit3A_1177, %jit3A_1174 : i32
        %rem3A_1179 = arith.remsi %add3A_280, %select_n3A_1178 : i32
        %ne3A_1180 = arith.constant 0 : i32
        %ne3A_1181 = arith.cmpi ne, %rem3A_1179, %ne3A_1180 : i32
        %lt3A_1182 = arith.constant 0 : i32
        %lt3A_1183 = arith.cmpi slt, %rem3A_1179, %lt3A_1182 : i32
        %lt3A_1184 = arith.constant 0 : i32
        %lt3A_1185 = arith.cmpi slt, %select_n3A_1178, %lt3A_1184 : i32
        %ne3A_1186 = arith.xori %lt3A_1183, %lt3A_1185 : i1
        %and3A_1187 = arith.andi %ne3A_1186, %ne3A_1181 : i1
        %add3A_1188 = arith.addi %rem3A_1179, %select_n3A_1178 : i32
        %select_n3A_1189 = arith.select %and3A_1187, %add3A_1188, %rem3A_1179 : i32
        %mul3A_1190 = arith.constant 4 : i32
        %mul3A_1191 = arith.muli %add3A_315, %mul3A_1190 : i32
        %jit3A_1192 = arith.constant 16 : i32
        %div3A_1193 = arith.divsi %add3A_316, %jit3A_1192 : i32
        %sign3A_1194 = arith.constant 0 : i32
        %sign3A_1195 = arith.cmpi sgt, %add3A_316, %sign3A_1194 : i32
        %sign3A_1196 = arith.extui %sign3A_1195 : i1 to i32
        %sign3A_1197 = arith.constant 0 : i32
        %sign3A_1198 = arith.cmpi slt, %add3A_316, %sign3A_1197 : i32
        %sign3A_1199 = arith.extui %sign3A_1198 : i1 to i32
        %sign3A_1200 = arith.subi %sign3A_1196, %sign3A_1199 : i32
        %sign3A_1201 = arith.constant 0 : i32
        %sign3A_1202 = arith.cmpi sgt, %jit3A_1192, %sign3A_1201 : i32
        %sign3A_1203 = arith.extui %sign3A_1202 : i1 to i32
        %sign3A_1204 = arith.constant 0 : i32
        %sign3A_1205 = arith.cmpi slt, %jit3A_1192, %sign3A_1204 : i32
        %sign3A_1206 = arith.extui %sign3A_1205 : i1 to i32
        %sign3A_1207 = arith.subi %sign3A_1203, %sign3A_1206 : i32
        %ne3A_1208 = arith.cmpi ne, %sign3A_1200, %sign3A_1207 : i32
        %rem3A_1209 = arith.remsi %add3A_316, %jit3A_1192 : i32
        %ne3A_1210 = arith.constant 0 : i32
        %ne3A_1211 = arith.cmpi ne, %rem3A_1209, %ne3A_1210 : i32
        %and3A_1212 = arith.andi %ne3A_1208, %ne3A_1211 : i1
        %sub3A_1213 = arith.constant 1 : i32
        %sub3A_1214 = arith.subi %div3A_1193, %sub3A_1213 : i32
        %select_n3A_1215 = arith.select %and3A_1212, %sub3A_1214, %div3A_1193 : i32
        %add3A_1216 = arith.addi %mul3A_1191, %select_n3A_1215 : i32
        %jit3A_1217 = arith.constant 16 : i32
        %eq3A_1218 = arith.constant 0 : i32
        %eq3A_1219 = arith.cmpi eq, %jit3A_1217, %eq3A_1218 : i32
        %jit3A_1220 = arith.constant 1 : i32
        %select_n3A_1221 = arith.select %eq3A_1219, %jit3A_1220, %jit3A_1217 : i32
        %rem3A_1222 = arith.remsi %add3A_316, %select_n3A_1221 : i32
        %ne3A_1223 = arith.constant 0 : i32
        %ne3A_1224 = arith.cmpi ne, %rem3A_1222, %ne3A_1223 : i32
        %lt3A_1225 = arith.constant 0 : i32
        %lt3A_1226 = arith.cmpi slt, %rem3A_1222, %lt3A_1225 : i32
        %lt3A_1227 = arith.constant 0 : i32
        %lt3A_1228 = arith.cmpi slt, %select_n3A_1221, %lt3A_1227 : i32
        %ne3A_1229 = arith.xori %lt3A_1226, %lt3A_1228 : i1
        %and3A_1230 = arith.andi %ne3A_1229, %ne3A_1224 : i1
        %add3A_1231 = arith.addi %rem3A_1222, %select_n3A_1221 : i32
        %select_n3A_1232 = arith.select %and3A_1230, %add3A_1231, %rem3A_1222 : i32
        %ne3A_1233 = arith.cmpi ne, %add3A_1173, %add3A_1216 : i32
        %ne3A_1234 = arith.cmpi ne, %select_n3A_1189, %select_n3A_1232 : i32
        %or3A_1235 = arith.constant false
        %or3A_1236 = arith.ori %or3A_1235, %ne3A_1233 : i1
        %or3A_1237 = arith.ori %or3A_1236, %ne3A_1234 : i1
        %or3A_1238 = arith.ori %or3A_1237, %eq3A_277 : i1
        %add3A_1239 = arith.constant 1 : i32
        %add3A_1240 = arith.addi %scan3A_269, %add3A_1239 : i32
        %select_n3A_1241 = arith.select %or3A_1238, %add3A_1240, %scan3A_269 : i32
        %add3A_1242 = arith.constant 1 : i32
        %add3A_1243 = arith.addi %scan3A_273, %add3A_1242 : i32
        %select_n3A_1244 = arith.constant true
        %select_n3A_1245 = arith.select %select_n3A_1244, %add3A_1243, %scan3A_273 : i32
        %eq3A_1246 = arith.constant 2 : i32
        %eq3A_1247 = arith.cmpi eq, %select_n3A_1245, %eq3A_1246 : i32
        %select_n3A_1248 = arith.constant 0 : i32
        %select_n3A_1249 = arith.select %eq3A_1247, %select_n3A_1248, %select_n3A_1245 : i32
        %add3A_1250 = arith.constant 1 : i32
        %add3A_1251 = arith.addi %scan3A_272, %add3A_1250 : i32
        %select_n3A_1252 = arith.select %eq3A_1247, %add3A_1251, %scan3A_272 : i32
        %eq3A_1253 = arith.constant 2 : i32
        %eq3A_1254 = arith.cmpi eq, %select_n3A_1252, %eq3A_1253 : i32
        %select_n3A_1255 = arith.constant 0 : i32
        %select_n3A_1256 = arith.select %eq3A_1254, %select_n3A_1255, %select_n3A_1252 : i32
        scf.yield %select_n3A_433, %select_n3A_1241, %select_n3A_939, %select_n3A_1146, %select_n3A_1256, %select_n3A_1249 : i32, i32, i32, i32, i32, i32
      }
      %scan3A_131 = arith.constant 4 : i32
      %sub3A_132 = arith.constant 1 : i32
      %sub3A_133 = arith.subi %scan3A_130#5, %sub3A_132 : i32
      %select_n3A_134 = arith.constant true
      %select_n3A_135 = arith.select %select_n3A_134, %sub3A_133, %scan3A_130#5 : i32
      %eq3A_136 = arith.constant -1 : i32
      %eq3A_137 = arith.cmpi eq, %select_n3A_135, %eq3A_136 : i32
      %select_n3A_138 = arith.constant 1 : i32
      %select_n3A_139 = arith.select %eq3A_137, %select_n3A_138, %select_n3A_135 : i32
      %sub3A_140 = arith.constant 1 : i32
      %sub3A_141 = arith.subi %scan3A_130#4, %sub3A_140 : i32
      %select_n3A_142 = arith.select %eq3A_137, %sub3A_141, %scan3A_130#4 : i32
      %eq3A_143 = arith.constant -1 : i32
      %eq3A_144 = arith.cmpi eq, %select_n3A_142, %eq3A_143 : i32
      %select_n3A_145 = arith.constant 1 : i32
      %select_n3A_146 = arith.select %eq3A_144, %select_n3A_145, %select_n3A_142 : i32
      %add3A_147 = arith.constant 0 : i32
      %add3A_148 = arith.addi %select_n3A_146, %add3A_147 : i32
      %add3A_149 = arith.addi %select_n3A_139, %mul3A_6 : i32
      %sub3A_150 = arith.constant 1 : i32
      %sub3A_151 = arith.subi %select_n3A_139, %sub3A_150 : i32
      %select_n3A_152 = arith.constant true
      %select_n3A_153 = arith.select %select_n3A_152, %sub3A_151, %select_n3A_139 : i32
      %eq3A_154 = arith.constant -1 : i32
      %eq3A_155 = arith.cmpi eq, %select_n3A_153, %eq3A_154 : i32
      %select_n3A_156 = arith.constant 1 : i32
      %select_n3A_157 = arith.select %eq3A_155, %select_n3A_156, %select_n3A_153 : i32
      %sub3A_158 = arith.constant 1 : i32
      %sub3A_159 = arith.subi %select_n3A_146, %sub3A_158 : i32
      %select_n3A_160 = arith.select %eq3A_155, %sub3A_159, %select_n3A_146 : i32
      %eq3A_161 = arith.constant -1 : i32
      %eq3A_162 = arith.cmpi eq, %select_n3A_160, %eq3A_161 : i32
      %select_n3A_163 = arith.constant 1 : i32
      %select_n3A_164 = arith.select %eq3A_162, %select_n3A_163, %select_n3A_160 : i32
      %add3A_165 = arith.constant 0 : i32
      %add3A_166 = arith.addi %select_n3A_164, %add3A_165 : i32
      %add3A_167 = arith.addi %select_n3A_157, %mul3A_6 : i32
      %add3A_168 = arith.constant 1 : i32
      %add3A_169 = arith.addi %select_n3A_139, %add3A_168 : i32
      %select_n3A_170 = arith.constant true
      %select_n3A_171 = arith.select %select_n3A_170, %add3A_169, %select_n3A_139 : i32
      %eq3A_172 = arith.constant 2 : i32
      %eq3A_173 = arith.cmpi eq, %select_n3A_171, %eq3A_172 : i32
      %select_n3A_174 = arith.constant 0 : i32
      %select_n3A_175 = arith.select %eq3A_173, %select_n3A_174, %select_n3A_171 : i32
      %add3A_176 = arith.constant 1 : i32
      %add3A_177 = arith.addi %select_n3A_146, %add3A_176 : i32
      %select_n3A_178 = arith.select %eq3A_173, %add3A_177, %select_n3A_146 : i32
      %eq3A_179 = arith.constant 2 : i32
      %eq3A_180 = arith.cmpi eq, %select_n3A_178, %eq3A_179 : i32
      %select_n3A_181 = arith.constant 0 : i32
      %select_n3A_182 = arith.select %eq3A_180, %select_n3A_181, %select_n3A_178 : i32
      %add3A_183 = arith.constant 0 : i32
      %add3A_184 = arith.addi %select_n3A_182, %add3A_183 : i32
      %add3A_185 = arith.addi %select_n3A_175, %mul3A_6 : i32
      %add3A_186 = arith.constant 1 : i32
      %add3A_187 = arith.addi %select_n3A_175, %add3A_186 : i32
      %select_n3A_188 = arith.constant true
      %select_n3A_189 = arith.select %select_n3A_188, %add3A_187, %select_n3A_175 : i32
      %eq3A_190 = arith.constant 2 : i32
      %eq3A_191 = arith.cmpi eq, %select_n3A_189, %eq3A_190 : i32
      %select_n3A_192 = arith.constant 0 : i32
      %select_n3A_193 = arith.select %eq3A_191, %select_n3A_192, %select_n3A_189 : i32
      %add3A_194 = arith.constant 1 : i32
      %add3A_195 = arith.addi %select_n3A_182, %add3A_194 : i32
      %select_n3A_196 = arith.select %eq3A_191, %add3A_195, %select_n3A_182 : i32
      %eq3A_197 = arith.constant 2 : i32
      %eq3A_198 = arith.cmpi eq, %select_n3A_196, %eq3A_197 : i32
      %select_n3A_199 = arith.constant 0 : i32
      %select_n3A_200 = arith.select %eq3A_198, %select_n3A_199, %select_n3A_196 : i32
      %add3A_201 = arith.constant 0 : i32
      %add3A_202 = arith.addi %select_n3A_200, %add3A_201 : i32
      %add3A_203 = arith.addi %select_n3A_193, %mul3A_6 : i32
      "tpu.trace_start"() <{level = 10 : i32, message = "ep_finalize"}> : () -> ()
      %rem3A_204 = arith.constant 2 : i32
      %rem3A_205 = arith.remui %scan3A_130#3, %rem3A_204 : i32
      %jit3A_206 = arith.constant 16 : i32
      %div3A_207 = arith.divsi %add3A_149, %jit3A_206 : i32
      %sign3A_208 = arith.constant 0 : i32
      %sign3A_209 = arith.cmpi sgt, %add3A_149, %sign3A_208 : i32
      %sign3A_210 = arith.extui %sign3A_209 : i1 to i32
      %sign3A_211 = arith.constant 0 : i32
      %sign3A_212 = arith.cmpi slt, %add3A_149, %sign3A_211 : i32
      %sign3A_213 = arith.extui %sign3A_212 : i1 to i32
      %sign3A_214 = arith.subi %sign3A_210, %sign3A_213 : i32
      %sign3A_215 = arith.constant 0 : i32
      %sign3A_216 = arith.cmpi sgt, %jit3A_206, %sign3A_215 : i32
      %sign3A_217 = arith.extui %sign3A_216 : i1 to i32
      %sign3A_218 = arith.constant 0 : i32
      %sign3A_219 = arith.cmpi slt, %jit3A_206, %sign3A_218 : i32
      %sign3A_220 = arith.extui %sign3A_219 : i1 to i32
      %sign3A_221 = arith.subi %sign3A_217, %sign3A_220 : i32
      %ne3A_222 = arith.cmpi ne, %sign3A_214, %sign3A_221 : i32
      %rem3A_223 = arith.remsi %add3A_149, %jit3A_206 : i32
      %ne3A_224 = arith.constant 0 : i32
      %ne3A_225 = arith.cmpi ne, %rem3A_223, %ne3A_224 : i32
      %and3A_226 = arith.andi %ne3A_222, %ne3A_225 : i1
      %sub3A_227 = arith.constant 1 : i32
      %sub3A_228 = arith.subi %div3A_207, %sub3A_227 : i32
      %select_n3A_229 = arith.select %and3A_226, %sub3A_228, %div3A_207 : i32
      %mul3A_230 = arith.constant 32 : i32
      %mul3A_231 = arith.muli %select_n3A_229, %mul3A_230 : i32
      %mul3A_232 = arith.constant 16 : i32
      %mul3A_233 = arith.muli %add3A_148, %mul3A_232 : i32
      %add3A_234 = arith.addi %mul3A_231, %mul3A_233 : i32
      %jit3A_235 = arith.constant 16 : i32
      %eq3A_236 = arith.constant 0 : i32
      %eq3A_237 = arith.cmpi eq, %jit3A_235, %eq3A_236 : i32
      %jit3A_238 = arith.constant 1 : i32
      %select_n3A_239 = arith.select %eq3A_237, %jit3A_238, %jit3A_235 : i32
      %rem3A_240 = arith.remsi %add3A_149, %select_n3A_239 : i32
      %ne3A_241 = arith.constant 0 : i32
      %ne3A_242 = arith.cmpi ne, %rem3A_240, %ne3A_241 : i32
      %lt3A_243 = arith.constant 0 : i32
      %lt3A_244 = arith.cmpi slt, %rem3A_240, %lt3A_243 : i32
      %lt3A_245 = arith.constant 0 : i32
      %lt3A_246 = arith.cmpi slt, %select_n3A_239, %lt3A_245 : i32
      %ne3A_247 = arith.xori %lt3A_244, %lt3A_246 : i1
      %and3A_248 = arith.andi %ne3A_247, %ne3A_242 : i1
      %add3A_249 = arith.addi %rem3A_240, %select_n3A_239 : i32
      %select_n3A_250 = arith.select %and3A_248, %add3A_249, %rem3A_240 : i32
      %add3A_251 = arith.addi %add3A_234, %select_n3A_250 : i32
      %mul3A_252 = arith.constant 128 : i32
      %mul3A_253 = arith.muli %mul3A_252, %add3A_251 : i32
      %dma_wait3A = arith.constant 0 : i32
      %dma_wait3A_254 = arith.constant 0 : i32
      %dma_wait3A_255 = tpu.memref_slice %run_scoped3A_8[%rem3A_205, %dma_wait3A, %dma_wait3A_254] : memref<2x128x256xf32, #tpu.memory_space<vmem>> -> memref<1x128x256xf32, #tpu.memory_space<vmem>>
      %dma_wait3A_256 = tpu.memref_squeeze %dma_wait3A_255 : memref<1x128x256xf32, #tpu.memory_space<vmem>> -> memref<128x256xf32, #tpu.memory_space<vmem>>
      %dma_wait3A_257 = arith.constant 0 : i32
      %dma_wait3A_258 = tpu.memref_slice %arg4[%mul3A_253, %dma_wait3A_257] : memref<16384x256xf32, #tpu.memory_space<hbm>> -> memref<128x256xf32, #tpu.memory_space<hbm>>
      %dma_wait3A_259 = tpu.memref_slice %run_scoped3A_9[%rem3A_205] : memref<2x!tpu.dma_semaphore, #tpu.memory_space<semaphore_mem>> -> memref<1x!tpu.dma_semaphore, #tpu.memory_space<semaphore_mem>>
      %dma_wait3A_260 = tpu.memref_squeeze %dma_wait3A_259 : memref<1x!tpu.dma_semaphore, #tpu.memory_space<semaphore_mem>> -> memref<!tpu.dma_semaphore, #tpu.memory_space<semaphore_mem>>
      %dma_wait3A_261 = arith.constant 0 : i32
      %dma_wait3A_262 = tpu.memref_slice %arg4[%mul3A_253, %dma_wait3A_261] : memref<16384x256xf32, #tpu.memory_space<hbm>> -> memref<128x256xf32, #tpu.memory_space<hbm>>
      %dma_wait3A_263 = arith.constant 0 : i32
      %dma_wait3A_264 = arith.constant 0 : i32
      %dma_wait3A_265 = tpu.memref_slice %run_scoped3A_8[%rem3A_205, %dma_wait3A_263, %dma_wait3A_264] : memref<2x128x256xf32, #tpu.memory_space<vmem>> -> memref<1x128x256xf32, #tpu.memory_space<vmem>>
      %dma_wait3A_266 = tpu.memref_squeeze %dma_wait3A_265 : memref<1x128x256xf32, #tpu.memory_space<vmem>> -> memref<128x256xf32, #tpu.memory_space<vmem>>
      tpu.wait_dma2 semaphore(%dma_wait3A_260 : memref<!tpu.dma_semaphore, #tpu.memory_space<semaphore_mem>>) src(%dma_wait3A_266 : memref<128x256xf32, #tpu.memory_space<vmem>>) dst(%dma_wait3A_262 : memref<128x256xf32, #tpu.memory_space<hbm>>)
      "tpu.trace_stop"() : () -> ()
      tpu.yield
    }) : () -> ()
    return
  }
}

module attributes {stable_mosaic.version = 14 : i64} {
  func.func @_router_kernel(%arg0: memref<2048x1024xf32, #tpu.memory_space<vmem>>, %arg1: memref<1024x8xf32, #tpu.memory_space<vmem>>, %arg2: memref<1x8xf32, #tpu.memory_space<vmem>>, %arg3: memref<2048x8xf32, #tpu.memory_space<vmem>>, %arg4: memref<2048x2xi32, #tpu.memory_space<vmem>>, %arg5: memref<8x2048xi32, #tpu.memory_space<vmem>>, %arg6: memref<2048x2xf32, #tpu.memory_space<vmem>>, %arg7: memref<1x23xi32, #tpu.memory_space<vmem>>) attributes {dimension_semantics = [], scalar_prefetch = 0 : i64, scratch_operands = 0 : i64, tpu.core_type = #tpu.core_type<tc>} {
    %get3A = arith.constant 0 : index
    %get3A_0 = arith.constant 0 : index
    %get3A_1 = vector.load %arg0[%get3A, %get3A_0] : memref<2048x1024xf32, #tpu.memory_space<vmem>>, vector<2048x1024xf32>
    %get3A_2 = arith.constant 0 : index
    %get3A_3 = arith.constant 0 : index
    %get3A_4 = vector.load %arg1[%get3A_2, %get3A_3] : memref<1024x8xf32, #tpu.memory_space<vmem>>, vector<1024x8xf32>
    %dot_general3A = arith.constant dense<0.000000e+00> : vector<2048x8xf32>
    %dot_general3A_5 = tpu.matmul %get3A_1, %get3A_4, %dot_general3A {dimension_numbers = #tpu.dot_dimension_numbers<[1], [0], [0], [1], [0, 0, 1, 1], [], []>, transpose_lhs_hint = false} : vector<2048x1024xf32>, vector<1024x8xf32>, vector<2048x8xf32> -> vector<2048x8xf32>
    %get3A_6 = arith.constant 0 : index
    %get3A_7 = arith.constant 0 : index
    %get3A_8 = vector.load %arg2[%get3A_6, %get3A_7] : memref<1x8xf32, #tpu.memory_space<vmem>>, vector<1x8xf32>
    %add3A = vector.broadcast %get3A_8 : vector<1x8xf32> to vector<2048x8xf32>
    %add3A_9 = arith.addf %dot_general3A_5, %add3A : vector<2048x8xf32>
    %swap3A = arith.constant 0 : index
    %swap3A_10 = arith.constant 0 : index
    %swap3A_11 = vector.load %arg3[%swap3A, %swap3A_10] : memref<2048x8xf32, #tpu.memory_space<vmem>>, vector<2048x8xf32>
    tpu.vector_store %arg3[%swap3A, %swap3A_10], %add3A_9 {strides = array<i32>} : memref<2048x8xf32, #tpu.memory_space<vmem>>, vector<2048x8xf32>,
    %reduce_max3A = arith.constant dense<0xFF800000> : vector<2048xf32>
    %reduce_max3A_12 = vector.multi_reduction <maximumf>, %add3A_9, %reduce_max3A [1] : vector<2048x8xf32> to vector<2048xf32>
    %broadcast_in_dim3A = vector.shape_cast %reduce_max3A_12 : vector<2048xf32> to vector<2048x1xf32>
    %sub3A = vector.broadcast %broadcast_in_dim3A : vector<2048x1xf32> to vector<2048x8xf32>
    %sub3A_13 = arith.subf %add3A_9, %sub3A : vector<2048x8xf32>
    %exp3A = math.exp %sub3A_13 : vector<2048x8xf32>
    %reduce_sum3A = arith.constant dense<0.000000e+00> : vector<2048xf32>
    %reduce_sum3A_14 = vector.multi_reduction <add>, %exp3A, %reduce_sum3A [1] : vector<2048x8xf32> to vector<2048xf32>
    %broadcast_in_dim3A_15 = vector.shape_cast %reduce_sum3A_14 : vector<2048xf32> to vector<2048x1xf32>
    %div3A = vector.broadcast %broadcast_in_dim3A_15 : vector<2048x1xf32> to vector<2048x8xf32>
    %div3A_16 = arith.divf %exp3A, %div3A : vector<2048x8xf32>
    %iota3A = tpu.iota {dimensions = array<i32: 1>} : vector<2048x8xi32>
    %eq3A = vector.broadcast %broadcast_in_dim3A : vector<2048x1xf32> to vector<2048x8xf32>
    %eq3A_17 = arith.cmpf oeq, %add3A_9, %eq3A : vector<2048x8xf32>
    %jit3A = arith.constant 8 : i32
    %broadcast_in_dim3A_18 = vector.broadcast %jit3A : i32 to vector<2048x8xi32>
    %select_n3A = arith.select %eq3A_17, %iota3A, %broadcast_in_dim3A_18 : vector<2048x8xi1>, vector<2048x8xi32>
    %reduce_min3A = arith.constant dense<2147483647> : vector<2048xi32>
    %reduce_min3A_19 = vector.multi_reduction <minsi>, %select_n3A, %reduce_min3A [1] : vector<2048x8xi32> to vector<2048xi32>
    %broadcast_in_dim3A_20 = vector.shape_cast %reduce_min3A_19 : vector<2048xi32> to vector<2048x1xi32>
    %eq3A_21 = vector.broadcast %broadcast_in_dim3A_20 : vector<2048x1xi32> to vector<2048x8xi32>
    %eq3A_22 = arith.cmpi eq, %iota3A, %eq3A_21 : vector<2048x8xi32>
    %jit3A_23 = arith.constant 0xFF800000 : f32
    %broadcast_in_dim3A_24 = vector.broadcast %jit3A_23 : f32 to vector<2048x8xf32>
    %select_n3A_25 = arith.select %eq3A_22, %broadcast_in_dim3A_24, %add3A_9 : vector<2048x8xi1>, vector<2048x8xf32>
    %reduce_max3A_26 = arith.constant dense<0xFF800000> : vector<2048xf32>
    %reduce_max3A_27 = vector.multi_reduction <maximumf>, %select_n3A_25, %reduce_max3A_26 [1] : vector<2048x8xf32> to vector<2048xf32>
    %broadcast_in_dim3A_28 = vector.shape_cast %reduce_max3A_27 : vector<2048xf32> to vector<2048x1xf32>
    %eq3A_29 = vector.broadcast %broadcast_in_dim3A_28 : vector<2048x1xf32> to vector<2048x8xf32>
    %eq3A_30 = arith.cmpf oeq, %select_n3A_25, %eq3A_29 : vector<2048x8xf32>
    %jit3A_31 = arith.constant 8 : i32
    %broadcast_in_dim3A_32 = vector.broadcast %jit3A_31 : i32 to vector<2048x8xi32>
    %select_n3A_33 = arith.select %eq3A_30, %iota3A, %broadcast_in_dim3A_32 : vector<2048x8xi1>, vector<2048x8xi32>
    %reduce_min3A_34 = arith.constant dense<2147483647> : vector<2048xi32>
    %reduce_min3A_35 = vector.multi_reduction <minsi>, %select_n3A_33, %reduce_min3A_34 [1] : vector<2048x8xi32> to vector<2048xi32>
    %broadcast_in_dim3A_36 = vector.shape_cast %reduce_min3A_35 : vector<2048xi32> to vector<2048x1xi32>
    %eq3A_37 = vector.broadcast %broadcast_in_dim3A_20 : vector<2048x1xi32> to vector<2048x8xi32>
    %eq3A_38 = arith.cmpi eq, %iota3A, %eq3A_37 : vector<2048x8xi32>
    %jit3A_39 = arith.constant 0.000000e+00 : f32
    %broadcast_in_dim3A_40 = vector.broadcast %jit3A_39 : f32 to vector<2048x8xf32>
    %select_n3A_41 = arith.select %eq3A_38, %div3A_16, %broadcast_in_dim3A_40 : vector<2048x8xi1>, vector<2048x8xf32>
    %reduce_sum3A_42 = arith.constant dense<0.000000e+00> : vector<2048xf32>
    %reduce_sum3A_43 = vector.multi_reduction <add>, %select_n3A_41, %reduce_sum3A_42 [1] : vector<2048x8xf32> to vector<2048xf32>
    %broadcast_in_dim3A_44 = vector.shape_cast %reduce_sum3A_43 : vector<2048xf32> to vector<2048x1xf32>
    %eq3A_45 = vector.broadcast %broadcast_in_dim3A_36 : vector<2048x1xi32> to vector<2048x8xi32>
    %eq3A_46 = arith.cmpi eq, %iota3A, %eq3A_45 : vector<2048x8xi32>
    %jit3A_47 = arith.constant 0.000000e+00 : f32
    %broadcast_in_dim3A_48 = vector.broadcast %jit3A_47 : f32 to vector<2048x8xf32>
    %select_n3A_49 = arith.select %eq3A_46, %div3A_16, %broadcast_in_dim3A_48 : vector<2048x8xi1>, vector<2048x8xf32>
    %reduce_sum3A_50 = arith.constant dense<0.000000e+00> : vector<2048xf32>
    %reduce_sum3A_51 = vector.multi_reduction <add>, %select_n3A_49, %reduce_sum3A_50 [1] : vector<2048x8xf32> to vector<2048xf32>
    %broadcast_in_dim3A_52 = vector.shape_cast %reduce_sum3A_51 : vector<2048xf32> to vector<2048x1xf32>
    %add3A_53 = arith.addf %broadcast_in_dim3A_44, %broadcast_in_dim3A_52 : vector<2048x1xf32>
    %concatenate3A = tpu.concatenate %broadcast_in_dim3A_20, %broadcast_in_dim3A_36 in 1 : vector<2048x1xi32>, vector<2048x1xi32> -> vector<2048x2xi32>
    %swap3A_54 = arith.constant 0 : index
    %swap3A_55 = arith.constant 0 : index
    %swap3A_56 = vector.load %arg4[%swap3A_54, %swap3A_55] : memref<2048x2xi32, #tpu.memory_space<vmem>>, vector<2048x2xi32>
    tpu.vector_store %arg4[%swap3A_54, %swap3A_55], %concatenate3A {strides = array<i32>} : memref<2048x2xi32, #tpu.memory_space<vmem>>, vector<2048x2xi32>,
    %div3A_57 = arith.divf %broadcast_in_dim3A_44, %add3A_53 : vector<2048x1xf32>
    %div3A_58 = arith.divf %broadcast_in_dim3A_52, %add3A_53 : vector<2048x1xf32>
    %concatenate3A_59 = tpu.concatenate %div3A_57, %div3A_58 in 1 : vector<2048x1xf32>, vector<2048x1xf32> -> vector<2048x2xf32>
    %swap3A_60 = arith.constant 0 : index
    %swap3A_61 = arith.constant 0 : index
    %swap3A_62 = vector.load %arg6[%swap3A_60, %swap3A_61] : memref<2048x2xf32, #tpu.memory_space<vmem>>, vector<2048x2xf32>
    tpu.vector_store %arg6[%swap3A_60, %swap3A_61], %concatenate3A_59 {strides = array<i32>} : memref<2048x2xf32, #tpu.memory_space<vmem>>, vector<2048x2xf32>,
    %eq3A_63 = vector.broadcast %broadcast_in_dim3A_20 : vector<2048x1xi32> to vector<2048x8xi32>
    %eq3A_64 = arith.cmpi eq, %iota3A, %eq3A_63 : vector<2048x8xi32>
    %jit3A_65 = arith.constant 1.000000e+00 : f32
    %jit3A_66 = arith.constant 0.000000e+00 : f32
    %broadcast_in_dim3A_67 = vector.broadcast %jit3A_65 : f32 to vector<2048x8xf32>
    %broadcast_in_dim3A_68 = vector.broadcast %jit3A_66 : f32 to vector<2048x8xf32>
    %select_n3A_69 = arith.select %eq3A_64, %broadcast_in_dim3A_67, %broadcast_in_dim3A_68 : vector<2048x8xi1>, vector<2048x8xf32>
    %eq3A_70 = vector.broadcast %broadcast_in_dim3A_36 : vector<2048x1xi32> to vector<2048x8xi32>
    %eq3A_71 = arith.cmpi eq, %iota3A, %eq3A_70 : vector<2048x8xi32>
    %jit3A_72 = arith.constant 1.000000e+00 : f32
    %jit3A_73 = arith.constant 0.000000e+00 : f32
    %broadcast_in_dim3A_74 = vector.broadcast %jit3A_72 : f32 to vector<2048x8xf32>
    %broadcast_in_dim3A_75 = vector.broadcast %jit3A_73 : f32 to vector<2048x8xf32>
    %select_n3A_76 = arith.select %eq3A_71, %broadcast_in_dim3A_74, %broadcast_in_dim3A_75 : vector<2048x8xi1>, vector<2048x8xf32>
    %add3A_77 = arith.addf %select_n3A_69, %select_n3A_76 : vector<2048x8xf32>
    %iota3A_78 = tpu.iota {dimensions = array<i32: 0>} : vector<256x256xi32>
    %iota3A_79 = tpu.iota {dimensions = array<i32: 1>} : vector<256x256xi32>
    %gt3A = arith.cmpi sgt, %iota3A_78, %iota3A_79 : vector<256x256xi32>
    %jit3A_80 = arith.constant 1.000000e+00 : f32
    %jit3A_81 = arith.constant 0.000000e+00 : f32
    %broadcast_in_dim3A_82 = vector.broadcast %jit3A_80 : f32 to vector<256x256xf32>
    %broadcast_in_dim3A_83 = vector.broadcast %jit3A_81 : f32 to vector<256x256xf32>
    %select_n3A_84 = arith.select %gt3A, %broadcast_in_dim3A_82, %broadcast_in_dim3A_83 : vector<256x256xi1>, vector<256x256xf32>
    %broadcast_in_dim3A_85 = arith.constant 0.000000e+00 : f32
    %broadcast_in_dim3A_86 = vector.broadcast %broadcast_in_dim3A_85 : f32 to vector<1x8xf32>
    %slice3A = vector.extract_strided_slice %add3A_77 {offsets = [0, 0], sizes = [256, 8], strides = [1, 1]} : vector<2048x8xf32> to vector<256x8xf32>
    %dot_general3A_87 = arith.constant dense<0.000000e+00> : vector<256x8xf32>
    %dot_general3A_88 = tpu.matmul %select_n3A_84, %slice3A, %dot_general3A_87 {dimension_numbers = #tpu.dot_dimension_numbers<[1], [0], [0], [1], [0, 0, 1, 1], [], []>, transpose_lhs_hint = false} : vector<256x256xf32>, vector<256x8xf32>, vector<256x8xf32> -> vector<256x8xf32>
    %add3A_89 = vector.broadcast %broadcast_in_dim3A_86 : vector<1x8xf32> to vector<256x8xf32>
    %add3A_90 = arith.addf %dot_general3A_88, %add3A_89 : vector<256x8xf32>
    %reduce_sum3A_91 = arith.constant dense<0.000000e+00> : vector<8xf32>
    %reduce_sum3A_92 = vector.multi_reduction <add>, %slice3A, %reduce_sum3A_91 [0] : vector<256x8xf32> to vector<8xf32>
    %broadcast_in_dim3A_93 = vector.shape_cast %reduce_sum3A_92 : vector<8xf32> to vector<1x8xf32>
    %add3A_94 = arith.addf %broadcast_in_dim3A_86, %broadcast_in_dim3A_93 : vector<1x8xf32>
    %slice3A_95 = vector.extract_strided_slice %add3A_77 {offsets = [256, 0], sizes = [256, 8], strides = [1, 1]} : vector<2048x8xf32> to vector<256x8xf32>
    %dot_general3A_96 = arith.constant dense<0.000000e+00> : vector<256x8xf32>
    %dot_general3A_97 = tpu.matmul %select_n3A_84, %slice3A_95, %dot_general3A_96 {dimension_numbers = #tpu.dot_dimension_numbers<[1], [0], [0], [1], [0, 0, 1, 1], [], []>, transpose_lhs_hint = false} : vector<256x256xf32>, vector<256x8xf32>, vector<256x8xf32> -> vector<256x8xf32>
    %add3A_98 = vector.broadcast %add3A_94 : vector<1x8xf32> to vector<256x8xf32>
    %add3A_99 = arith.addf %dot_general3A_97, %add3A_98 : vector<256x8xf32>
    %reduce_sum3A_100 = arith.constant dense<0.000000e+00> : vector<8xf32>
    %reduce_sum3A_101 = vector.multi_reduction <add>, %slice3A_95, %reduce_sum3A_100 [0] : vector<256x8xf32> to vector<8xf32>
    %broadcast_in_dim3A_102 = vector.shape_cast %reduce_sum3A_101 : vector<8xf32> to vector<1x8xf32>
    %add3A_103 = arith.addf %add3A_94, %broadcast_in_dim3A_102 : vector<1x8xf32>
    %slice3A_104 = vector.extract_strided_slice %add3A_77 {offsets = [512, 0], sizes = [256, 8], strides = [1, 1]} : vector<2048x8xf32> to vector<256x8xf32>
    %dot_general3A_105 = arith.constant dense<0.000000e+00> : vector<256x8xf32>
    %dot_general3A_106 = tpu.matmul %select_n3A_84, %slice3A_104, %dot_general3A_105 {dimension_numbers = #tpu.dot_dimension_numbers<[1], [0], [0], [1], [0, 0, 1, 1], [], []>, transpose_lhs_hint = false} : vector<256x256xf32>, vector<256x8xf32>, vector<256x8xf32> -> vector<256x8xf32>
    %add3A_107 = vector.broadcast %add3A_103 : vector<1x8xf32> to vector<256x8xf32>
    %add3A_108 = arith.addf %dot_general3A_106, %add3A_107 : vector<256x8xf32>
    %reduce_sum3A_109 = arith.constant dense<0.000000e+00> : vector<8xf32>
    %reduce_sum3A_110 = vector.multi_reduction <add>, %slice3A_104, %reduce_sum3A_109 [0] : vector<256x8xf32> to vector<8xf32>
    %broadcast_in_dim3A_111 = vector.shape_cast %reduce_sum3A_110 : vector<8xf32> to vector<1x8xf32>
    %add3A_112 = arith.addf %add3A_103, %broadcast_in_dim3A_111 : vector<1x8xf32>
    %slice3A_113 = vector.extract_strided_slice %add3A_77 {offsets = [768, 0], sizes = [256, 8], strides = [1, 1]} : vector<2048x8xf32> to vector<256x8xf32>
    %dot_general3A_114 = arith.constant dense<0.000000e+00> : vector<256x8xf32>
    %dot_general3A_115 = tpu.matmul %select_n3A_84, %slice3A_113, %dot_general3A_114 {dimension_numbers = #tpu.dot_dimension_numbers<[1], [0], [0], [1], [0, 0, 1, 1], [], []>, transpose_lhs_hint = false} : vector<256x256xf32>, vector<256x8xf32>, vector<256x8xf32> -> vector<256x8xf32>
    %add3A_116 = vector.broadcast %add3A_112 : vector<1x8xf32> to vector<256x8xf32>
    %add3A_117 = arith.addf %dot_general3A_115, %add3A_116 : vector<256x8xf32>
    %reduce_sum3A_118 = arith.constant dense<0.000000e+00> : vector<8xf32>
    %reduce_sum3A_119 = vector.multi_reduction <add>, %slice3A_113, %reduce_sum3A_118 [0] : vector<256x8xf32> to vector<8xf32>
    %broadcast_in_dim3A_120 = vector.shape_cast %reduce_sum3A_119 : vector<8xf32> to vector<1x8xf32>
    %add3A_121 = arith.addf %add3A_112, %broadcast_in_dim3A_120 : vector<1x8xf32>
    %slice3A_122 = vector.extract_strided_slice %add3A_77 {offsets = [1024, 0], sizes = [256, 8], strides = [1, 1]} : vector<2048x8xf32> to vector<256x8xf32>
    %dot_general3A_123 = arith.constant dense<0.000000e+00> : vector<256x8xf32>
    %dot_general3A_124 = tpu.matmul %select_n3A_84, %slice3A_122, %dot_general3A_123 {dimension_numbers = #tpu.dot_dimension_numbers<[1], [0], [0], [1], [0, 0, 1, 1], [], []>, transpose_lhs_hint = false} : vector<256x256xf32>, vector<256x8xf32>, vector<256x8xf32> -> vector<256x8xf32>
    %add3A_125 = vector.broadcast %add3A_121 : vector<1x8xf32> to vector<256x8xf32>
    %add3A_126 = arith.addf %dot_general3A_124, %add3A_125 : vector<256x8xf32>
    %reduce_sum3A_127 = arith.constant dense<0.000000e+00> : vector<8xf32>
    %reduce_sum3A_128 = vector.multi_reduction <add>, %slice3A_122, %reduce_sum3A_127 [0] : vector<256x8xf32> to vector<8xf32>
    %broadcast_in_dim3A_129 = vector.shape_cast %reduce_sum3A_128 : vector<8xf32> to vector<1x8xf32>
    %add3A_130 = arith.addf %add3A_121, %broadcast_in_dim3A_129 : vector<1x8xf32>
    %slice3A_131 = vector.extract_strided_slice %add3A_77 {offsets = [1280, 0], sizes = [256, 8], strides = [1, 1]} : vector<2048x8xf32> to vector<256x8xf32>
    %dot_general3A_132 = arith.constant dense<0.000000e+00> : vector<256x8xf32>
    %dot_general3A_133 = tpu.matmul %select_n3A_84, %slice3A_131, %dot_general3A_132 {dimension_numbers = #tpu.dot_dimension_numbers<[1], [0], [0], [1], [0, 0, 1, 1], [], []>, transpose_lhs_hint = false} : vector<256x256xf32>, vector<256x8xf32>, vector<256x8xf32> -> vector<256x8xf32>
    %add3A_134 = vector.broadcast %add3A_130 : vector<1x8xf32> to vector<256x8xf32>
    %add3A_135 = arith.addf %dot_general3A_133, %add3A_134 : vector<256x8xf32>
    %reduce_sum3A_136 = arith.constant dense<0.000000e+00> : vector<8xf32>
    %reduce_sum3A_137 = vector.multi_reduction <add>, %slice3A_131, %reduce_sum3A_136 [0] : vector<256x8xf32> to vector<8xf32>
    %broadcast_in_dim3A_138 = vector.shape_cast %reduce_sum3A_137 : vector<8xf32> to vector<1x8xf32>
    %add3A_139 = arith.addf %add3A_130, %broadcast_in_dim3A_138 : vector<1x8xf32>
    %slice3A_140 = vector.extract_strided_slice %add3A_77 {offsets = [1536, 0], sizes = [256, 8], strides = [1, 1]} : vector<2048x8xf32> to vector<256x8xf32>
    %dot_general3A_141 = arith.constant dense<0.000000e+00> : vector<256x8xf32>
    %dot_general3A_142 = tpu.matmul %select_n3A_84, %slice3A_140, %dot_general3A_141 {dimension_numbers = #tpu.dot_dimension_numbers<[1], [0], [0], [1], [0, 0, 1, 1], [], []>, transpose_lhs_hint = false} : vector<256x256xf32>, vector<256x8xf32>, vector<256x8xf32> -> vector<256x8xf32>
    %add3A_143 = vector.broadcast %add3A_139 : vector<1x8xf32> to vector<256x8xf32>
    %add3A_144 = arith.addf %dot_general3A_142, %add3A_143 : vector<256x8xf32>
    %reduce_sum3A_145 = arith.constant dense<0.000000e+00> : vector<8xf32>
    %reduce_sum3A_146 = vector.multi_reduction <add>, %slice3A_140, %reduce_sum3A_145 [0] : vector<256x8xf32> to vector<8xf32>
    %broadcast_in_dim3A_147 = vector.shape_cast %reduce_sum3A_146 : vector<8xf32> to vector<1x8xf32>
    %add3A_148 = arith.addf %add3A_139, %broadcast_in_dim3A_147 : vector<1x8xf32>
    %slice3A_149 = vector.extract_strided_slice %add3A_77 {offsets = [1792, 0], sizes = [256, 8], strides = [1, 1]} : vector<2048x8xf32> to vector<256x8xf32>
    %dot_general3A_150 = arith.constant dense<0.000000e+00> : vector<256x8xf32>
    %dot_general3A_151 = tpu.matmul %select_n3A_84, %slice3A_149, %dot_general3A_150 {dimension_numbers = #tpu.dot_dimension_numbers<[1], [0], [0], [1], [0, 0, 1, 1], [], []>, transpose_lhs_hint = false} : vector<256x256xf32>, vector<256x8xf32>, vector<256x8xf32> -> vector<256x8xf32>
    %add3A_152 = vector.broadcast %add3A_148 : vector<1x8xf32> to vector<256x8xf32>
    %add3A_153 = arith.addf %dot_general3A_151, %add3A_152 : vector<256x8xf32>
    %reduce_sum3A_154 = arith.constant dense<0.000000e+00> : vector<8xf32>
    %reduce_sum3A_155 = vector.multi_reduction <add>, %slice3A_149, %reduce_sum3A_154 [0] : vector<256x8xf32> to vector<8xf32>
    %broadcast_in_dim3A_156 = vector.shape_cast %reduce_sum3A_155 : vector<8xf32> to vector<1x8xf32>
    %add3A_157 = arith.addf %add3A_148, %broadcast_in_dim3A_156 : vector<1x8xf32>
    %concatenate3A_158 = tpu.concatenate %add3A_90, %add3A_99, %add3A_108, %add3A_117, %add3A_126, %add3A_135, %add3A_144, %add3A_153 in 0 : vector<256x8xf32>, vector<256x8xf32>, vector<256x8xf32>, vector<256x8xf32>, vector<256x8xf32>, vector<256x8xf32>, vector<256x8xf32>, vector<256x8xf32> -> vector<2048x8xf32>
    %convert_element_type3A = arith.fptosi %add3A_157 : vector<1x8xf32> to vector<1x8xi32>
    %add3A_159 = arith.constant 255 : i32
    %add3A_160 = vector.broadcast %add3A_159 : i32 to vector<1x8xi32>
    %add3A_161 = arith.addi %convert_element_type3A, %add3A_160 : vector<1x8xi32>
    %jit3A_162 = arith.constant 256 : i32
    %div3A_163 = vector.broadcast %jit3A_162 : i32 to vector<1x8xi32>
    %div3A_164 = arith.divsi %add3A_161, %div3A_163 : vector<1x8xi32>
    %sign3A = arith.constant 0 : i32
    %sign3A_165 = vector.broadcast %sign3A : i32 to vector<1x8xi32>
    %sign3A_166 = arith.cmpi sgt, %add3A_161, %sign3A_165 : vector<1x8xi32>
    %sign3A_167 = arith.extui %sign3A_166 : vector<1x8xi1> to vector<1x8xi32>
    %sign3A_168 = arith.constant 0 : i32
    %sign3A_169 = vector.broadcast %sign3A_168 : i32 to vector<1x8xi32>
    %sign3A_170 = arith.cmpi slt, %add3A_161, %sign3A_169 : vector<1x8xi32>
    %sign3A_171 = arith.extui %sign3A_170 : vector<1x8xi1> to vector<1x8xi32>
    %sign3A_172 = arith.subi %sign3A_167, %sign3A_171 : vector<1x8xi32>
    %sign3A_173 = arith.constant 0 : i32
    %sign3A_174 = arith.cmpi sgt, %jit3A_162, %sign3A_173 : i32
    %sign3A_175 = arith.extui %sign3A_174 : i1 to i32
    %sign3A_176 = arith.constant 0 : i32
    %sign3A_177 = arith.cmpi slt, %jit3A_162, %sign3A_176 : i32
    %sign3A_178 = arith.extui %sign3A_177 : i1 to i32
    %sign3A_179 = arith.subi %sign3A_175, %sign3A_178 : i32
    %ne3A = vector.broadcast %sign3A_179 : i32 to vector<1x8xi32>
    %ne3A_180 = arith.cmpi ne, %sign3A_172, %ne3A : vector<1x8xi32>
    %rem3A = vector.broadcast %jit3A_162 : i32 to vector<1x8xi32>
    %rem3A_181 = arith.remsi %add3A_161, %rem3A : vector<1x8xi32>
    %ne3A_182 = arith.constant 0 : i32
    %ne3A_183 = vector.broadcast %ne3A_182 : i32 to vector<1x8xi32>
    %ne3A_184 = arith.cmpi ne, %rem3A_181, %ne3A_183 : vector<1x8xi32>
    %and3A = arith.andi %ne3A_180, %ne3A_184 : vector<1x8xi1>
    %sub3A_185 = arith.constant 1 : i32
    %sub3A_186 = vector.broadcast %sub3A_185 : i32 to vector<1x8xi32>
    %sub3A_187 = arith.subi %div3A_164, %sub3A_186 : vector<1x8xi32>
    %select_n3A_188 = arith.select %and3A, %sub3A_187, %div3A_164 : vector<1x8xi1>, vector<1x8xi32>
    %mul3A = arith.constant 256 : i32
    %mul3A_189 = vector.broadcast %mul3A : i32 to vector<1x8xi32>
    %mul3A_190 = arith.muli %select_n3A_188, %mul3A_189 : vector<1x8xi32>
    %convert_element_type3A_191 = arith.sitofp %mul3A_190 : vector<1x8xi32> to vector<1x8xf32>
    %iota3A_192 = tpu.iota {dimensions = array<i32: 0>} : vector<8x8xi32>
    %iota3A_193 = tpu.iota {dimensions = array<i32: 1>} : vector<8x8xi32>
    %lt3A = arith.cmpi slt, %iota3A_192, %iota3A_193 : vector<8x8xi32>
    %jit3A_194 = arith.constant 1.000000e+00 : f32
    %jit3A_195 = arith.constant 0.000000e+00 : f32
    %broadcast_in_dim3A_196 = vector.broadcast %jit3A_194 : f32 to vector<8x8xf32>
    %broadcast_in_dim3A_197 = vector.broadcast %jit3A_195 : f32 to vector<8x8xf32>
    %select_n3A_198 = arith.select %lt3A, %broadcast_in_dim3A_196, %broadcast_in_dim3A_197 : vector<8x8xi1>, vector<8x8xf32>
    %dot_general3A_199 = arith.constant dense<0.000000e+00> : vector<1x8xf32>
    %dot_general3A_200 = tpu.matmul %convert_element_type3A_191, %select_n3A_198, %dot_general3A_199 {dimension_numbers = #tpu.dot_dimension_numbers<[1], [0], [0], [1], [0, 0, 1, 1], [], []>, transpose_lhs_hint = false} : vector<1x8xf32>, vector<8x8xf32>, vector<1x8xf32> -> vector<1x8xf32>
    %broadcast_in_dim3A_201 = vector.shape_cast %dot_general3A_200 : vector<1x8xf32> to vector<1x8xf32>
    %broadcast_in_dim3A_202 = vector.broadcast %broadcast_in_dim3A_201 : vector<1x8xf32> to vector<2048x8xf32>
    %add3A_203 = arith.addf %broadcast_in_dim3A_202, %concatenate3A_158 : vector<2048x8xf32>
    %eq3A_204 = vector.broadcast %broadcast_in_dim3A_20 : vector<2048x1xi32> to vector<2048x8xi32>
    %eq3A_205 = arith.cmpi eq, %iota3A, %eq3A_204 : vector<2048x8xi32>
    %jit3A_206 = arith.constant 0.000000e+00 : f32
    %broadcast_in_dim3A_207 = vector.broadcast %jit3A_206 : f32 to vector<2048x8xf32>
    %select_n3A_208 = arith.select %eq3A_205, %add3A_203, %broadcast_in_dim3A_207 : vector<2048x8xi1>, vector<2048x8xf32>
    %reduce_sum3A_209 = arith.constant dense<0.000000e+00> : vector<2048xf32>
    %reduce_sum3A_210 = vector.multi_reduction <add>, %select_n3A_208, %reduce_sum3A_209 [1] : vector<2048x8xf32> to vector<2048xf32>
    %broadcast_in_dim3A_211 = vector.shape_cast %reduce_sum3A_210 : vector<2048xf32> to vector<2048x1xf32>
    %eq3A_212 = vector.broadcast %broadcast_in_dim3A_36 : vector<2048x1xi32> to vector<2048x8xi32>
    %eq3A_213 = arith.cmpi eq, %iota3A, %eq3A_212 : vector<2048x8xi32>
    %jit3A_214 = arith.constant 0.000000e+00 : f32
    %broadcast_in_dim3A_215 = vector.broadcast %jit3A_214 : f32 to vector<2048x8xf32>
    %select_n3A_216 = arith.select %eq3A_213, %add3A_203, %broadcast_in_dim3A_215 : vector<2048x8xi1>, vector<2048x8xf32>
    %reduce_sum3A_217 = arith.constant dense<0.000000e+00> : vector<2048xf32>
    %reduce_sum3A_218 = vector.multi_reduction <add>, %select_n3A_216, %reduce_sum3A_217 [1] : vector<2048x8xf32> to vector<2048xf32>
    %broadcast_in_dim3A_219 = vector.shape_cast %reduce_sum3A_218 : vector<2048xf32> to vector<2048x1xf32>
    %transpose3A = tpu.transpose %broadcast_in_dim3A_211, [1, 0] : vector<2048x1xf32> -> vector<1x2048xf32>
    %convert_element_type3A_220 = arith.fptosi %transpose3A : vector<1x2048xf32> to vector<1x2048xi32>
    %transpose3A_221 = tpu.transpose %broadcast_in_dim3A_219, [1, 0] : vector<2048x1xf32> -> vector<1x2048xf32>
    %convert_element_type3A_222 = arith.fptosi %transpose3A_221 : vector<1x2048xf32> to vector<1x2048xi32>
    %add3A_223 = arith.constant 0 : i32
    %add3A_224 = vector.broadcast %add3A_223 : i32 to vector<1x2048xi32>
    %add3A_225 = arith.addi %convert_element_type3A_220, %add3A_224 : vector<1x2048xi32>
    %add3A_226 = arith.constant 5888 : i32
    %add3A_227 = vector.broadcast %add3A_226 : i32 to vector<1x2048xi32>
    %add3A_228 = arith.addi %convert_element_type3A_220, %add3A_227 : vector<1x2048xi32>
    %add3A_229 = arith.constant 11776 : i32
    %add3A_230 = vector.broadcast %add3A_229 : i32 to vector<1x2048xi32>
    %add3A_231 = arith.addi %convert_element_type3A_220, %add3A_230 : vector<1x2048xi32>
    %add3A_232 = arith.constant 17664 : i32
    %add3A_233 = vector.broadcast %add3A_232 : i32 to vector<1x2048xi32>
    %add3A_234 = arith.addi %convert_element_type3A_220, %add3A_233 : vector<1x2048xi32>
    %add3A_235 = arith.constant 0 : i32
    %add3A_236 = vector.broadcast %add3A_235 : i32 to vector<1x2048xi32>
    %add3A_237 = arith.addi %convert_element_type3A_222, %add3A_236 : vector<1x2048xi32>
    %add3A_238 = arith.constant 5888 : i32
    %add3A_239 = vector.broadcast %add3A_238 : i32 to vector<1x2048xi32>
    %add3A_240 = arith.addi %convert_element_type3A_222, %add3A_239 : vector<1x2048xi32>
    %add3A_241 = arith.constant 11776 : i32
    %add3A_242 = vector.broadcast %add3A_241 : i32 to vector<1x2048xi32>
    %add3A_243 = arith.addi %convert_element_type3A_222, %add3A_242 : vector<1x2048xi32>
    %add3A_244 = arith.constant 17664 : i32
    %add3A_245 = vector.broadcast %add3A_244 : i32 to vector<1x2048xi32>
    %add3A_246 = arith.addi %convert_element_type3A_222, %add3A_245 : vector<1x2048xi32>
    %concatenate3A_247 = tpu.concatenate %add3A_225, %add3A_228, %add3A_231, %add3A_234, %add3A_237, %add3A_240, %add3A_243, %add3A_246 in 0 : vector<1x2048xi32>, vector<1x2048xi32>, vector<1x2048xi32>, vector<1x2048xi32>, vector<1x2048xi32>, vector<1x2048xi32>, vector<1x2048xi32>, vector<1x2048xi32> -> vector<8x2048xi32>
    %swap3A_248 = arith.constant 0 : index
    %swap3A_249 = arith.constant 0 : index
    %swap3A_250 = vector.load %arg5[%swap3A_248, %swap3A_249] : memref<8x2048xi32, #tpu.memory_space<vmem>>, vector<8x2048xi32>
    tpu.vector_store %arg5[%swap3A_248, %swap3A_249], %concatenate3A_247 {strides = array<i32>} : memref<8x2048xi32, #tpu.memory_space<vmem>>, vector<8x2048xi32>,
    %iota3A_251 = tpu.iota {dimensions = array<i32: 1>} : vector<1x23xi32>
    %mul3A_252 = arith.constant 256 : i32
    %mul3A_253 = vector.broadcast %mul3A_252 : i32 to vector<1x23xi32>
    %mul3A_254 = arith.muli %iota3A_251, %mul3A_253 : vector<1x23xi32>
    %convert_element_type3A_255 = arith.sitofp %mul3A_254 : vector<1x23xi32> to vector<1x23xf32>
    %broadcast_in_dim3A_256 = arith.constant 0.000000e+00 : f32
    %broadcast_in_dim3A_257 = vector.broadcast %broadcast_in_dim3A_256 : f32 to vector<1x23xf32>
    %iota3A_258 = tpu.iota {dimensions = array<i32: 1>} : vector<1x8xi32>
    %eq3A_259 = arith.constant 0 : i32
    %eq3A_260 = vector.broadcast %eq3A_259 : i32 to vector<1x8xi32>
    %eq3A_261 = arith.cmpi eq, %iota3A_258, %eq3A_260 : vector<1x8xi32>
    %jit3A_262 = arith.constant 0.000000e+00 : f32
    %broadcast_in_dim3A_263 = vector.broadcast %jit3A_262 : f32 to vector<1x8xf32>
    %select_n3A_264 = arith.select %eq3A_261, %dot_general3A_200, %broadcast_in_dim3A_263 : vector<1x8xi1>, vector<1x8xf32>
    %reduce_sum3A_265 = vector.shape_cast %select_n3A_264 : vector<1x8xf32> to vector<1x1x8xf32>
    %reduce_sum3A_266 = arith.constant dense<0.000000e+00> : vector<1xf32>
    %reduce_sum3A_267 = vector.multi_reduction <add>, %reduce_sum3A_265, %reduce_sum3A_266 [1, 2] : vector<1x1x8xf32> to vector<1xf32>
    %reduce_sum3A_268 = vector.shape_cast %reduce_sum3A_267 : vector<1xf32> to vector<1x1x1xf32>
    %reduce_sum3A_269 = vector.extract %reduce_sum3A_268[0, 0, 0] : f32 from vector<1x1x1xf32>
    %eq3A_270 = arith.constant 0 : i32
    %eq3A_271 = vector.broadcast %eq3A_270 : i32 to vector<1x8xi32>
    %eq3A_272 = arith.cmpi eq, %iota3A_258, %eq3A_271 : vector<1x8xi32>
    %jit3A_273 = arith.constant 0.000000e+00 : f32
    %broadcast_in_dim3A_274 = vector.broadcast %jit3A_273 : f32 to vector<1x8xf32>
    %select_n3A_275 = arith.select %eq3A_272, %convert_element_type3A_191, %broadcast_in_dim3A_274 : vector<1x8xi1>, vector<1x8xf32>
    %reduce_sum3A_276 = vector.shape_cast %select_n3A_275 : vector<1x8xf32> to vector<1x1x8xf32>
    %reduce_sum3A_277 = arith.constant dense<0.000000e+00> : vector<1xf32>
    %reduce_sum3A_278 = vector.multi_reduction <add>, %reduce_sum3A_276, %reduce_sum3A_277 [1, 2] : vector<1x1x8xf32> to vector<1xf32>
    %reduce_sum3A_279 = vector.shape_cast %reduce_sum3A_278 : vector<1xf32> to vector<1x1x1xf32>
    %reduce_sum3A_280 = vector.extract %reduce_sum3A_279[0, 0, 0] : f32 from vector<1x1x1xf32>
    %ge3A = vector.broadcast %reduce_sum3A_269 : f32 to vector<1x23xf32>
    %ge3A_281 = arith.cmpf oge, %convert_element_type3A_255, %ge3A : vector<1x23xf32>
    %add3A_282 = arith.addf %reduce_sum3A_269, %reduce_sum3A_280 : f32
    %lt3A_283 = vector.broadcast %add3A_282 : f32 to vector<1x23xf32>
    %lt3A_284 = arith.cmpf olt, %convert_element_type3A_255, %lt3A_283 : vector<1x23xf32>
    %and3A_285 = arith.andi %ge3A_281, %lt3A_284 : vector<1x23xi1>
    %jit3A_286 = arith.constant 1.000000e+00 : f32
    %jit3A_287 = arith.constant 0.000000e+00 : f32
    %broadcast_in_dim3A_288 = vector.broadcast %jit3A_286 : f32 to vector<1x23xf32>
    %broadcast_in_dim3A_289 = vector.broadcast %jit3A_287 : f32 to vector<1x23xf32>
    %select_n3A_290 = arith.select %and3A_285, %broadcast_in_dim3A_288, %broadcast_in_dim3A_289 : vector<1x23xi1>, vector<1x23xf32>
    %mul3A_291 = arith.constant 0.000000e+00 : f32
    %mul3A_292 = vector.broadcast %mul3A_291 : f32 to vector<1x23xf32>
    %mul3A_293 = arith.mulf %mul3A_292, %select_n3A_290 : vector<1x23xf32>
    %add3A_294 = arith.addf %broadcast_in_dim3A_257, %mul3A_293 : vector<1x23xf32>
    %eq3A_295 = arith.constant 1 : i32
    %eq3A_296 = vector.broadcast %eq3A_295 : i32 to vector<1x8xi32>
    %eq3A_297 = arith.cmpi eq, %iota3A_258, %eq3A_296 : vector<1x8xi32>
    %jit3A_298 = arith.constant 0.000000e+00 : f32
    %broadcast_in_dim3A_299 = vector.broadcast %jit3A_298 : f32 to vector<1x8xf32>
    %select_n3A_300 = arith.select %eq3A_297, %dot_general3A_200, %broadcast_in_dim3A_299 : vector<1x8xi1>, vector<1x8xf32>
    %reduce_sum3A_301 = vector.shape_cast %select_n3A_300 : vector<1x8xf32> to vector<1x1x8xf32>
    %reduce_sum3A_302 = arith.constant dense<0.000000e+00> : vector<1xf32>
    %reduce_sum3A_303 = vector.multi_reduction <add>, %reduce_sum3A_301, %reduce_sum3A_302 [1, 2] : vector<1x1x8xf32> to vector<1xf32>
    %reduce_sum3A_304 = vector.shape_cast %reduce_sum3A_303 : vector<1xf32> to vector<1x1x1xf32>
    %reduce_sum3A_305 = vector.extract %reduce_sum3A_304[0, 0, 0] : f32 from vector<1x1x1xf32>
    %eq3A_306 = arith.constant 1 : i32
    %eq3A_307 = vector.broadcast %eq3A_306 : i32 to vector<1x8xi32>
    %eq3A_308 = arith.cmpi eq, %iota3A_258, %eq3A_307 : vector<1x8xi32>
    %jit3A_309 = arith.constant 0.000000e+00 : f32
    %broadcast_in_dim3A_310 = vector.broadcast %jit3A_309 : f32 to vector<1x8xf32>
    %select_n3A_311 = arith.select %eq3A_308, %convert_element_type3A_191, %broadcast_in_dim3A_310 : vector<1x8xi1>, vector<1x8xf32>
    %reduce_sum3A_312 = vector.shape_cast %select_n3A_311 : vector<1x8xf32> to vector<1x1x8xf32>
    %reduce_sum3A_313 = arith.constant dense<0.000000e+00> : vector<1xf32>
    %reduce_sum3A_314 = vector.multi_reduction <add>, %reduce_sum3A_312, %reduce_sum3A_313 [1, 2] : vector<1x1x8xf32> to vector<1xf32>
    %reduce_sum3A_315 = vector.shape_cast %reduce_sum3A_314 : vector<1xf32> to vector<1x1x1xf32>
    %reduce_sum3A_316 = vector.extract %reduce_sum3A_315[0, 0, 0] : f32 from vector<1x1x1xf32>
    %ge3A_317 = vector.broadcast %reduce_sum3A_305 : f32 to vector<1x23xf32>
    %ge3A_318 = arith.cmpf oge, %convert_element_type3A_255, %ge3A_317 : vector<1x23xf32>
    %add3A_319 = arith.addf %reduce_sum3A_305, %reduce_sum3A_316 : f32
    %lt3A_320 = vector.broadcast %add3A_319 : f32 to vector<1x23xf32>
    %lt3A_321 = arith.cmpf olt, %convert_element_type3A_255, %lt3A_320 : vector<1x23xf32>
    %and3A_322 = arith.andi %ge3A_318, %lt3A_321 : vector<1x23xi1>
    %jit3A_323 = arith.constant 1.000000e+00 : f32
    %jit3A_324 = arith.constant 0.000000e+00 : f32
    %broadcast_in_dim3A_325 = vector.broadcast %jit3A_323 : f32 to vector<1x23xf32>
    %broadcast_in_dim3A_326 = vector.broadcast %jit3A_324 : f32 to vector<1x23xf32>
    %select_n3A_327 = arith.select %and3A_322, %broadcast_in_dim3A_325, %broadcast_in_dim3A_326 : vector<1x23xi1>, vector<1x23xf32>
    %mul3A_328 = arith.constant 1.000000e+00 : f32
    %mul3A_329 = vector.broadcast %mul3A_328 : f32 to vector<1x23xf32>
    %mul3A_330 = arith.mulf %mul3A_329, %select_n3A_327 : vector<1x23xf32>
    %add3A_331 = arith.addf %add3A_294, %mul3A_330 : vector<1x23xf32>
    %eq3A_332 = arith.constant 2 : i32
    %eq3A_333 = vector.broadcast %eq3A_332 : i32 to vector<1x8xi32>
    %eq3A_334 = arith.cmpi eq, %iota3A_258, %eq3A_333 : vector<1x8xi32>
    %jit3A_335 = arith.constant 0.000000e+00 : f32
    %broadcast_in_dim3A_336 = vector.broadcast %jit3A_335 : f32 to vector<1x8xf32>
    %select_n3A_337 = arith.select %eq3A_334, %dot_general3A_200, %broadcast_in_dim3A_336 : vector<1x8xi1>, vector<1x8xf32>
    %reduce_sum3A_338 = vector.shape_cast %select_n3A_337 : vector<1x8xf32> to vector<1x1x8xf32>
    %reduce_sum3A_339 = arith.constant dense<0.000000e+00> : vector<1xf32>
    %reduce_sum3A_340 = vector.multi_reduction <add>, %reduce_sum3A_338, %reduce_sum3A_339 [1, 2] : vector<1x1x8xf32> to vector<1xf32>
    %reduce_sum3A_341 = vector.shape_cast %reduce_sum3A_340 : vector<1xf32> to vector<1x1x1xf32>
    %reduce_sum3A_342 = vector.extract %reduce_sum3A_341[0, 0, 0] : f32 from vector<1x1x1xf32>
    %eq3A_343 = arith.constant 2 : i32
    %eq3A_344 = vector.broadcast %eq3A_343 : i32 to vector<1x8xi32>
    %eq3A_345 = arith.cmpi eq, %iota3A_258, %eq3A_344 : vector<1x8xi32>
    %jit3A_346 = arith.constant 0.000000e+00 : f32
    %broadcast_in_dim3A_347 = vector.broadcast %jit3A_346 : f32 to vector<1x8xf32>
    %select_n3A_348 = arith.select %eq3A_345, %convert_element_type3A_191, %broadcast_in_dim3A_347 : vector<1x8xi1>, vector<1x8xf32>
    %reduce_sum3A_349 = vector.shape_cast %select_n3A_348 : vector<1x8xf32> to vector<1x1x8xf32>
    %reduce_sum3A_350 = arith.constant dense<0.000000e+00> : vector<1xf32>
    %reduce_sum3A_351 = vector.multi_reduction <add>, %reduce_sum3A_349, %reduce_sum3A_350 [1, 2] : vector<1x1x8xf32> to vector<1xf32>
    %reduce_sum3A_352 = vector.shape_cast %reduce_sum3A_351 : vector<1xf32> to vector<1x1x1xf32>
    %reduce_sum3A_353 = vector.extract %reduce_sum3A_352[0, 0, 0] : f32 from vector<1x1x1xf32>
    %ge3A_354 = vector.broadcast %reduce_sum3A_342 : f32 to vector<1x23xf32>
    %ge3A_355 = arith.cmpf oge, %convert_element_type3A_255, %ge3A_354 : vector<1x23xf32>
    %add3A_356 = arith.addf %reduce_sum3A_342, %reduce_sum3A_353 : f32
    %lt3A_357 = vector.broadcast %add3A_356 : f32 to vector<1x23xf32>
    %lt3A_358 = arith.cmpf olt, %convert_element_type3A_255, %lt3A_357 : vector<1x23xf32>
    %and3A_359 = arith.andi %ge3A_355, %lt3A_358 : vector<1x23xi1>
    %jit3A_360 = arith.constant 1.000000e+00 : f32
    %jit3A_361 = arith.constant 0.000000e+00 : f32
    %broadcast_in_dim3A_362 = vector.broadcast %jit3A_360 : f32 to vector<1x23xf32>
    %broadcast_in_dim3A_363 = vector.broadcast %jit3A_361 : f32 to vector<1x23xf32>
    %select_n3A_364 = arith.select %and3A_359, %broadcast_in_dim3A_362, %broadcast_in_dim3A_363 : vector<1x23xi1>, vector<1x23xf32>
    %mul3A_365 = arith.constant 2.000000e+00 : f32
    %mul3A_366 = vector.broadcast %mul3A_365 : f32 to vector<1x23xf32>
    %mul3A_367 = arith.mulf %mul3A_366, %select_n3A_364 : vector<1x23xf32>
    %add3A_368 = arith.addf %add3A_331, %mul3A_367 : vector<1x23xf32>
    %eq3A_369 = arith.constant 3 : i32
    %eq3A_370 = vector.broadcast %eq3A_369 : i32 to vector<1x8xi32>
    %eq3A_371 = arith.cmpi eq, %iota3A_258, %eq3A_370 : vector<1x8xi32>
    %jit3A_372 = arith.constant 0.000000e+00 : f32
    %broadcast_in_dim3A_373 = vector.broadcast %jit3A_372 : f32 to vector<1x8xf32>
    %select_n3A_374 = arith.select %eq3A_371, %dot_general3A_200, %broadcast_in_dim3A_373 : vector<1x8xi1>, vector<1x8xf32>
    %reduce_sum3A_375 = vector.shape_cast %select_n3A_374 : vector<1x8xf32> to vector<1x1x8xf32>
    %reduce_sum3A_376 = arith.constant dense<0.000000e+00> : vector<1xf32>
    %reduce_sum3A_377 = vector.multi_reduction <add>, %reduce_sum3A_375, %reduce_sum3A_376 [1, 2] : vector<1x1x8xf32> to vector<1xf32>
    %reduce_sum3A_378 = vector.shape_cast %reduce_sum3A_377 : vector<1xf32> to vector<1x1x1xf32>
    %reduce_sum3A_379 = vector.extract %reduce_sum3A_378[0, 0, 0] : f32 from vector<1x1x1xf32>
    %eq3A_380 = arith.constant 3 : i32
    %eq3A_381 = vector.broadcast %eq3A_380 : i32 to vector<1x8xi32>
    %eq3A_382 = arith.cmpi eq, %iota3A_258, %eq3A_381 : vector<1x8xi32>
    %jit3A_383 = arith.constant 0.000000e+00 : f32
    %broadcast_in_dim3A_384 = vector.broadcast %jit3A_383 : f32 to vector<1x8xf32>
    %select_n3A_385 = arith.select %eq3A_382, %convert_element_type3A_191, %broadcast_in_dim3A_384 : vector<1x8xi1>, vector<1x8xf32>
    %reduce_sum3A_386 = vector.shape_cast %select_n3A_385 : vector<1x8xf32> to vector<1x1x8xf32>
    %reduce_sum3A_387 = arith.constant dense<0.000000e+00> : vector<1xf32>
    %reduce_sum3A_388 = vector.multi_reduction <add>, %reduce_sum3A_386, %reduce_sum3A_387 [1, 2] : vector<1x1x8xf32> to vector<1xf32>
    %reduce_sum3A_389 = vector.shape_cast %reduce_sum3A_388 : vector<1xf32> to vector<1x1x1xf32>
    %reduce_sum3A_390 = vector.extract %reduce_sum3A_389[0, 0, 0] : f32 from vector<1x1x1xf32>
    %ge3A_391 = vector.broadcast %reduce_sum3A_379 : f32 to vector<1x23xf32>
    %ge3A_392 = arith.cmpf oge, %convert_element_type3A_255, %ge3A_391 : vector<1x23xf32>
    %add3A_393 = arith.addf %reduce_sum3A_379, %reduce_sum3A_390 : f32
    %lt3A_394 = vector.broadcast %add3A_393 : f32 to vector<1x23xf32>
    %lt3A_395 = arith.cmpf olt, %convert_element_type3A_255, %lt3A_394 : vector<1x23xf32>
    %and3A_396 = arith.andi %ge3A_392, %lt3A_395 : vector<1x23xi1>
    %jit3A_397 = arith.constant 1.000000e+00 : f32
    %jit3A_398 = arith.constant 0.000000e+00 : f32
    %broadcast_in_dim3A_399 = vector.broadcast %jit3A_397 : f32 to vector<1x23xf32>
    %broadcast_in_dim3A_400 = vector.broadcast %jit3A_398 : f32 to vector<1x23xf32>
    %select_n3A_401 = arith.select %and3A_396, %broadcast_in_dim3A_399, %broadcast_in_dim3A_400 : vector<1x23xi1>, vector<1x23xf32>
    %mul3A_402 = arith.constant 3.000000e+00 : f32
    %mul3A_403 = vector.broadcast %mul3A_402 : f32 to vector<1x23xf32>
    %mul3A_404 = arith.mulf %mul3A_403, %select_n3A_401 : vector<1x23xf32>
    %add3A_405 = arith.addf %add3A_368, %mul3A_404 : vector<1x23xf32>
    %eq3A_406 = arith.constant 4 : i32
    %eq3A_407 = vector.broadcast %eq3A_406 : i32 to vector<1x8xi32>
    %eq3A_408 = arith.cmpi eq, %iota3A_258, %eq3A_407 : vector<1x8xi32>
    %jit3A_409 = arith.constant 0.000000e+00 : f32
    %broadcast_in_dim3A_410 = vector.broadcast %jit3A_409 : f32 to vector<1x8xf32>
    %select_n3A_411 = arith.select %eq3A_408, %dot_general3A_200, %broadcast_in_dim3A_410 : vector<1x8xi1>, vector<1x8xf32>
    %reduce_sum3A_412 = vector.shape_cast %select_n3A_411 : vector<1x8xf32> to vector<1x1x8xf32>
    %reduce_sum3A_413 = arith.constant dense<0.000000e+00> : vector<1xf32>
    %reduce_sum3A_414 = vector.multi_reduction <add>, %reduce_sum3A_412, %reduce_sum3A_413 [1, 2] : vector<1x1x8xf32> to vector<1xf32>
    %reduce_sum3A_415 = vector.shape_cast %reduce_sum3A_414 : vector<1xf32> to vector<1x1x1xf32>
    %reduce_sum3A_416 = vector.extract %reduce_sum3A_415[0, 0, 0] : f32 from vector<1x1x1xf32>
    %eq3A_417 = arith.constant 4 : i32
    %eq3A_418 = vector.broadcast %eq3A_417 : i32 to vector<1x8xi32>
    %eq3A_419 = arith.cmpi eq, %iota3A_258, %eq3A_418 : vector<1x8xi32>
    %jit3A_420 = arith.constant 0.000000e+00 : f32
    %broadcast_in_dim3A_421 = vector.broadcast %jit3A_420 : f32 to vector<1x8xf32>
    %select_n3A_422 = arith.select %eq3A_419, %convert_element_type3A_191, %broadcast_in_dim3A_421 : vector<1x8xi1>, vector<1x8xf32>
    %reduce_sum3A_423 = vector.shape_cast %select_n3A_422 : vector<1x8xf32> to vector<1x1x8xf32>
    %reduce_sum3A_424 = arith.constant dense<0.000000e+00> : vector<1xf32>
    %reduce_sum3A_425 = vector.multi_reduction <add>, %reduce_sum3A_423, %reduce_sum3A_424 [1, 2] : vector<1x1x8xf32> to vector<1xf32>
    %reduce_sum3A_426 = vector.shape_cast %reduce_sum3A_425 : vector<1xf32> to vector<1x1x1xf32>
    %reduce_sum3A_427 = vector.extract %reduce_sum3A_426[0, 0, 0] : f32 from vector<1x1x1xf32>
    %ge3A_428 = vector.broadcast %reduce_sum3A_416 : f32 to vector<1x23xf32>
    %ge3A_429 = arith.cmpf oge, %convert_element_type3A_255, %ge3A_428 : vector<1x23xf32>
    %add3A_430 = arith.addf %reduce_sum3A_416, %reduce_sum3A_427 : f32
    %lt3A_431 = vector.broadcast %add3A_430 : f32 to vector<1x23xf32>
    %lt3A_432 = arith.cmpf olt, %convert_element_type3A_255, %lt3A_431 : vector<1x23xf32>
    %and3A_433 = arith.andi %ge3A_429, %lt3A_432 : vector<1x23xi1>
    %jit3A_434 = arith.constant 1.000000e+00 : f32
    %jit3A_435 = arith.constant 0.000000e+00 : f32
    %broadcast_in_dim3A_436 = vector.broadcast %jit3A_434 : f32 to vector<1x23xf32>
    %broadcast_in_dim3A_437 = vector.broadcast %jit3A_435 : f32 to vector<1x23xf32>
    %select_n3A_438 = arith.select %and3A_433, %broadcast_in_dim3A_436, %broadcast_in_dim3A_437 : vector<1x23xi1>, vector<1x23xf32>
    %mul3A_439 = arith.constant 4.000000e+00 : f32
    %mul3A_440 = vector.broadcast %mul3A_439 : f32 to vector<1x23xf32>
    %mul3A_441 = arith.mulf %mul3A_440, %select_n3A_438 : vector<1x23xf32>
    %add3A_442 = arith.addf %add3A_405, %mul3A_441 : vector<1x23xf32>
    %eq3A_443 = arith.constant 5 : i32
    %eq3A_444 = vector.broadcast %eq3A_443 : i32 to vector<1x8xi32>
    %eq3A_445 = arith.cmpi eq, %iota3A_258, %eq3A_444 : vector<1x8xi32>
    %jit3A_446 = arith.constant 0.000000e+00 : f32
    %broadcast_in_dim3A_447 = vector.broadcast %jit3A_446 : f32 to vector<1x8xf32>
    %select_n3A_448 = arith.select %eq3A_445, %dot_general3A_200, %broadcast_in_dim3A_447 : vector<1x8xi1>, vector<1x8xf32>
    %reduce_sum3A_449 = vector.shape_cast %select_n3A_448 : vector<1x8xf32> to vector<1x1x8xf32>
    %reduce_sum3A_450 = arith.constant dense<0.000000e+00> : vector<1xf32>
    %reduce_sum3A_451 = vector.multi_reduction <add>, %reduce_sum3A_449, %reduce_sum3A_450 [1, 2] : vector<1x1x8xf32> to vector<1xf32>
    %reduce_sum3A_452 = vector.shape_cast %reduce_sum3A_451 : vector<1xf32> to vector<1x1x1xf32>
    %reduce_sum3A_453 = vector.extract %reduce_sum3A_452[0, 0, 0] : f32 from vector<1x1x1xf32>
    %eq3A_454 = arith.constant 5 : i32
    %eq3A_455 = vector.broadcast %eq3A_454 : i32 to vector<1x8xi32>
    %eq3A_456 = arith.cmpi eq, %iota3A_258, %eq3A_455 : vector<1x8xi32>
    %jit3A_457 = arith.constant 0.000000e+00 : f32
    %broadcast_in_dim3A_458 = vector.broadcast %jit3A_457 : f32 to vector<1x8xf32>
    %select_n3A_459 = arith.select %eq3A_456, %convert_element_type3A_191, %broadcast_in_dim3A_458 : vector<1x8xi1>, vector<1x8xf32>
    %reduce_sum3A_460 = vector.shape_cast %select_n3A_459 : vector<1x8xf32> to vector<1x1x8xf32>
    %reduce_sum3A_461 = arith.constant dense<0.000000e+00> : vector<1xf32>
    %reduce_sum3A_462 = vector.multi_reduction <add>, %reduce_sum3A_460, %reduce_sum3A_461 [1, 2] : vector<1x1x8xf32> to vector<1xf32>
    %reduce_sum3A_463 = vector.shape_cast %reduce_sum3A_462 : vector<1xf32> to vector<1x1x1xf32>
    %reduce_sum3A_464 = vector.extract %reduce_sum3A_463[0, 0, 0] : f32 from vector<1x1x1xf32>
    %ge3A_465 = vector.broadcast %reduce_sum3A_453 : f32 to vector<1x23xf32>
    %ge3A_466 = arith.cmpf oge, %convert_element_type3A_255, %ge3A_465 : vector<1x23xf32>
    %add3A_467 = arith.addf %reduce_sum3A_453, %reduce_sum3A_464 : f32
    %lt3A_468 = vector.broadcast %add3A_467 : f32 to vector<1x23xf32>
    %lt3A_469 = arith.cmpf olt, %convert_element_type3A_255, %lt3A_468 : vector<1x23xf32>
    %and3A_470 = arith.andi %ge3A_466, %lt3A_469 : vector<1x23xi1>
    %jit3A_471 = arith.constant 1.000000e+00 : f32
    %jit3A_472 = arith.constant 0.000000e+00 : f32
    %broadcast_in_dim3A_473 = vector.broadcast %jit3A_471 : f32 to vector<1x23xf32>
    %broadcast_in_dim3A_474 = vector.broadcast %jit3A_472 : f32 to vector<1x23xf32>
    %select_n3A_475 = arith.select %and3A_470, %broadcast_in_dim3A_473, %broadcast_in_dim3A_474 : vector<1x23xi1>, vector<1x23xf32>
    %mul3A_476 = arith.constant 5.000000e+00 : f32
    %mul3A_477 = vector.broadcast %mul3A_476 : f32 to vector<1x23xf32>
    %mul3A_478 = arith.mulf %mul3A_477, %select_n3A_475 : vector<1x23xf32>
    %add3A_479 = arith.addf %add3A_442, %mul3A_478 : vector<1x23xf32>
    %eq3A_480 = arith.constant 6 : i32
    %eq3A_481 = vector.broadcast %eq3A_480 : i32 to vector<1x8xi32>
    %eq3A_482 = arith.cmpi eq, %iota3A_258, %eq3A_481 : vector<1x8xi32>
    %jit3A_483 = arith.constant 0.000000e+00 : f32
    %broadcast_in_dim3A_484 = vector.broadcast %jit3A_483 : f32 to vector<1x8xf32>
    %select_n3A_485 = arith.select %eq3A_482, %dot_general3A_200, %broadcast_in_dim3A_484 : vector<1x8xi1>, vector<1x8xf32>
    %reduce_sum3A_486 = vector.shape_cast %select_n3A_485 : vector<1x8xf32> to vector<1x1x8xf32>
    %reduce_sum3A_487 = arith.constant dense<0.000000e+00> : vector<1xf32>
    %reduce_sum3A_488 = vector.multi_reduction <add>, %reduce_sum3A_486, %reduce_sum3A_487 [1, 2] : vector<1x1x8xf32> to vector<1xf32>
    %reduce_sum3A_489 = vector.shape_cast %reduce_sum3A_488 : vector<1xf32> to vector<1x1x1xf32>
    %reduce_sum3A_490 = vector.extract %reduce_sum3A_489[0, 0, 0] : f32 from vector<1x1x1xf32>
    %eq3A_491 = arith.constant 6 : i32
    %eq3A_492 = vector.broadcast %eq3A_491 : i32 to vector<1x8xi32>
    %eq3A_493 = arith.cmpi eq, %iota3A_258, %eq3A_492 : vector<1x8xi32>
    %jit3A_494 = arith.constant 0.000000e+00 : f32
    %broadcast_in_dim3A_495 = vector.broadcast %jit3A_494 : f32 to vector<1x8xf32>
    %select_n3A_496 = arith.select %eq3A_493, %convert_element_type3A_191, %broadcast_in_dim3A_495 : vector<1x8xi1>, vector<1x8xf32>
    %reduce_sum3A_497 = vector.shape_cast %select_n3A_496 : vector<1x8xf32> to vector<1x1x8xf32>
    %reduce_sum3A_498 = arith.constant dense<0.000000e+00> : vector<1xf32>
    %reduce_sum3A_499 = vector.multi_reduction <add>, %reduce_sum3A_497, %reduce_sum3A_498 [1, 2] : vector<1x1x8xf32> to vector<1xf32>
    %reduce_sum3A_500 = vector.shape_cast %reduce_sum3A_499 : vector<1xf32> to vector<1x1x1xf32>
    %reduce_sum3A_501 = vector.extract %reduce_sum3A_500[0, 0, 0] : f32 from vector<1x1x1xf32>
    %ge3A_502 = vector.broadcast %reduce_sum3A_490 : f32 to vector<1x23xf32>
    %ge3A_503 = arith.cmpf oge, %convert_element_type3A_255, %ge3A_502 : vector<1x23xf32>
    %add3A_504 = arith.addf %reduce_sum3A_490, %reduce_sum3A_501 : f32
    %lt3A_505 = vector.broadcast %add3A_504 : f32 to vector<1x23xf32>
    %lt3A_506 = arith.cmpf olt, %convert_element_type3A_255, %lt3A_505 : vector<1x23xf32>
    %and3A_507 = arith.andi %ge3A_503, %lt3A_506 : vector<1x23xi1>
    %jit3A_508 = arith.constant 1.000000e+00 : f32
    %jit3A_509 = arith.constant 0.000000e+00 : f32
    %broadcast_in_dim3A_510 = vector.broadcast %jit3A_508 : f32 to vector<1x23xf32>
    %broadcast_in_dim3A_511 = vector.broadcast %jit3A_509 : f32 to vector<1x23xf32>
    %select_n3A_512 = arith.select %and3A_507, %broadcast_in_dim3A_510, %broadcast_in_dim3A_511 : vector<1x23xi1>, vector<1x23xf32>
    %mul3A_513 = arith.constant 6.000000e+00 : f32
    %mul3A_514 = vector.broadcast %mul3A_513 : f32 to vector<1x23xf32>
    %mul3A_515 = arith.mulf %mul3A_514, %select_n3A_512 : vector<1x23xf32>
    %add3A_516 = arith.addf %add3A_479, %mul3A_515 : vector<1x23xf32>
    %eq3A_517 = arith.constant 7 : i32
    %eq3A_518 = vector.broadcast %eq3A_517 : i32 to vector<1x8xi32>
    %eq3A_519 = arith.cmpi eq, %iota3A_258, %eq3A_518 : vector<1x8xi32>
    %jit3A_520 = arith.constant 0.000000e+00 : f32
    %broadcast_in_dim3A_521 = vector.broadcast %jit3A_520 : f32 to vector<1x8xf32>
    %select_n3A_522 = arith.select %eq3A_519, %dot_general3A_200, %broadcast_in_dim3A_521 : vector<1x8xi1>, vector<1x8xf32>
    %reduce_sum3A_523 = vector.shape_cast %select_n3A_522 : vector<1x8xf32> to vector<1x1x8xf32>
    %reduce_sum3A_524 = arith.constant dense<0.000000e+00> : vector<1xf32>
    %reduce_sum3A_525 = vector.multi_reduction <add>, %reduce_sum3A_523, %reduce_sum3A_524 [1, 2] : vector<1x1x8xf32> to vector<1xf32>
    %reduce_sum3A_526 = vector.shape_cast %reduce_sum3A_525 : vector<1xf32> to vector<1x1x1xf32>
    %reduce_sum3A_527 = vector.extract %reduce_sum3A_526[0, 0, 0] : f32 from vector<1x1x1xf32>
    %eq3A_528 = arith.constant 7 : i32
    %eq3A_529 = vector.broadcast %eq3A_528 : i32 to vector<1x8xi32>
    %eq3A_530 = arith.cmpi eq, %iota3A_258, %eq3A_529 : vector<1x8xi32>
    %jit3A_531 = arith.constant 0.000000e+00 : f32
    %broadcast_in_dim3A_532 = vector.broadcast %jit3A_531 : f32 to vector<1x8xf32>
    %select_n3A_533 = arith.select %eq3A_530, %convert_element_type3A_191, %broadcast_in_dim3A_532 : vector<1x8xi1>, vector<1x8xf32>
    %reduce_sum3A_534 = vector.shape_cast %select_n3A_533 : vector<1x8xf32> to vector<1x1x8xf32>
    %reduce_sum3A_535 = arith.constant dense<0.000000e+00> : vector<1xf32>
    %reduce_sum3A_536 = vector.multi_reduction <add>, %reduce_sum3A_534, %reduce_sum3A_535 [1, 2] : vector<1x1x8xf32> to vector<1xf32>
    %reduce_sum3A_537 = vector.shape_cast %reduce_sum3A_536 : vector<1xf32> to vector<1x1x1xf32>
    %reduce_sum3A_538 = vector.extract %reduce_sum3A_537[0, 0, 0] : f32 from vector<1x1x1xf32>
    %ge3A_539 = vector.broadcast %reduce_sum3A_527 : f32 to vector<1x23xf32>
    %ge3A_540 = arith.cmpf oge, %convert_element_type3A_255, %ge3A_539 : vector<1x23xf32>
    %add3A_541 = arith.addf %reduce_sum3A_527, %reduce_sum3A_538 : f32
    %lt3A_542 = vector.broadcast %add3A_541 : f32 to vector<1x23xf32>
    %lt3A_543 = arith.cmpf olt, %convert_element_type3A_255, %lt3A_542 : vector<1x23xf32>
    %and3A_544 = arith.andi %ge3A_540, %lt3A_543 : vector<1x23xi1>
    %jit3A_545 = arith.constant 1.000000e+00 : f32
    %jit3A_546 = arith.constant 0.000000e+00 : f32
    %broadcast_in_dim3A_547 = vector.broadcast %jit3A_545 : f32 to vector<1x23xf32>
    %broadcast_in_dim3A_548 = vector.broadcast %jit3A_546 : f32 to vector<1x23xf32>
    %select_n3A_549 = arith.select %and3A_544, %broadcast_in_dim3A_547, %broadcast_in_dim3A_548 : vector<1x23xi1>, vector<1x23xf32>
    %mul3A_550 = arith.constant 7.000000e+00 : f32
    %mul3A_551 = vector.broadcast %mul3A_550 : f32 to vector<1x23xf32>
    %mul3A_552 = arith.mulf %mul3A_551, %select_n3A_549 : vector<1x23xf32>
    %add3A_553 = arith.addf %add3A_516, %mul3A_552 : vector<1x23xf32>
    %convert_element_type3A_554 = arith.fptosi %add3A_553 : vector<1x23xf32> to vector<1x23xi32>
    %swap3A_555 = arith.constant 0 : index
    %swap3A_556 = arith.constant 0 : index
    %swap3A_557 = vector.load %arg7[%swap3A_555, %swap3A_556] : memref<1x23xi32, #tpu.memory_space<vmem>>, vector<1x23xi32>
    tpu.vector_store %arg7[%swap3A_555, %swap3A_556], %convert_element_type3A_554 {strides = array<i32>} : memref<1x23xi32, #tpu.memory_space<vmem>>, vector<1x23xi32>,
    return
  }
}

module attributes {stable_mosaic.version = 14 : i64} {
  func.func @_gmm_kernel(%arg0: i32, %arg1: memref<23xi32, #tpu.memory_space<smem>>, %arg2: memref<4x256x256xf32, #tpu.memory_space<vmem>>, %arg3: memref<1x1024x1024xf32, #tpu.memory_space<vmem>>, %arg4: memref<1x1024x1024xf32, #tpu.memory_space<vmem>>, %arg5: memref<1x1024x1024xf32, #tpu.memory_space<vmem>>, %arg6: memref<1x1x1024xf32, #tpu.memory_space<vmem>>, %arg7: memref<4x256x256xf32, #tpu.memory_space<vmem>>) attributes {dimension_semantics = [#tpu.dimension_semantics<parallel>], iteration_bounds = array<i64: 23>, scalar_prefetch = 1 : i64, scratch_operands = 0 : i64, tpu.core_type = #tpu.core_type<tc>, window_params = [{transform_indices = @transform_0, window_bounds = array<i64: 4, 256, 256>}, {transform_indices = @transform_1, window_bounds = array<i64: 1, 1024, 1024>}, {transform_indices = @transform_2, window_bounds = array<i64: 1, 1024, 1024>}, {transform_indices = @transform_3, window_bounds = array<i64: 1, 1024, 1024>}, {transform_indices = @transform_4, window_bounds = array<i64: 1, 1, 1024>}, {transform_indices = @transform_5, window_bounds = array<i64: 4, 256, 256>}]} {
    %get3A = arith.constant 0 : index
    %get3A_0 = arith.constant 0 : index
    %get3A_1 = arith.constant 0 : index
    %get3A_2 = vector.load %arg2[%get3A, %get3A_0, %get3A_1] : memref<4x256x256xf32, #tpu.memory_space<vmem>>, vector<1x256x256xf32>
    %get3A_3 = vector.shape_cast %get3A_2 : vector<1x256x256xf32> to vector<256x256xf32>
    %get3A_4 = arith.constant 1 : index
    %get3A_5 = arith.constant 0 : index
    %get3A_6 = arith.constant 0 : index
    %get3A_7 = vector.load %arg2[%get3A_4, %get3A_5, %get3A_6] : memref<4x256x256xf32, #tpu.memory_space<vmem>>, vector<1x256x256xf32>
    %get3A_8 = vector.shape_cast %get3A_7 : vector<1x256x256xf32> to vector<256x256xf32>
    %get3A_9 = arith.constant 2 : index
    %get3A_10 = arith.constant 0 : index
    %get3A_11 = arith.constant 0 : index
    %get3A_12 = vector.load %arg2[%get3A_9, %get3A_10, %get3A_11] : memref<4x256x256xf32, #tpu.memory_space<vmem>>, vector<1x256x256xf32>
    %get3A_13 = vector.shape_cast %get3A_12 : vector<1x256x256xf32> to vector<256x256xf32>
    %get3A_14 = arith.constant 3 : index
    %get3A_15 = arith.constant 0 : index
    %get3A_16 = arith.constant 0 : index
    %get3A_17 = vector.load %arg2[%get3A_14, %get3A_15, %get3A_16] : memref<4x256x256xf32, #tpu.memory_space<vmem>>, vector<1x256x256xf32>
    %get3A_18 = vector.shape_cast %get3A_17 : vector<1x256x256xf32> to vector<256x256xf32>
    %concatenate3A = tpu.concatenate %get3A_3, %get3A_8, %get3A_13, %get3A_18 in 1 : vector<256x256xf32>, vector<256x256xf32>, vector<256x256xf32>, vector<256x256xf32> -> vector<256x1024xf32>
    %get3A_19 = arith.constant 0 : index
    %get3A_20 = arith.constant 0 : index
    %get3A_21 = arith.constant 0 : index
    %get3A_22 = vector.load %arg3[%get3A_19, %get3A_20, %get3A_21] : memref<1x1024x1024xf32, #tpu.memory_space<vmem>>, vector<1x1024x1024xf32>
    %get3A_23 = vector.shape_cast %get3A_22 : vector<1x1024x1024xf32> to vector<1024x1024xf32>
    %get3A_24 = arith.constant 0 : index
    %get3A_25 = arith.constant 0 : index
    %get3A_26 = arith.constant 0 : index
    %get3A_27 = vector.load %arg4[%get3A_24, %get3A_25, %get3A_26] : memref<1x1024x1024xf32, #tpu.memory_space<vmem>>, vector<1x1024x1024xf32>
    %get3A_28 = vector.shape_cast %get3A_27 : vector<1x1024x1024xf32> to vector<1024x1024xf32>
    %get3A_29 = arith.constant 0 : index
    %get3A_30 = arith.constant 0 : index
    %get3A_31 = arith.constant 0 : index
    %get3A_32 = vector.load %arg5[%get3A_29, %get3A_30, %get3A_31] : memref<1x1024x1024xf32, #tpu.memory_space<vmem>>, vector<1x1024x1024xf32>
    %get3A_33 = vector.shape_cast %get3A_32 : vector<1x1024x1024xf32> to vector<1024x1024xf32>
    %get3A_34 = arith.constant 0 : index
    %get3A_35 = arith.constant 0 : index
    %get3A_36 = arith.constant 0 : index
    %get3A_37 = vector.load %arg6[%get3A_34, %get3A_35, %get3A_36] : memref<1x1x1024xf32, #tpu.memory_space<vmem>>, vector<1x1x1024xf32>
    %get3A_38 = vector.shape_cast %get3A_37 : vector<1x1x1024xf32> to vector<1x1024xf32>
    %dot_general3A = arith.constant dense<0.000000e+00> : vector<256x1024xf32>
    %dot_general3A_39 = tpu.matmul %concatenate3A, %get3A_23, %dot_general3A {dimension_numbers = #tpu.dot_dimension_numbers<[1], [0], [0], [1], [0, 0, 1, 1], [], []>, transpose_lhs_hint = false} : vector<256x1024xf32>, vector<1024x1024xf32>, vector<256x1024xf32> -> vector<256x1024xf32>
    %dot_general3A_40 = arith.constant dense<0.000000e+00> : vector<256x1024xf32>
    %dot_general3A_41 = tpu.matmul %concatenate3A, %get3A_28, %dot_general3A_40 {dimension_numbers = #tpu.dot_dimension_numbers<[1], [0], [0], [1], [0, 0, 1, 1], [], []>, transpose_lhs_hint = false} : vector<256x1024xf32>, vector<1024x1024xf32>, vector<256x1024xf32> -> vector<256x1024xf32>
    %logistic3A = arith.negf %dot_general3A_39 : vector<256x1024xf32>
    %logistic3A_42 = math.exp %logistic3A : vector<256x1024xf32>
    %logistic3A_43 = arith.constant 1.000000e+00 : f32
    %logistic3A_44 = vector.broadcast %logistic3A_43 : f32 to vector<256x1024xf32>
    %logistic3A_45 = arith.addf %logistic3A_44, %logistic3A_42 : vector<256x1024xf32>
    %logistic3A_46 = arith.divf %logistic3A_44, %logistic3A_45 : vector<256x1024xf32>
    %mul3A = arith.mulf %dot_general3A_39, %logistic3A_46 : vector<256x1024xf32>
    %mul3A_47 = arith.mulf %mul3A, %dot_general3A_41 : vector<256x1024xf32>
    %dot_general3A_48 = arith.constant dense<0.000000e+00> : vector<256x1024xf32>
    %dot_general3A_49 = tpu.matmul %mul3A_47, %get3A_33, %dot_general3A_48 {dimension_numbers = #tpu.dot_dimension_numbers<[1], [0], [0], [1], [0, 0, 1, 1], [], []>, transpose_lhs_hint = false} : vector<256x1024xf32>, vector<1024x1024xf32>, vector<256x1024xf32> -> vector<256x1024xf32>
    %add3A = vector.broadcast %get3A_38 : vector<1x1024xf32> to vector<256x1024xf32>
    %add3A_50 = arith.addf %dot_general3A_49, %add3A : vector<256x1024xf32>
    %slice3A = vector.extract_strided_slice %add3A_50 {offsets = [0, 0], sizes = [256, 256], strides = [1, 1]} : vector<256x1024xf32> to vector<256x256xf32>
    %swap3A = arith.constant 0 : index
    %swap3A_51 = arith.constant 0 : index
    %swap3A_52 = arith.constant 0 : index
    %swap3A_53 = vector.load %arg7[%swap3A, %swap3A_51, %swap3A_52] : memref<4x256x256xf32, #tpu.memory_space<vmem>>, vector<1x256x256xf32>
    %swap3A_54 = vector.shape_cast %swap3A_53 : vector<1x256x256xf32> to vector<256x256xf32>
    %swap3A_55 = vector.shape_cast %slice3A : vector<256x256xf32> to vector<1x256x256xf32>
    tpu.vector_store %arg7[%swap3A, %swap3A_51, %swap3A_52], %swap3A_55 {strides = array<i32>} : memref<4x256x256xf32, #tpu.memory_space<vmem>>, vector<1x256x256xf32>,
    %slice3A_56 = vector.extract_strided_slice %add3A_50 {offsets = [0, 256], sizes = [256, 256], strides = [1, 1]} : vector<256x1024xf32> to vector<256x256xf32>
    %swap3A_57 = arith.constant 1 : index
    %swap3A_58 = arith.constant 0 : index
    %swap3A_59 = arith.constant 0 : index
    %swap3A_60 = vector.load %arg7[%swap3A_57, %swap3A_58, %swap3A_59] : memref<4x256x256xf32, #tpu.memory_space<vmem>>, vector<1x256x256xf32>
    %swap3A_61 = vector.shape_cast %swap3A_60 : vector<1x256x256xf32> to vector<256x256xf32>
    %swap3A_62 = vector.shape_cast %slice3A_56 : vector<256x256xf32> to vector<1x256x256xf32>
    tpu.vector_store %arg7[%swap3A_57, %swap3A_58, %swap3A_59], %swap3A_62 {strides = array<i32>} : memref<4x256x256xf32, #tpu.memory_space<vmem>>, vector<1x256x256xf32>,
    %slice3A_63 = vector.extract_strided_slice %add3A_50 {offsets = [0, 512], sizes = [256, 256], strides = [1, 1]} : vector<256x1024xf32> to vector<256x256xf32>
    %swap3A_64 = arith.constant 2 : index
    %swap3A_65 = arith.constant 0 : index
    %swap3A_66 = arith.constant 0 : index
    %swap3A_67 = vector.load %arg7[%swap3A_64, %swap3A_65, %swap3A_66] : memref<4x256x256xf32, #tpu.memory_space<vmem>>, vector<1x256x256xf32>
    %swap3A_68 = vector.shape_cast %swap3A_67 : vector<1x256x256xf32> to vector<256x256xf32>
    %swap3A_69 = vector.shape_cast %slice3A_63 : vector<256x256xf32> to vector<1x256x256xf32>
    tpu.vector_store %arg7[%swap3A_64, %swap3A_65, %swap3A_66], %swap3A_69 {strides = array<i32>} : memref<4x256x256xf32, #tpu.memory_space<vmem>>, vector<1x256x256xf32>,
    %slice3A_70 = vector.extract_strided_slice %add3A_50 {offsets = [0, 768], sizes = [256, 256], strides = [1, 1]} : vector<256x1024xf32> to vector<256x256xf32>
    %swap3A_71 = arith.constant 3 : index
    %swap3A_72 = arith.constant 0 : index
    %swap3A_73 = arith.constant 0 : index
    %swap3A_74 = vector.load %arg7[%swap3A_71, %swap3A_72, %swap3A_73] : memref<4x256x256xf32, #tpu.memory_space<vmem>>, vector<1x256x256xf32>
    %swap3A_75 = vector.shape_cast %swap3A_74 : vector<1x256x256xf32> to vector<256x256xf32>
    %swap3A_76 = vector.shape_cast %slice3A_70 : vector<256x256xf32> to vector<1x256x256xf32>
    tpu.vector_store %arg7[%swap3A_71, %swap3A_72, %swap3A_73], %swap3A_76 {strides = array<i32>} : memref<4x256x256xf32, #tpu.memory_space<vmem>>, vector<1x256x256xf32>,
    return
  }
  func.func @transform_0(%arg0: i32, %arg1: memref<23xi32, #tpu.memory_space<smem>>) -> (i32, i32, i32) {
    %c0_i32 = arith.constant 0 : i32
    %c0_i32_0 = arith.constant 0 : i32
    %c0_i32_1 = arith.constant 0 : i32
    return %c0_i32, %arg0, %c0_i32_0 : i32, i32, i32
  }
  func.func @transform_1(%arg0: i32, %arg1: memref<23xi32, #tpu.memory_space<smem>>) -> (i32, i32, i32) {
    %get3A = arith.index_cast %arg0 : i32 to index
    %get3A_0 = memref.load %arg1[%get3A] : memref<23xi32, #tpu.memory_space<smem>>
    %c0_i32 = arith.constant 0 : i32
    %c0_i32_1 = arith.constant 0 : i32
    %c0_i32_2 = arith.constant 0 : i32
    return %get3A_0, %c0_i32, %c0_i32_1 : i32, i32, i32
  }
  func.func @transform_2(%arg0: i32, %arg1: memref<23xi32, #tpu.memory_space<smem>>) -> (i32, i32, i32) {
    %get3A = arith.index_cast %arg0 : i32 to index
    %get3A_0 = memref.load %arg1[%get3A] : memref<23xi32, #tpu.memory_space<smem>>
    %c0_i32 = arith.constant 0 : i32
    %c0_i32_1 = arith.constant 0 : i32
    %c0_i32_2 = arith.constant 0 : i32
    return %get3A_0, %c0_i32, %c0_i32_1 : i32, i32, i32
  }
  func.func @transform_3(%arg0: i32, %arg1: memref<23xi32, #tpu.memory_space<smem>>) -> (i32, i32, i32) {
    %get3A = arith.index_cast %arg0 : i32 to index
    %get3A_0 = memref.load %arg1[%get3A] : memref<23xi32, #tpu.memory_space<smem>>
    %c0_i32 = arith.constant 0 : i32
    %c0_i32_1 = arith.constant 0 : i32
    %c0_i32_2 = arith.constant 0 : i32
    return %get3A_0, %c0_i32, %c0_i32_1 : i32, i32, i32
  }
  func.func @transform_4(%arg0: i32, %arg1: memref<23xi32, #tpu.memory_space<smem>>) -> (i32, i32, i32) {
    %get3A = arith.index_cast %arg0 : i32 to index
    %get3A_0 = memref.load %arg1[%get3A] : memref<23xi32, #tpu.memory_space<smem>>
    %c0_i32 = arith.constant 0 : i32
    %c0_i32_1 = arith.constant 0 : i32
    %c0_i32_2 = arith.constant 0 : i32
    return %get3A_0, %c0_i32, %c0_i32_1 : i32, i32, i32
  }
  func.func @transform_5(%arg0: i32, %arg1: memref<23xi32, #tpu.memory_space<smem>>) -> (i32, i32, i32) {
    %c0_i32 = arith.constant 0 : i32
    %c0_i32_0 = arith.constant 0 : i32
    %c0_i32_1 = arith.constant 0 : i32
    return %c0_i32, %arg0, %c0_i32_0 : i32, i32, i32
  }
}

module attributes {stable_mosaic.version = 14 : i64} {
  func.func @_shared_kernel(%arg0: i32, %arg1: memref<256x1024xf32, #tpu.memory_space<vmem>>, %arg2: memref<1024x1024xf32, #tpu.memory_space<vmem>>, %arg3: memref<1024x1024xf32, #tpu.memory_space<vmem>>, %arg4: memref<1024x1024xf32, #tpu.memory_space<vmem>>, %arg5: memref<1x1024xf32, #tpu.memory_space<vmem>>, %arg6: memref<256x1024xf32, #tpu.memory_space<vmem>>) attributes {dimension_semantics = [#tpu.dimension_semantics<parallel>], iteration_bounds = array<i64: 8>, scalar_prefetch = 0 : i64, scratch_operands = 0 : i64, tpu.core_type = #tpu.core_type<tc>, window_params = [{transform_indices = @transform_0, window_bounds = array<i64: 256, 1024>}, {pipeline_mode = #tpu.pipeline_mode<synchronous>, transform_indices = @transform_1, window_bounds = array<i64: 1024, 1024>}, {pipeline_mode = #tpu.pipeline_mode<synchronous>, transform_indices = @transform_2, window_bounds = array<i64: 1024, 1024>}, {pipeline_mode = #tpu.pipeline_mode<synchronous>, transform_indices = @transform_3, window_bounds = array<i64: 1024, 1024>}, {pipeline_mode = #tpu.pipeline_mode<synchronous>, transform_indices = @transform_4, window_bounds = array<i64: 1, 1024>}, {transform_indices = @transform_5, window_bounds = array<i64: 256, 1024>}]} {
    %get3A = arith.constant 0 : index
    %get3A_0 = arith.constant 0 : index
    %get3A_1 = vector.load %arg1[%get3A, %get3A_0] : memref<256x1024xf32, #tpu.memory_space<vmem>>, vector<256x1024xf32>
    %get3A_2 = arith.constant 0 : index
    %get3A_3 = arith.constant 0 : index
    %get3A_4 = vector.load %arg2[%get3A_2, %get3A_3] : memref<1024x1024xf32, #tpu.memory_space<vmem>>, vector<1024x1024xf32>
    %get3A_5 = arith.constant 0 : index
    %get3A_6 = arith.constant 0 : index
    %get3A_7 = vector.load %arg3[%get3A_5, %get3A_6] : memref<1024x1024xf32, #tpu.memory_space<vmem>>, vector<1024x1024xf32>
    %get3A_8 = arith.constant 0 : index
    %get3A_9 = arith.constant 0 : index
    %get3A_10 = vector.load %arg4[%get3A_8, %get3A_9] : memref<1024x1024xf32, #tpu.memory_space<vmem>>, vector<1024x1024xf32>
    %get3A_11 = arith.constant 0 : index
    %get3A_12 = arith.constant 0 : index
    %get3A_13 = vector.load %arg5[%get3A_11, %get3A_12] : memref<1x1024xf32, #tpu.memory_space<vmem>>, vector<1x1024xf32>
    %dot_general3A = arith.constant dense<0.000000e+00> : vector<256x1024xf32>
    %dot_general3A_14 = tpu.matmul %get3A_1, %get3A_4, %dot_general3A {dimension_numbers = #tpu.dot_dimension_numbers<[1], [0], [0], [1], [0, 0, 1, 1], [], []>, transpose_lhs_hint = false} : vector<256x1024xf32>, vector<1024x1024xf32>, vector<256x1024xf32> -> vector<256x1024xf32>
    %dot_general3A_15 = arith.constant dense<0.000000e+00> : vector<256x1024xf32>
    %dot_general3A_16 = tpu.matmul %get3A_1, %get3A_7, %dot_general3A_15 {dimension_numbers = #tpu.dot_dimension_numbers<[1], [0], [0], [1], [0, 0, 1, 1], [], []>, transpose_lhs_hint = false} : vector<256x1024xf32>, vector<1024x1024xf32>, vector<256x1024xf32> -> vector<256x1024xf32>
    %logistic3A = arith.negf %dot_general3A_14 : vector<256x1024xf32>
    %logistic3A_17 = math.exp %logistic3A : vector<256x1024xf32>
    %logistic3A_18 = arith.constant 1.000000e+00 : f32
    %logistic3A_19 = vector.broadcast %logistic3A_18 : f32 to vector<256x1024xf32>
    %logistic3A_20 = arith.addf %logistic3A_19, %logistic3A_17 : vector<256x1024xf32>
    %logistic3A_21 = arith.divf %logistic3A_19, %logistic3A_20 : vector<256x1024xf32>
    %mul3A = arith.mulf %dot_general3A_14, %logistic3A_21 : vector<256x1024xf32>
    %mul3A_22 = arith.mulf %mul3A, %dot_general3A_16 : vector<256x1024xf32>
    %dot_general3A_23 = arith.constant dense<0.000000e+00> : vector<256x1024xf32>
    %dot_general3A_24 = tpu.matmul %mul3A_22, %get3A_10, %dot_general3A_23 {dimension_numbers = #tpu.dot_dimension_numbers<[1], [0], [0], [1], [0, 0, 1, 1], [], []>, transpose_lhs_hint = false} : vector<256x1024xf32>, vector<1024x1024xf32>, vector<256x1024xf32> -> vector<256x1024xf32>
    %add3A = vector.broadcast %get3A_13 : vector<1x1024xf32> to vector<256x1024xf32>
    %add3A_25 = arith.addf %dot_general3A_24, %add3A : vector<256x1024xf32>
    %swap3A = arith.constant 0 : index
    %swap3A_26 = arith.constant 0 : index
    %swap3A_27 = vector.load %arg6[%swap3A, %swap3A_26] : memref<256x1024xf32, #tpu.memory_space<vmem>>, vector<256x1024xf32>
    tpu.vector_store %arg6[%swap3A, %swap3A_26], %add3A_25 {strides = array<i32>} : memref<256x1024xf32, #tpu.memory_space<vmem>>, vector<256x1024xf32>,
    return
  }
  func.func @transform_0(%arg0: i32) -> (i32, i32) {
    %c0_i32 = arith.constant 0 : i32
    %c0_i32_0 = arith.constant 0 : i32
    return %arg0, %c0_i32 : i32, i32
  }
  func.func @transform_1(%arg0: i32) -> (i32, i32) {
    %c0_i32 = arith.constant 0 : i32
    %c0_i32_0 = arith.constant 0 : i32
    %c0_i32_1 = arith.constant 0 : i32
    return %c0_i32, %c0_i32_0 : i32, i32
  }
  func.func @transform_2(%arg0: i32) -> (i32, i32) {
    %c0_i32 = arith.constant 0 : i32
    %c0_i32_0 = arith.constant 0 : i32
    %c0_i32_1 = arith.constant 0 : i32
    return %c0_i32, %c0_i32_0 : i32, i32
  }
  func.func @transform_3(%arg0: i32) -> (i32, i32) {
    %c0_i32 = arith.constant 0 : i32
    %c0_i32_0 = arith.constant 0 : i32
    %c0_i32_1 = arith.constant 0 : i32
    return %c0_i32, %c0_i32_0 : i32, i32
  }
  func.func @transform_4(%arg0: i32) -> (i32, i32) {
    %c0_i32 = arith.constant 0 : i32
    %c0_i32_0 = arith.constant 0 : i32
    %c0_i32_1 = arith.constant 0 : i32
    return %c0_i32, %c0_i32_0 : i32, i32
  }
  func.func @transform_5(%arg0: i32) -> (i32, i32) {
    %c0_i32 = arith.constant 0 : i32
    %c0_i32_0 = arith.constant 0 : i32
    return %arg0, %c0_i32 : i32, i32
  }
}

module attributes {stable_mosaic.version = 14 : i64} {
  func.func @_combine_kernel(%arg0: i32, %arg1: memref<256x1024xf32, #tpu.memory_space<vmem>>, %arg2: memref<4x256x256xf32, #tpu.memory_space<vmem>>, %arg3: memref<4x256x256xf32, #tpu.memory_space<vmem>>, %arg4: memref<256x2xf32, #tpu.memory_space<vmem>>, %arg5: memref<256x1024xf32, #tpu.memory_space<vmem>>) attributes {dimension_semantics = [#tpu.dimension_semantics<parallel>], iteration_bounds = array<i64: 8>, scalar_prefetch = 0 : i64, scratch_operands = 0 : i64, tpu.core_type = #tpu.core_type<tc>, window_params = [{transform_indices = @transform_0, window_bounds = array<i64: 256, 1024>}, {transform_indices = @transform_1, window_bounds = array<i64: 4, 256, 256>}, {transform_indices = @transform_2, window_bounds = array<i64: 4, 256, 256>}, {transform_indices = @transform_3, window_bounds = array<i64: 256, 2>}, {transform_indices = @transform_4, window_bounds = array<i64: 256, 1024>}]} {
    %get3A = arith.constant 0 : index
    %get3A_0 = arith.constant 0 : index
    %get3A_1 = vector.load %arg4[%get3A, %get3A_0] : memref<256x2xf32, #tpu.memory_space<vmem>>, vector<256x1xf32>
    %get3A_2 = arith.constant 0 : index
    %get3A_3 = arith.constant 1 : index
    %get3A_4 = vector.load %arg4[%get3A_2, %get3A_3] : memref<256x2xf32, #tpu.memory_space<vmem>>, vector<256x1xf32>
    %get3A_5 = arith.constant 0 : index
    %get3A_6 = arith.constant 0 : index
    %get3A_7 = arith.constant 0 : index
    %get3A_8 = vector.load %arg2[%get3A_5, %get3A_6, %get3A_7] : memref<4x256x256xf32, #tpu.memory_space<vmem>>, vector<1x256x256xf32>
    %get3A_9 = vector.shape_cast %get3A_8 : vector<1x256x256xf32> to vector<256x256xf32>
    %get3A_10 = arith.constant 1 : index
    %get3A_11 = arith.constant 0 : index
    %get3A_12 = arith.constant 0 : index
    %get3A_13 = vector.load %arg2[%get3A_10, %get3A_11, %get3A_12] : memref<4x256x256xf32, #tpu.memory_space<vmem>>, vector<1x256x256xf32>
    %get3A_14 = vector.shape_cast %get3A_13 : vector<1x256x256xf32> to vector<256x256xf32>
    %get3A_15 = arith.constant 2 : index
    %get3A_16 = arith.constant 0 : index
    %get3A_17 = arith.constant 0 : index
    %get3A_18 = vector.load %arg2[%get3A_15, %get3A_16, %get3A_17] : memref<4x256x256xf32, #tpu.memory_space<vmem>>, vector<1x256x256xf32>
    %get3A_19 = vector.shape_cast %get3A_18 : vector<1x256x256xf32> to vector<256x256xf32>
    %get3A_20 = arith.constant 3 : index
    %get3A_21 = arith.constant 0 : index
    %get3A_22 = arith.constant 0 : index
    %get3A_23 = vector.load %arg2[%get3A_20, %get3A_21, %get3A_22] : memref<4x256x256xf32, #tpu.memory_space<vmem>>, vector<1x256x256xf32>
    %get3A_24 = vector.shape_cast %get3A_23 : vector<1x256x256xf32> to vector<256x256xf32>
    %concatenate3A = tpu.concatenate %get3A_9, %get3A_14, %get3A_19, %get3A_24 in 1 : vector<256x256xf32>, vector<256x256xf32>, vector<256x256xf32>, vector<256x256xf32> -> vector<256x1024xf32>
    %get3A_25 = arith.constant 0 : index
    %get3A_26 = arith.constant 0 : index
    %get3A_27 = arith.constant 0 : index
    %get3A_28 = vector.load %arg3[%get3A_25, %get3A_26, %get3A_27] : memref<4x256x256xf32, #tpu.memory_space<vmem>>, vector<1x256x256xf32>
    %get3A_29 = vector.shape_cast %get3A_28 : vector<1x256x256xf32> to vector<256x256xf32>
    %get3A_30 = arith.constant 1 : index
    %get3A_31 = arith.constant 0 : index
    %get3A_32 = arith.constant 0 : index
    %get3A_33 = vector.load %arg3[%get3A_30, %get3A_31, %get3A_32] : memref<4x256x256xf32, #tpu.memory_space<vmem>>, vector<1x256x256xf32>
    %get3A_34 = vector.shape_cast %get3A_33 : vector<1x256x256xf32> to vector<256x256xf32>
    %get3A_35 = arith.constant 2 : index
    %get3A_36 = arith.constant 0 : index
    %get3A_37 = arith.constant 0 : index
    %get3A_38 = vector.load %arg3[%get3A_35, %get3A_36, %get3A_37] : memref<4x256x256xf32, #tpu.memory_space<vmem>>, vector<1x256x256xf32>
    %get3A_39 = vector.shape_cast %get3A_38 : vector<1x256x256xf32> to vector<256x256xf32>
    %get3A_40 = arith.constant 3 : index
    %get3A_41 = arith.constant 0 : index
    %get3A_42 = arith.constant 0 : index
    %get3A_43 = vector.load %arg3[%get3A_40, %get3A_41, %get3A_42] : memref<4x256x256xf32, #tpu.memory_space<vmem>>, vector<1x256x256xf32>
    %get3A_44 = vector.shape_cast %get3A_43 : vector<1x256x256xf32> to vector<256x256xf32>
    %concatenate3A_45 = tpu.concatenate %get3A_29, %get3A_34, %get3A_39, %get3A_44 in 1 : vector<256x256xf32>, vector<256x256xf32>, vector<256x256xf32>, vector<256x256xf32> -> vector<256x1024xf32>
    %get3A_46 = arith.constant 0 : index
    %get3A_47 = arith.constant 0 : index
    %get3A_48 = vector.load %arg1[%get3A_46, %get3A_47] : memref<256x1024xf32, #tpu.memory_space<vmem>>, vector<256x1024xf32>
    %mul3A = vector.broadcast %get3A_1 : vector<256x1xf32> to vector<256x1024xf32>
    %mul3A_49 = arith.mulf %mul3A, %concatenate3A : vector<256x1024xf32>
    %add3A = arith.addf %get3A_48, %mul3A_49 : vector<256x1024xf32>
    %mul3A_50 = vector.broadcast %get3A_4 : vector<256x1xf32> to vector<256x1024xf32>
    %mul3A_51 = arith.mulf %mul3A_50, %concatenate3A_45 : vector<256x1024xf32>
    %add3A_52 = arith.addf %add3A, %mul3A_51 : vector<256x1024xf32>
    %swap3A = arith.constant 0 : index
    %swap3A_53 = arith.constant 0 : index
    %swap3A_54 = vector.load %arg5[%swap3A, %swap3A_53] : memref<256x1024xf32, #tpu.memory_space<vmem>>, vector<256x1024xf32>
    tpu.vector_store %arg5[%swap3A, %swap3A_53], %add3A_52 {strides = array<i32>} : memref<256x1024xf32, #tpu.memory_space<vmem>>, vector<256x1024xf32>,
    return
  }
  func.func @transform_0(%arg0: i32) -> (i32, i32) {
    %c0_i32 = arith.constant 0 : i32
    %c0_i32_0 = arith.constant 0 : i32
    return %arg0, %c0_i32 : i32, i32
  }
  func.func @transform_1(%arg0: i32) -> (i32, i32, i32) {
    %c0_i32 = arith.constant 0 : i32
    %c0_i32_0 = arith.constant 0 : i32
    %c0_i32_1 = arith.constant 0 : i32
    return %c0_i32, %arg0, %c0_i32_0 : i32, i32, i32
  }
  func.func @transform_2(%arg0: i32) -> (i32, i32, i32) {
    %add3A = arith.constant 8 : i32
    %add3A_0 = arith.addi %add3A, %arg0 : i32
    %c0_i32 = arith.constant 0 : i32
    %c0_i32_1 = arith.constant 0 : i32
    %c0_i32_2 = arith.constant 0 : i32
    return %c0_i32, %add3A_0, %c0_i32_1 : i32, i32, i32
  }
  func.func @transform_3(%arg0: i32) -> (i32, i32) {
    %c0_i32 = arith.constant 0 : i32
    %c0_i32_0 = arith.constant 0 : i32
    return %arg0, %c0_i32 : i32, i32
  }
  func.func @transform_4(%arg0: i32) -> (i32, i32) {
    %c0_i32 = arith.constant 0 : i32
    %c0_i32_0 = arith.constant 0 : i32
    return %arg0, %c0_i32 : i32, i32
  }
}

</mosaic_0001>

<sc_bundles>
// kernel: kernel.11.cloned.1.call-start
scs
__scs_entry_jumppad:
0x0: {  	(pc) =	sbr.rel $0x88, $3  }
0x1: {  	(tag) =	ssettag $0x0;
	lr =	simm.s32 $0x1  }
0x2: {  	[smem:$0x3F96] =	sst lr;
	_ =	strace $0xD0000000  }
0x3: {  	_ = 	snop  }
0x4: {  	_ = 	snop  }
0x5: {  	_ = 	snop  }
0x6: {  	_ = 	snop  }
0x7: {  	_ = 	snop  }
__scs_overlays_trampoline_lowered:
0x8: {  	[smem:$0x3FA5] =	sst s0  }
0x9: {  	[smem:$0x3FA6] =	sst s1  }
0xa: {  	[smem:$0x3FA7] =	sst s2  }
0xb: {  	[smem:$0x3FA8] =	sst s3  }
0xc: {  	[smem:$0x3FA9] =	sst s4  }
0xd: {  	[smem:$0x3FAA] =	sst s5  }
0xe: {  	[smem:$0x3FAB] =	sst s6  }
0xf: {  	[smem:$0x3FAC] =	sst s7  }
0x10: {  	[smem:$0x3FAD] =	sst s8  }
0x11: {  	[smem:$0x3FAE] =	sst s9;
	s0 =	simm.s32 @!p0 $0x0  }
0x12: {  	s1 =	sld [smem:$0x3F94];
	s0 =	simm.s32 @p0 $0x1  }
0x13: {  	[smem:$0x3FAF] =	sst s0;
	s0 =	simm.s32 @!p1 $0x0  }
0x14: {  	s2 =	sld [smem:$0x3F93];
	s0 =	simm.s32 @p1 $0x1  }
0x15: {  	[smem:$0x3FB0] =	sst s0;
	s0 =	simm.s32 @!p2 $0x0  }
0x16: {  	s3 =	sld [smem:$0x3FDB];
	s0 =	simm.s32 @p2 $0x1  }
0x17: {  	s4 =	simm.s32 $0x1BF5;
	[smem:$0x3FB2] =	sst s0  }
0x18: {  	s0 =	sld [smem:$0x3F95];
	_ =	swait.ge [sflag:s4], $0x0  }
0x19: {  	s7 =	sld [smem:$0x3F96]  }
0x1a: {  	s8 =	sadd.s32 $0xFFFFE003, lr  }
0x1b: {  	s9 =	sadd.s32 $0xFFFFFEF7, lr;
	s5 =	simm.s32 $0xFFFFFFFF;
	p2 =	slt.u32 s8, $0xFFFFF086  }
0x1c: {  	p1 =	slt.u32 s9, $0xF7A;
	s5 =	simm.s32 @!p2 $0x0  }
0x1d: {  	s5 =	simm.s32 @p1 $0x1;
	p0 =	seq.s32 s7, s2  }
0x1e: {  	s7 =	smul.u32 @!p0 $0xF7A, s2;
	p2 =	seq.s32 @!p0 s5, $0x0  }
0x1f: {  	s9 =	smul.u32 $0xF7A, s1;
	s8 =	simm.s32 @!p0 $0x1BF5;
	p2 =	por !p2, p0  }
0x20: {  	[sflag:s8] =	ssyncset.s32 @!p0 $0xFFFFF086;
	s6 =	sadd.s32 @!p0 s3, s7;
	s7 =	simm.s32 @!p0 $0x108  }
0x21: {  	s3 =	sadd.s32 s3, s9;
	s6 =	sadd.s32 @!p0 $0x88, s6;
	s7 =	simm.s32 @p2 $0x1082  }
0x22: {  	[simem:s7], [sflag:s8] =	dma.local @!p0 [hbm:s6], $0xF7A  }
0x23: {  	s9 =	sor.u32 $0xD0000000, s2;
	s6 =	simm.s32 $0x108;
	_ =	swait.ge @!p0 [sflag:s8], $0x0  }
0x24: {  	s3 =	sadd.s32 $0x88, s3;
	s6 =	simm.s32 @!p1 $0x1082;
	[sflag:s4] =	ssyncset.s32 $0xFFFFF086  }
0x25: {  	[simem:s6], [sflag:s4] =	dma.local [hbm:s3], $0xF7A  }
0x26: {  	[smem:$0x3F96] =	sst s1;
	(tag) =	ssettag s2;
	_ =	strace s9  }
0x27: {  	s1 =	sld [smem:$0x3FA6]  }
0x28: {  	s2 =	sld [smem:$0x3FA7]  }
0x29: {  	s4 =	sld [smem:$0x3FA9]  }
0x2a: {  	p0 =	seq.s32 s5, $0x0;
	s5 =	sld [smem:$0x3FAA]  }
0x2b: {  	s6 =	sld [smem:$0x3FAB]  }
0x2c: {  	s7 =	sld [smem:$0x3FAC]  }
0x2d: {  	s3 =	simm.s32 $0x108;
	s8 =	sld [smem:$0x3FAD]  }
0x2e: {  	s3 =	simm.s32 @!p0 $0x1082;
	s9 =	sld [smem:$0x3FAE]  }
0x2f: {  	lr =	sadd.s32 s0, s3;
	s0 =	sld [smem:$0x3FA5]  }
0x30: {  	s3 =	sld [smem:$0x3FA8]  }
0x31: {  	[smem:$0x3FB1] =	sst s10  }
0x32: {  	s10 =	sld [smem:$0x3FAF];
	_ =	sdelay $0x3  }
0x33: {  	p0 =	seq.s32 s10, $0x1;
	s10 =	sld [smem:$0x3FB1];
	_ =	sdelay $0x3  }
0x34: {  	[smem:$0x3FB1] =	sst s10  }
0x35: {  	s10 =	sld [smem:$0x3FB0];
	_ =	sdelay $0x3  }
0x36: {  	p1 =	seq.s32 s10, $0x1;
	s10 =	sld [smem:$0x3FB1];
	_ =	sdelay $0x3  }
0x37: {  	[smem:$0x3FB1] =	sst s10  }
0x38: {  	s10 =	sld [smem:$0x3FB2]  }
0x39: {  	_ = 	snop;
	(pc) =	sbr.ind lr, $3  }
0x3a: {  	_ = 	snop  }
0x3b: {  	_ = 	snop  }
0x3c: {  	p2 =	seq.s32 s10, $0x1;
	s10 =	sld [smem:$0x3FB1]  }
0x3d: {  	_ =	shalt  }
0x3e: {  	_ =	shalt  }
0x3f: {  	_ =	shalt  }
0x40: {  	_ =	shalt  }
0x41: {  	_ =	shalt  }
0x42: {  	_ =	shalt  }
0x43: {  	_ =	shalt  }
0x44: {  	_ =	shalt  }
0x45: {  	_ =	shalt  }
0x46: {  	_ =	shalt  }
0x47: {  	_ =	shalt  }
0x48: {  	_ =	shalt  }
0x49: {  	_ =	shalt  }
0x4a: {  	_ =	shalt  }
0x4b: {  	_ =	shalt  }
0x4c: {  	_ =	shalt  }
0x4d: {  	_ =	shalt  }
0x4e: {  	_ =	shalt  }
0x4f: {  	_ =	shalt  }
0x50: {  	_ =	shalt  }
0x51: {  	_ =	shalt  }
0x52: {  	_ =	shalt  }
0x53: {  	_ =	shalt  }
0x54: {  	_ =	shalt  }
0x55: {  	_ =	shalt  }
0x56: {  	_ =	shalt  }
0x57: {  	_ =	shalt  }
0x58: {  	_ =	shalt  }
0x59: {  	_ =	shalt  }
0x5a: {  	_ =	shalt  }
0x5b: {  	_ =	shalt  }
0x5c: {  	_ =	shalt  }
0x5d: {  	_ =	shalt  }
0x5e: {  	_ =	shalt  }
0x5f: {  	_ =	shalt  }
0x60: {  	_ =	shalt  }
0x61: {  	_ =	shalt  }
0x62: {  	_ =	shalt  }
0x63: {  	_ =	shalt  }
0x64: {  	_ =	shalt  }
0x65: {  	_ =	shalt  }
0x66: {  	_ =	shalt  }
0x67: {  	_ =	shalt  }
0x68: {  	_ =	shalt  }
0x69: {  	_ =	shalt  }
0x6a: {  	_ =	shalt  }
0x6b: {  	_ =	shalt  }
0x6c: {  	_ =	shalt  }
0x6d: {  	_ =	shalt  }
0x6e: {  	_ =	shalt  }
0x6f: {  	_ =	shalt  }
0x70: {  	_ =	shalt  }
0x71: {  	_ =	shalt  }
0x72: {  	_ =	shalt  }
0x73: {  	_ =	shalt  }
0x74: {  	_ =	shalt  }
0x75: {  	_ =	shalt  }
0x76: {  	_ =	shalt  }
0x77: {  	_ =	shalt  }
0x78: {  	_ =	shalt  }
0x79: {  	_ =	shalt  }
0x7a: {  	_ =	shalt  }
0x7b: {  	_ =	shalt  }
0x7c: {  	_ =	shalt  }
0x7d: {  	_ =	shalt  }
0x7e: {  	_ =	shalt  }
0x7f: {  	_ =	shalt  }
0x80: {  	_ =	shalt  }
0x81: {  	_ =	shalt  }
0x82: {  	_ =	shalt  }
0x83: {  	_ =	shalt  }
0x84: {  	_ =	shalt  }
0x85: {  	_ =	shalt  }
0x86: {  	_ =	shalt  }
0x87: {  	_ =	shalt  }
.Lfunc_end0:
.L_simem_size_0:
called_computation.1_lowered:
.L_overlay_start_0:
0x88: {  	s2 =	sld [smem:$0x3FD9]  }
0x89: {  	s3 =	sld [smem:$0x3FFE];
	_ =	sdelay $0x1  }
0x8a: {  	s1 =	srdreg.scid  }
0x8b: {  	s0 =	sand.u32 $0x1, s1  }
0x8c: {  	s14 =	sshll.u32 s0, $0xA;
	s2 =	sadd.s32 s3, s2  }
0x8d: {  	s2 =	sadd.s32 s2, s14  }
0x8e: {  	[smem:$0x3FBD] =	sst s2  }
0x8f: {  	_ = 	snop  }
0x90: {  	s2 =	sld [smem:$0x3FD0];
	_ =	sdelay $0x2  }
0x91: {  	s15 =	simm.s32 $0xA;
	s4 =	simm.s32 $0x10  }
0x92: {  	[smem:s4], [sflag:s15] =	dma.local [hbm:s2], $0x1  }
0x93: {  	_ =	swait.eq [sflag:s15], $0x1  }
0x94: {  	[sflag:s15] =	ssyncset.done $0x0  }
0x95: {  	[sflag:s15] =	ssyncadd.s32 $0xFFFFFFFF  }
0x96: {  	s16 =	sld [smem:$0x10];
	(tm) =	ssettm $0x1  }
0x97: {  	s17 =	sld [smem:$0x3FFB];
	_ =	sdelay $0x3  }
0x98: {  	_ =	strace s17  }
0x99: {  	s3 =	sld [smem:$0x3FFC];
	_ =	sdelay $0x3  }
0x9a: {  	_ =	strace s3  }
0x9b: {  	s3 =	sld [smem:$0x3FFD];
	_ =	sdelay $0x3  }
0x9c: {  	_ =	strace s3  }
0x9d: {  	_ =	strace $0x8FFFFFFF  }
0x9e: {  	s18 =	sld [smem:$0x3FDB];
	_ =	sdelay $0x1  }
0x9f: {  	s19 =	simm.s32 $_scs_section_size  }
0xa0: {  	s5 =	simm.s32 $_size__tile_overlayer_lowered;
	s6 =	simm.s32 $_tile_overlayer_lowered  }
0xa1: {  	s22 =	simm.s32 $0x1BFF;
	s21 =	sshll.u32 s6, $0x1;
	s3 =	sadd.s32 s19, s18  }
0xa2: {  	s7 =	simm.s32 $0x0;
	s20 =	sshll.u32 s5, $0x1;
	s5 =	sadd.s32 s21, s3  }
0xa3: {  	[timem:s7], [sflag:s22] =	dma.local [hbm:s5], s20  }
0xa4: {  	_ =	swait.ge [sflag:s22], s20  }
0xa5: {  	s4 =	ssub.s32 $0x0, s20;
	[sflag:s22] =	ssyncset.done $0x0  }
0xa6: {  	[sflag:s22] =	ssyncadd.s32 s4;
	_ =	sdelay $0x1  }
0xa7: {  	s23 =	simm.s32 $0x1B8B  }
0xa8: {  	_ =	swait.ge [sflag:s23], $0x1  }
0xa9: {  	[sflag:s23] =	ssyncset.done $0x0  }
0xaa: {  	s25 =	simm.s32 $0x1B8E;
	s24 =	sld [smem:$0x3FFE];
	[sflag:s23] =	ssyncadd.s32 $0xFFFFFFFF  }
0xab: {  	s26 =	simm.s32 $execute0_lowered;
	[smem:$0x3FD2] =	sst s25  }
0xac: {  	s5 =	sshll.u32 s26, $0x1;
	_ =	strace $0x8000004F;
	[dreg:$0x1] =	wrdreg $0xFFFFFFFF  }
0xad: {  	s28 =	simm.s32 $_size_execute0_lowered;
	s3 =	sadd.s32 s3, s5;
	[dreg:$0x0] =	wrdreg $0x0  }
0xae: {  	s5 =	sshll.u32 s28, $0x1;
	[dreg:$0x2] =	wrdreg s3  }
0xaf: {  	[dreg:$0x3] =	wrdreg s5  }
0xb0: {  	[dreg:$0x4] =	wrdreg $0xC0  }
0xb1: {  	_ =	task [dreg:s7], $0x5FFFF  }
0xb2: {  	[dreg:$0x1] =	wrdreg $0xFFFFFFFF  }
0xb3: {  	[dreg:$0x0] =	wrdreg $0x60  }
0xb4: {  	[dreg:$0x2] =	wrdreg s24  }
0xb5: {  	[dreg:$0x3] =	wrdreg s16  }
0xb6: {  	[dreg:$0x4] =	wrdreg $0x9  }
0xb7: {  	_ =	task.clear_ibuf [dreg:s7], $0x5FFFF;
	_ =	strace $0x9000004F  }
0xb8: {  	s29 =	simm.s32 $0x9;
	_ =	strace $0x80000058  }
0xb9: {  	_ =	swait.ge [sflag:s29], $0x1  }
0xba: {  	[sflag:s29] =	ssyncadd.s32 $0xFFFFFFFF  }
0xbb: {  	_ =	strace $0x90000058  }
0xbc: {  	_ =	sfence  }
0xbd: {  	s30 =	sld [smem:$0x0];
	_ =	sdelay $0x2  }
0xbe: {  	s31 =	sshll.u32 s1, $0xD;
	s1 =	sshrl.u32 s1, $0x2  }
0xbf: {  	s3 =	sand.u32 $0x4000, s31;
	s1 =	sadd.s32 s1, s30  }
0xc0: {  	s0 =	sor.u32 s3, s0;
	s1 =	sshll.u32 s1, $0x11  }
0xc1: {  	s0 =	sor.u32 s1, s0  }
0xc2: {  	s0 =	sadd.s32 $0x8F2B, s0  }
0xc3: {  	[sflag:s0] =	ssyncadd.remote.s32 $0x1  }
0xc4: {  	_ =	sfence.sel $0xFFFF  }
0xc5: {  	[dreg:$0x0] =	wrdreg $0xFFFFFFFF;
	(pc) =	sbr.abs _section_cstart, $3  }
0xc6: {  	[dreg:$0x1] =	wrdreg $0xFFFFFFFF  }
0xc7: {  	_ =	task.clear_ibuf [dreg:s7], $0x2FFFF;
	_ =	strace $0x9FFFFFFF  }
0xc8: {  	(tm) =	ssettm $0x7FFFFFFF  }
0xc9: {  	_ =	shalt  }
tec
execute0_lowered:
.L_overlay_start_1:
0x0: {  	(tag) =	ssettag $0x1  }
0x1: {  	s1 =	srdreg.scid  }
0x2: {  	s0 =	stileid.u32;
	s5 =	sand.u32 $0x1, s1  }
0x3: {  	s2 =	sshll.u32 s0, $0x1;
	s1 =	sshll.u32 s5, $0x5  }
0x4: {  	s6 =	sand.u32 $0xE, s2;
	s1 =	sor.u32 s2, s1  }
0x5: {  	s7 =	rddreg [dreg:$0x0];
	p1 =	sne.s32 s6, $0x0;
	p0 =	seq.s32 s1, $0x0  }
0x6: {  	s3 =	rddreg [dreg:$0x1];
	s4 =	simm.s32 $0x0;
	p0 =	por !p0, !p1  }
0x7: {  	s8 =	simm.s32 $0x1;
	[smem:$0x7FF] =	sst s4;
	p0 =	por !p0, !p0  }
0x8: {  	s30 =	ssub.s32 $0x2, s5;
	s9 =	sshrl.u32 s1, $0x4;
	s8 =	simm.s32 @!p0 $0x0  }
0x9: {  	s5 =	sadd.s32 $0xB9A00, s7;
	s2 =	rddreg [dreg:$0x2];
	s8 =	ssub.s32 s9, s8  }
0xa: {  	s6 =	sshll.u32 s6, $0xA;
	s9 =	sand.u32 $0xFFFFC000, s8;
	s8 =	sshll.u32 s8, $0x7  }
0xb: {  	_ =	strace $0x80000050;
	s6 =	sor.u32 s6, s9;
	s8 =	sand.u32 $0x380, s8  }
0xc: {  	v2 =	vlaneseq.u32;
	s31 =	sshrl.u32 s30, $0x1;
	s9 =	simm.s32 $0x5;
	s6 =	sor.u32 s8, s6  }
0xd: {  	vm0 =	vmmov $0xffff;
	v1 =	vshrl.u32 v2, $0x3;
	s8 =	ssub.s32 s30, s31;
	s10 =	sshrl.u32 s6, $0x3;
	s6 =	sadd.s32 $0x1A00, s7  }
0xe: {  	v0 =	vand.u32 $0x7, v2;
	v2 =	vor.u32 $0x8, v2;
	v1 =	vmul.u32 $0x8, v1;
	s8 =	smax.u32 s8, $0x1;
	s7 =	sadd.s32 s3, s10;
	s10 =	simm.s32 $0x0  }
.LBB2_1:
0xf: {  	_ =	strace $0x80000051;
	s11 =	simm.s32 $0x4;
	s12 =	simm.s32 $0x0  }
0x10: {  	s18 =	simm.s32 $0x0;
	s13 =	simm.s32 $0x0;
	s14 =	simm.s32 $0x0  }
0x11: {  	[tilespmem:s4], [sflag:$0x1] =	stream.linear.gather [hbm4b:s7+s4], $0x80, $0x200038;
	[tilespmem:$0x10100] =	vst v63  }
0x12: {  	s15 =	simm.s32 $0x0;
	s16 =	simm.s32 $0x1;
	_ =	strace $0x90000051  }
.LBB2_2:
0x13: {  	s20 =	sadd.s32 s1, s12  }
0x14: {  	s23 =	sadd.s32 $0xFFFFFFFF, s12;
	p2 =	seq.s32 s12, $0x0;
	s12 =	sadd.s32 $0x1, s12  }
0x15: {  	s17 =	simm.s32 $0x1;
	p0 =	seq.s32 s12, $0x2  }
0x16: {  	s24 =	sshll.u32 s18, $0x2;
	s19 =	sshra.s32 s20, $0x1F;
	s12 =	simm.s32 @p0 $0x0  }
0x17: {  	p5 =	slt.s32 s20, $0x1;
	s17 =	simm.s32 @!p0 $0x0;
	s21 =	sadd.s32 s1, s12  }
0x18: {  	s19 =	sshrl.u32 s19, $0x1C;
	s17 =	sadd.s32 s17, s18;
	s22 =	sshra.s32 s21, $0x1F  }
0x19: {  	s19 =	sadd.s32 s19, s20;
	p0 =	seq.s32 s17, $0x2;
	s22 =	sshrl.u32 s22, $0x1C  }
0x1a: {  	s25 =	sshra.s32 s19, $0x4;
	s19 =	sand.u32 $0xFFFFFFF0, s19;
	s22 =	sadd.s32 s22, s21  }
0x1b: {  	p6 =	slt.s32 s21, $0x1;
	p1 =	sne.s32 s20, s19;
	s28 =	sand.u32 $0xFFFFFFF0, s22  }
0x1c: {  	s17 =	simm.s32 @p0 $0x0;
	p0 =	por !p5, !p1;
	p3 =	sne.s32 s21, s28  }
0x1d: {  	s19 =	simm.s32 $0x1;
	p0 =	por !p0, !p0;
	p1 =	por !p6, !p3  }
0x1e: {  	s26 =	simm.s32 $0x1;
	s19 =	simm.s32 @!p0 $0x0;
	p0 =	por !p1, !p1  }
0x1f: {  	s20 =	sand.u32 $0xF, s20;
	s22 =	sshra.s32 s22, $0x4;
	s26 =	simm.s32 @!p0 $0x0  }
0x20: {  	s29 =	sshll.u32 s17, $0x2;
	s19 =	ssub.s32 s25, s19;
	s22 =	ssub.s32 s22, s26  }
0x21: {  	s21 =	sand.u32 $0xF, s21;
	s28 =	sadd.s32 s24, s19;
	s24 =	sadd.s32 s29, s22  }
0x22: {  	p4 =	sne.s32 s20, s21;
	p3 =	sne.s32 s28, s24  }
0x23: {  	p5 =	sne.s32 s11, $0x1;
	p0 =	por p4, p3  }
0x24: {  	p1 =	por !p5, !p0  }
0x25: {  	p1 =	por !p1, !p1  }
0x26: {  	s23 =	simm.s32 @p2 $0x1;
	s25 =	sshll.u32 @p1 s24, $0xB  }
0x27: {  	s26 =	sshll.u32 @p1 s21, $0xA;
	s24 =	sshll.u32 @p1 s24, $0x7;
	s25 =	sand.u32 @p1 $0xFFFFC000, s25  }
0x28: {  	_ =	strace @p1 $0x80000052;
	s24 =	sand.u32 @p1 $0x380, s24;
	s25 =	sor.u32 @p1 s26, s25  }
0x29: {  	s29 =	simm.s32 @p1 $0x0;
	s26 =	sadd.s32 s1, s23;
	s23 =	sor.u32 @p1 s24, s25  }
0x2a: {  	s24 =	sand.u32 @p1 $0x1, s16;
	s30 =	sshra.s32 s26, $0x1F;
	s23 =	sshrl.u32 @p1 s23, $0x3  }
0x2b: {  	s25 =	sshll.u32 @p1 s24, $0x7;
	s24 =	sadd.s32 @p1 $0x1, s24;
	s23 =	sadd.s32 @p1 s3, s23  }
0x2c: {  	[tilespmem:s25], [sflag:s24] =	stream.linear.gather @p1 [hbm4b:s23+s29], $0x80, $0x200038;
	[tilespmem:$0x10100] =	vst v63  }
0x2d: {  	s23 =	sshrl.u32 s30, $0x1C  }
0x2e: {  	s24 =	simm.s32 $0x1;
	s31 =	sadd.s32 s23, s26  }
0x2f: {  	s24 =	simm.s32 @!p2 $0x0;
	s30 =	sand.u32 $0xFFFFFFF0, s31  }
0x30: {  	p6 =	slt.s32 s26, $0x1;
	s23 =	ssub.s32 s18, s24;
	p4 =	sne.s32 s26, s30  }
0x31: {  	p3 =	seq.s32 s11, $0x4;
	p2 =	seq.s32 s23, $0xFFFFFFFF;
	p4 =	por !p6, !p4  }
0x32: {  	s29 =	simm.s32 $0x1;
	s23 =	simm.s32 @p2 $0x1;
	p2 =	por !p4, !p4  }
0x33: {  	s25 =	sshra.s32 s31, $0x4;
	s24 =	sand.u32 $0xF, s26;
	s29 =	simm.s32 @!p2 $0x0  }
0x34: {  	s31 =	sshll.u32 s23, $0x2;
	p2 =	sne.s32 @!p3 s20, s24;
	s25 =	ssub.s32 s25, s29  }
0x35: {  	p2 =	por p3, p2;
	s26 =	sadd.s32 s31, s25  }
0x36: {  	p3 =	seq.s32 @!p2 s28, s26  }
0x37: {  	p2 =	por p2, !p3  }
0x38: {  	_ =	strace @p1 $0x90000052;
	s26 =	sand.u32 @p2 $0x1, s15  }
0x39: {  	_ =	strace @p2 $0x80000053;
	s26 =	sadd.s32 @p2 $0x1, s26  }
0x3a: {  	_ =	swait.ge @p2 [sflag:s26], $0x80  }
0x3b: {  	[sflag:s26] =	ssyncset.done @p2 $0x0  }
0x3c: {  	[sflag:s26] =	ssyncadd.s32 @p2 $0xFFFFFF80  }
0x3d: {  	s30 =	sshll.u32 s15, $0x7;
	_ =	strace @p2 $0x90000053  }
0x3e: {  	s30 =	sand.u32 $0x80, s30;
	_ =	strace $0x80000054  }
0x3f: {  	v3 =	vld [tilespmem:s30+$0x0];
	_ =	sdelay $0x4  }
0x40: {  	v4 =	vshll.u32 v3, $0x1  }
0x41: {  	v3 =	vand.u32 $0x7, v3;
	v4 =	vand.u32 $0xFFFFFFF0, v4  }
0x42: {  	v3 =	vor.u32 v3, v4  }
0x43: {  	v4 =	vperm.xlane v3, v0;
	_ =	sdelay $0x1  }
0x44: {  	v3 =	vperm.xlane v3, v2;
	v4 =	vadd.s32 v1, v4;
	_ =	sdelay $0x1  }
0x45: {  	s26 =	sand.u32 $0x1, s14;
	v3 =	vadd.s32 v1, v3  }
0x46: {  	s29 =	sshll.u32 s26, $0xF  }
0x47: {  	s28 =	sor.u32 $0x100, s29  }
0x48: {  	[tilespmem:s28], [sflag:$0x5] =	stream.indirect_vreg.gather [hbm4b:s5+s4], $0x80, v4, vm0, $0x2000b8;
	[tilespmem:$0x10100] =	vst v63  }
0x49: {  	s31 =	sor.u32 $0x900, s29  }
0x4a: {  	[tilespmem:s31], [sflag:$0x5] =	stream.indirect_vreg.gather [hbm4b:s5+s4], $0x80, v3, vm0, $0x2000b8;
	[tilespmem:$0x10100] =	vst v63  }
0x4b: {  	v3 =	vld [tilespmem:s30+$0x10];
	_ =	sdelay $0x4  }
0x4c: {  	v57 =	vshll.u32 v3, $0x1  }
0x4d: {  	v3 =	vand.u32 $0x7, v3;
	v4 =	vand.u32 $0xFFFFFFF0, v57  }
0x4e: {  	v3 =	vor.u32 v3, v4  }
0x4f: {  	v4 =	vperm.xlane v3, v0;
	_ =	sdelay $0x1  }
0x50: {  	v3 =	vperm.xlane v3, v2;
	v4 =	vadd.s32 v1, v4;
	_ =	sdelay $0x1  }
0x51: {  	v3 =	vadd.s32 v1, v3;
	_ =	sdelay $0x1  }
0x52: {  	s31 =	sor.u32 $0x1100, s29  }
0x53: {  	[tilespmem:s31], [sflag:$0x5] =	stream.indirect_vreg.gather [hbm4b:s5+s4], $0x80, v4, vm0, $0x2000b8;
	[tilespmem:$0x10100] =	vst v63  }
0x54: {  	s31 =	sor.u32 $0x1900, s29  }
0x55: {  	[tilespmem:s31], [sflag:$0x5] =	stream.indirect_vreg.gather [hbm4b:s5+s4], $0x80, v3, vm0, $0x2000b8;
	[tilespmem:$0x10100] =	vst v63  }
0x56: {  	v3 =	vld [tilespmem:s30+$0x20];
	_ =	sdelay $0x4  }
0x57: {  	v58 =	vshll.u32 v3, $0x1  }
0x58: {  	v3 =	vand.u32 $0x7, v3;
	v4 =	vand.u32 $0xFFFFFFF0, v58  }
0x59: {  	v3 =	vor.u32 v3, v4  }
0x5a: {  	v4 =	vperm.xlane v3, v0;
	_ =	sdelay $0x1  }
0x5b: {  	v3 =	vperm.xlane v3, v2;
	v4 =	vadd.s32 v1, v4;
	_ =	sdelay $0x1  }
0x5c: {  	v3 =	vadd.s32 v1, v3;
	_ =	sdelay $0x1  }
0x5d: {  	s31 =	sor.u32 $0x2100, s29  }
0x5e: {  	[tilespmem:s31], [sflag:$0x5] =	stream.indirect_vreg.gather [hbm4b:s5+s4], $0x80, v4, vm0, $0x2000b8;
	[tilespmem:$0x10100] =	vst v63  }
0x5f: {  	s31 =	sor.u32 $0x2900, s29  }
0x60: {  	[tilespmem:s31], [sflag:$0x5] =	stream.indirect_vreg.gather [hbm4b:s5+s4], $0x80, v3, vm0, $0x2000b8;
	[tilespmem:$0x10100] =	vst v63  }
0x61: {  	v3 =	vld [tilespmem:s30+$0x30];
	_ =	sdelay $0x4  }
0x62: {  	v59 =	vshll.u32 v3, $0x1  }
0x63: {  	v3 =	vand.u32 $0x7, v3;
	v4 =	vand.u32 $0xFFFFFFF0, v59  }
0x64: {  	v3 =	vor.u32 v3, v4  }
0x65: {  	v4 =	vperm.xlane v3, v0;
	_ =	sdelay $0x1  }
0x66: {  	v3 =	vperm.xlane v3, v2;
	v4 =	vadd.s32 v1, v4;
	_ =	sdelay $0x1  }
0x67: {  	v3 =	vadd.s32 v1, v3;
	_ =	sdelay $0x1  }
0x68: {  	s31 =	sor.u32 $0x3100, s29  }
0x69: {  	[tilespmem:s31], [sflag:$0x5] =	stream.indirect_vreg.gather [hbm4b:s5+s4], $0x80, v4, vm0, $0x2000b8;
	[tilespmem:$0x10100] =	vst v63  }
0x6a: {  	s31 =	sor.u32 $0x3900, s29  }
0x6b: {  	[tilespmem:s31], [sflag:$0x5] =	stream.indirect_vreg.gather [hbm4b:s5+s4], $0x80, v3, vm0, $0x2000b8;
	[tilespmem:$0x10100] =	vst v63  }
0x6c: {  	v3 =	vld [tilespmem:s30+$0x40];
	_ =	sdelay $0x4  }
0x6d: {  	v60 =	vshll.u32 v3, $0x1  }
0x6e: {  	v3 =	vand.u32 $0x7, v3;
	v4 =	vand.u32 $0xFFFFFFF0, v60  }
0x6f: {  	v3 =	vor.u32 v3, v4  }
0x70: {  	v4 =	vperm.xlane v3, v0;
	_ =	sdelay $0x1  }
0x71: {  	v3 =	vperm.xlane v3, v2;
	v4 =	vadd.s32 v1, v4;
	_ =	sdelay $0x1  }
0x72: {  	v3 =	vadd.s32 v1, v3;
	_ =	sdelay $0x1  }
0x73: {  	s31 =	sor.u32 $0x4100, s29  }
0x74: {  	[tilespmem:s31], [sflag:$0x5] =	stream.indirect_vreg.gather [hbm4b:s5+s4], $0x80, v4, vm0, $0x2000b8;
	[tilespmem:$0x10100] =	vst v63  }
0x75: {  	s31 =	sor.u32 $0x4900, s29  }
0x76: {  	[tilespmem:s31], [sflag:$0x5] =	stream.indirect_vreg.gather [hbm4b:s5+s4], $0x80, v3, vm0, $0x2000b8;
	[tilespmem:$0x10100] =	vst v63  }
0x77: {  	v3 =	vld [tilespmem:s30+$0x50];
	_ =	sdelay $0x4  }
0x78: {  	v61 =	vshll.u32 v3, $0x1  }
0x79: {  	v3 =	vand.u32 $0x7, v3;
	v4 =	vand.u32 $0xFFFFFFF0, v61  }
0x7a: {  	v3 =	vor.u32 v3, v4  }
0x7b: {  	v4 =	vperm.xlane v3, v0;
	_ =	sdelay $0x1  }
0x7c: {  	v3 =	vperm.xlane v3, v2;
	v4 =	vadd.s32 v1, v4;
	_ =	sdelay $0x1  }
0x7d: {  	v3 =	vadd.s32 v1, v3;
	_ =	sdelay $0x1  }
0x7e: {  	s31 =	sor.u32 $0x5100, s29  }
0x7f: {  	[tilespmem:s31], [sflag:$0x5] =	stream.indirect_vreg.gather [hbm4b:s5+s4], $0x80, v4, vm0, $0x2000b8;
	[tilespmem:$0x10100] =	vst v63  }
0x80: {  	s31 =	sor.u32 $0x5900, s29  }
0x81: {  	[tilespmem:s31], [sflag:$0x5] =	stream.indirect_vreg.gather [hbm4b:s5+s4], $0x80, v3, vm0, $0x2000b8;
	[tilespmem:$0x10100] =	vst v63  }
0x82: {  	v3 =	vld [tilespmem:s30+$0x60];
	_ =	sdelay $0x4  }
0x83: {  	v62 =	vshll.u32 v3, $0x1  }
0x84: {  	v3 =	vand.u32 $0x7, v3;
	v4 =	vand.u32 $0xFFFFFFF0, v62  }
0x85: {  	v3 =	vor.u32 v3, v4  }
0x86: {  	v4 =	vperm.xlane v3, v0;
	_ =	sdelay $0x1  }
0x87: {  	v3 =	vperm.xlane v3, v2;
	v4 =	vadd.s32 v1, v4;
	_ =	sdelay $0x1  }
0x88: {  	v3 =	vadd.s32 v1, v3;
	_ =	sdelay $0x1  }
0x89: {  	s31 =	sor.u32 $0x6100, s29  }
0x8a: {  	[tilespmem:s31], [sflag:$0x5] =	stream.indirect_vreg.gather [hbm4b:s5+s4], $0x80, v4, vm0, $0x2000b8;
	[tilespmem:$0x10100] =	vst v63  }
0x8b: {  	s31 =	sor.u32 $0x6900, s29  }
0x8c: {  	[tilespmem:s31], [sflag:$0x5] =	stream.indirect_vreg.gather [hbm4b:s5+s4], $0x80, v3, vm0, $0x2000b8;
	[tilespmem:$0x10100] =	vst v63  }
0x8d: {  	v3 =	vld [tilespmem:s30+$0x70];
	_ =	sdelay $0x4  }
0x8e: {  	v63 =	vshll.u32 v3, $0x1  }
0x8f: {  	v3 =	vand.u32 $0x7, v3;
	v4 =	vand.u32 $0xFFFFFFF0, v63  }
0x90: {  	v3 =	vor.u32 v3, v4  }
0x91: {  	v4 =	vperm.xlane v3, v0;
	_ =	sdelay $0x1  }
0x92: {  	v3 =	vperm.xlane v3, v2;
	v4 =	vadd.s32 v1, v4;
	_ =	sdelay $0x1  }
0x93: {  	v3 =	vadd.s32 v1, v3;
	_ =	sdelay $0x1  }
0x94: {  	s31 =	sor.u32 $0x7100, s29  }
0x95: {  	[tilespmem:s31], [sflag:$0x5] =	stream.indirect_vreg.gather [hbm4b:s5+s4], $0x80, v4, vm0, $0x2000b8;
	[tilespmem:$0x10100] =	vst v63  }
0x96: {  	s19 =	sshll.u32 s19, $0x5;
	p2 =	seq.s32 s11, $0x1;
	s29 =	sor.u32 $0x7900, s29  }
0x97: {  	[tilespmem:s29], [sflag:$0x5] =	stream.indirect_vreg.gather [hbm4b:s5+s4], $0x80, v3, vm0, $0x2000b8;
	[tilespmem:$0x10100] =	vst v63  }
0x98: {  	p0 =	por p2, p0;
	s30 =	sshll.u32 s22, $0x5;
	s29 =	sshll.u32 s18, $0x4  }
0x99: {  	s31 =	sshll.u32 s17, $0x4;
	_ =	swait.ge [sflag:s9], $0x8000;
	s18 =	sadd.s32 s29, s19  }
0x9a: {  	s19 =	sadd.s32 s31, s30;
	s29 =	sshll.u32 s25, $0x5;
	s30 =	sshll.u32 s23, $0x4  }
0x9b: {  	[sflag:s9] =	ssyncset.done $0x0;
	s18 =	sor.u32 s20, s18;
	s19 =	sor.u32 s21, s19  }
0x9c: {  	s31 =	sadd.s32 s30, s29;
	[sflag:s9] =	ssyncadd.s32 $0xFFFF8000;
	p5 =	sne.s32 s18, s19  }
0x9d: {  	s19 =	sor.u32 s24, s31;
	_ =	strace $0x90000054;
	p3 =	por p2, p5  }
0x9e: {  	p6 =	sne.s32 s18, s19;
	p5 =	sne.s32 s11, $0x4;
	s20 =	sshll.u32 @p3 s18, $0xC  }
0x9f: {  	p4 =	por !p5, !p6;
	_ =	strace @p3 $0x80000055;
	s18 =	sand.u32 @p3 $0x1FFFF000, s20  }
0xa0: {  	s19 =	sadd.s32 @p3 $0x3, s26;
	s20 =	simm.s32 @p3 $0x0;
	s18 =	sadd.s32 @p3 s6, s18  }
0xa1: {  	[hbm4b:s18+s20] =	stream.linear.scatter @p3 [tilespmem:s28], [sflag:s19], $0x8000, $0x200038;
	[tilespmem:$0x10100] =	vst v63  }
0xa2: {  	s11 =	sadd.s32 $0xFFFFFFFF, s11;
	p4 =	por !p4, !p4;
	s19 =	simm.s32 $0x1  }
0xa3: {  	s18 =	sand.u32 @p4 $0x1, s13;
	_ =	strace @p3 $0x90000055;
	s19 =	simm.s32 @!p1 $0x0  }
0xa4: {  	s18 =	sadd.s32 @p4 $0x3, s18;
	s16 =	sadd.s32 s19, s16;
	s19 =	simm.s32 $0x1  }
0xa5: {  	_ =	strace @p4 $0x80000056;
	s19 =	simm.s32 @!p0 $0x0;
	p0 =	sne.s32 s11, $0x0  }
.Ltmp0:
0xa6: {  	_ =	swait.ge @p4 [sflag:s18], $0x8000;
	(pc) =	sbr.rel @p0 .LBB2_2-.Ltmp0, $4  }
0xa7: {  	s20 =	simm.s32 $0x1;
	[sflag:s18] =	ssyncset.done @p4 $0x0  }
0xa8: {  	s20 =	simm.s32 @!p3 $0x0;
	[sflag:s18] =	ssyncadd.s32 @p4 $0xFFFF8000;
	s18 =	simm.s32 $0x1  }
0xa9: {  	s14 =	sadd.s32 s20, s14;
	s15 =	sadd.s32 s19, s15;
	s18 =	simm.s32 @!p4 $0x0  }
0xaa: {  	_ =	strace @p4 $0x90000056;
	s13 =	sadd.s32 s18, s13;
	s18 =	smov.u32 s17  }
0xab: {  	s10 =	sadd.s32 $0x1, s10  }
0xac: {  	s11 =	sand.u32 $0x1, s13;
	p0 =	sne.s32 s10, s8  }
.Ltmp1:
0xad: {  	_ =	strace $0x80000057;
	s11 =	sadd.s32 $0x3, s11;
	(pc) =	sbr.rel @p0 .LBB2_1-.Ltmp1, $4  }
0xae: {  	_ =	swait.ge [sflag:s11], $0x8000  }
0xaf: {  	[sflag:s11] =	ssyncset.done $0x0  }
0xb0: {  	[sflag:s11] =	ssyncadd.s32 $0xFFFF8000  }
0xb1: {  	_ =	strace $0x90000057  }
0xb2: {  	_ =	sfence.sel $0x180000  }
0xb3: {  	[bflag:$0x0] =	sbarrier.arrive $0xFFFF  }
0xb4: {  	p0 =	sne.s32 s0, $0x0;
	_ =	strace $0x90000050  }
0xb5: {  	s0 =	sadd.s32 @!p0 $0x100000, s2;
	[bflag:$0x2] =	sbarrier.arrive $0xFFFF  }
0xb6: {  	[sflag:s0] =	ssyncadd.tile.s32 @!p0 $0x1;
	_ =	shalt  }
.Lfunc_end2:
_tile_overlayer_lowered:
.L_overlay_start_2:
0xb7: {  	(tag) =	ssettag $0x2  }
0xb8: {  	s0 =	rddreg [dreg:$0x0];
	s2 =	stileid.u32  }
0xb9: {  	s1 =	rddreg [dreg:$0x1];
	p0 =	sne.s32 s2, $0x0  }
0xba: {  	s3 =	rddreg [dreg:$0x2];
	[bflag:$0x3] =	sbarrier.arrive $0xFFFF;
	s2 =	simm.s32 @!p0 $0x1C01  }
0xbb: {  	[timem:s3], [sflag:s2] =	dma.local @!p0 [hbm:s0], s1  }
0xbc: {  	s0 =	simm.s32 @!p0 $0x1  }
0xbd: {  	_ =	swait.ge @!p0 [sflag:s0], s1  }
0xbe: {  	s1 =	ssub.s32 @!p0 $0x0, s1;
	[sflag:s0] =	ssyncset.done @!p0 $0x0  }
0xbf: {  	[sflag:s0] =	ssyncadd.s32 @!p0 s1  }
0xc0: {  	[bflag:$0x3] =	sbarrier.arrive $0xFFFF  }
0xc1: {  	_ =	shalt  }

// kernel: kernel.8.cloned.1.call-start
scs
__scs_entry_jumppad:
0x0: {  	(pc) =	sbr.rel $0x88, $3  }
0x1: {  	(tag) =	ssettag $0x0;
	lr =	simm.s32 $0x1  }
0x2: {  	[smem:$0x3F96] =	sst lr;
	_ =	strace $0xD0000000  }
0x3: {  	_ = 	snop  }
0x4: {  	_ = 	snop  }
0x5: {  	_ = 	snop  }
0x6: {  	_ = 	snop  }
0x7: {  	_ = 	snop  }
__scs_overlays_trampoline_lowered:
0x8: {  	[smem:$0x3FA5] =	sst s0  }
0x9: {  	[smem:$0x3FA6] =	sst s1  }
0xa: {  	[smem:$0x3FA7] =	sst s2  }
0xb: {  	[smem:$0x3FA8] =	sst s3  }
0xc: {  	[smem:$0x3FA9] =	sst s4  }
0xd: {  	[smem:$0x3FAA] =	sst s5  }
0xe: {  	[smem:$0x3FAB] =	sst s6  }
0xf: {  	[smem:$0x3FAC] =	sst s7  }
0x10: {  	[smem:$0x3FAD] =	sst s8  }
0x11: {  	[smem:$0x3FAE] =	sst s9;
	s0 =	simm.s32 @!p0 $0x0  }
0x12: {  	s1 =	sld [smem:$0x3F94];
	s0 =	simm.s32 @p0 $0x1  }
0x13: {  	[smem:$0x3FAF] =	sst s0;
	s0 =	simm.s32 @!p1 $0x0  }
0x14: {  	s2 =	sld [smem:$0x3F93];
	s0 =	simm.s32 @p1 $0x1  }
0x15: {  	[smem:$0x3FB0] =	sst s0;
	s0 =	simm.s32 @!p2 $0x0  }
0x16: {  	s3 =	sld [smem:$0x3FDB];
	s0 =	simm.s32 @p2 $0x1  }
0x17: {  	s4 =	simm.s32 $0x1BF5;
	[smem:$0x3FB2] =	sst s0  }
0x18: {  	s0 =	sld [smem:$0x3F95];
	_ =	swait.ge [sflag:s4], $0x0  }
0x19: {  	s7 =	sld [smem:$0x3F96]  }
0x1a: {  	s8 =	sadd.s32 $0xFFFFE003, lr  }
0x1b: {  	s9 =	sadd.s32 $0xFFFFFEF7, lr;
	s5 =	simm.s32 $0xFFFFFFFF;
	p2 =	slt.u32 s8, $0xFFFFF086  }
0x1c: {  	p1 =	slt.u32 s9, $0xF7A;
	s5 =	simm.s32 @!p2 $0x0  }
0x1d: {  	s5 =	simm.s32 @p1 $0x1;
	p0 =	seq.s32 s7, s2  }
0x1e: {  	s7 =	smul.u32 @!p0 $0xF7A, s2;
	p2 =	seq.s32 @!p0 s5, $0x0  }
0x1f: {  	s9 =	smul.u32 $0xF7A, s1;
	s8 =	simm.s32 @!p0 $0x1BF5;
	p2 =	por !p2, p0  }
0x20: {  	[sflag:s8] =	ssyncset.s32 @!p0 $0xFFFFF086;
	s6 =	sadd.s32 @!p0 s3, s7;
	s7 =	simm.s32 @!p0 $0x108  }
0x21: {  	s3 =	sadd.s32 s3, s9;
	s6 =	sadd.s32 @!p0 $0x88, s6;
	s7 =	simm.s32 @p2 $0x1082  }
0x22: {  	[simem:s7], [sflag:s8] =	dma.local @!p0 [hbm:s6], $0xF7A  }
0x23: {  	s9 =	sor.u32 $0xD0000000, s2;
	s6 =	simm.s32 $0x108;
	_ =	swait.ge @!p0 [sflag:s8], $0x0  }
0x24: {  	s3 =	sadd.s32 $0x88, s3;
	s6 =	simm.s32 @!p1 $0x1082;
	[sflag:s4] =	ssyncset.s32 $0xFFFFF086  }
0x25: {  	[simem:s6], [sflag:s4] =	dma.local [hbm:s3], $0xF7A  }
0x26: {  	[smem:$0x3F96] =	sst s1;
	(tag) =	ssettag s2;
	_ =	strace s9  }
0x27: {  	s1 =	sld [smem:$0x3FA6]  }
0x28: {  	s2 =	sld [smem:$0x3FA7]  }
0x29: {  	s4 =	sld [smem:$0x3FA9]  }
0x2a: {  	p0 =	seq.s32 s5, $0x0;
	s5 =	sld [smem:$0x3FAA]  }
0x2b: {  	s6 =	sld [smem:$0x3FAB]  }
0x2c: {  	s7 =	sld [smem:$0x3FAC]  }
0x2d: {  	s3 =	simm.s32 $0x108;
	s8 =	sld [smem:$0x3FAD]  }
0x2e: {  	s3 =	simm.s32 @!p0 $0x1082;
	s9 =	sld [smem:$0x3FAE]  }
0x2f: {  	lr =	sadd.s32 s0, s3;
	s0 =	sld [smem:$0x3FA5]  }
0x30: {  	s3 =	sld [smem:$0x3FA8]  }
0x31: {  	[smem:$0x3FB1] =	sst s10  }
0x32: {  	s10 =	sld [smem:$0x3FAF];
	_ =	sdelay $0x3  }
0x33: {  	p0 =	seq.s32 s10, $0x1;
	s10 =	sld [smem:$0x3FB1];
	_ =	sdelay $0x3  }
0x34: {  	[smem:$0x3FB1] =	sst s10  }
0x35: {  	s10 =	sld [smem:$0x3FB0];
	_ =	sdelay $0x3  }
0x36: {  	p1 =	seq.s32 s10, $0x1;
	s10 =	sld [smem:$0x3FB1];
	_ =	sdelay $0x3  }
0x37: {  	[smem:$0x3FB1] =	sst s10  }
0x38: {  	s10 =	sld [smem:$0x3FB2]  }
0x39: {  	_ = 	snop;
	(pc) =	sbr.ind lr, $3  }
0x3a: {  	_ = 	snop  }
0x3b: {  	_ = 	snop  }
0x3c: {  	p2 =	seq.s32 s10, $0x1;
	s10 =	sld [smem:$0x3FB1]  }
0x3d: {  	_ =	shalt  }
0x3e: {  	_ =	shalt  }
0x3f: {  	_ =	shalt  }
0x40: {  	_ =	shalt  }
0x41: {  	_ =	shalt  }
0x42: {  	_ =	shalt  }
0x43: {  	_ =	shalt  }
0x44: {  	_ =	shalt  }
0x45: {  	_ =	shalt  }
0x46: {  	_ =	shalt  }
0x47: {  	_ =	shalt  }
0x48: {  	_ =	shalt  }
0x49: {  	_ =	shalt  }
0x4a: {  	_ =	shalt  }
0x4b: {  	_ =	shalt  }
0x4c: {  	_ =	shalt  }
0x4d: {  	_ =	shalt  }
0x4e: {  	_ =	shalt  }
0x4f: {  	_ =	shalt  }
0x50: {  	_ =	shalt  }
0x51: {  	_ =	shalt  }
0x52: {  	_ =	shalt  }
0x53: {  	_ =	shalt  }
0x54: {  	_ =	shalt  }
0x55: {  	_ =	shalt  }
0x56: {  	_ =	shalt  }
0x57: {  	_ =	shalt  }
0x58: {  	_ =	shalt  }
0x59: {  	_ =	shalt  }
0x5a: {  	_ =	shalt  }
0x5b: {  	_ =	shalt  }
0x5c: {  	_ =	shalt  }
0x5d: {  	_ =	shalt  }
0x5e: {  	_ =	shalt  }
0x5f: {  	_ =	shalt  }
0x60: {  	_ =	shalt  }
0x61: {  	_ =	shalt  }
0x62: {  	_ =	shalt  }
0x63: {  	_ =	shalt  }
0x64: {  	_ =	shalt  }
0x65: {  	_ =	shalt  }
0x66: {  	_ =	shalt  }
0x67: {  	_ =	shalt  }
0x68: {  	_ =	shalt  }
0x69: {  	_ =	shalt  }
0x6a: {  	_ =	shalt  }
0x6b: {  	_ =	shalt  }
0x6c: {  	_ =	shalt  }
0x6d: {  	_ =	shalt  }
0x6e: {  	_ =	shalt  }
0x6f: {  	_ =	shalt  }
0x70: {  	_ =	shalt  }
0x71: {  	_ =	shalt  }
0x72: {  	_ =	shalt  }
0x73: {  	_ =	shalt  }
0x74: {  	_ =	shalt  }
0x75: {  	_ =	shalt  }
0x76: {  	_ =	shalt  }
0x77: {  	_ =	shalt  }
0x78: {  	_ =	shalt  }
0x79: {  	_ =	shalt  }
0x7a: {  	_ =	shalt  }
0x7b: {  	_ =	shalt  }
0x7c: {  	_ =	shalt  }
0x7d: {  	_ =	shalt  }
0x7e: {  	_ =	shalt  }
0x7f: {  	_ =	shalt  }
0x80: {  	_ =	shalt  }
0x81: {  	_ =	shalt  }
0x82: {  	_ =	shalt  }
0x83: {  	_ =	shalt  }
0x84: {  	_ =	shalt  }
0x85: {  	_ =	shalt  }
0x86: {  	_ =	shalt  }
0x87: {  	_ =	shalt  }
.Lfunc_end0:
.L_simem_size_0:
called_computation_lowered:
.L_overlay_start_0:
0x88: {  	s2 =	sld [smem:$0x3FD9]  }
0x89: {  	s3 =	sld [smem:$0x3FFE];
	_ =	sdelay $0x1  }
0x8a: {  	s1 =	srdreg.scid  }
0x8b: {  	s0 =	sand.u32 $0x1, s1  }
0x8c: {  	s14 =	sshll.u32 s0, $0xA;
	s2 =	sadd.s32 s3, s2  }
0x8d: {  	s2 =	sadd.s32 s2, s14  }
0x8e: {  	[smem:$0x3FBD] =	sst s2  }
0x8f: {  	_ = 	snop  }
0x90: {  	s2 =	sld [smem:$0x3FD0];
	_ =	sdelay $0x2  }
0x91: {  	s4 =	simm.s32 $0xA;
	s5 =	simm.s32 $0x10;
	s15 =	sld [smem:$0x3FC9]  }
0x92: {  	[smem:s5], [sflag:s4] =	dma.local [hbm:s2], $0x1  }
0x93: {  	_ =	swait.eq [sflag:s4], $0x1  }
0x94: {  	[sflag:s4] =	ssyncset.done $0x0  }
0x95: {  	[sflag:s4] =	ssyncadd.s32 $0xFFFFFFFF  }
0x96: {  	s16 =	sld [smem:$0x10];
	(tm) =	ssettm $0x1  }
0x97: {  	s17 =	sld [smem:$0x3FFB];
	_ =	sdelay $0x3  }
0x98: {  	_ =	strace s17  }
0x99: {  	s4 =	sld [smem:$0x3FFC];
	_ =	sdelay $0x3  }
0x9a: {  	_ =	strace s4  }
0x9b: {  	s4 =	sld [smem:$0x3FFD];
	_ =	sdelay $0x3  }
0x9c: {  	_ =	strace s4  }
0x9d: {  	_ =	strace $0x8FFFFFFF  }
0x9e: {  	s18 =	sld [smem:$0x3FDB];
	_ =	sdelay $0x1  }
0x9f: {  	s19 =	simm.s32 $_scs_section_size  }
0xa0: {  	s6 =	simm.s32 $_size__tile_overlayer_lowered;
	s7 =	simm.s32 $_tile_overlayer_lowered  }
0xa1: {  	s22 =	simm.s32 $0x1BFF;
	s21 =	sshll.u32 s7, $0x1;
	s4 =	sadd.s32 s19, s18  }
0xa2: {  	s8 =	simm.s32 $0x0;
	s20 =	sshll.u32 s6, $0x1;
	s6 =	sadd.s32 s21, s4  }
0xa3: {  	[timem:s8], [sflag:s22] =	dma.local [hbm:s6], s20  }
0xa4: {  	_ =	swait.ge [sflag:s22], s20  }
0xa5: {  	s5 =	ssub.s32 $0x0, s20;
	[sflag:s22] =	ssyncset.done $0x0  }
0xa6: {  	[sflag:s22] =	ssyncadd.s32 s5;
	_ =	sdelay $0x1  }
0xa7: {  	s23 =	simm.s32 $0x1B8B  }
0xa8: {  	_ =	swait.ge [sflag:s23], $0x1  }
0xa9: {  	[sflag:s23] =	ssyncset.done $0x0  }
0xaa: {  	s25 =	simm.s32 $0x1B8E;
	s24 =	sld [smem:$0x3FFE];
	[sflag:s23] =	ssyncadd.s32 $0xFFFFFFFF  }
0xab: {  	s26 =	simm.s32 $execute0_lowered;
	[smem:$0x3FD2] =	sst s25  }
0xac: {  	s6 =	sshll.u32 s26, $0x1;
	_ =	strace $0x80000046;
	[dreg:$0x1] =	wrdreg $0xFFFFFFFF  }
0xad: {  	s28 =	simm.s32 $_size_execute0_lowered;
	s4 =	sadd.s32 s4, s6;
	[dreg:$0x0] =	wrdreg $0x0  }
0xae: {  	s6 =	sshll.u32 s28, $0x1;
	[dreg:$0x2] =	wrdreg s4  }
0xaf: {  	[dreg:$0x3] =	wrdreg s6  }
0xb0: {  	[dreg:$0x4] =	wrdreg $0xC0  }
0xb1: {  	_ =	task [dreg:s8], $0x5FFFF  }
0xb2: {  	[dreg:$0x1] =	wrdreg $0xFFFFFFFF  }
0xb3: {  	[dreg:$0x0] =	wrdreg $0x60  }
0xb4: {  	[dreg:$0x2] =	wrdreg s15  }
0xb5: {  	[dreg:$0x3] =	wrdreg s16  }
0xb6: {  	[dreg:$0x4] =	wrdreg s24  }
0xb7: {  	[dreg:$0x5] =	wrdreg $0x9  }
0xb8: {  	_ =	task.clear_ibuf [dreg:s8], $0x6FFFF;
	_ =	strace $0x90000046  }
0xb9: {  	s29 =	simm.s32 $0x9;
	_ =	strace $0x8000004E  }
0xba: {  	_ =	swait.ge [sflag:s29], $0x1  }
0xbb: {  	[sflag:s29] =	ssyncadd.s32 $0xFFFFFFFF  }
0xbc: {  	_ =	strace $0x9000004E  }
0xbd: {  	_ =	sfence  }
0xbe: {  	s30 =	sld [smem:$0x0];
	_ =	sdelay $0x2  }
0xbf: {  	s31 =	sshll.u32 s1, $0xD;
	s1 =	sshrl.u32 s1, $0x2  }
0xc0: {  	s3 =	sand.u32 $0x4000, s31;
	s1 =	sadd.s32 s1, s30  }
0xc1: {  	s0 =	sor.u32 s3, s0;
	s1 =	sshll.u32 s1, $0x11  }
0xc2: {  	s0 =	sor.u32 s1, s0  }
0xc3: {  	s0 =	sadd.s32 $0x8F2B, s0  }
0xc4: {  	[sflag:s0] =	ssyncadd.remote.s32 $0x1  }
0xc5: {  	_ =	sfence.sel $0xFFFF  }
0xc6: {  	[dreg:$0x0] =	wrdreg $0xFFFFFFFF;
	(pc) =	sbr.abs _section_cstart, $3  }
0xc7: {  	[dreg:$0x1] =	wrdreg $0xFFFFFFFF  }
0xc8: {  	_ =	task.clear_ibuf [dreg:s8], $0x2FFFF;
	_ =	strace $0x9FFFFFFF  }
0xc9: {  	(tm) =	ssettm $0x7FFFFFFF  }
tec
execute0_lowered:
.L_overlay_start_1:
0x0: {  	(tag) =	ssettag $0x1  }
0x1: {  	s1 =	srdreg.scid;
	s4 =	rddreg [dreg:$0x1]  }
0x2: {  	s0 =	stileid.u32;
	s6 =	rddreg [dreg:$0x2];
	s7 =	sand.u32 $0x1, s1  }
0x3: {  	s9 =	simm.s32 $0x1;
	s3 =	sshll.u32 s0, $0x1;
	s2 =	sshll.u32 s7, $0x5  }
0x4: {  	s5 =	simm.s32 $0x0;
	s8 =	sand.u32 $0xE, s3;
	s2 =	sor.u32 s3, s2  }
0x5: {  	s13 =	simm.s32 $0x5;
	p1 =	sne.s32 s8, $0x0;
	p0 =	seq.s32 s2, $0x0  }
0x6: {  	s14 =	simm.s32 $0x0;
	s1 =	rddreg [dreg:$0x0];
	p0 =	por !p0, !p1  }
0x7: {  	[smem:$0x7FF] =	sst s5;
	s6 =	sadd.s32 $0x1A00, s6;
	p0 =	por !p0, !p0  }
0x8: {  	_ =	strace $0x80000047;
	s10 =	sshrl.u32 s2, $0x4;
	s9 =	simm.s32 @!p0 $0x0  }
0x9: {  	s7 =	ssub.s32 $0x2, s7;
	s12 =	sshll.u32 s8, $0xA;
	s9 =	ssub.s32 s10, s9  }
0xa: {  	s8 =	sshll.u32 s8, $0x11;
	s10 =	sshll.u32 s9, $0xB;
	s9 =	sshll.u32 s9, $0x7  }
0xb: {  	s31 =	sshrl.u32 s7, $0x1;
	s11 =	sand.u32 $0xFFFFC000, s10;
	s9 =	sand.u32 $0x380, s9  }
0xc: {  	s8 =	sadd.s32 s8, s10;
	s10 =	ssub.s32 s7, s31;
	s11 =	sor.u32 s12, s11  }
0xd: {  	v2 =	vlaneseq.u32;
	s8 =	sshrl.u32 s8, $0x3;
	s12 =	simm.s32 $0x10000;
	s9 =	sor.u32 s9, s11  }
0xe: {  	vm0 =	vmmov $0xffff;
	v1 =	vshrl.u32 v2, $0x3;
	s7 =	sadd.s32 s1, s8;
	s11 =	simm.s32 $0x2000;
	s9 =	sshrl.u32 s9, $0x3  }
0xf: {  	v0 =	vand.u32 $0x7, v2;
	v2 =	vor.u32 $0x8, v2;
	v1 =	vmul.u32 $0x8, v1;
	s8 =	sadd.s32 s4, s9;
	s9 =	smax.u32 s10, $0x1;
	s10 =	simm.s32 $0x800  }
.LBB2_1:
0x10: {  	_ =	strace $0x80000048;
	s15 =	simm.s32 $0x4;
	s16 =	simm.s32 $0x0  }
0x11: {  	[tilespmem:s5], [sflag:$0x1] =	stream.strided.gather [hbm4b:s7+s10], $0x8000, s11, s10, $0x200038;
	[tilespmem:$0x10100] =	vst v63  }
0x12: {  	s22 =	simm.s32 $0x0;
	s17 =	simm.s32 $0x0;
	s18 =	simm.s32 $0x1  }
0x13: {  	[tilespmem:s12], [sflag:$0x3] =	stream.linear.gather [hbm4b:s8+s5], $0x80, $0x200038;
	[tilespmem:$0x10100] =	vst v63  }
0x14: {  	s19 =	simm.s32 $0x0;
	s20 =	simm.s32 $0x1;
	_ =	strace $0x90000048  }
.LBB2_2:
0x15: {  	s21 =	sadd.s32 s2, s16  }
0x16: {  	s25 =	sadd.s32 $0xFFFFFFFF, s16;
	p4 =	seq.s32 s16, $0x0;
	s16 =	sadd.s32 $0x1, s16  }
0x17: {  	p0 =	seq.s32 s16, $0x2  }
0x18: {  	s16 =	simm.s32 @p0 $0x0  }
0x19: {  	s23 =	sshra.s32 s21, $0x1F;
	s26 =	sadd.s32 s2, s16  }
0x1a: {  	s23 =	sshrl.u32 s23, $0x1C;
	s24 =	sshra.s32 s26, $0x1F  }
0x1b: {  	s23 =	sadd.s32 s23, s21;
	s24 =	sshrl.u32 s24, $0x1C  }
0x1c: {  	p2 =	slt.s32 s21, $0x1;
	s28 =	sshra.s32 s23, $0x4;
	s24 =	sadd.s32 s24, s26  }
0x1d: {  	s23 =	sand.u32 $0xFFFFFFF0, s23;
	p3 =	slt.s32 s26, $0x1;
	s29 =	sand.u32 $0xFFFFFFF0, s24  }
0x1e: {  	p1 =	sne.s32 s21, s23;
	s23 =	sand.u32 $0xF, s21;
	p6 =	sne.s32 s26, s29  }
0x1f: {  	s21 =	simm.s32 $0x1;
	p1 =	por !p2, !p1;
	p2 =	por !p3, !p6  }
0x20: {  	p1 =	por !p1, !p1;
	s29 =	simm.s32 $0x1;
	p2 =	por !p2, !p2  }
0x21: {  	s30 =	sshra.s32 s24, $0x4;
	s21 =	simm.s32 @!p1 $0x0;
	s29 =	simm.s32 @!p2 $0x0  }
0x22: {  	s24 =	ssub.s32 s28, s21;
	s28 =	sand.u32 $0xF, s26;
	s29 =	ssub.s32 s30, s29  }
0x23: {  	s21 =	simm.s32 $0x1;
	p2 =	sne.s32 s23, s28;
	p5 =	sne.s32 s24, s29  }
0x24: {  	p3 =	sne.s32 s15, $0x1;
	s21 =	simm.s32 @!p0 $0x0;
	p0 =	por p2, p5  }
0x25: {  	s21 =	sadd.s32 s21, s22;
	p1 =	por !p3, !p0  }
0x26: {  	p5 =	seq.s32 s21, $0x2;
	p1 =	por !p1, !p1  }
0x27: {  	s21 =	simm.s32 @p5 $0x0;
	s26 =	sshll.u32 @p1 s28, $0x11;
	s30 =	sshll.u32 @p1 s29, $0xB  }
0x28: {  	_ =	strace @p1 $0x80000049;
	s3 =	simm.s32 @p1 $0x800;
	s26 =	sadd.s32 @p1 s26, s30  }
0x29: {  	s0 =	simm.s32 @p1 $0x2000;
	s30 =	sand.u32 @p1 $0x1, s20;
	s26 =	sshrl.u32 @p1 s26, $0x3  }
0x2a: {  	s31 =	sshll.u32 @p1 s30, $0xF;
	s30 =	sadd.s32 @p1 $0x1, s30;
	s26 =	sadd.s32 @p1 s1, s26  }
0x2b: {  	[tilespmem:s31], [sflag:s30] =	stream.strided.gather @p1 [hbm4b:s26+s3], $0x8000, s0, s3, $0x200038;
	[tilespmem:$0x10100] =	vst v63  }
0x2c: {  	s30 =	sshll.u32 s22, $0x2;
	s31 =	sshll.u32 s21, $0x2  }
0x2d: {  	s26 =	sadd.s32 s30, s24;
	s0 =	sadd.s32 s31, s29  }
0x2e: {  	p6 =	sne.s32 s26, s0  }
0x2f: {  	p2 =	por p2, p6  }
0x30: {  	p3 =	por !p3, !p2  }
0x31: {  	s25 =	simm.s32 @p4 $0x1;
	p3 =	por !p3, !p3  }
0x32: {  	s3 =	sadd.s32 s2, s25;
	_ =	strace @p1 $0x90000049;
	s25 =	sshll.u32 @p3 s0, $0xB  }
0x33: {  	s28 =	sshll.u32 @p3 s28, $0xA;
	s0 =	sshll.u32 @p3 s0, $0x7;
	s25 =	sand.u32 @p3 $0xFFFFC000, s25  }
0x34: {  	s30 =	sshra.s32 s3, $0x1F;
	s0 =	sand.u32 @p3 $0x380, s0;
	s25 =	sor.u32 @p3 s28, s25  }
0x35: {  	_ =	strace @p3 $0x8000004A;
	s28 =	sand.u32 @p3 $0x1, s18;
	s0 =	sor.u32 @p3 s0, s25  }
0x36: {  	s29 =	simm.s32 @p3 $0x0;
	s25 =	sshll.u32 @p3 s28, $0x7;
	s0 =	sshrl.u32 @p3 s0, $0x3  }
0x37: {  	s28 =	sadd.s32 @p3 $0x3, s28;
	s25 =	sor.u32 @p3 $0x10000, s25;
	s0 =	sadd.s32 @p3 s4, s0  }
0x38: {  	[tilespmem:s25], [sflag:s28] =	stream.linear.gather @p3 [hbm4b:s0+s29], $0x80, $0x200038;
	[tilespmem:$0x10100] =	vst v63  }
0x39: {  	s0 =	sshrl.u32 s30, $0x1C  }
0x3a: {  	s0 =	sadd.s32 s0, s3  }
0x3b: {  	s31 =	sand.u32 $0xFFFFFFF0, s0  }
0x3c: {  	p6 =	slt.s32 s3, $0x1;
	p5 =	sne.s32 s3, s31  }
0x3d: {  	s25 =	simm.s32 $0x1;
	p5 =	por !p6, !p5  }
0x3e: {  	s3 =	sand.u32 $0xF, s3;
	p6 =	seq.s32 s15, $0x4;
	p5 =	por !p5, !p5  }
0x3f: {  	s0 =	sshra.s32 s0, $0x4;
	s25 =	simm.s32 @!p5 $0x0;
	p5 =	sne.s32 @!p6 s23, s3  }
0x40: {  	s23 =	ssub.s32 s0, s25;
	p5 =	por p6, p5  }
0x41: {  	p6 =	seq.s32 @!p5 s24, s23  }
0x42: {  	p6 =	por p5, !p6  }
0x43: {  	_ =	strace @p3 $0x9000004A;
	s0 =	sand.u32 @p6 $0x1, s19  }
0x44: {  	_ =	strace @p6 $0x8000004B;
	s0 =	sadd.s32 @p6 $0x1, s0  }
0x45: {  	_ =	swait.ge @p6 [sflag:s0], $0x8000  }
0x46: {  	[sflag:s0] =	ssyncset.done @p6 $0x0  }
0x47: {  	[sflag:s0] =	ssyncadd.s32 @p6 $0xFFFF8000;
	s0 =	simm.s32 $0x1  }
0x48: {  	s0 =	simm.s32 @!p4 $0x0  }
0x49: {  	s0 =	ssub.s32 s22, s0  }
0x4a: {  	p4 =	seq.s32 s0, $0xFFFFFFFF;
	s0 =	sshll.u32 s0, $0x2  }
0x4b: {  	s0 =	simm.s32 @p4 $0x4  }
0x4c: {  	s0 =	sadd.s32 s0, s23  }
0x4d: {  	p4 =	seq.s32 @!p5 s26, s0  }
0x4e: {  	p4 =	por p5, !p4  }
0x4f: {  	_ =	strace @p6 $0x9000004B;
	s0 =	sand.u32 @p4 $0x1, s17  }
0x50: {  	_ =	strace @p4 $0x8000004C;
	s0 =	sadd.s32 @p4 $0x3, s0  }
0x51: {  	_ =	swait.ge @p4 [sflag:s0], $0x80  }
0x52: {  	[sflag:s0] =	ssyncset.done @p4 $0x0  }
0x53: {  	[sflag:s0] =	ssyncadd.s32 @p4 $0xFFFFFF80  }
0x54: {  	s24 =	sshll.u32 s17, $0x7;
	_ =	strace @p4 $0x9000004C  }
0x55: {  	s23 =	sand.u32 $0x80, s24;
	_ =	strace $0x8000004D  }
0x56: {  	v3 =	vld [tilespmem:s23+$0x10000];
	_ =	sdelay $0x4  }
0x57: {  	v4 =	vshll.u32 v3, $0x1  }
0x58: {  	v3 =	vand.u32 $0x7, v3;
	v4 =	vand.u32 $0xFFFFFFF0, v4  }
0x59: {  	v3 =	vor.u32 v3, v4  }
0x5a: {  	v4 =	vperm.xlane v3, v0;
	_ =	sdelay $0x1  }
0x5b: {  	v3 =	vperm.xlane v3, v2;
	v4 =	vadd.s32 v1, v4;
	_ =	sdelay $0x1  }
0x5c: {  	v3 =	vadd.s32 v1, v3  }
0x5d: {  	s25 =	sshll.u32 s19, $0xF  }
0x5e: {  	s22 =	sand.u32 $0x8000, s25  }
0x5f: {  	[hbm4b:s6+s5] =	stream.indirect_vreg.scatter [tilespmem:s22], [sflag:$0x5], $0x80, v4, vm0, $0x2000b8;
	[tilespmem:$0x10100] =	vst v63  }
0x60: {  	s0 =	sor.u32 $0x800, s22  }
0x61: {  	[hbm4b:s6+s5] =	stream.indirect_vreg.scatter [tilespmem:s0], [sflag:$0x5], $0x80, v3, vm0, $0x2000b8;
	[tilespmem:$0x10100] =	vst v63  }
0x62: {  	v3 =	vld [tilespmem:s23+$0x10010];
	_ =	sdelay $0x4  }
0x63: {  	v57 =	vshll.u32 v3, $0x1  }
0x64: {  	v3 =	vand.u32 $0x7, v3;
	v4 =	vand.u32 $0xFFFFFFF0, v57  }
0x65: {  	v3 =	vor.u32 v3, v4  }
0x66: {  	v4 =	vperm.xlane v3, v0;
	_ =	sdelay $0x1  }
0x67: {  	v3 =	vperm.xlane v3, v2;
	v4 =	vadd.s32 v1, v4;
	_ =	sdelay $0x1  }
0x68: {  	v3 =	vadd.s32 v1, v3;
	_ =	sdelay $0x1  }
0x69: {  	s26 =	sor.u32 $0x1000, s22  }
0x6a: {  	[hbm4b:s6+s5] =	stream.indirect_vreg.scatter [tilespmem:s26], [sflag:$0x5], $0x80, v4, vm0, $0x2000b8;
	[tilespmem:$0x10100] =	vst v63  }
0x6b: {  	s28 =	sor.u32 $0x1800, s22  }
0x6c: {  	[hbm4b:s6+s5] =	stream.indirect_vreg.scatter [tilespmem:s28], [sflag:$0x5], $0x80, v3, vm0, $0x2000b8;
	[tilespmem:$0x10100] =	vst v63  }
0x6d: {  	v3 =	vld [tilespmem:s23+$0x10020];
	_ =	sdelay $0x4  }
0x6e: {  	v58 =	vshll.u32 v3, $0x1  }
0x6f: {  	v3 =	vand.u32 $0x7, v3;
	v4 =	vand.u32 $0xFFFFFFF0, v58  }
0x70: {  	v3 =	vor.u32 v3, v4  }
0x71: {  	v4 =	vperm.xlane v3, v0;
	_ =	sdelay $0x1  }
0x72: {  	v3 =	vperm.xlane v3, v2;
	v4 =	vadd.s32 v1, v4;
	_ =	sdelay $0x1  }
0x73: {  	v3 =	vadd.s32 v1, v3;
	_ =	sdelay $0x1  }
0x74: {  	s29 =	sor.u32 $0x2000, s22  }
0x75: {  	[hbm4b:s6+s5] =	stream.indirect_vreg.scatter [tilespmem:s29], [sflag:$0x5], $0x80, v4, vm0, $0x2000b8;
	[tilespmem:$0x10100] =	vst v63  }
0x76: {  	s30 =	sor.u32 $0x2800, s22  }
0x77: {  	[hbm4b:s6+s5] =	stream.indirect_vreg.scatter [tilespmem:s30], [sflag:$0x5], $0x80, v3, vm0, $0x2000b8;
	[tilespmem:$0x10100] =	vst v63  }
0x78: {  	v3 =	vld [tilespmem:s23+$0x10030];
	_ =	sdelay $0x4  }
0x79: {  	v59 =	vshll.u32 v3, $0x1  }
0x7a: {  	v3 =	vand.u32 $0x7, v3;
	v4 =	vand.u32 $0xFFFFFFF0, v59  }
0x7b: {  	v3 =	vor.u32 v3, v4  }
0x7c: {  	v4 =	vperm.xlane v3, v0;
	_ =	sdelay $0x1  }
0x7d: {  	v3 =	vperm.xlane v3, v2;
	v4 =	vadd.s32 v1, v4;
	_ =	sdelay $0x1  }
0x7e: {  	v3 =	vadd.s32 v1, v3;
	_ =	sdelay $0x1  }
0x7f: {  	s31 =	sor.u32 $0x3000, s22  }
0x80: {  	[hbm4b:s6+s5] =	stream.indirect_vreg.scatter [tilespmem:s31], [sflag:$0x5], $0x80, v4, vm0, $0x2000b8;
	[tilespmem:$0x10100] =	vst v63  }
0x81: {  	s3 =	sor.u32 $0x3800, s22  }
0x82: {  	[hbm4b:s6+s5] =	stream.indirect_vreg.scatter [tilespmem:s3], [sflag:$0x5], $0x80, v3, vm0, $0x2000b8;
	[tilespmem:$0x10100] =	vst v63  }
0x83: {  	v3 =	vld [tilespmem:s23+$0x10040];
	_ =	sdelay $0x4  }
0x84: {  	v60 =	vshll.u32 v3, $0x1  }
0x85: {  	v3 =	vand.u32 $0x7, v3;
	v4 =	vand.u32 $0xFFFFFFF0, v60  }
0x86: {  	v3 =	vor.u32 v3, v4  }
0x87: {  	v4 =	vperm.xlane v3, v0;
	_ =	sdelay $0x1  }
0x88: {  	v3 =	vperm.xlane v3, v2;
	v4 =	vadd.s32 v1, v4;
	_ =	sdelay $0x1  }
0x89: {  	v3 =	vadd.s32 v1, v3;
	_ =	sdelay $0x1  }
0x8a: {  	s24 =	sor.u32 $0x4000, s22  }
0x8b: {  	[hbm4b:s6+s5] =	stream.indirect_vreg.scatter [tilespmem:s24], [sflag:$0x5], $0x80, v4, vm0, $0x2000b8;
	[tilespmem:$0x10100] =	vst v63  }
0x8c: {  	s25 =	sor.u32 $0x4800, s22  }
0x8d: {  	[hbm4b:s6+s5] =	stream.indirect_vreg.scatter [tilespmem:s25], [sflag:$0x5], $0x80, v3, vm0, $0x2000b8;
	[tilespmem:$0x10100] =	vst v63  }
0x8e: {  	v3 =	vld [tilespmem:s23+$0x10050];
	_ =	sdelay $0x4  }
0x8f: {  	v61 =	vshll.u32 v3, $0x1  }
0x90: {  	v3 =	vand.u32 $0x7, v3;
	v4 =	vand.u32 $0xFFFFFFF0, v61  }
0x91: {  	v3 =	vor.u32 v3, v4  }
0x92: {  	v4 =	vperm.xlane v3, v0;
	_ =	sdelay $0x1  }
0x93: {  	v3 =	vperm.xlane v3, v2;
	v4 =	vadd.s32 v1, v4;
	_ =	sdelay $0x1  }
0x94: {  	v3 =	vadd.s32 v1, v3;
	_ =	sdelay $0x1  }
0x95: {  	s26 =	sor.u32 $0x5000, s22  }
0x96: {  	[hbm4b:s6+s5] =	stream.indirect_vreg.scatter [tilespmem:s26], [sflag:$0x5], $0x80, v4, vm0, $0x2000b8;
	[tilespmem:$0x10100] =	vst v63  }
0x97: {  	s28 =	sor.u32 $0x5800, s22  }
0x98: {  	[hbm4b:s6+s5] =	stream.indirect_vreg.scatter [tilespmem:s28], [sflag:$0x5], $0x80, v3, vm0, $0x2000b8;
	[tilespmem:$0x10100] =	vst v63  }
0x99: {  	v3 =	vld [tilespmem:s23+$0x10060];
	_ =	sdelay $0x4  }
0x9a: {  	v62 =	vshll.u32 v3, $0x1  }
0x9b: {  	v3 =	vand.u32 $0x7, v3;
	v4 =	vand.u32 $0xFFFFFFF0, v62  }
0x9c: {  	v3 =	vor.u32 v3, v4  }
0x9d: {  	v4 =	vperm.xlane v3, v0;
	_ =	sdelay $0x1  }
0x9e: {  	v3 =	vperm.xlane v3, v2;
	v4 =	vadd.s32 v1, v4;
	_ =	sdelay $0x1  }
0x9f: {  	v3 =	vadd.s32 v1, v3;
	_ =	sdelay $0x1  }
0xa0: {  	s29 =	sor.u32 $0x6000, s22  }
0xa1: {  	[hbm4b:s6+s5] =	stream.indirect_vreg.scatter [tilespmem:s29], [sflag:$0x5], $0x80, v4, vm0, $0x2000b8;
	[tilespmem:$0x10100] =	vst v63  }
0xa2: {  	s30 =	sor.u32 $0x6800, s22  }
0xa3: {  	[hbm4b:s6+s5] =	stream.indirect_vreg.scatter [tilespmem:s30], [sflag:$0x5], $0x80, v3, vm0, $0x2000b8;
	[tilespmem:$0x10100] =	vst v63  }
0xa4: {  	v3 =	vld [tilespmem:s23+$0x10070];
	_ =	sdelay $0x4  }
0xa5: {  	v63 =	vshll.u32 v3, $0x1  }
0xa6: {  	v3 =	vand.u32 $0x7, v3;
	v4 =	vand.u32 $0xFFFFFFF0, v63  }
0xa7: {  	v3 =	vor.u32 v3, v4  }
0xa8: {  	v4 =	vperm.xlane v3, v0;
	_ =	sdelay $0x1  }
0xa9: {  	v3 =	vperm.xlane v3, v2;
	v4 =	vadd.s32 v1, v4;
	_ =	sdelay $0x1  }
0xaa: {  	p6 =	seq.s32 s15, $0x1;
	s0 =	simm.s32 $0x1;
	v3 =	vadd.s32 v1, v3  }
0xab: {  	s15 =	sadd.s32 $0xFFFFFFFF, s15;
	p0 =	por p6, p0;
	s0 =	simm.s32 @!p1 $0x0  }
0xac: {  	s20 =	sadd.s32 s0, s20;
	s0 =	simm.s32 $0x1;
	s31 =	sor.u32 $0x7000, s22  }
0xad: {  	[hbm4b:s6+s5] =	stream.indirect_vreg.scatter [tilespmem:s31], [sflag:$0x5], $0x80, v4, vm0, $0x2000b8;
	[tilespmem:$0x10100] =	vst v63  }
0xae: {  	s0 =	simm.s32 @!p0 $0x0;
	p0 =	sne.s32 s15, $0x0;
	s22 =	sor.u32 $0x7800, s22  }
0xaf: {  	[hbm4b:s6+s5] =	stream.indirect_vreg.scatter [tilespmem:s22], [sflag:$0x5], $0x80, v3, vm0, $0x2000b8;
	[tilespmem:$0x10100] =	vst v63  }
.Ltmp0:
0xb0: {  	s3 =	simm.s32 $0x1;
	(pc) =	sbr.rel @p0 .LBB2_2-.Ltmp0, $4  }
0xb1: {  	p1 =	por p6, p2;
	s3 =	simm.s32 @!p3 $0x0;
	_ =	swait.ge [sflag:s13], $0x8000  }
0xb2: {  	s18 =	sadd.s32 s3, s18;
	s3 =	simm.s32 $0x1;
	[sflag:s13] =	ssyncset.done $0x0  }
0xb3: {  	s19 =	sadd.s32 s0, s19;
	s3 =	simm.s32 @!p1 $0x0;
	[sflag:s13] =	ssyncadd.s32 $0xFFFF8000  }
0xb4: {  	s17 =	sadd.s32 s3, s17;
	s22 =	smov.u32 s21;
	_ =	strace $0x9000004D  }
0xb5: {  	s14 =	sadd.s32 $0x1, s14  }
0xb6: {  	p0 =	sne.s32 s14, s9  }
.Ltmp1:
0xb7: {  	_ = 	snop;
	(pc) =	sbr.rel @p0 .LBB2_1-.Ltmp1, $1  }
0xb8: {  	_ =	sdelay $0x3  }
0xb9: {  	_ =	sfence.sel $0x180000  }
0xba: {  	[bflag:$0x0] =	sbarrier.arrive $0xFFFF  }
0xbb: {  	_ =	strace $0x90000047  }
0xbc: {  	s0 =	stileid.u32;
	[bflag:$0x2] =	sbarrier.arrive $0xFFFF  }
0xbd: {  	p0 =	sne.s32 s0, $0x0;
	s0 =	rddreg [dreg:$0x3]  }
0xbe: {  	s0 =	sadd.s32 @!p0 $0x100000, s0  }
0xbf: {  	[sflag:s0] =	ssyncadd.tile.s32 @!p0 $0x1;
	_ =	shalt  }
.Lfunc_end2:
_tile_overlayer_lowered:
.L_overlay_start_2:
0xc0: {  	(tag) =	ssettag $0x2  }
0xc1: {  	s0 =	rddreg [dreg:$0x0];
	s2 =	stileid.u32  }
0xc2: {  	s1 =	rddreg [dreg:$0x1];
	p0 =	sne.s32 s2, $0x0  }
0xc3: {  	s3 =	rddreg [dreg:$0x2];
	[bflag:$0x3] =	sbarrier.arrive $0xFFFF;
	s2 =	simm.s32 @!p0 $0x1C01  }
0xc4: {  	[timem:s3], [sflag:s2] =	dma.local @!p0 [hbm:s0], s1  }
0xc5: {  	s0 =	simm.s32 @!p0 $0x1  }
0xc6: {  	_ =	swait.ge @!p0 [sflag:s0], s1  }
0xc7: {  	s1 =	ssub.s32 @!p0 $0x0, s1;
	[sflag:s0] =	ssyncset.done @!p0 $0x0  }
0xc8: {  	[sflag:s0] =	ssyncadd.s32 @!p0 s1  }
0xc9: {  	[bflag:$0x3] =	sbarrier.arrive $0xFFFF  }
0xca: {  	_ =	shalt  }

</sc_bundles>
